<compile_context>
chip_gen: v7x
topology: tpu7x:2x2x1
jax: 0.10.2.dev20260603
libtpu: 0.0.44.dev20260713+nightly
codegen_flags: <defaults>
</compile_context>

<pallas_src>
import functools

import jax
import jax.numpy as jnp
from jax import lax
from jax.experimental import pallas as pl
from jax.experimental.pallas import tpu as pltpu
from jax.experimental.pallas import tpu_sc as plsc

D_MODEL = 1024
NUM_EXPERTS = 8
TOP_K = 2
N_TOKENS = 4096
N_PAIRS = N_TOKENS * TOP_K

TILE = 256
P_PAD = ((N_PAIRS + NUM_EXPERTS * (TILE - 1)) + TILE - 1) // TILE * TILE
NUM_TILES = P_PAD // TILE

SC_CORES = 2
SC_SUBCORES = 16
NUM_WORKERS = SC_CORES * SC_SUBCORES
TOK_PER_WORKER = N_TOKENS // NUM_WORKERS
CHUNK = 16
GCHUNK = 32
PD = D_MODEL // 2


ROUTE_BLK = 256
ROUTE_GRID = N_TOKENS // ROUTE_BLK


def _route_kernel(x_ref, gw_ref, gb_ref,
                  e1_ref, e2_ref, r0_ref, r1_ref, g1_ref, g2_ref,
                  cnt_ref, carry_v):
    i = pl.program_id(0)
    n = ROUTE_BLK
    xblk = x_ref[...]
    logits = jnp.dot(xblk, gw_ref[...],
                     preferred_element_type=jnp.float32) + gb_ref[...]
    col = lax.broadcasted_iota(jnp.int32, (n, NUM_EXPERTS), 1)
    m1 = jnp.max(logits, axis=1, keepdims=True)
    a1 = jnp.min(jnp.where(logits == m1, col, NUM_EXPERTS), axis=1, keepdims=True)
    neg = jnp.float32(-jnp.inf)
    l2 = jnp.where(col == a1, neg, logits)
    m2 = jnp.max(l2, axis=1, keepdims=True)
    a2 = jnp.min(jnp.where(l2 == m2, col, NUM_EXPERTS), axis=1, keepdims=True)
    oh1 = (col == a1).astype(jnp.float32)
    oh2 = (col == a2).astype(jnp.float32)
    colsum = jnp.sum(oh1 + oh2, axis=0, keepdims=True)

    @pl.when(i == 0)
    def _():
        carry_v[...] = jnp.zeros_like(colsum)

    rr = lax.broadcasted_iota(jnp.int32, (n, n), 0)
    cc = lax.broadcasted_iota(jnp.int32, (n, n), 1)
    tri = (rr >= cc).astype(jnp.bfloat16)
    c1 = jnp.dot(tri, oh1.astype(jnp.bfloat16),
                 preferred_element_type=jnp.float32)
    c2 = jnp.dot(tri, oh2.astype(jnp.bfloat16),
                 preferred_element_type=jnp.float32)
    carry = carry_v[...]
    r0 = carry + (c1 - oh1) + (c2 - oh2)
    r1 = carry + c1 + c2 - oh2
    e1_ref[...] = a1.reshape(n)
    e2_ref[...] = a2.reshape(n)
    r0_ref[...] = jnp.sum(oh1 * r0, axis=1).astype(jnp.int32)
    r1_ref[...] = jnp.sum(oh2 * r1, axis=1).astype(jnp.int32)
    g1 = 1.0 / (1.0 + jnp.exp(m2 - m1))
    g1_ref[...] = g1
    g2_ref[...] = 1.0 - g1
    carry_v[...] = carry + colsum
    cnt_ref[...] = (carry + colsum).astype(jnp.int32)


def _routing(x, gate_W, gate_b):
    gb2 = gate_b.reshape(1, NUM_EXPERTS)
    ospec = pl.BlockSpec((ROUTE_BLK, 1), lambda i: (i, 0))
    ospec1 = pl.BlockSpec((ROUTE_BLK,), lambda i: (i,))
    outs = [
        jax.ShapeDtypeStruct((N_TOKENS,), jnp.int32),
        jax.ShapeDtypeStruct((N_TOKENS,), jnp.int32),
        jax.ShapeDtypeStruct((N_TOKENS,), jnp.int32),
        jax.ShapeDtypeStruct((N_TOKENS,), jnp.int32),
        jax.ShapeDtypeStruct((N_TOKENS, 1), jnp.float32),
        jax.ShapeDtypeStruct((N_TOKENS, 1), jnp.float32),
        jax.ShapeDtypeStruct((1, NUM_EXPERTS), jnp.int32),
    ]
    return pl.pallas_call(
        _route_kernel,
        grid=(ROUTE_GRID,),
        in_specs=[
            pl.BlockSpec((ROUTE_BLK, D_MODEL), lambda i: (i, 0)),
            pl.BlockSpec((D_MODEL, NUM_EXPERTS), lambda i: (0, 0)),
            pl.BlockSpec((1, NUM_EXPERTS), lambda i: (0, 0)),
        ],
        out_specs=[ospec1, ospec1, ospec1, ospec1, ospec, ospec,
                   pl.BlockSpec((1, NUM_EXPERTS), lambda i: (0, 0))],
        out_shape=outs,
        scratch_shapes=[pltpu.VMEM((1, NUM_EXPERTS), jnp.float32)],
        compiler_params=pltpu.CompilerParams(
            dimension_semantics=("arbitrary",)),
    )(x, gate_W, gb2)


SCHUNK = 32
N_SCHUNK = TOK_PER_WORKER // SCHUNK


def _make_scatter():
    mesh = plsc.VectorSubcoreMesh(core_axis_name="c", subcore_axis_name="s")

    @functools.partial(
        pl.kernel,
        mesh=mesh,
        out_type=jax.ShapeDtypeStruct((P_PAD, D_MODEL), jnp.float32),
        scratch_types=[
            pltpu.VMEM((16,), jnp.int32),
            pltpu.VMEM((TOK_PER_WORKER,), jnp.int32),
            pltpu.VMEM((TOK_PER_WORKER,), jnp.int32),
            pltpu.VMEM((N_SCHUNK, SCHUNK), jnp.int32),
            pltpu.VMEM((N_SCHUNK, SCHUNK), jnp.int32),
            pltpu.VMEM((SCHUNK, D_MODEL), jnp.float32),
            pltpu.VMEM((SCHUNK, D_MODEL), jnp.float32),
            pltpu.SemaphoreType.DMA,
            pltpu.SemaphoreType.DMA,
            pltpu.SemaphoreType.DMA,
            pltpu.SemaphoreType.DMA,
        ],
    )
    def scatter(xp_hbm, e1_hbm, e2_hbm, r0_hbm, r1_hbm, off_hbm, xs_hbm,
                off_v, e_v, r_v, i0_m, i1_m, rows_a, rows_b,
                sem0, sem1, sem2, sem3):
        wid = lax.axis_index("s") * SC_CORES + lax.axis_index("c")
        base = wid * TOK_PER_WORKER
        wsl = pl.ds(base, TOK_PER_WORKER)
        pltpu.sync_copy(off_hbm, off_v)
        ov = off_v[...]

        def dest_vec(ev, rv):
            b = jnp.zeros((16,), jnp.int32)
            for e in range(NUM_EXPERTS):
                b = jnp.where(ev == e, ov[e], b)
            return rv + b

        ca = pltpu.async_copy(xp_hbm.at[pl.ds(base, SCHUNK)], rows_a, sem0)

        pltpu.sync_copy(e1_hbm.at[wsl], e_v)
        pltpu.sync_copy(r0_hbm.at[wsl], r_v)
        for j in range(TOK_PER_WORKER // 16):
            s16 = pl.ds(j * 16, 16)
            i0_m[j // (SCHUNK // 16),
                 pl.ds((j % (SCHUNK // 16)) * 16, 16)] = dest_vec(
                     e_v[s16], r_v[s16])
        pltpu.sync_copy(e2_hbm.at[wsl], e_v)
        pltpu.sync_copy(r1_hbm.at[wsl], r_v)
        for j in range(TOK_PER_WORKER // 16):
            s16 = pl.ds(j * 16, 16)
            i1_m[j // (SCHUNK // 16),
                 pl.ds((j % (SCHUNK // 16)) * 16, 16)] = dest_vec(
                     e_v[s16], r_v[s16])

        bufs = (rows_a, rows_b)
        sems = (sem0, sem1)
        ca.wait()
        for c in range(N_SCHUNK):
            if c + 1 < N_SCHUNK:
                cn = pltpu.async_copy(
                    xp_hbm.at[pl.ds(base + (c + 1) * SCHUNK, SCHUNK)],
                    bufs[(c + 1) % 2], sems[(c + 1) % 2])
            c0 = pltpu.async_copy(bufs[c % 2], xs_hbm.at[i0_m.at[c]], sem2)
            c1 = pltpu.async_copy(bufs[c % 2], xs_hbm.at[i1_m.at[c]], sem3)
            c0.wait()
            c1.wait()
            if c + 1 < N_SCHUNK:
                cn.wait()

    return scatter


def _gmm_kernel(te_ref, xs_ref, w_ref, b_ref, y_ref):
    y_ref[...] = jnp.dot(xs_ref[...].astype(jnp.bfloat16), w_ref[0],
                         preferred_element_type=jnp.float32) + b_ref[0]


def _gmm(tile_expert, xs, expert_W_bf16, expert_b):
    grid_spec = pltpu.PrefetchScalarGridSpec(
        num_scalar_prefetch=1,
        grid=(NUM_TILES,),
        in_specs=[
            pl.BlockSpec((TILE, D_MODEL), lambda i, te: (i, 0)),
            pl.BlockSpec((1, D_MODEL, D_MODEL), lambda i, te: (te[i], 0, 0)),
            pl.BlockSpec((1, 1, D_MODEL), lambda i, te: (te[i], 0, 0)),
        ],
        out_specs=pl.BlockSpec((TILE, D_MODEL), lambda i, te: (i, 0)),
    )
    return pl.pallas_call(
        _gmm_kernel,
        grid_spec=grid_spec,
        out_shape=jax.ShapeDtypeStruct((P_PAD, D_MODEL), jnp.float32),
        compiler_params=pltpu.CompilerParams(
            dimension_semantics=("arbitrary",)),
    )(tile_expert, xs, expert_W_bf16,
      expert_b.reshape(NUM_EXPERTS, 1, D_MODEL))


GX = 32
N_GCHUNK = TOK_PER_WORKER // GX


def _make_gather2():
    mesh = plsc.VectorSubcoreMesh(core_axis_name="c", subcore_axis_name="s")

    @functools.partial(
        pl.kernel,
        mesh=mesh,
        out_type=[
            jax.ShapeDtypeStruct((N_TOKENS, D_MODEL), jnp.float32),
            jax.ShapeDtypeStruct((N_TOKENS, D_MODEL), jnp.float32),
        ],
        scratch_types=[
            pltpu.VMEM((16,), jnp.int32),
            pltpu.VMEM((TOK_PER_WORKER,), jnp.int32),
            pltpu.VMEM((TOK_PER_WORKER,), jnp.int32),
            pltpu.VMEM((N_GCHUNK, GX), jnp.int32),
            pltpu.VMEM((N_GCHUNK, GX), jnp.int32),
            pltpu.VMEM((GX, D_MODEL), jnp.float32),
            pltpu.VMEM((GX, D_MODEL), jnp.float32),
            pltpu.SemaphoreType.DMA,
            pltpu.SemaphoreType.DMA,
        ],
    )
    def gather2(y_hbm, e1_hbm, e2_hbm, r0_hbm, r1_hbm, off_hbm,
                y0_hbm, y1_hbm,
                off_v, e_v, r_v, i0_m, i1_m, r0b_v, r1b_v, sem0, sem1):
        wid = lax.axis_index("s") * SC_CORES + lax.axis_index("c")
        base = wid * TOK_PER_WORKER
        wsl = pl.ds(base, TOK_PER_WORKER)
        pltpu.sync_copy(off_hbm, off_v)
        ov = off_v[...]

        def dest_vec(ev, rv):
            b = jnp.zeros((16,), jnp.int32)
            for e in range(NUM_EXPERTS):
                b = jnp.where(ev == e, ov[e], b)
            return rv + b

        pltpu.sync_copy(e1_hbm.at[wsl], e_v)
        pltpu.sync_copy(r0_hbm.at[wsl], r_v)
        for j in range(TOK_PER_WORKER // 16):
            s16 = pl.ds(j * 16, 16)
            i0_m[j // (GX // 16), pl.ds((j % (GX // 16)) * 16, 16)] = dest_vec(
                e_v[s16], r_v[s16])
        pltpu.sync_copy(e2_hbm.at[wsl], e_v)
        pltpu.sync_copy(r1_hbm.at[wsl], r_v)
        for j in range(TOK_PER_WORKER // 16):
            s16 = pl.ds(j * 16, 16)
            i1_m[j // (GX // 16), pl.ds((j % (GX // 16)) * 16, 16)] = dest_vec(
                e_v[s16], r_v[s16])

        for c in range(N_GCHUNK):
            tb = base + c * GX
            c0 = pltpu.async_copy(y_hbm.at[i0_m.at[c]], r0b_v, sem0)
            c1 = pltpu.async_copy(y_hbm.at[i1_m.at[c]], r1b_v, sem1)
            c0.wait()
            c1.wait()
            pltpu.sync_copy(r0b_v, y0_hbm.at[pl.ds(tb, GX)])
            pltpu.sync_copy(r1b_v, y1_hbm.at[pl.ds(tb, GX)])

    return gather2


_scatter_fn = functools.lru_cache(maxsize=None)(_make_scatter)
_gather2_fn = functools.lru_cache(maxsize=None)(_make_gather2)


def _combine_kernel(y0_ref, y1_ref, g1_ref, g2_ref, o_ref):
    o_ref[...] = y0_ref[...] * g1_ref[...] + y1_ref[...] * g2_ref[...]


def _tc_combine(y0, y1, g1, g2):
    grid = 8
    blk = N_TOKENS // grid
    return pl.pallas_call(
        _combine_kernel,
        grid=(grid,),
        in_specs=[
            pl.BlockSpec((blk, D_MODEL), lambda i: (i, 0)),
            pl.BlockSpec((blk, D_MODEL), lambda i: (i, 0)),
            pl.BlockSpec((blk, 1), lambda i: (i, 0)),
            pl.BlockSpec((blk, 1), lambda i: (i, 0)),
        ],
        out_specs=pl.BlockSpec((blk, D_MODEL), lambda i: (i, 0)),
        out_shape=jax.ShapeDtypeStruct((N_TOKENS, D_MODEL), jnp.float32),
    )(y0, y1, g1, g2)


def kernel(x, gate_W, gate_b, expert_W, expert_b):
    e1, e2, r0, r1, g1, g2, counts = _routing(x, gate_W, gate_b)

    counts = counts.reshape(NUM_EXPERTS)
    padded = (counts + TILE - 1) // TILE * TILE
    off = jnp.concatenate([jnp.zeros((1,), jnp.int32),
                           jnp.cumsum(padded)[:-1].astype(jnp.int32)])
    off16 = jnp.concatenate([off, jnp.zeros((16 - NUM_EXPERTS,), jnp.int32)])
    tile_starts = jnp.arange(NUM_TILES, dtype=jnp.int32) * TILE
    tile_expert = (jnp.sum((tile_starts[:, None] >= off[None, :])
                           .astype(jnp.int32), axis=1) - 1)
    tile_expert = jnp.clip(tile_expert, 0, NUM_EXPERTS - 1)

    expert_W_bf16 = expert_W.astype(jnp.bfloat16)
    xs = _scatter_fn()(x, e1, e2, r0, r1, off16)
    y = _gmm(tile_expert, xs, expert_W_bf16, expert_b)
    y0, y1 = _gather2_fn()(y, e1, e2, r0, r1, off16)
    return _tc_combine(y0, y1, g1, g2)

# --- scband reference (transcript-rebuilt; emitter-appended) ---
"""Pipeline reference for scband-mo-e-10514079941231 (READ-ONLY COPY).

The authoritative reference and input builder live on the scoring server;
editing this copy changes nothing except your own understanding.
"""

import jax, jax.numpy as jnp
import numpy as np

D_MODEL = 1024
NUM_EXPERTS = 8
TOP_K = 2
N_TOKENS = 4096

def setup_inputs(seed: int = 0) -> dict:
    key = jax.random.key(seed)
    ks = jax.random.split(key, 4)
    x = jax.random.normal(ks[0], (N_TOKENS, D_MODEL), dtype=jnp.float32)
    gate_W = jax.random.normal(ks[1], (D_MODEL, NUM_EXPERTS), dtype=jnp.float32) * 0.02
    gate_b = jnp.zeros((NUM_EXPERTS,), dtype=jnp.float32)
    expert_W = jax.random.normal(ks[2], (NUM_EXPERTS, D_MODEL, D_MODEL), dtype=jnp.float32) * 0.02
    expert_b = jnp.zeros((NUM_EXPERTS, D_MODEL), dtype=jnp.float32)
    return {"x": x, "gate_W": gate_W, "gate_b": gate_b, "expert_W": expert_W, "expert_b": expert_b}

def reference(x, gate_W, gate_b, expert_W, expert_b):
    # gate: nn.Linear(input_size, num_experts)
    gate_output = x @ gate_W + gate_b  # [N, E]
    top_k_gates, top_k_indices = jax.lax.top_k(gate_output, TOP_K)  # [N, k]
    top_k_gates = jax.nn.softmax(top_k_gates, axis=-1)
    output = jnp.zeros_like(x)
    for i in range(NUM_EXPERTS):
        expert_output = x @ expert_W[i] + expert_b[i]  # [N, D]
        mask = (top_k_indices == i).astype(jnp.float32)  # [N, k]
        coeff = jnp.sum(top_k_gates * mask, axis=-1, keepdims=True)  # [N, 1]
        output = output + expert_output * coeff
    return output

if __name__ == "__main__":
    import jax
    _d = setup_inputs()
    print(jax.jit(kernel)(*tuple(_d.values())))

</pallas_src>

<mosaic_0001>
#map = affine_map<(d0, d1) -> (0, 0)>
#map1 = affine_map<(d0, d1) -> (0)>
module attributes {stable_mosaic.version = 14 : i64} {
  func.func @gather2(%arg0: i32, %arg1: i32, %arg2: memref<10240x1024xf32, #tpu.memory_space<hbm>>, %arg3: memref<4096xi32, #tpu.memory_space<hbm>>, %arg4: memref<4096xi32, #tpu.memory_space<hbm>>, %arg5: memref<4096xi32, #tpu.memory_space<hbm>>, %arg6: memref<4096xi32, #tpu.memory_space<hbm>>, %arg7: memref<16xi32, #tpu.memory_space<hbm>>, %arg8: memref<4096x1024xf32, #tpu.memory_space<hbm>>, %arg9: memref<4096x1024xf32, #tpu.memory_space<hbm>>, %arg10: memref<16xi32, #tpu.memory_space<vmem>>, %arg11: memref<128xi32, #tpu.memory_space<vmem>>, %arg12: memref<128xi32, #tpu.memory_space<vmem>>, %arg13: memref<4x32xi32, #tpu.memory_space<vmem>>, %arg14: memref<4x32xi32, #tpu.memory_space<vmem>>, %arg15: memref<32x1024xf32, #tpu.memory_space<vmem>>, %arg16: memref<32x1024xf32, #tpu.memory_space<vmem>>, %arg17: memref<!tpu.dma_semaphore, #tpu.memory_space<semaphore_mem>>, %arg18: memref<!tpu.dma_semaphore, #tpu.memory_space<semaphore_mem>>) attributes {dimension_semantics = [#tpu.dimension_semantics<core_parallel>, #tpu.dimension_semantics<subcore_parallel>], iteration_bounds = array<i64: 2, 16>, scalar_prefetch = 0 : i64, scratch_operands = 9 : i64, tpu.core_type = #tpu.core_type<sc_vector_subcore>, window_params = [{transform_indices = #map}, {transform_indices = #map1}, {transform_indices = #map1}, {transform_indices = #map1}, {transform_indices = #map1}, {transform_indices = #map1}, {transform_indices = #map}, {transform_indices = #map}]} {
    %mul3A = arith.constant 2 : i32
    %mul3A_0 = arith.muli %arg1, %mul3A : i32
    %add3A = arith.addi %mul3A_0, %arg0 : i32
    %mul3A_1 = arith.constant 128 : i32
    %mul3A_2 = arith.muli %add3A, %mul3A_1 : i32
    "tpu.region"() ({
      %run_scoped3A = tpu.sem_alloc : memref<!tpu.dma_semaphore, #tpu.memory_space<semaphore_mem>>
      tpu.enqueue_dma source(%arg7 : memref<16xi32, #tpu.memory_space<hbm>>) target(%arg10 : memref<16xi32, #tpu.memory_space<vmem>>) target_semaphore(%run_scoped3A : memref<!tpu.dma_semaphore, #tpu.memory_space<semaphore_mem>>)
      tpu.wait_dma2 semaphore(%run_scoped3A : memref<!tpu.dma_semaphore, #tpu.memory_space<semaphore_mem>>) src(%arg7 : memref<16xi32, #tpu.memory_space<hbm>>) dst(%arg10 : memref<16xi32, #tpu.memory_space<vmem>>)
      tpu.yield
    }) : () -> ()
    %get3A = arith.constant 0 : index
    %get3A_3 = tpu.vector_load %arg10[%get3A] {strides = array<i32>} : memref<16xi32, #tpu.memory_space<vmem>>, vector<16xi32>,
    %get3A_4 = vector.shape_cast %get3A_3 : vector<16xi32> to vector<16xi32>
    "tpu.region"() ({
      %run_scoped3A = tpu.sem_alloc : memref<!tpu.dma_semaphore, #tpu.memory_space<semaphore_mem>>
      %dma_start3A_1253 = tpu.memref_slice %arg3[%mul3A_2] : memref<4096xi32, #tpu.memory_space<hbm>> -> memref<128xi32, #tpu.memory_space<hbm>>
      %dma_start3A_1254 = tpu.memref_slice %arg3[%mul3A_2] : memref<4096xi32, #tpu.memory_space<hbm>> -> memref<128xi32, #tpu.memory_space<hbm>>
      tpu.enqueue_dma source(%dma_start3A_1254 : memref<128xi32, #tpu.memory_space<hbm>>) target(%arg11 : memref<128xi32, #tpu.memory_space<vmem>>) target_semaphore(%run_scoped3A : memref<!tpu.dma_semaphore, #tpu.memory_space<semaphore_mem>>)
      %dma_wait3A_1255 = tpu.memref_slice %arg3[%mul3A_2] : memref<4096xi32, #tpu.memory_space<hbm>> -> memref<128xi32, #tpu.memory_space<hbm>>
      %dma_wait3A_1256 = tpu.memref_slice %arg3[%mul3A_2] : memref<4096xi32, #tpu.memory_space<hbm>> -> memref<128xi32, #tpu.memory_space<hbm>>
      tpu.wait_dma2 semaphore(%run_scoped3A : memref<!tpu.dma_semaphore, #tpu.memory_space<semaphore_mem>>) src(%dma_wait3A_1256 : memref<128xi32, #tpu.memory_space<hbm>>) dst(%arg11 : memref<128xi32, #tpu.memory_space<vmem>>)
      tpu.yield
    }) : () -> ()
    "tpu.region"() ({
      %run_scoped3A = tpu.sem_alloc : memref<!tpu.dma_semaphore, #tpu.memory_space<semaphore_mem>>
      %dma_start3A_1253 = tpu.memref_slice %arg5[%mul3A_2] : memref<4096xi32, #tpu.memory_space<hbm>> -> memref<128xi32, #tpu.memory_space<hbm>>
      %dma_start3A_1254 = tpu.memref_slice %arg5[%mul3A_2] : memref<4096xi32, #tpu.memory_space<hbm>> -> memref<128xi32, #tpu.memory_space<hbm>>
      tpu.enqueue_dma source(%dma_start3A_1254 : memref<128xi32, #tpu.memory_space<hbm>>) target(%arg12 : memref<128xi32, #tpu.memory_space<vmem>>) target_semaphore(%run_scoped3A : memref<!tpu.dma_semaphore, #tpu.memory_space<semaphore_mem>>)
      %dma_wait3A_1255 = tpu.memref_slice %arg5[%mul3A_2] : memref<4096xi32, #tpu.memory_space<hbm>> -> memref<128xi32, #tpu.memory_space<hbm>>
      %dma_wait3A_1256 = tpu.memref_slice %arg5[%mul3A_2] : memref<4096xi32, #tpu.memory_space<hbm>> -> memref<128xi32, #tpu.memory_space<hbm>>
      tpu.wait_dma2 semaphore(%run_scoped3A : memref<!tpu.dma_semaphore, #tpu.memory_space<semaphore_mem>>) src(%dma_wait3A_1256 : memref<128xi32, #tpu.memory_space<hbm>>) dst(%arg12 : memref<128xi32, #tpu.memory_space<vmem>>)
      tpu.yield
    }) : () -> ()
    %get3A_5 = arith.constant 0 : index
    %get3A_6 = tpu.vector_load %arg11[%get3A_5] {strides = array<i32>} : memref<128xi32, #tpu.memory_space<vmem>>, vector<16xi32>,
    %get3A_7 = vector.shape_cast %get3A_6 : vector<16xi32> to vector<16xi32>
    %get3A_8 = arith.constant 0 : index
    %get3A_9 = tpu.vector_load %arg12[%get3A_8] {strides = array<i32>} : memref<128xi32, #tpu.memory_space<vmem>>, vector<16xi32>,
    %get3A_10 = vector.shape_cast %get3A_9 : vector<16xi32> to vector<16xi32>
    %broadcast_in_dim3A = arith.constant 0 : i32
    %broadcast_in_dim3A_11 = vector.broadcast %broadcast_in_dim3A : i32 to vector<16xi32>
    %eq3A = arith.constant 0 : i32
    %eq3A_12 = vector.broadcast %eq3A : i32 to vector<16xi32>
    %eq3A_13 = arith.cmpi eq, %get3A_7, %eq3A_12 : vector<16xi32>
    %slice3A = vector.extract_strided_slice %get3A_4 {offsets = [0], sizes = [1], strides = [1]} : vector<16xi32> to vector<1xi32>
    %squeeze3A = vector.extract %slice3A[0] : i32 from vector<1xi32>
    %broadcast_in_dim3A_14 = vector.broadcast %squeeze3A : i32 to vector<16xi32>
    %select_n3A = arith.select %eq3A_13, %broadcast_in_dim3A_14, %broadcast_in_dim3A_11 : vector<16xi1>, vector<16xi32>
    %eq3A_15 = arith.constant 1 : i32
    %eq3A_16 = vector.broadcast %eq3A_15 : i32 to vector<16xi32>
    %eq3A_17 = arith.cmpi eq, %get3A_7, %eq3A_16 : vector<16xi32>
    %slice3A_18 = vector.extract_strided_slice %get3A_4 {offsets = [1], sizes = [1], strides = [1]} : vector<16xi32> to vector<1xi32>
    %squeeze3A_19 = vector.extract %slice3A_18[0] : i32 from vector<1xi32>
    %broadcast_in_dim3A_20 = vector.broadcast %squeeze3A_19 : i32 to vector<16xi32>
    %select_n3A_21 = arith.select %eq3A_17, %broadcast_in_dim3A_20, %select_n3A : vector<16xi1>, vector<16xi32>
    %eq3A_22 = arith.constant 2 : i32
    %eq3A_23 = vector.broadcast %eq3A_22 : i32 to vector<16xi32>
    %eq3A_24 = arith.cmpi eq, %get3A_7, %eq3A_23 : vector<16xi32>
    %slice3A_25 = vector.extract_strided_slice %get3A_4 {offsets = [2], sizes = [1], strides = [1]} : vector<16xi32> to vector<1xi32>
    %squeeze3A_26 = vector.extract %slice3A_25[0] : i32 from vector<1xi32>
    %broadcast_in_dim3A_27 = vector.broadcast %squeeze3A_26 : i32 to vector<16xi32>
    %select_n3A_28 = arith.select %eq3A_24, %broadcast_in_dim3A_27, %select_n3A_21 : vector<16xi1>, vector<16xi32>
    %eq3A_29 = arith.constant 3 : i32
    %eq3A_30 = vector.broadcast %eq3A_29 : i32 to vector<16xi32>
    %eq3A_31 = arith.cmpi eq, %get3A_7, %eq3A_30 : vector<16xi32>
    %slice3A_32 = vector.extract_strided_slice %get3A_4 {offsets = [3], sizes = [1], strides = [1]} : vector<16xi32> to vector<1xi32>
    %squeeze3A_33 = vector.extract %slice3A_32[0] : i32 from vector<1xi32>
    %broadcast_in_dim3A_34 = vector.broadcast %squeeze3A_33 : i32 to vector<16xi32>
    %select_n3A_35 = arith.select %eq3A_31, %broadcast_in_dim3A_34, %select_n3A_28 : vector<16xi1>, vector<16xi32>
    %eq3A_36 = arith.constant 4 : i32
    %eq3A_37 = vector.broadcast %eq3A_36 : i32 to vector<16xi32>
    %eq3A_38 = arith.cmpi eq, %get3A_7, %eq3A_37 : vector<16xi32>
    %slice3A_39 = vector.extract_strided_slice %get3A_4 {offsets = [4], sizes = [1], strides = [1]} : vector<16xi32> to vector<1xi32>
    %squeeze3A_40 = vector.extract %slice3A_39[0] : i32 from vector<1xi32>
    %broadcast_in_dim3A_41 = vector.broadcast %squeeze3A_40 : i32 to vector<16xi32>
    %select_n3A_42 = arith.select %eq3A_38, %broadcast_in_dim3A_41, %select_n3A_35 : vector<16xi1>, vector<16xi32>
    %eq3A_43 = arith.constant 5 : i32
    %eq3A_44 = vector.broadcast %eq3A_43 : i32 to vector<16xi32>
    %eq3A_45 = arith.cmpi eq, %get3A_7, %eq3A_44 : vector<16xi32>
    %slice3A_46 = vector.extract_strided_slice %get3A_4 {offsets = [5], sizes = [1], strides = [1]} : vector<16xi32> to vector<1xi32>
    %squeeze3A_47 = vector.extract %slice3A_46[0] : i32 from vector<1xi32>
    %broadcast_in_dim3A_48 = vector.broadcast %squeeze3A_47 : i32 to vector<16xi32>
    %select_n3A_49 = arith.select %eq3A_45, %broadcast_in_dim3A_48, %select_n3A_42 : vector<16xi1>, vector<16xi32>
    %eq3A_50 = arith.constant 6 : i32
    %eq3A_51 = vector.broadcast %eq3A_50 : i32 to vector<16xi32>
    %eq3A_52 = arith.cmpi eq, %get3A_7, %eq3A_51 : vector<16xi32>
    %slice3A_53 = vector.extract_strided_slice %get3A_4 {offsets = [6], sizes = [1], strides = [1]} : vector<16xi32> to vector<1xi32>
    %squeeze3A_54 = vector.extract %slice3A_53[0] : i32 from vector<1xi32>
    %broadcast_in_dim3A_55 = vector.broadcast %squeeze3A_54 : i32 to vector<16xi32>
    %select_n3A_56 = arith.select %eq3A_52, %broadcast_in_dim3A_55, %select_n3A_49 : vector<16xi1>, vector<16xi32>
    %eq3A_57 = arith.constant 7 : i32
    %eq3A_58 = vector.broadcast %eq3A_57 : i32 to vector<16xi32>
    %eq3A_59 = arith.cmpi eq, %get3A_7, %eq3A_58 : vector<16xi32>
    %slice3A_60 = vector.extract_strided_slice %get3A_4 {offsets = [7], sizes = [1], strides = [1]} : vector<16xi32> to vector<1xi32>
    %squeeze3A_61 = vector.extract %slice3A_60[0] : i32 from vector<1xi32>
    %broadcast_in_dim3A_62 = vector.broadcast %squeeze3A_61 : i32 to vector<16xi32>
    %select_n3A_63 = arith.select %eq3A_59, %broadcast_in_dim3A_62, %select_n3A_56 : vector<16xi1>, vector<16xi32>
    %add3A_64 = arith.addi %get3A_10, %select_n3A_63 : vector<16xi32>
    %swap3A = arith.constant 0 : i32
    %swap3A_65 = arith.index_cast %swap3A : i32 to index
    %swap3A_66 = arith.constant 0 : index
    %swap3A_67 = tpu.vector_load %arg13[%swap3A_65, %swap3A_66] {strides = array<i32>} : memref<4x32xi32, #tpu.memory_space<vmem>>, vector<1x16xi32>,
    %swap3A_68 = vector.shape_cast %swap3A_67 : vector<1x16xi32> to vector<16xi32>
    %swap3A_69 = vector.shape_cast %add3A_64 : vector<16xi32> to vector<1x16xi32>
    tpu.vector_store %arg13[%swap3A_65, %swap3A_66], %swap3A_69 {strides = array<i32>} : memref<4x32xi32, #tpu.memory_space<vmem>>, vector<1x16xi32>,
    %get3A_70 = arith.constant 16 : index
    %get3A_71 = tpu.vector_load %arg11[%get3A_70] {strides = array<i32>} : memref<128xi32, #tpu.memory_space<vmem>>, vector<16xi32>,
    %get3A_72 = vector.shape_cast %get3A_71 : vector<16xi32> to vector<16xi32>
    %get3A_73 = arith.constant 16 : index
    %get3A_74 = tpu.vector_load %arg12[%get3A_73] {strides = array<i32>} : memref<128xi32, #tpu.memory_space<vmem>>, vector<16xi32>,
    %get3A_75 = vector.shape_cast %get3A_74 : vector<16xi32> to vector<16xi32>
    %broadcast_in_dim3A_76 = arith.constant 0 : i32
    %broadcast_in_dim3A_77 = vector.broadcast %broadcast_in_dim3A_76 : i32 to vector<16xi32>
    %eq3A_78 = arith.constant 0 : i32
    %eq3A_79 = vector.broadcast %eq3A_78 : i32 to vector<16xi32>
    %eq3A_80 = arith.cmpi eq, %get3A_72, %eq3A_79 : vector<16xi32>
    %slice3A_81 = vector.extract_strided_slice %get3A_4 {offsets = [0], sizes = [1], strides = [1]} : vector<16xi32> to vector<1xi32>
    %squeeze3A_82 = vector.extract %slice3A_81[0] : i32 from vector<1xi32>
    %broadcast_in_dim3A_83 = vector.broadcast %squeeze3A_82 : i32 to vector<16xi32>
    %select_n3A_84 = arith.select %eq3A_80, %broadcast_in_dim3A_83, %broadcast_in_dim3A_77 : vector<16xi1>, vector<16xi32>
    %eq3A_85 = arith.constant 1 : i32
    %eq3A_86 = vector.broadcast %eq3A_85 : i32 to vector<16xi32>
    %eq3A_87 = arith.cmpi eq, %get3A_72, %eq3A_86 : vector<16xi32>
    %slice3A_88 = vector.extract_strided_slice %get3A_4 {offsets = [1], sizes = [1], strides = [1]} : vector<16xi32> to vector<1xi32>
    %squeeze3A_89 = vector.extract %slice3A_88[0] : i32 from vector<1xi32>
    %broadcast_in_dim3A_90 = vector.broadcast %squeeze3A_89 : i32 to vector<16xi32>
    %select_n3A_91 = arith.select %eq3A_87, %broadcast_in_dim3A_90, %select_n3A_84 : vector<16xi1>, vector<16xi32>
    %eq3A_92 = arith.constant 2 : i32
    %eq3A_93 = vector.broadcast %eq3A_92 : i32 to vector<16xi32>
    %eq3A_94 = arith.cmpi eq, %get3A_72, %eq3A_93 : vector<16xi32>
    %slice3A_95 = vector.extract_strided_slice %get3A_4 {offsets = [2], sizes = [1], strides = [1]} : vector<16xi32> to vector<1xi32>
    %squeeze3A_96 = vector.extract %slice3A_95[0] : i32 from vector<1xi32>
    %broadcast_in_dim3A_97 = vector.broadcast %squeeze3A_96 : i32 to vector<16xi32>
    %select_n3A_98 = arith.select %eq3A_94, %broadcast_in_dim3A_97, %select_n3A_91 : vector<16xi1>, vector<16xi32>
    %eq3A_99 = arith.constant 3 : i32
    %eq3A_100 = vector.broadcast %eq3A_99 : i32 to vector<16xi32>
    %eq3A_101 = arith.cmpi eq, %get3A_72, %eq3A_100 : vector<16xi32>
    %slice3A_102 = vector.extract_strided_slice %get3A_4 {offsets = [3], sizes = [1], strides = [1]} : vector<16xi32> to vector<1xi32>
    %squeeze3A_103 = vector.extract %slice3A_102[0] : i32 from vector<1xi32>
    %broadcast_in_dim3A_104 = vector.broadcast %squeeze3A_103 : i32 to vector<16xi32>
    %select_n3A_105 = arith.select %eq3A_101, %broadcast_in_dim3A_104, %select_n3A_98 : vector<16xi1>, vector<16xi32>
    %eq3A_106 = arith.constant 4 : i32
    %eq3A_107 = vector.broadcast %eq3A_106 : i32 to vector<16xi32>
    %eq3A_108 = arith.cmpi eq, %get3A_72, %eq3A_107 : vector<16xi32>
    %slice3A_109 = vector.extract_strided_slice %get3A_4 {offsets = [4], sizes = [1], strides = [1]} : vector<16xi32> to vector<1xi32>
    %squeeze3A_110 = vector.extract %slice3A_109[0] : i32 from vector<1xi32>
    %broadcast_in_dim3A_111 = vector.broadcast %squeeze3A_110 : i32 to vector<16xi32>
    %select_n3A_112 = arith.select %eq3A_108, %broadcast_in_dim3A_111, %select_n3A_105 : vector<16xi1>, vector<16xi32>
    %eq3A_113 = arith.constant 5 : i32
    %eq3A_114 = vector.broadcast %eq3A_113 : i32 to vector<16xi32>
    %eq3A_115 = arith.cmpi eq, %get3A_72, %eq3A_114 : vector<16xi32>
    %slice3A_116 = vector.extract_strided_slice %get3A_4 {offsets = [5], sizes = [1], strides = [1]} : vector<16xi32> to vector<1xi32>
    %squeeze3A_117 = vector.extract %slice3A_116[0] : i32 from vector<1xi32>
    %broadcast_in_dim3A_118 = vector.broadcast %squeeze3A_117 : i32 to vector<16xi32>
    %select_n3A_119 = arith.select %eq3A_115, %broadcast_in_dim3A_118, %select_n3A_112 : vector<16xi1>, vector<16xi32>
    %eq3A_120 = arith.constant 6 : i32
    %eq3A_121 = vector.broadcast %eq3A_120 : i32 to vector<16xi32>
    %eq3A_122 = arith.cmpi eq, %get3A_72, %eq3A_121 : vector<16xi32>
    %slice3A_123 = vector.extract_strided_slice %get3A_4 {offsets = [6], sizes = [1], strides = [1]} : vector<16xi32> to vector<1xi32>
    %squeeze3A_124 = vector.extract %slice3A_123[0] : i32 from vector<1xi32>
    %broadcast_in_dim3A_125 = vector.broadcast %squeeze3A_124 : i32 to vector<16xi32>
    %select_n3A_126 = arith.select %eq3A_122, %broadcast_in_dim3A_125, %select_n3A_119 : vector<16xi1>, vector<16xi32>
    %eq3A_127 = arith.constant 7 : i32
    %eq3A_128 = vector.broadcast %eq3A_127 : i32 to vector<16xi32>
    %eq3A_129 = arith.cmpi eq, %get3A_72, %eq3A_128 : vector<16xi32>
    %slice3A_130 = vector.extract_strided_slice %get3A_4 {offsets = [7], sizes = [1], strides = [1]} : vector<16xi32> to vector<1xi32>
    %squeeze3A_131 = vector.extract %slice3A_130[0] : i32 from vector<1xi32>
    %broadcast_in_dim3A_132 = vector.broadcast %squeeze3A_131 : i32 to vector<16xi32>
    %select_n3A_133 = arith.select %eq3A_129, %broadcast_in_dim3A_132, %select_n3A_126 : vector<16xi1>, vector<16xi32>
    %add3A_134 = arith.addi %get3A_75, %select_n3A_133 : vector<16xi32>
    %swap3A_135 = arith.constant 0 : i32
    %swap3A_136 = arith.index_cast %swap3A_135 : i32 to index
    %swap3A_137 = arith.constant 16 : index
    %swap3A_138 = tpu.vector_load %arg13[%swap3A_136, %swap3A_137] {strides = array<i32>} : memref<4x32xi32, #tpu.memory_space<vmem>>, vector<1x16xi32>,
    %swap3A_139 = vector.shape_cast %swap3A_138 : vector<1x16xi32> to vector<16xi32>
    %swap3A_140 = vector.shape_cast %add3A_134 : vector<16xi32> to vector<1x16xi32>
    tpu.vector_store %arg13[%swap3A_136, %swap3A_137], %swap3A_140 {strides = array<i32>} : memref<4x32xi32, #tpu.memory_space<vmem>>, vector<1x16xi32>,
    %get3A_141 = arith.constant 32 : index
    %get3A_142 = tpu.vector_load %arg11[%get3A_141] {strides = array<i32>} : memref<128xi32, #tpu.memory_space<vmem>>, vector<16xi32>,
    %get3A_143 = vector.shape_cast %get3A_142 : vector<16xi32> to vector<16xi32>
    %get3A_144 = arith.constant 32 : index
    %get3A_145 = tpu.vector_load %arg12[%get3A_144] {strides = array<i32>} : memref<128xi32, #tpu.memory_space<vmem>>, vector<16xi32>,
    %get3A_146 = vector.shape_cast %get3A_145 : vector<16xi32> to vector<16xi32>
    %broadcast_in_dim3A_147 = arith.constant 0 : i32
    %broadcast_in_dim3A_148 = vector.broadcast %broadcast_in_dim3A_147 : i32 to vector<16xi32>
    %eq3A_149 = arith.constant 0 : i32
    %eq3A_150 = vector.broadcast %eq3A_149 : i32 to vector<16xi32>
    %eq3A_151 = arith.cmpi eq, %get3A_143, %eq3A_150 : vector<16xi32>
    %slice3A_152 = vector.extract_strided_slice %get3A_4 {offsets = [0], sizes = [1], strides = [1]} : vector<16xi32> to vector<1xi32>
    %squeeze3A_153 = vector.extract %slice3A_152[0] : i32 from vector<1xi32>
    %broadcast_in_dim3A_154 = vector.broadcast %squeeze3A_153 : i32 to vector<16xi32>
    %select_n3A_155 = arith.select %eq3A_151, %broadcast_in_dim3A_154, %broadcast_in_dim3A_148 : vector<16xi1>, vector<16xi32>
    %eq3A_156 = arith.constant 1 : i32
    %eq3A_157 = vector.broadcast %eq3A_156 : i32 to vector<16xi32>
    %eq3A_158 = arith.cmpi eq, %get3A_143, %eq3A_157 : vector<16xi32>
    %slice3A_159 = vector.extract_strided_slice %get3A_4 {offsets = [1], sizes = [1], strides = [1]} : vector<16xi32> to vector<1xi32>
    %squeeze3A_160 = vector.extract %slice3A_159[0] : i32 from vector<1xi32>
    %broadcast_in_dim3A_161 = vector.broadcast %squeeze3A_160 : i32 to vector<16xi32>
    %select_n3A_162 = arith.select %eq3A_158, %broadcast_in_dim3A_161, %select_n3A_155 : vector<16xi1>, vector<16xi32>
    %eq3A_163 = arith.constant 2 : i32
    %eq3A_164 = vector.broadcast %eq3A_163 : i32 to vector<16xi32>
    %eq3A_165 = arith.cmpi eq, %get3A_143, %eq3A_164 : vector<16xi32>
    %slice3A_166 = vector.extract_strided_slice %get3A_4 {offsets = [2], sizes = [1], strides = [1]} : vector<16xi32> to vector<1xi32>
    %squeeze3A_167 = vector.extract %slice3A_166[0] : i32 from vector<1xi32>
    %broadcast_in_dim3A_168 = vector.broadcast %squeeze3A_167 : i32 to vector<16xi32>
    %select_n3A_169 = arith.select %eq3A_165, %broadcast_in_dim3A_168, %select_n3A_162 : vector<16xi1>, vector<16xi32>
    %eq3A_170 = arith.constant 3 : i32
    %eq3A_171 = vector.broadcast %eq3A_170 : i32 to vector<16xi32>
    %eq3A_172 = arith.cmpi eq, %get3A_143, %eq3A_171 : vector<16xi32>
    %slice3A_173 = vector.extract_strided_slice %get3A_4 {offsets = [3], sizes = [1], strides = [1]} : vector<16xi32> to vector<1xi32>
    %squeeze3A_174 = vector.extract %slice3A_173[0] : i32 from vector<1xi32>
    %broadcast_in_dim3A_175 = vector.broadcast %squeeze3A_174 : i32 to vector<16xi32>
    %select_n3A_176 = arith.select %eq3A_172, %broadcast_in_dim3A_175, %select_n3A_169 : vector<16xi1>, vector<16xi32>
    %eq3A_177 = arith.constant 4 : i32
    %eq3A_178 = vector.broadcast %eq3A_177 : i32 to vector<16xi32>
    %eq3A_179 = arith.cmpi eq, %get3A_143, %eq3A_178 : vector<16xi32>
    %slice3A_180 = vector.extract_strided_slice %get3A_4 {offsets = [4], sizes = [1], strides = [1]} : vector<16xi32> to vector<1xi32>
    %squeeze3A_181 = vector.extract %slice3A_180[0] : i32 from vector<1xi32>
    %broadcast_in_dim3A_182 = vector.broadcast %squeeze3A_181 : i32 to vector<16xi32>
    %select_n3A_183 = arith.select %eq3A_179, %broadcast_in_dim3A_182, %select_n3A_176 : vector<16xi1>, vector<16xi32>
    %eq3A_184 = arith.constant 5 : i32
    %eq3A_185 = vector.broadcast %eq3A_184 : i32 to vector<16xi32>
    %eq3A_186 = arith.cmpi eq, %get3A_143, %eq3A_185 : vector<16xi32>
    %slice3A_187 = vector.extract_strided_slice %get3A_4 {offsets = [5], sizes = [1], strides = [1]} : vector<16xi32> to vector<1xi32>
    %squeeze3A_188 = vector.extract %slice3A_187[0] : i32 from vector<1xi32>
    %broadcast_in_dim3A_189 = vector.broadcast %squeeze3A_188 : i32 to vector<16xi32>
    %select_n3A_190 = arith.select %eq3A_186, %broadcast_in_dim3A_189, %select_n3A_183 : vector<16xi1>, vector<16xi32>
    %eq3A_191 = arith.constant 6 : i32
    %eq3A_192 = vector.broadcast %eq3A_191 : i32 to vector<16xi32>
    %eq3A_193 = arith.cmpi eq, %get3A_143, %eq3A_192 : vector<16xi32>
    %slice3A_194 = vector.extract_strided_slice %get3A_4 {offsets = [6], sizes = [1], strides = [1]} : vector<16xi32> to vector<1xi32>
    %squeeze3A_195 = vector.extract %slice3A_194[0] : i32 from vector<1xi32>
    %broadcast_in_dim3A_196 = vector.broadcast %squeeze3A_195 : i32 to vector<16xi32>
    %select_n3A_197 = arith.select %eq3A_193, %broadcast_in_dim3A_196, %select_n3A_190 : vector<16xi1>, vector<16xi32>
    %eq3A_198 = arith.constant 7 : i32
    %eq3A_199 = vector.broadcast %eq3A_198 : i32 to vector<16xi32>
    %eq3A_200 = arith.cmpi eq, %get3A_143, %eq3A_199 : vector<16xi32>
    %slice3A_201 = vector.extract_strided_slice %get3A_4 {offsets = [7], sizes = [1], strides = [1]} : vector<16xi32> to vector<1xi32>
    %squeeze3A_202 = vector.extract %slice3A_201[0] : i32 from vector<1xi32>
    %broadcast_in_dim3A_203 = vector.broadcast %squeeze3A_202 : i32 to vector<16xi32>
    %select_n3A_204 = arith.select %eq3A_200, %broadcast_in_dim3A_203, %select_n3A_197 : vector<16xi1>, vector<16xi32>
    %add3A_205 = arith.addi %get3A_146, %select_n3A_204 : vector<16xi32>
    %swap3A_206 = arith.constant 1 : i32
    %swap3A_207 = arith.index_cast %swap3A_206 : i32 to index
    %swap3A_208 = arith.constant 0 : index
    %swap3A_209 = tpu.vector_load %arg13[%swap3A_207, %swap3A_208] {strides = array<i32>} : memref<4x32xi32, #tpu.memory_space<vmem>>, vector<1x16xi32>,
    %swap3A_210 = vector.shape_cast %swap3A_209 : vector<1x16xi32> to vector<16xi32>
    %swap3A_211 = vector.shape_cast %add3A_205 : vector<16xi32> to vector<1x16xi32>
    tpu.vector_store %arg13[%swap3A_207, %swap3A_208], %swap3A_211 {strides = array<i32>} : memref<4x32xi32, #tpu.memory_space<vmem>>, vector<1x16xi32>,
    %get3A_212 = arith.constant 48 : index
    %get3A_213 = tpu.vector_load %arg11[%get3A_212] {strides = array<i32>} : memref<128xi32, #tpu.memory_space<vmem>>, vector<16xi32>,
    %get3A_214 = vector.shape_cast %get3A_213 : vector<16xi32> to vector<16xi32>
    %get3A_215 = arith.constant 48 : index
    %get3A_216 = tpu.vector_load %arg12[%get3A_215] {strides = array<i32>} : memref<128xi32, #tpu.memory_space<vmem>>, vector<16xi32>,
    %get3A_217 = vector.shape_cast %get3A_216 : vector<16xi32> to vector<16xi32>
    %broadcast_in_dim3A_218 = arith.constant 0 : i32
    %broadcast_in_dim3A_219 = vector.broadcast %broadcast_in_dim3A_218 : i32 to vector<16xi32>
    %eq3A_220 = arith.constant 0 : i32
    %eq3A_221 = vector.broadcast %eq3A_220 : i32 to vector<16xi32>
    %eq3A_222 = arith.cmpi eq, %get3A_214, %eq3A_221 : vector<16xi32>
    %slice3A_223 = vector.extract_strided_slice %get3A_4 {offsets = [0], sizes = [1], strides = [1]} : vector<16xi32> to vector<1xi32>
    %squeeze3A_224 = vector.extract %slice3A_223[0] : i32 from vector<1xi32>
    %broadcast_in_dim3A_225 = vector.broadcast %squeeze3A_224 : i32 to vector<16xi32>
    %select_n3A_226 = arith.select %eq3A_222, %broadcast_in_dim3A_225, %broadcast_in_dim3A_219 : vector<16xi1>, vector<16xi32>
    %eq3A_227 = arith.constant 1 : i32
    %eq3A_228 = vector.broadcast %eq3A_227 : i32 to vector<16xi32>
    %eq3A_229 = arith.cmpi eq, %get3A_214, %eq3A_228 : vector<16xi32>
    %slice3A_230 = vector.extract_strided_slice %get3A_4 {offsets = [1], sizes = [1], strides = [1]} : vector<16xi32> to vector<1xi32>
    %squeeze3A_231 = vector.extract %slice3A_230[0] : i32 from vector<1xi32>
    %broadcast_in_dim3A_232 = vector.broadcast %squeeze3A_231 : i32 to vector<16xi32>
    %select_n3A_233 = arith.select %eq3A_229, %broadcast_in_dim3A_232, %select_n3A_226 : vector<16xi1>, vector<16xi32>
    %eq3A_234 = arith.constant 2 : i32
    %eq3A_235 = vector.broadcast %eq3A_234 : i32 to vector<16xi32>
    %eq3A_236 = arith.cmpi eq, %get3A_214, %eq3A_235 : vector<16xi32>
    %slice3A_237 = vector.extract_strided_slice %get3A_4 {offsets = [2], sizes = [1], strides = [1]} : vector<16xi32> to vector<1xi32>
    %squeeze3A_238 = vector.extract %slice3A_237[0] : i32 from vector<1xi32>
    %broadcast_in_dim3A_239 = vector.broadcast %squeeze3A_238 : i32 to vector<16xi32>
    %select_n3A_240 = arith.select %eq3A_236, %broadcast_in_dim3A_239, %select_n3A_233 : vector<16xi1>, vector<16xi32>
    %eq3A_241 = arith.constant 3 : i32
    %eq3A_242 = vector.broadcast %eq3A_241 : i32 to vector<16xi32>
    %eq3A_243 = arith.cmpi eq, %get3A_214, %eq3A_242 : vector<16xi32>
    %slice3A_244 = vector.extract_strided_slice %get3A_4 {offsets = [3], sizes = [1], strides = [1]} : vector<16xi32> to vector<1xi32>
    %squeeze3A_245 = vector.extract %slice3A_244[0] : i32 from vector<1xi32>
    %broadcast_in_dim3A_246 = vector.broadcast %squeeze3A_245 : i32 to vector<16xi32>
    %select_n3A_247 = arith.select %eq3A_243, %broadcast_in_dim3A_246, %select_n3A_240 : vector<16xi1>, vector<16xi32>
    %eq3A_248 = arith.constant 4 : i32
    %eq3A_249 = vector.broadcast %eq3A_248 : i32 to vector<16xi32>
    %eq3A_250 = arith.cmpi eq, %get3A_214, %eq3A_249 : vector<16xi32>
    %slice3A_251 = vector.extract_strided_slice %get3A_4 {offsets = [4], sizes = [1], strides = [1]} : vector<16xi32> to vector<1xi32>
    %squeeze3A_252 = vector.extract %slice3A_251[0] : i32 from vector<1xi32>
    %broadcast_in_dim3A_253 = vector.broadcast %squeeze3A_252 : i32 to vector<16xi32>
    %select_n3A_254 = arith.select %eq3A_250, %broadcast_in_dim3A_253, %select_n3A_247 : vector<16xi1>, vector<16xi32>
    %eq3A_255 = arith.constant 5 : i32
    %eq3A_256 = vector.broadcast %eq3A_255 : i32 to vector<16xi32>
    %eq3A_257 = arith.cmpi eq, %get3A_214, %eq3A_256 : vector<16xi32>
    %slice3A_258 = vector.extract_strided_slice %get3A_4 {offsets = [5], sizes = [1], strides = [1]} : vector<16xi32> to vector<1xi32>
    %squeeze3A_259 = vector.extract %slice3A_258[0] : i32 from vector<1xi32>
    %broadcast_in_dim3A_260 = vector.broadcast %squeeze3A_259 : i32 to vector<16xi32>
    %select_n3A_261 = arith.select %eq3A_257, %broadcast_in_dim3A_260, %select_n3A_254 : vector<16xi1>, vector<16xi32>
    %eq3A_262 = arith.constant 6 : i32
    %eq3A_263 = vector.broadcast %eq3A_262 : i32 to vector<16xi32>
    %eq3A_264 = arith.cmpi eq, %get3A_214, %eq3A_263 : vector<16xi32>
    %slice3A_265 = vector.extract_strided_slice %get3A_4 {offsets = [6], sizes = [1], strides = [1]} : vector<16xi32> to vector<1xi32>
    %squeeze3A_266 = vector.extract %slice3A_265[0] : i32 from vector<1xi32>
    %broadcast_in_dim3A_267 = vector.broadcast %squeeze3A_266 : i32 to vector<16xi32>
    %select_n3A_268 = arith.select %eq3A_264, %broadcast_in_dim3A_267, %select_n3A_261 : vector<16xi1>, vector<16xi32>
    %eq3A_269 = arith.constant 7 : i32
    %eq3A_270 = vector.broadcast %eq3A_269 : i32 to vector<16xi32>
    %eq3A_271 = arith.cmpi eq, %get3A_214, %eq3A_270 : vector<16xi32>
    %slice3A_272 = vector.extract_strided_slice %get3A_4 {offsets = [7], sizes = [1], strides = [1]} : vector<16xi32> to vector<1xi32>
    %squeeze3A_273 = vector.extract %slice3A_272[0] : i32 from vector<1xi32>
    %broadcast_in_dim3A_274 = vector.broadcast %squeeze3A_273 : i32 to vector<16xi32>
    %select_n3A_275 = arith.select %eq3A_271, %broadcast_in_dim3A_274, %select_n3A_268 : vector<16xi1>, vector<16xi32>
    %add3A_276 = arith.addi %get3A_217, %select_n3A_275 : vector<16xi32>
    %swap3A_277 = arith.constant 1 : i32
    %swap3A_278 = arith.index_cast %swap3A_277 : i32 to index
    %swap3A_279 = arith.constant 16 : index
    %swap3A_280 = tpu.vector_load %arg13[%swap3A_278, %swap3A_279] {strides = array<i32>} : memref<4x32xi32, #tpu.memory_space<vmem>>, vector<1x16xi32>,
    %swap3A_281 = vector.shape_cast %swap3A_280 : vector<1x16xi32> to vector<16xi32>
    %swap3A_282 = vector.shape_cast %add3A_276 : vector<16xi32> to vector<1x16xi32>
    tpu.vector_store %arg13[%swap3A_278, %swap3A_279], %swap3A_282 {strides = array<i32>} : memref<4x32xi32, #tpu.memory_space<vmem>>, vector<1x16xi32>,
    %get3A_283 = arith.constant 64 : index
    %get3A_284 = tpu.vector_load %arg11[%get3A_283] {strides = array<i32>} : memref<128xi32, #tpu.memory_space<vmem>>, vector<16xi32>,
    %get3A_285 = vector.shape_cast %get3A_284 : vector<16xi32> to vector<16xi32>
    %get3A_286 = arith.constant 64 : index
    %get3A_287 = tpu.vector_load %arg12[%get3A_286] {strides = array<i32>} : memref<128xi32, #tpu.memory_space<vmem>>, vector<16xi32>,
    %get3A_288 = vector.shape_cast %get3A_287 : vector<16xi32> to vector<16xi32>
    %broadcast_in_dim3A_289 = arith.constant 0 : i32
    %broadcast_in_dim3A_290 = vector.broadcast %broadcast_in_dim3A_289 : i32 to vector<16xi32>
    %eq3A_291 = arith.constant 0 : i32
    %eq3A_292 = vector.broadcast %eq3A_291 : i32 to vector<16xi32>
    %eq3A_293 = arith.cmpi eq, %get3A_285, %eq3A_292 : vector<16xi32>
    %slice3A_294 = vector.extract_strided_slice %get3A_4 {offsets = [0], sizes = [1], strides = [1]} : vector<16xi32> to vector<1xi32>
    %squeeze3A_295 = vector.extract %slice3A_294[0] : i32 from vector<1xi32>
    %broadcast_in_dim3A_296 = vector.broadcast %squeeze3A_295 : i32 to vector<16xi32>
    %select_n3A_297 = arith.select %eq3A_293, %broadcast_in_dim3A_296, %broadcast_in_dim3A_290 : vector<16xi1>, vector<16xi32>
    %eq3A_298 = arith.constant 1 : i32
    %eq3A_299 = vector.broadcast %eq3A_298 : i32 to vector<16xi32>
    %eq3A_300 = arith.cmpi eq, %get3A_285, %eq3A_299 : vector<16xi32>
    %slice3A_301 = vector.extract_strided_slice %get3A_4 {offsets = [1], sizes = [1], strides = [1]} : vector<16xi32> to vector<1xi32>
    %squeeze3A_302 = vector.extract %slice3A_301[0] : i32 from vector<1xi32>
    %broadcast_in_dim3A_303 = vector.broadcast %squeeze3A_302 : i32 to vector<16xi32>
    %select_n3A_304 = arith.select %eq3A_300, %broadcast_in_dim3A_303, %select_n3A_297 : vector<16xi1>, vector<16xi32>
    %eq3A_305 = arith.constant 2 : i32
    %eq3A_306 = vector.broadcast %eq3A_305 : i32 to vector<16xi32>
    %eq3A_307 = arith.cmpi eq, %get3A_285, %eq3A_306 : vector<16xi32>
    %slice3A_308 = vector.extract_strided_slice %get3A_4 {offsets = [2], sizes = [1], strides = [1]} : vector<16xi32> to vector<1xi32>
    %squeeze3A_309 = vector.extract %slice3A_308[0] : i32 from vector<1xi32>
    %broadcast_in_dim3A_310 = vector.broadcast %squeeze3A_309 : i32 to vector<16xi32>
    %select_n3A_311 = arith.select %eq3A_307, %broadcast_in_dim3A_310, %select_n3A_304 : vector<16xi1>, vector<16xi32>
    %eq3A_312 = arith.constant 3 : i32
    %eq3A_313 = vector.broadcast %eq3A_312 : i32 to vector<16xi32>
    %eq3A_314 = arith.cmpi eq, %get3A_285, %eq3A_313 : vector<16xi32>
    %slice3A_315 = vector.extract_strided_slice %get3A_4 {offsets = [3], sizes = [1], strides = [1]} : vector<16xi32> to vector<1xi32>
    %squeeze3A_316 = vector.extract %slice3A_315[0] : i32 from vector<1xi32>
    %broadcast_in_dim3A_317 = vector.broadcast %squeeze3A_316 : i32 to vector<16xi32>
    %select_n3A_318 = arith.select %eq3A_314, %broadcast_in_dim3A_317, %select_n3A_311 : vector<16xi1>, vector<16xi32>
    %eq3A_319 = arith.constant 4 : i32
    %eq3A_320 = vector.broadcast %eq3A_319 : i32 to vector<16xi32>
    %eq3A_321 = arith.cmpi eq, %get3A_285, %eq3A_320 : vector<16xi32>
    %slice3A_322 = vector.extract_strided_slice %get3A_4 {offsets = [4], sizes = [1], strides = [1]} : vector<16xi32> to vector<1xi32>
    %squeeze3A_323 = vector.extract %slice3A_322[0] : i32 from vector<1xi32>
    %broadcast_in_dim3A_324 = vector.broadcast %squeeze3A_323 : i32 to vector<16xi32>
    %select_n3A_325 = arith.select %eq3A_321, %broadcast_in_dim3A_324, %select_n3A_318 : vector<16xi1>, vector<16xi32>
    %eq3A_326 = arith.constant 5 : i32
    %eq3A_327 = vector.broadcast %eq3A_326 : i32 to vector<16xi32>
    %eq3A_328 = arith.cmpi eq, %get3A_285, %eq3A_327 : vector<16xi32>
    %slice3A_329 = vector.extract_strided_slice %get3A_4 {offsets = [5], sizes = [1], strides = [1]} : vector<16xi32> to vector<1xi32>
    %squeeze3A_330 = vector.extract %slice3A_329[0] : i32 from vector<1xi32>
    %broadcast_in_dim3A_331 = vector.broadcast %squeeze3A_330 : i32 to vector<16xi32>
    %select_n3A_332 = arith.select %eq3A_328, %broadcast_in_dim3A_331, %select_n3A_325 : vector<16xi1>, vector<16xi32>
    %eq3A_333 = arith.constant 6 : i32
    %eq3A_334 = vector.broadcast %eq3A_333 : i32 to vector<16xi32>
    %eq3A_335 = arith.cmpi eq, %get3A_285, %eq3A_334 : vector<16xi32>
    %slice3A_336 = vector.extract_strided_slice %get3A_4 {offsets = [6], sizes = [1], strides = [1]} : vector<16xi32> to vector<1xi32>
    %squeeze3A_337 = vector.extract %slice3A_336[0] : i32 from vector<1xi32>
    %broadcast_in_dim3A_338 = vector.broadcast %squeeze3A_337 : i32 to vector<16xi32>
    %select_n3A_339 = arith.select %eq3A_335, %broadcast_in_dim3A_338, %select_n3A_332 : vector<16xi1>, vector<16xi32>
    %eq3A_340 = arith.constant 7 : i32
    %eq3A_341 = vector.broadcast %eq3A_340 : i32 to vector<16xi32>
    %eq3A_342 = arith.cmpi eq, %get3A_285, %eq3A_341 : vector<16xi32>
    %slice3A_343 = vector.extract_strided_slice %get3A_4 {offsets = [7], sizes = [1], strides = [1]} : vector<16xi32> to vector<1xi32>
    %squeeze3A_344 = vector.extract %slice3A_343[0] : i32 from vector<1xi32>
    %broadcast_in_dim3A_345 = vector.broadcast %squeeze3A_344 : i32 to vector<16xi32>
    %select_n3A_346 = arith.select %eq3A_342, %broadcast_in_dim3A_345, %select_n3A_339 : vector<16xi1>, vector<16xi32>
    %add3A_347 = arith.addi %get3A_288, %select_n3A_346 : vector<16xi32>
    %swap3A_348 = arith.constant 2 : i32
    %swap3A_349 = arith.index_cast %swap3A_348 : i32 to index
    %swap3A_350 = arith.constant 0 : index
    %swap3A_351 = tpu.vector_load %arg13[%swap3A_349, %swap3A_350] {strides = array<i32>} : memref<4x32xi32, #tpu.memory_space<vmem>>, vector<1x16xi32>,
    %swap3A_352 = vector.shape_cast %swap3A_351 : vector<1x16xi32> to vector<16xi32>
    %swap3A_353 = vector.shape_cast %add3A_347 : vector<16xi32> to vector<1x16xi32>
    tpu.vector_store %arg13[%swap3A_349, %swap3A_350], %swap3A_353 {strides = array<i32>} : memref<4x32xi32, #tpu.memory_space<vmem>>, vector<1x16xi32>,
    %get3A_354 = arith.constant 80 : index
    %get3A_355 = tpu.vector_load %arg11[%get3A_354] {strides = array<i32>} : memref<128xi32, #tpu.memory_space<vmem>>, vector<16xi32>,
    %get3A_356 = vector.shape_cast %get3A_355 : vector<16xi32> to vector<16xi32>
    %get3A_357 = arith.constant 80 : index
    %get3A_358 = tpu.vector_load %arg12[%get3A_357] {strides = array<i32>} : memref<128xi32, #tpu.memory_space<vmem>>, vector<16xi32>,
    %get3A_359 = vector.shape_cast %get3A_358 : vector<16xi32> to vector<16xi32>
    %broadcast_in_dim3A_360 = arith.constant 0 : i32
    %broadcast_in_dim3A_361 = vector.broadcast %broadcast_in_dim3A_360 : i32 to vector<16xi32>
    %eq3A_362 = arith.constant 0 : i32
    %eq3A_363 = vector.broadcast %eq3A_362 : i32 to vector<16xi32>
    %eq3A_364 = arith.cmpi eq, %get3A_356, %eq3A_363 : vector<16xi32>
    %slice3A_365 = vector.extract_strided_slice %get3A_4 {offsets = [0], sizes = [1], strides = [1]} : vector<16xi32> to vector<1xi32>
    %squeeze3A_366 = vector.extract %slice3A_365[0] : i32 from vector<1xi32>
    %broadcast_in_dim3A_367 = vector.broadcast %squeeze3A_366 : i32 to vector<16xi32>
    %select_n3A_368 = arith.select %eq3A_364, %broadcast_in_dim3A_367, %broadcast_in_dim3A_361 : vector<16xi1>, vector<16xi32>
    %eq3A_369 = arith.constant 1 : i32
    %eq3A_370 = vector.broadcast %eq3A_369 : i32 to vector<16xi32>
    %eq3A_371 = arith.cmpi eq, %get3A_356, %eq3A_370 : vector<16xi32>
    %slice3A_372 = vector.extract_strided_slice %get3A_4 {offsets = [1], sizes = [1], strides = [1]} : vector<16xi32> to vector<1xi32>
    %squeeze3A_373 = vector.extract %slice3A_372[0] : i32 from vector<1xi32>
    %broadcast_in_dim3A_374 = vector.broadcast %squeeze3A_373 : i32 to vector<16xi32>
    %select_n3A_375 = arith.select %eq3A_371, %broadcast_in_dim3A_374, %select_n3A_368 : vector<16xi1>, vector<16xi32>
    %eq3A_376 = arith.constant 2 : i32
    %eq3A_377 = vector.broadcast %eq3A_376 : i32 to vector<16xi32>
    %eq3A_378 = arith.cmpi eq, %get3A_356, %eq3A_377 : vector<16xi32>
    %slice3A_379 = vector.extract_strided_slice %get3A_4 {offsets = [2], sizes = [1], strides = [1]} : vector<16xi32> to vector<1xi32>
    %squeeze3A_380 = vector.extract %slice3A_379[0] : i32 from vector<1xi32>
    %broadcast_in_dim3A_381 = vector.broadcast %squeeze3A_380 : i32 to vector<16xi32>
    %select_n3A_382 = arith.select %eq3A_378, %broadcast_in_dim3A_381, %select_n3A_375 : vector<16xi1>, vector<16xi32>
    %eq3A_383 = arith.constant 3 : i32
    %eq3A_384 = vector.broadcast %eq3A_383 : i32 to vector<16xi32>
    %eq3A_385 = arith.cmpi eq, %get3A_356, %eq3A_384 : vector<16xi32>
    %slice3A_386 = vector.extract_strided_slice %get3A_4 {offsets = [3], sizes = [1], strides = [1]} : vector<16xi32> to vector<1xi32>
    %squeeze3A_387 = vector.extract %slice3A_386[0] : i32 from vector<1xi32>
    %broadcast_in_dim3A_388 = vector.broadcast %squeeze3A_387 : i32 to vector<16xi32>
    %select_n3A_389 = arith.select %eq3A_385, %broadcast_in_dim3A_388, %select_n3A_382 : vector<16xi1>, vector<16xi32>
    %eq3A_390 = arith.constant 4 : i32
    %eq3A_391 = vector.broadcast %eq3A_390 : i32 to vector<16xi32>
    %eq3A_392 = arith.cmpi eq, %get3A_356, %eq3A_391 : vector<16xi32>
    %slice3A_393 = vector.extract_strided_slice %get3A_4 {offsets = [4], sizes = [1], strides = [1]} : vector<16xi32> to vector<1xi32>
    %squeeze3A_394 = vector.extract %slice3A_393[0] : i32 from vector<1xi32>
    %broadcast_in_dim3A_395 = vector.broadcast %squeeze3A_394 : i32 to vector<16xi32>
    %select_n3A_396 = arith.select %eq3A_392, %broadcast_in_dim3A_395, %select_n3A_389 : vector<16xi1>, vector<16xi32>
    %eq3A_397 = arith.constant 5 : i32
    %eq3A_398 = vector.broadcast %eq3A_397 : i32 to vector<16xi32>
    %eq3A_399 = arith.cmpi eq, %get3A_356, %eq3A_398 : vector<16xi32>
    %slice3A_400 = vector.extract_strided_slice %get3A_4 {offsets = [5], sizes = [1], strides = [1]} : vector<16xi32> to vector<1xi32>
    %squeeze3A_401 = vector.extract %slice3A_400[0] : i32 from vector<1xi32>
    %broadcast_in_dim3A_402 = vector.broadcast %squeeze3A_401 : i32 to vector<16xi32>
    %select_n3A_403 = arith.select %eq3A_399, %broadcast_in_dim3A_402, %select_n3A_396 : vector<16xi1>, vector<16xi32>
    %eq3A_404 = arith.constant 6 : i32
    %eq3A_405 = vector.broadcast %eq3A_404 : i32 to vector<16xi32>
    %eq3A_406 = arith.cmpi eq, %get3A_356, %eq3A_405 : vector<16xi32>
    %slice3A_407 = vector.extract_strided_slice %get3A_4 {offsets = [6], sizes = [1], strides = [1]} : vector<16xi32> to vector<1xi32>
    %squeeze3A_408 = vector.extract %slice3A_407[0] : i32 from vector<1xi32>
    %broadcast_in_dim3A_409 = vector.broadcast %squeeze3A_408 : i32 to vector<16xi32>
    %select_n3A_410 = arith.select %eq3A_406, %broadcast_in_dim3A_409, %select_n3A_403 : vector<16xi1>, vector<16xi32>
    %eq3A_411 = arith.constant 7 : i32
    %eq3A_412 = vector.broadcast %eq3A_411 : i32 to vector<16xi32>
    %eq3A_413 = arith.cmpi eq, %get3A_356, %eq3A_412 : vector<16xi32>
    %slice3A_414 = vector.extract_strided_slice %get3A_4 {offsets = [7], sizes = [1], strides = [1]} : vector<16xi32> to vector<1xi32>
    %squeeze3A_415 = vector.extract %slice3A_414[0] : i32 from vector<1xi32>
    %broadcast_in_dim3A_416 = vector.broadcast %squeeze3A_415 : i32 to vector<16xi32>
    %select_n3A_417 = arith.select %eq3A_413, %broadcast_in_dim3A_416, %select_n3A_410 : vector<16xi1>, vector<16xi32>
    %add3A_418 = arith.addi %get3A_359, %select_n3A_417 : vector<16xi32>
    %swap3A_419 = arith.constant 2 : i32
    %swap3A_420 = arith.index_cast %swap3A_419 : i32 to index
    %swap3A_421 = arith.constant 16 : index
    %swap3A_422 = tpu.vector_load %arg13[%swap3A_420, %swap3A_421] {strides = array<i32>} : memref<4x32xi32, #tpu.memory_space<vmem>>, vector<1x16xi32>,
    %swap3A_423 = vector.shape_cast %swap3A_422 : vector<1x16xi32> to vector<16xi32>
    %swap3A_424 = vector.shape_cast %add3A_418 : vector<16xi32> to vector<1x16xi32>
    tpu.vector_store %arg13[%swap3A_420, %swap3A_421], %swap3A_424 {strides = array<i32>} : memref<4x32xi32, #tpu.memory_space<vmem>>, vector<1x16xi32>,
    %get3A_425 = arith.constant 96 : index
    %get3A_426 = tpu.vector_load %arg11[%get3A_425] {strides = array<i32>} : memref<128xi32, #tpu.memory_space<vmem>>, vector<16xi32>,
    %get3A_427 = vector.shape_cast %get3A_426 : vector<16xi32> to vector<16xi32>
    %get3A_428 = arith.constant 96 : index
    %get3A_429 = tpu.vector_load %arg12[%get3A_428] {strides = array<i32>} : memref<128xi32, #tpu.memory_space<vmem>>, vector<16xi32>,
    %get3A_430 = vector.shape_cast %get3A_429 : vector<16xi32> to vector<16xi32>
    %broadcast_in_dim3A_431 = arith.constant 0 : i32
    %broadcast_in_dim3A_432 = vector.broadcast %broadcast_in_dim3A_431 : i32 to vector<16xi32>
    %eq3A_433 = arith.constant 0 : i32
    %eq3A_434 = vector.broadcast %eq3A_433 : i32 to vector<16xi32>
    %eq3A_435 = arith.cmpi eq, %get3A_427, %eq3A_434 : vector<16xi32>
    %slice3A_436 = vector.extract_strided_slice %get3A_4 {offsets = [0], sizes = [1], strides = [1]} : vector<16xi32> to vector<1xi32>
    %squeeze3A_437 = vector.extract %slice3A_436[0] : i32 from vector<1xi32>
    %broadcast_in_dim3A_438 = vector.broadcast %squeeze3A_437 : i32 to vector<16xi32>
    %select_n3A_439 = arith.select %eq3A_435, %broadcast_in_dim3A_438, %broadcast_in_dim3A_432 : vector<16xi1>, vector<16xi32>
    %eq3A_440 = arith.constant 1 : i32
    %eq3A_441 = vector.broadcast %eq3A_440 : i32 to vector<16xi32>
    %eq3A_442 = arith.cmpi eq, %get3A_427, %eq3A_441 : vector<16xi32>
    %slice3A_443 = vector.extract_strided_slice %get3A_4 {offsets = [1], sizes = [1], strides = [1]} : vector<16xi32> to vector<1xi32>
    %squeeze3A_444 = vector.extract %slice3A_443[0] : i32 from vector<1xi32>
    %broadcast_in_dim3A_445 = vector.broadcast %squeeze3A_444 : i32 to vector<16xi32>
    %select_n3A_446 = arith.select %eq3A_442, %broadcast_in_dim3A_445, %select_n3A_439 : vector<16xi1>, vector<16xi32>
    %eq3A_447 = arith.constant 2 : i32
    %eq3A_448 = vector.broadcast %eq3A_447 : i32 to vector<16xi32>
    %eq3A_449 = arith.cmpi eq, %get3A_427, %eq3A_448 : vector<16xi32>
    %slice3A_450 = vector.extract_strided_slice %get3A_4 {offsets = [2], sizes = [1], strides = [1]} : vector<16xi32> to vector<1xi32>
    %squeeze3A_451 = vector.extract %slice3A_450[0] : i32 from vector<1xi32>
    %broadcast_in_dim3A_452 = vector.broadcast %squeeze3A_451 : i32 to vector<16xi32>
    %select_n3A_453 = arith.select %eq3A_449, %broadcast_in_dim3A_452, %select_n3A_446 : vector<16xi1>, vector<16xi32>
    %eq3A_454 = arith.constant 3 : i32
    %eq3A_455 = vector.broadcast %eq3A_454 : i32 to vector<16xi32>
    %eq3A_456 = arith.cmpi eq, %get3A_427, %eq3A_455 : vector<16xi32>
    %slice3A_457 = vector.extract_strided_slice %get3A_4 {offsets = [3], sizes = [1], strides = [1]} : vector<16xi32> to vector<1xi32>
    %squeeze3A_458 = vector.extract %slice3A_457[0] : i32 from vector<1xi32>
    %broadcast_in_dim3A_459 = vector.broadcast %squeeze3A_458 : i32 to vector<16xi32>
    %select_n3A_460 = arith.select %eq3A_456, %broadcast_in_dim3A_459, %select_n3A_453 : vector<16xi1>, vector<16xi32>
    %eq3A_461 = arith.constant 4 : i32
    %eq3A_462 = vector.broadcast %eq3A_461 : i32 to vector<16xi32>
    %eq3A_463 = arith.cmpi eq, %get3A_427, %eq3A_462 : vector<16xi32>
    %slice3A_464 = vector.extract_strided_slice %get3A_4 {offsets = [4], sizes = [1], strides = [1]} : vector<16xi32> to vector<1xi32>
    %squeeze3A_465 = vector.extract %slice3A_464[0] : i32 from vector<1xi32>
    %broadcast_in_dim3A_466 = vector.broadcast %squeeze3A_465 : i32 to vector<16xi32>
    %select_n3A_467 = arith.select %eq3A_463, %broadcast_in_dim3A_466, %select_n3A_460 : vector<16xi1>, vector<16xi32>
    %eq3A_468 = arith.constant 5 : i32
    %eq3A_469 = vector.broadcast %eq3A_468 : i32 to vector<16xi32>
    %eq3A_470 = arith.cmpi eq, %get3A_427, %eq3A_469 : vector<16xi32>
    %slice3A_471 = vector.extract_strided_slice %get3A_4 {offsets = [5], sizes = [1], strides = [1]} : vector<16xi32> to vector<1xi32>
    %squeeze3A_472 = vector.extract %slice3A_471[0] : i32 from vector<1xi32>
    %broadcast_in_dim3A_473 = vector.broadcast %squeeze3A_472 : i32 to vector<16xi32>
    %select_n3A_474 = arith.select %eq3A_470, %broadcast_in_dim3A_473, %select_n3A_467 : vector<16xi1>, vector<16xi32>
    %eq3A_475 = arith.constant 6 : i32
    %eq3A_476 = vector.broadcast %eq3A_475 : i32 to vector<16xi32>
    %eq3A_477 = arith.cmpi eq, %get3A_427, %eq3A_476 : vector<16xi32>
    %slice3A_478 = vector.extract_strided_slice %get3A_4 {offsets = [6], sizes = [1], strides = [1]} : vector<16xi32> to vector<1xi32>
    %squeeze3A_479 = vector.extract %slice3A_478[0] : i32 from vector<1xi32>
    %broadcast_in_dim3A_480 = vector.broadcast %squeeze3A_479 : i32 to vector<16xi32>
    %select_n3A_481 = arith.select %eq3A_477, %broadcast_in_dim3A_480, %select_n3A_474 : vector<16xi1>, vector<16xi32>
    %eq3A_482 = arith.constant 7 : i32
    %eq3A_483 = vector.broadcast %eq3A_482 : i32 to vector<16xi32>
    %eq3A_484 = arith.cmpi eq, %get3A_427, %eq3A_483 : vector<16xi32>
    %slice3A_485 = vector.extract_strided_slice %get3A_4 {offsets = [7], sizes = [1], strides = [1]} : vector<16xi32> to vector<1xi32>
    %squeeze3A_486 = vector.extract %slice3A_485[0] : i32 from vector<1xi32>
    %broadcast_in_dim3A_487 = vector.broadcast %squeeze3A_486 : i32 to vector<16xi32>
    %select_n3A_488 = arith.select %eq3A_484, %broadcast_in_dim3A_487, %select_n3A_481 : vector<16xi1>, vector<16xi32>
    %add3A_489 = arith.addi %get3A_430, %select_n3A_488 : vector<16xi32>
    %swap3A_490 = arith.constant 3 : i32
    %swap3A_491 = arith.index_cast %swap3A_490 : i32 to index
    %swap3A_492 = arith.constant 0 : index
    %swap3A_493 = tpu.vector_load %arg13[%swap3A_491, %swap3A_492] {strides = array<i32>} : memref<4x32xi32, #tpu.memory_space<vmem>>, vector<1x16xi32>,
    %swap3A_494 = vector.shape_cast %swap3A_493 : vector<1x16xi32> to vector<16xi32>
    %swap3A_495 = vector.shape_cast %add3A_489 : vector<16xi32> to vector<1x16xi32>
    tpu.vector_store %arg13[%swap3A_491, %swap3A_492], %swap3A_495 {strides = array<i32>} : memref<4x32xi32, #tpu.memory_space<vmem>>, vector<1x16xi32>,
    %get3A_496 = arith.constant 112 : index
    %get3A_497 = tpu.vector_load %arg11[%get3A_496] {strides = array<i32>} : memref<128xi32, #tpu.memory_space<vmem>>, vector<16xi32>,
    %get3A_498 = vector.shape_cast %get3A_497 : vector<16xi32> to vector<16xi32>
    %get3A_499 = arith.constant 112 : index
    %get3A_500 = tpu.vector_load %arg12[%get3A_499] {strides = array<i32>} : memref<128xi32, #tpu.memory_space<vmem>>, vector<16xi32>,
    %get3A_501 = vector.shape_cast %get3A_500 : vector<16xi32> to vector<16xi32>
    %broadcast_in_dim3A_502 = arith.constant 0 : i32
    %broadcast_in_dim3A_503 = vector.broadcast %broadcast_in_dim3A_502 : i32 to vector<16xi32>
    %eq3A_504 = arith.constant 0 : i32
    %eq3A_505 = vector.broadcast %eq3A_504 : i32 to vector<16xi32>
    %eq3A_506 = arith.cmpi eq, %get3A_498, %eq3A_505 : vector<16xi32>
    %slice3A_507 = vector.extract_strided_slice %get3A_4 {offsets = [0], sizes = [1], strides = [1]} : vector<16xi32> to vector<1xi32>
    %squeeze3A_508 = vector.extract %slice3A_507[0] : i32 from vector<1xi32>
    %broadcast_in_dim3A_509 = vector.broadcast %squeeze3A_508 : i32 to vector<16xi32>
    %select_n3A_510 = arith.select %eq3A_506, %broadcast_in_dim3A_509, %broadcast_in_dim3A_503 : vector<16xi1>, vector<16xi32>
    %eq3A_511 = arith.constant 1 : i32
    %eq3A_512 = vector.broadcast %eq3A_511 : i32 to vector<16xi32>
    %eq3A_513 = arith.cmpi eq, %get3A_498, %eq3A_512 : vector<16xi32>
    %slice3A_514 = vector.extract_strided_slice %get3A_4 {offsets = [1], sizes = [1], strides = [1]} : vector<16xi32> to vector<1xi32>
    %squeeze3A_515 = vector.extract %slice3A_514[0] : i32 from vector<1xi32>
    %broadcast_in_dim3A_516 = vector.broadcast %squeeze3A_515 : i32 to vector<16xi32>
    %select_n3A_517 = arith.select %eq3A_513, %broadcast_in_dim3A_516, %select_n3A_510 : vector<16xi1>, vector<16xi32>
    %eq3A_518 = arith.constant 2 : i32
    %eq3A_519 = vector.broadcast %eq3A_518 : i32 to vector<16xi32>
    %eq3A_520 = arith.cmpi eq, %get3A_498, %eq3A_519 : vector<16xi32>
    %slice3A_521 = vector.extract_strided_slice %get3A_4 {offsets = [2], sizes = [1], strides = [1]} : vector<16xi32> to vector<1xi32>
    %squeeze3A_522 = vector.extract %slice3A_521[0] : i32 from vector<1xi32>
    %broadcast_in_dim3A_523 = vector.broadcast %squeeze3A_522 : i32 to vector<16xi32>
    %select_n3A_524 = arith.select %eq3A_520, %broadcast_in_dim3A_523, %select_n3A_517 : vector<16xi1>, vector<16xi32>
    %eq3A_525 = arith.constant 3 : i32
    %eq3A_526 = vector.broadcast %eq3A_525 : i32 to vector<16xi32>
    %eq3A_527 = arith.cmpi eq, %get3A_498, %eq3A_526 : vector<16xi32>
    %slice3A_528 = vector.extract_strided_slice %get3A_4 {offsets = [3], sizes = [1], strides = [1]} : vector<16xi32> to vector<1xi32>
    %squeeze3A_529 = vector.extract %slice3A_528[0] : i32 from vector<1xi32>
    %broadcast_in_dim3A_530 = vector.broadcast %squeeze3A_529 : i32 to vector<16xi32>
    %select_n3A_531 = arith.select %eq3A_527, %broadcast_in_dim3A_530, %select_n3A_524 : vector<16xi1>, vector<16xi32>
    %eq3A_532 = arith.constant 4 : i32
    %eq3A_533 = vector.broadcast %eq3A_532 : i32 to vector<16xi32>
    %eq3A_534 = arith.cmpi eq, %get3A_498, %eq3A_533 : vector<16xi32>
    %slice3A_535 = vector.extract_strided_slice %get3A_4 {offsets = [4], sizes = [1], strides = [1]} : vector<16xi32> to vector<1xi32>
    %squeeze3A_536 = vector.extract %slice3A_535[0] : i32 from vector<1xi32>
    %broadcast_in_dim3A_537 = vector.broadcast %squeeze3A_536 : i32 to vector<16xi32>
    %select_n3A_538 = arith.select %eq3A_534, %broadcast_in_dim3A_537, %select_n3A_531 : vector<16xi1>, vector<16xi32>
    %eq3A_539 = arith.constant 5 : i32
    %eq3A_540 = vector.broadcast %eq3A_539 : i32 to vector<16xi32>
    %eq3A_541 = arith.cmpi eq, %get3A_498, %eq3A_540 : vector<16xi32>
    %slice3A_542 = vector.extract_strided_slice %get3A_4 {offsets = [5], sizes = [1], strides = [1]} : vector<16xi32> to vector<1xi32>
    %squeeze3A_543 = vector.extract %slice3A_542[0] : i32 from vector<1xi32>
    %broadcast_in_dim3A_544 = vector.broadcast %squeeze3A_543 : i32 to vector<16xi32>
    %select_n3A_545 = arith.select %eq3A_541, %broadcast_in_dim3A_544, %select_n3A_538 : vector<16xi1>, vector<16xi32>
    %eq3A_546 = arith.constant 6 : i32
    %eq3A_547 = vector.broadcast %eq3A_546 : i32 to vector<16xi32>
    %eq3A_548 = arith.cmpi eq, %get3A_498, %eq3A_547 : vector<16xi32>
    %slice3A_549 = vector.extract_strided_slice %get3A_4 {offsets = [6], sizes = [1], strides = [1]} : vector<16xi32> to vector<1xi32>
    %squeeze3A_550 = vector.extract %slice3A_549[0] : i32 from vector<1xi32>
    %broadcast_in_dim3A_551 = vector.broadcast %squeeze3A_550 : i32 to vector<16xi32>
    %select_n3A_552 = arith.select %eq3A_548, %broadcast_in_dim3A_551, %select_n3A_545 : vector<16xi1>, vector<16xi32>
    %eq3A_553 = arith.constant 7 : i32
    %eq3A_554 = vector.broadcast %eq3A_553 : i32 to vector<16xi32>
    %eq3A_555 = arith.cmpi eq, %get3A_498, %eq3A_554 : vector<16xi32>
    %slice3A_556 = vector.extract_strided_slice %get3A_4 {offsets = [7], sizes = [1], strides = [1]} : vector<16xi32> to vector<1xi32>
    %squeeze3A_557 = vector.extract %slice3A_556[0] : i32 from vector<1xi32>
    %broadcast_in_dim3A_558 = vector.broadcast %squeeze3A_557 : i32 to vector<16xi32>
    %select_n3A_559 = arith.select %eq3A_555, %broadcast_in_dim3A_558, %select_n3A_552 : vector<16xi1>, vector<16xi32>
    %add3A_560 = arith.addi %get3A_501, %select_n3A_559 : vector<16xi32>
    %swap3A_561 = arith.constant 3 : i32
    %swap3A_562 = arith.index_cast %swap3A_561 : i32 to index
    %swap3A_563 = arith.constant 16 : index
    %swap3A_564 = tpu.vector_load %arg13[%swap3A_562, %swap3A_563] {strides = array<i32>} : memref<4x32xi32, #tpu.memory_space<vmem>>, vector<1x16xi32>,
    %swap3A_565 = vector.shape_cast %swap3A_564 : vector<1x16xi32> to vector<16xi32>
    %swap3A_566 = vector.shape_cast %add3A_560 : vector<16xi32> to vector<1x16xi32>
    tpu.vector_store %arg13[%swap3A_562, %swap3A_563], %swap3A_566 {strides = array<i32>} : memref<4x32xi32, #tpu.memory_space<vmem>>, vector<1x16xi32>,
    "tpu.region"() ({
      %run_scoped3A = tpu.sem_alloc : memref<!tpu.dma_semaphore, #tpu.memory_space<semaphore_mem>>
      %dma_start3A_1253 = tpu.memref_slice %arg4[%mul3A_2] : memref<4096xi32, #tpu.memory_space<hbm>> -> memref<128xi32, #tpu.memory_space<hbm>>
      %dma_start3A_1254 = tpu.memref_slice %arg4[%mul3A_2] : memref<4096xi32, #tpu.memory_space<hbm>> -> memref<128xi32, #tpu.memory_space<hbm>>
      tpu.enqueue_dma source(%dma_start3A_1254 : memref<128xi32, #tpu.memory_space<hbm>>) target(%arg11 : memref<128xi32, #tpu.memory_space<vmem>>) target_semaphore(%run_scoped3A : memref<!tpu.dma_semaphore, #tpu.memory_space<semaphore_mem>>)
      %dma_wait3A_1255 = tpu.memref_slice %arg4[%mul3A_2] : memref<4096xi32, #tpu.memory_space<hbm>> -> memref<128xi32, #tpu.memory_space<hbm>>
      %dma_wait3A_1256 = tpu.memref_slice %arg4[%mul3A_2] : memref<4096xi32, #tpu.memory_space<hbm>> -> memref<128xi32, #tpu.memory_space<hbm>>
      tpu.wait_dma2 semaphore(%run_scoped3A : memref<!tpu.dma_semaphore, #tpu.memory_space<semaphore_mem>>) src(%dma_wait3A_1256 : memref<128xi32, #tpu.memory_space<hbm>>) dst(%arg11 : memref<128xi32, #tpu.memory_space<vmem>>)
      tpu.yield
    }) : () -> ()
    "tpu.region"() ({
      %run_scoped3A = tpu.sem_alloc : memref<!tpu.dma_semaphore, #tpu.memory_space<semaphore_mem>>
      %dma_start3A_1253 = tpu.memref_slice %arg6[%mul3A_2] : memref<4096xi32, #tpu.memory_space<hbm>> -> memref<128xi32, #tpu.memory_space<hbm>>
      %dma_start3A_1254 = tpu.memref_slice %arg6[%mul3A_2] : memref<4096xi32, #tpu.memory_space<hbm>> -> memref<128xi32, #tpu.memory_space<hbm>>
      tpu.enqueue_dma source(%dma_start3A_1254 : memref<128xi32, #tpu.memory_space<hbm>>) target(%arg12 : memref<128xi32, #tpu.memory_space<vmem>>) target_semaphore(%run_scoped3A : memref<!tpu.dma_semaphore, #tpu.memory_space<semaphore_mem>>)
      %dma_wait3A_1255 = tpu.memref_slice %arg6[%mul3A_2] : memref<4096xi32, #tpu.memory_space<hbm>> -> memref<128xi32, #tpu.memory_space<hbm>>
      %dma_wait3A_1256 = tpu.memref_slice %arg6[%mul3A_2] : memref<4096xi32, #tpu.memory_space<hbm>> -> memref<128xi32, #tpu.memory_space<hbm>>
      tpu.wait_dma2 semaphore(%run_scoped3A : memref<!tpu.dma_semaphore, #tpu.memory_space<semaphore_mem>>) src(%dma_wait3A_1256 : memref<128xi32, #tpu.memory_space<hbm>>) dst(%arg12 : memref<128xi32, #tpu.memory_space<vmem>>)
      tpu.yield
    }) : () -> ()
    %get3A_567 = arith.constant 0 : index
    %get3A_568 = tpu.vector_load %arg11[%get3A_567] {strides = array<i32>} : memref<128xi32, #tpu.memory_space<vmem>>, vector<16xi32>,
    %get3A_569 = vector.shape_cast %get3A_568 : vector<16xi32> to vector<16xi32>
    %get3A_570 = arith.constant 0 : index
    %get3A_571 = tpu.vector_load %arg12[%get3A_570] {strides = array<i32>} : memref<128xi32, #tpu.memory_space<vmem>>, vector<16xi32>,
    %get3A_572 = vector.shape_cast %get3A_571 : vector<16xi32> to vector<16xi32>
    %broadcast_in_dim3A_573 = arith.constant 0 : i32
    %broadcast_in_dim3A_574 = vector.broadcast %broadcast_in_dim3A_573 : i32 to vector<16xi32>
    %eq3A_575 = arith.constant 0 : i32
    %eq3A_576 = vector.broadcast %eq3A_575 : i32 to vector<16xi32>
    %eq3A_577 = arith.cmpi eq, %get3A_569, %eq3A_576 : vector<16xi32>
    %slice3A_578 = vector.extract_strided_slice %get3A_4 {offsets = [0], sizes = [1], strides = [1]} : vector<16xi32> to vector<1xi32>
    %squeeze3A_579 = vector.extract %slice3A_578[0] : i32 from vector<1xi32>
    %broadcast_in_dim3A_580 = vector.broadcast %squeeze3A_579 : i32 to vector<16xi32>
    %select_n3A_581 = arith.select %eq3A_577, %broadcast_in_dim3A_580, %broadcast_in_dim3A_574 : vector<16xi1>, vector<16xi32>
    %eq3A_582 = arith.constant 1 : i32
    %eq3A_583 = vector.broadcast %eq3A_582 : i32 to vector<16xi32>
    %eq3A_584 = arith.cmpi eq, %get3A_569, %eq3A_583 : vector<16xi32>
    %slice3A_585 = vector.extract_strided_slice %get3A_4 {offsets = [1], sizes = [1], strides = [1]} : vector<16xi32> to vector<1xi32>
    %squeeze3A_586 = vector.extract %slice3A_585[0] : i32 from vector<1xi32>
    %broadcast_in_dim3A_587 = vector.broadcast %squeeze3A_586 : i32 to vector<16xi32>
    %select_n3A_588 = arith.select %eq3A_584, %broadcast_in_dim3A_587, %select_n3A_581 : vector<16xi1>, vector<16xi32>
    %eq3A_589 = arith.constant 2 : i32
    %eq3A_590 = vector.broadcast %eq3A_589 : i32 to vector<16xi32>
    %eq3A_591 = arith.cmpi eq, %get3A_569, %eq3A_590 : vector<16xi32>
    %slice3A_592 = vector.extract_strided_slice %get3A_4 {offsets = [2], sizes = [1], strides = [1]} : vector<16xi32> to vector<1xi32>
    %squeeze3A_593 = vector.extract %slice3A_592[0] : i32 from vector<1xi32>
    %broadcast_in_dim3A_594 = vector.broadcast %squeeze3A_593 : i32 to vector<16xi32>
    %select_n3A_595 = arith.select %eq3A_591, %broadcast_in_dim3A_594, %select_n3A_588 : vector<16xi1>, vector<16xi32>
    %eq3A_596 = arith.constant 3 : i32
    %eq3A_597 = vector.broadcast %eq3A_596 : i32 to vector<16xi32>
    %eq3A_598 = arith.cmpi eq, %get3A_569, %eq3A_597 : vector<16xi32>
    %slice3A_599 = vector.extract_strided_slice %get3A_4 {offsets = [3], sizes = [1], strides = [1]} : vector<16xi32> to vector<1xi32>
    %squeeze3A_600 = vector.extract %slice3A_599[0] : i32 from vector<1xi32>
    %broadcast_in_dim3A_601 = vector.broadcast %squeeze3A_600 : i32 to vector<16xi32>
    %select_n3A_602 = arith.select %eq3A_598, %broadcast_in_dim3A_601, %select_n3A_595 : vector<16xi1>, vector<16xi32>
    %eq3A_603 = arith.constant 4 : i32
    %eq3A_604 = vector.broadcast %eq3A_603 : i32 to vector<16xi32>
    %eq3A_605 = arith.cmpi eq, %get3A_569, %eq3A_604 : vector<16xi32>
    %slice3A_606 = vector.extract_strided_slice %get3A_4 {offsets = [4], sizes = [1], strides = [1]} : vector<16xi32> to vector<1xi32>
    %squeeze3A_607 = vector.extract %slice3A_606[0] : i32 from vector<1xi32>
    %broadcast_in_dim3A_608 = vector.broadcast %squeeze3A_607 : i32 to vector<16xi32>
    %select_n3A_609 = arith.select %eq3A_605, %broadcast_in_dim3A_608, %select_n3A_602 : vector<16xi1>, vector<16xi32>
    %eq3A_610 = arith.constant 5 : i32
    %eq3A_611 = vector.broadcast %eq3A_610 : i32 to vector<16xi32>
    %eq3A_612 = arith.cmpi eq, %get3A_569, %eq3A_611 : vector<16xi32>
    %slice3A_613 = vector.extract_strided_slice %get3A_4 {offsets = [5], sizes = [1], strides = [1]} : vector<16xi32> to vector<1xi32>
    %squeeze3A_614 = vector.extract %slice3A_613[0] : i32 from vector<1xi32>
    %broadcast_in_dim3A_615 = vector.broadcast %squeeze3A_614 : i32 to vector<16xi32>
    %select_n3A_616 = arith.select %eq3A_612, %broadcast_in_dim3A_615, %select_n3A_609 : vector<16xi1>, vector<16xi32>
    %eq3A_617 = arith.constant 6 : i32
    %eq3A_618 = vector.broadcast %eq3A_617 : i32 to vector<16xi32>
    %eq3A_619 = arith.cmpi eq, %get3A_569, %eq3A_618 : vector<16xi32>
    %slice3A_620 = vector.extract_strided_slice %get3A_4 {offsets = [6], sizes = [1], strides = [1]} : vector<16xi32> to vector<1xi32>
    %squeeze3A_621 = vector.extract %slice3A_620[0] : i32 from vector<1xi32>
    %broadcast_in_dim3A_622 = vector.broadcast %squeeze3A_621 : i32 to vector<16xi32>
    %select_n3A_623 = arith.select %eq3A_619, %broadcast_in_dim3A_622, %select_n3A_616 : vector<16xi1>, vector<16xi32>
    %eq3A_624 = arith.constant 7 : i32
    %eq3A_625 = vector.broadcast %eq3A_624 : i32 to vector<16xi32>
    %eq3A_626 = arith.cmpi eq, %get3A_569, %eq3A_625 : vector<16xi32>
    %slice3A_627 = vector.extract_strided_slice %get3A_4 {offsets = [7], sizes = [1], strides = [1]} : vector<16xi32> to vector<1xi32>
    %squeeze3A_628 = vector.extract %slice3A_627[0] : i32 from vector<1xi32>
    %broadcast_in_dim3A_629 = vector.broadcast %squeeze3A_628 : i32 to vector<16xi32>
    %select_n3A_630 = arith.select %eq3A_626, %broadcast_in_dim3A_629, %select_n3A_623 : vector<16xi1>, vector<16xi32>
    %add3A_631 = arith.addi %get3A_572, %select_n3A_630 : vector<16xi32>
    %swap3A_632 = arith.constant 0 : i32
    %swap3A_633 = arith.index_cast %swap3A_632 : i32 to index
    %swap3A_634 = arith.constant 0 : index
    %swap3A_635 = tpu.vector_load %arg14[%swap3A_633, %swap3A_634] {strides = array<i32>} : memref<4x32xi32, #tpu.memory_space<vmem>>, vector<1x16xi32>,
    %swap3A_636 = vector.shape_cast %swap3A_635 : vector<1x16xi32> to vector<16xi32>
    %swap3A_637 = vector.shape_cast %add3A_631 : vector<16xi32> to vector<1x16xi32>
    tpu.vector_store %arg14[%swap3A_633, %swap3A_634], %swap3A_637 {strides = array<i32>} : memref<4x32xi32, #tpu.memory_space<vmem>>, vector<1x16xi32>,
    %get3A_638 = arith.constant 16 : index
    %get3A_639 = tpu.vector_load %arg11[%get3A_638] {strides = array<i32>} : memref<128xi32, #tpu.memory_space<vmem>>, vector<16xi32>,
    %get3A_640 = vector.shape_cast %get3A_639 : vector<16xi32> to vector<16xi32>
    %get3A_641 = arith.constant 16 : index
    %get3A_642 = tpu.vector_load %arg12[%get3A_641] {strides = array<i32>} : memref<128xi32, #tpu.memory_space<vmem>>, vector<16xi32>,
    %get3A_643 = vector.shape_cast %get3A_642 : vector<16xi32> to vector<16xi32>
    %broadcast_in_dim3A_644 = arith.constant 0 : i32
    %broadcast_in_dim3A_645 = vector.broadcast %broadcast_in_dim3A_644 : i32 to vector<16xi32>
    %eq3A_646 = arith.constant 0 : i32
    %eq3A_647 = vector.broadcast %eq3A_646 : i32 to vector<16xi32>
    %eq3A_648 = arith.cmpi eq, %get3A_640, %eq3A_647 : vector<16xi32>
    %slice3A_649 = vector.extract_strided_slice %get3A_4 {offsets = [0], sizes = [1], strides = [1]} : vector<16xi32> to vector<1xi32>
    %squeeze3A_650 = vector.extract %slice3A_649[0] : i32 from vector<1xi32>
    %broadcast_in_dim3A_651 = vector.broadcast %squeeze3A_650 : i32 to vector<16xi32>
    %select_n3A_652 = arith.select %eq3A_648, %broadcast_in_dim3A_651, %broadcast_in_dim3A_645 : vector<16xi1>, vector<16xi32>
    %eq3A_653 = arith.constant 1 : i32
    %eq3A_654 = vector.broadcast %eq3A_653 : i32 to vector<16xi32>
    %eq3A_655 = arith.cmpi eq, %get3A_640, %eq3A_654 : vector<16xi32>
    %slice3A_656 = vector.extract_strided_slice %get3A_4 {offsets = [1], sizes = [1], strides = [1]} : vector<16xi32> to vector<1xi32>
    %squeeze3A_657 = vector.extract %slice3A_656[0] : i32 from vector<1xi32>
    %broadcast_in_dim3A_658 = vector.broadcast %squeeze3A_657 : i32 to vector<16xi32>
    %select_n3A_659 = arith.select %eq3A_655, %broadcast_in_dim3A_658, %select_n3A_652 : vector<16xi1>, vector<16xi32>
    %eq3A_660 = arith.constant 2 : i32
    %eq3A_661 = vector.broadcast %eq3A_660 : i32 to vector<16xi32>
    %eq3A_662 = arith.cmpi eq, %get3A_640, %eq3A_661 : vector<16xi32>
    %slice3A_663 = vector.extract_strided_slice %get3A_4 {offsets = [2], sizes = [1], strides = [1]} : vector<16xi32> to vector<1xi32>
    %squeeze3A_664 = vector.extract %slice3A_663[0] : i32 from vector<1xi32>
    %broadcast_in_dim3A_665 = vector.broadcast %squeeze3A_664 : i32 to vector<16xi32>
    %select_n3A_666 = arith.select %eq3A_662, %broadcast_in_dim3A_665, %select_n3A_659 : vector<16xi1>, vector<16xi32>
    %eq3A_667 = arith.constant 3 : i32
    %eq3A_668 = vector.broadcast %eq3A_667 : i32 to vector<16xi32>
    %eq3A_669 = arith.cmpi eq, %get3A_640, %eq3A_668 : vector<16xi32>
    %slice3A_670 = vector.extract_strided_slice %get3A_4 {offsets = [3], sizes = [1], strides = [1]} : vector<16xi32> to vector<1xi32>
    %squeeze3A_671 = vector.extract %slice3A_670[0] : i32 from vector<1xi32>
    %broadcast_in_dim3A_672 = vector.broadcast %squeeze3A_671 : i32 to vector<16xi32>
    %select_n3A_673 = arith.select %eq3A_669, %broadcast_in_dim3A_672, %select_n3A_666 : vector<16xi1>, vector<16xi32>
    %eq3A_674 = arith.constant 4 : i32
    %eq3A_675 = vector.broadcast %eq3A_674 : i32 to vector<16xi32>
    %eq3A_676 = arith.cmpi eq, %get3A_640, %eq3A_675 : vector<16xi32>
    %slice3A_677 = vector.extract_strided_slice %get3A_4 {offsets = [4], sizes = [1], strides = [1]} : vector<16xi32> to vector<1xi32>
    %squeeze3A_678 = vector.extract %slice3A_677[0] : i32 from vector<1xi32>
    %broadcast_in_dim3A_679 = vector.broadcast %squeeze3A_678 : i32 to vector<16xi32>
    %select_n3A_680 = arith.select %eq3A_676, %broadcast_in_dim3A_679, %select_n3A_673 : vector<16xi1>, vector<16xi32>
    %eq3A_681 = arith.constant 5 : i32
    %eq3A_682 = vector.broadcast %eq3A_681 : i32 to vector<16xi32>
    %eq3A_683 = arith.cmpi eq, %get3A_640, %eq3A_682 : vector<16xi32>
    %slice3A_684 = vector.extract_strided_slice %get3A_4 {offsets = [5], sizes = [1], strides = [1]} : vector<16xi32> to vector<1xi32>
    %squeeze3A_685 = vector.extract %slice3A_684[0] : i32 from vector<1xi32>
    %broadcast_in_dim3A_686 = vector.broadcast %squeeze3A_685 : i32 to vector<16xi32>
    %select_n3A_687 = arith.select %eq3A_683, %broadcast_in_dim3A_686, %select_n3A_680 : vector<16xi1>, vector<16xi32>
    %eq3A_688 = arith.constant 6 : i32
    %eq3A_689 = vector.broadcast %eq3A_688 : i32 to vector<16xi32>
    %eq3A_690 = arith.cmpi eq, %get3A_640, %eq3A_689 : vector<16xi32>
    %slice3A_691 = vector.extract_strided_slice %get3A_4 {offsets = [6], sizes = [1], strides = [1]} : vector<16xi32> to vector<1xi32>
    %squeeze3A_692 = vector.extract %slice3A_691[0] : i32 from vector<1xi32>
    %broadcast_in_dim3A_693 = vector.broadcast %squeeze3A_692 : i32 to vector<16xi32>
    %select_n3A_694 = arith.select %eq3A_690, %broadcast_in_dim3A_693, %select_n3A_687 : vector<16xi1>, vector<16xi32>
    %eq3A_695 = arith.constant 7 : i32
    %eq3A_696 = vector.broadcast %eq3A_695 : i32 to vector<16xi32>
    %eq3A_697 = arith.cmpi eq, %get3A_640, %eq3A_696 : vector<16xi32>
    %slice3A_698 = vector.extract_strided_slice %get3A_4 {offsets = [7], sizes = [1], strides = [1]} : vector<16xi32> to vector<1xi32>
    %squeeze3A_699 = vector.extract %slice3A_698[0] : i32 from vector<1xi32>
    %broadcast_in_dim3A_700 = vector.broadcast %squeeze3A_699 : i32 to vector<16xi32>
    %select_n3A_701 = arith.select %eq3A_697, %broadcast_in_dim3A_700, %select_n3A_694 : vector<16xi1>, vector<16xi32>
    %add3A_702 = arith.addi %get3A_643, %select_n3A_701 : vector<16xi32>
    %swap3A_703 = arith.constant 0 : i32
    %swap3A_704 = arith.index_cast %swap3A_703 : i32 to index
    %swap3A_705 = arith.constant 16 : index
    %swap3A_706 = tpu.vector_load %arg14[%swap3A_704, %swap3A_705] {strides = array<i32>} : memref<4x32xi32, #tpu.memory_space<vmem>>, vector<1x16xi32>,
    %swap3A_707 = vector.shape_cast %swap3A_706 : vector<1x16xi32> to vector<16xi32>
    %swap3A_708 = vector.shape_cast %add3A_702 : vector<16xi32> to vector<1x16xi32>
    tpu.vector_store %arg14[%swap3A_704, %swap3A_705], %swap3A_708 {strides = array<i32>} : memref<4x32xi32, #tpu.memory_space<vmem>>, vector<1x16xi32>,
    %get3A_709 = arith.constant 32 : index
    %get3A_710 = tpu.vector_load %arg11[%get3A_709] {strides = array<i32>} : memref<128xi32, #tpu.memory_space<vmem>>, vector<16xi32>,
    %get3A_711 = vector.shape_cast %get3A_710 : vector<16xi32> to vector<16xi32>
    %get3A_712 = arith.constant 32 : index
    %get3A_713 = tpu.vector_load %arg12[%get3A_712] {strides = array<i32>} : memref<128xi32, #tpu.memory_space<vmem>>, vector<16xi32>,
    %get3A_714 = vector.shape_cast %get3A_713 : vector<16xi32> to vector<16xi32>
    %broadcast_in_dim3A_715 = arith.constant 0 : i32
    %broadcast_in_dim3A_716 = vector.broadcast %broadcast_in_dim3A_715 : i32 to vector<16xi32>
    %eq3A_717 = arith.constant 0 : i32
    %eq3A_718 = vector.broadcast %eq3A_717 : i32 to vector<16xi32>
    %eq3A_719 = arith.cmpi eq, %get3A_711, %eq3A_718 : vector<16xi32>
    %slice3A_720 = vector.extract_strided_slice %get3A_4 {offsets = [0], sizes = [1], strides = [1]} : vector<16xi32> to vector<1xi32>
    %squeeze3A_721 = vector.extract %slice3A_720[0] : i32 from vector<1xi32>
    %broadcast_in_dim3A_722 = vector.broadcast %squeeze3A_721 : i32 to vector<16xi32>
    %select_n3A_723 = arith.select %eq3A_719, %broadcast_in_dim3A_722, %broadcast_in_dim3A_716 : vector<16xi1>, vector<16xi32>
    %eq3A_724 = arith.constant 1 : i32
    %eq3A_725 = vector.broadcast %eq3A_724 : i32 to vector<16xi32>
    %eq3A_726 = arith.cmpi eq, %get3A_711, %eq3A_725 : vector<16xi32>
    %slice3A_727 = vector.extract_strided_slice %get3A_4 {offsets = [1], sizes = [1], strides = [1]} : vector<16xi32> to vector<1xi32>
    %squeeze3A_728 = vector.extract %slice3A_727[0] : i32 from vector<1xi32>
    %broadcast_in_dim3A_729 = vector.broadcast %squeeze3A_728 : i32 to vector<16xi32>
    %select_n3A_730 = arith.select %eq3A_726, %broadcast_in_dim3A_729, %select_n3A_723 : vector<16xi1>, vector<16xi32>
    %eq3A_731 = arith.constant 2 : i32
    %eq3A_732 = vector.broadcast %eq3A_731 : i32 to vector<16xi32>
    %eq3A_733 = arith.cmpi eq, %get3A_711, %eq3A_732 : vector<16xi32>
    %slice3A_734 = vector.extract_strided_slice %get3A_4 {offsets = [2], sizes = [1], strides = [1]} : vector<16xi32> to vector<1xi32>
    %squeeze3A_735 = vector.extract %slice3A_734[0] : i32 from vector<1xi32>
    %broadcast_in_dim3A_736 = vector.broadcast %squeeze3A_735 : i32 to vector<16xi32>
    %select_n3A_737 = arith.select %eq3A_733, %broadcast_in_dim3A_736, %select_n3A_730 : vector<16xi1>, vector<16xi32>
    %eq3A_738 = arith.constant 3 : i32
    %eq3A_739 = vector.broadcast %eq3A_738 : i32 to vector<16xi32>
    %eq3A_740 = arith.cmpi eq, %get3A_711, %eq3A_739 : vector<16xi32>
    %slice3A_741 = vector.extract_strided_slice %get3A_4 {offsets = [3], sizes = [1], strides = [1]} : vector<16xi32> to vector<1xi32>
    %squeeze3A_742 = vector.extract %slice3A_741[0] : i32 from vector<1xi32>
    %broadcast_in_dim3A_743 = vector.broadcast %squeeze3A_742 : i32 to vector<16xi32>
    %select_n3A_744 = arith.select %eq3A_740, %broadcast_in_dim3A_743, %select_n3A_737 : vector<16xi1>, vector<16xi32>
    %eq3A_745 = arith.constant 4 : i32
    %eq3A_746 = vector.broadcast %eq3A_745 : i32 to vector<16xi32>
    %eq3A_747 = arith.cmpi eq, %get3A_711, %eq3A_746 : vector<16xi32>
    %slice3A_748 = vector.extract_strided_slice %get3A_4 {offsets = [4], sizes = [1], strides = [1]} : vector<16xi32> to vector<1xi32>
    %squeeze3A_749 = vector.extract %slice3A_748[0] : i32 from vector<1xi32>
    %broadcast_in_dim3A_750 = vector.broadcast %squeeze3A_749 : i32 to vector<16xi32>
    %select_n3A_751 = arith.select %eq3A_747, %broadcast_in_dim3A_750, %select_n3A_744 : vector<16xi1>, vector<16xi32>
    %eq3A_752 = arith.constant 5 : i32
    %eq3A_753 = vector.broadcast %eq3A_752 : i32 to vector<16xi32>
    %eq3A_754 = arith.cmpi eq, %get3A_711, %eq3A_753 : vector<16xi32>
    %slice3A_755 = vector.extract_strided_slice %get3A_4 {offsets = [5], sizes = [1], strides = [1]} : vector<16xi32> to vector<1xi32>
    %squeeze3A_756 = vector.extract %slice3A_755[0] : i32 from vector<1xi32>
    %broadcast_in_dim3A_757 = vector.broadcast %squeeze3A_756 : i32 to vector<16xi32>
    %select_n3A_758 = arith.select %eq3A_754, %broadcast_in_dim3A_757, %select_n3A_751 : vector<16xi1>, vector<16xi32>
    %eq3A_759 = arith.constant 6 : i32
    %eq3A_760 = vector.broadcast %eq3A_759 : i32 to vector<16xi32>
    %eq3A_761 = arith.cmpi eq, %get3A_711, %eq3A_760 : vector<16xi32>
    %slice3A_762 = vector.extract_strided_slice %get3A_4 {offsets = [6], sizes = [1], strides = [1]} : vector<16xi32> to vector<1xi32>
    %squeeze3A_763 = vector.extract %slice3A_762[0] : i32 from vector<1xi32>
    %broadcast_in_dim3A_764 = vector.broadcast %squeeze3A_763 : i32 to vector<16xi32>
    %select_n3A_765 = arith.select %eq3A_761, %broadcast_in_dim3A_764, %select_n3A_758 : vector<16xi1>, vector<16xi32>
    %eq3A_766 = arith.constant 7 : i32
    %eq3A_767 = vector.broadcast %eq3A_766 : i32 to vector<16xi32>
    %eq3A_768 = arith.cmpi eq, %get3A_711, %eq3A_767 : vector<16xi32>
    %slice3A_769 = vector.extract_strided_slice %get3A_4 {offsets = [7], sizes = [1], strides = [1]} : vector<16xi32> to vector<1xi32>
    %squeeze3A_770 = vector.extract %slice3A_769[0] : i32 from vector<1xi32>
    %broadcast_in_dim3A_771 = vector.broadcast %squeeze3A_770 : i32 to vector<16xi32>
    %select_n3A_772 = arith.select %eq3A_768, %broadcast_in_dim3A_771, %select_n3A_765 : vector<16xi1>, vector<16xi32>
    %add3A_773 = arith.addi %get3A_714, %select_n3A_772 : vector<16xi32>
    %swap3A_774 = arith.constant 1 : i32
    %swap3A_775 = arith.index_cast %swap3A_774 : i32 to index
    %swap3A_776 = arith.constant 0 : index
    %swap3A_777 = tpu.vector_load %arg14[%swap3A_775, %swap3A_776] {strides = array<i32>} : memref<4x32xi32, #tpu.memory_space<vmem>>, vector<1x16xi32>,
    %swap3A_778 = vector.shape_cast %swap3A_777 : vector<1x16xi32> to vector<16xi32>
    %swap3A_779 = vector.shape_cast %add3A_773 : vector<16xi32> to vector<1x16xi32>
    tpu.vector_store %arg14[%swap3A_775, %swap3A_776], %swap3A_779 {strides = array<i32>} : memref<4x32xi32, #tpu.memory_space<vmem>>, vector<1x16xi32>,
    %get3A_780 = arith.constant 48 : index
    %get3A_781 = tpu.vector_load %arg11[%get3A_780] {strides = array<i32>} : memref<128xi32, #tpu.memory_space<vmem>>, vector<16xi32>,
    %get3A_782 = vector.shape_cast %get3A_781 : vector<16xi32> to vector<16xi32>
    %get3A_783 = arith.constant 48 : index
    %get3A_784 = tpu.vector_load %arg12[%get3A_783] {strides = array<i32>} : memref<128xi32, #tpu.memory_space<vmem>>, vector<16xi32>,
    %get3A_785 = vector.shape_cast %get3A_784 : vector<16xi32> to vector<16xi32>
    %broadcast_in_dim3A_786 = arith.constant 0 : i32
    %broadcast_in_dim3A_787 = vector.broadcast %broadcast_in_dim3A_786 : i32 to vector<16xi32>
    %eq3A_788 = arith.constant 0 : i32
    %eq3A_789 = vector.broadcast %eq3A_788 : i32 to vector<16xi32>
    %eq3A_790 = arith.cmpi eq, %get3A_782, %eq3A_789 : vector<16xi32>
    %slice3A_791 = vector.extract_strided_slice %get3A_4 {offsets = [0], sizes = [1], strides = [1]} : vector<16xi32> to vector<1xi32>
    %squeeze3A_792 = vector.extract %slice3A_791[0] : i32 from vector<1xi32>
    %broadcast_in_dim3A_793 = vector.broadcast %squeeze3A_792 : i32 to vector<16xi32>
    %select_n3A_794 = arith.select %eq3A_790, %broadcast_in_dim3A_793, %broadcast_in_dim3A_787 : vector<16xi1>, vector<16xi32>
    %eq3A_795 = arith.constant 1 : i32
    %eq3A_796 = vector.broadcast %eq3A_795 : i32 to vector<16xi32>
    %eq3A_797 = arith.cmpi eq, %get3A_782, %eq3A_796 : vector<16xi32>
    %slice3A_798 = vector.extract_strided_slice %get3A_4 {offsets = [1], sizes = [1], strides = [1]} : vector<16xi32> to vector<1xi32>
    %squeeze3A_799 = vector.extract %slice3A_798[0] : i32 from vector<1xi32>
    %broadcast_in_dim3A_800 = vector.broadcast %squeeze3A_799 : i32 to vector<16xi32>
    %select_n3A_801 = arith.select %eq3A_797, %broadcast_in_dim3A_800, %select_n3A_794 : vector<16xi1>, vector<16xi32>
    %eq3A_802 = arith.constant 2 : i32
    %eq3A_803 = vector.broadcast %eq3A_802 : i32 to vector<16xi32>
    %eq3A_804 = arith.cmpi eq, %get3A_782, %eq3A_803 : vector<16xi32>
    %slice3A_805 = vector.extract_strided_slice %get3A_4 {offsets = [2], sizes = [1], strides = [1]} : vector<16xi32> to vector<1xi32>
    %squeeze3A_806 = vector.extract %slice3A_805[0] : i32 from vector<1xi32>
    %broadcast_in_dim3A_807 = vector.broadcast %squeeze3A_806 : i32 to vector<16xi32>
    %select_n3A_808 = arith.select %eq3A_804, %broadcast_in_dim3A_807, %select_n3A_801 : vector<16xi1>, vector<16xi32>
    %eq3A_809 = arith.constant 3 : i32
    %eq3A_810 = vector.broadcast %eq3A_809 : i32 to vector<16xi32>
    %eq3A_811 = arith.cmpi eq, %get3A_782, %eq3A_810 : vector<16xi32>
    %slice3A_812 = vector.extract_strided_slice %get3A_4 {offsets = [3], sizes = [1], strides = [1]} : vector<16xi32> to vector<1xi32>
    %squeeze3A_813 = vector.extract %slice3A_812[0] : i32 from vector<1xi32>
    %broadcast_in_dim3A_814 = vector.broadcast %squeeze3A_813 : i32 to vector<16xi32>
    %select_n3A_815 = arith.select %eq3A_811, %broadcast_in_dim3A_814, %select_n3A_808 : vector<16xi1>, vector<16xi32>
    %eq3A_816 = arith.constant 4 : i32
    %eq3A_817 = vector.broadcast %eq3A_816 : i32 to vector<16xi32>
    %eq3A_818 = arith.cmpi eq, %get3A_782, %eq3A_817 : vector<16xi32>
    %slice3A_819 = vector.extract_strided_slice %get3A_4 {offsets = [4], sizes = [1], strides = [1]} : vector<16xi32> to vector<1xi32>
    %squeeze3A_820 = vector.extract %slice3A_819[0] : i32 from vector<1xi32>
    %broadcast_in_dim3A_821 = vector.broadcast %squeeze3A_820 : i32 to vector<16xi32>
    %select_n3A_822 = arith.select %eq3A_818, %broadcast_in_dim3A_821, %select_n3A_815 : vector<16xi1>, vector<16xi32>
    %eq3A_823 = arith.constant 5 : i32
    %eq3A_824 = vector.broadcast %eq3A_823 : i32 to vector<16xi32>
    %eq3A_825 = arith.cmpi eq, %get3A_782, %eq3A_824 : vector<16xi32>
    %slice3A_826 = vector.extract_strided_slice %get3A_4 {offsets = [5], sizes = [1], strides = [1]} : vector<16xi32> to vector<1xi32>
    %squeeze3A_827 = vector.extract %slice3A_826[0] : i32 from vector<1xi32>
    %broadcast_in_dim3A_828 = vector.broadcast %squeeze3A_827 : i32 to vector<16xi32>
    %select_n3A_829 = arith.select %eq3A_825, %broadcast_in_dim3A_828, %select_n3A_822 : vector<16xi1>, vector<16xi32>
    %eq3A_830 = arith.constant 6 : i32
    %eq3A_831 = vector.broadcast %eq3A_830 : i32 to vector<16xi32>
    %eq3A_832 = arith.cmpi eq, %get3A_782, %eq3A_831 : vector<16xi32>
    %slice3A_833 = vector.extract_strided_slice %get3A_4 {offsets = [6], sizes = [1], strides = [1]} : vector<16xi32> to vector<1xi32>
    %squeeze3A_834 = vector.extract %slice3A_833[0] : i32 from vector<1xi32>
    %broadcast_in_dim3A_835 = vector.broadcast %squeeze3A_834 : i32 to vector<16xi32>
    %select_n3A_836 = arith.select %eq3A_832, %broadcast_in_dim3A_835, %select_n3A_829 : vector<16xi1>, vector<16xi32>
    %eq3A_837 = arith.constant 7 : i32
    %eq3A_838 = vector.broadcast %eq3A_837 : i32 to vector<16xi32>
    %eq3A_839 = arith.cmpi eq, %get3A_782, %eq3A_838 : vector<16xi32>
    %slice3A_840 = vector.extract_strided_slice %get3A_4 {offsets = [7], sizes = [1], strides = [1]} : vector<16xi32> to vector<1xi32>
    %squeeze3A_841 = vector.extract %slice3A_840[0] : i32 from vector<1xi32>
    %broadcast_in_dim3A_842 = vector.broadcast %squeeze3A_841 : i32 to vector<16xi32>
    %select_n3A_843 = arith.select %eq3A_839, %broadcast_in_dim3A_842, %select_n3A_836 : vector<16xi1>, vector<16xi32>
    %add3A_844 = arith.addi %get3A_785, %select_n3A_843 : vector<16xi32>
    %swap3A_845 = arith.constant 1 : i32
    %swap3A_846 = arith.index_cast %swap3A_845 : i32 to index
    %swap3A_847 = arith.constant 16 : index
    %swap3A_848 = tpu.vector_load %arg14[%swap3A_846, %swap3A_847] {strides = array<i32>} : memref<4x32xi32, #tpu.memory_space<vmem>>, vector<1x16xi32>,
    %swap3A_849 = vector.shape_cast %swap3A_848 : vector<1x16xi32> to vector<16xi32>
    %swap3A_850 = vector.shape_cast %add3A_844 : vector<16xi32> to vector<1x16xi32>
    tpu.vector_store %arg14[%swap3A_846, %swap3A_847], %swap3A_850 {strides = array<i32>} : memref<4x32xi32, #tpu.memory_space<vmem>>, vector<1x16xi32>,
    %get3A_851 = arith.constant 64 : index
    %get3A_852 = tpu.vector_load %arg11[%get3A_851] {strides = array<i32>} : memref<128xi32, #tpu.memory_space<vmem>>, vector<16xi32>,
    %get3A_853 = vector.shape_cast %get3A_852 : vector<16xi32> to vector<16xi32>
    %get3A_854 = arith.constant 64 : index
    %get3A_855 = tpu.vector_load %arg12[%get3A_854] {strides = array<i32>} : memref<128xi32, #tpu.memory_space<vmem>>, vector<16xi32>,
    %get3A_856 = vector.shape_cast %get3A_855 : vector<16xi32> to vector<16xi32>
    %broadcast_in_dim3A_857 = arith.constant 0 : i32
    %broadcast_in_dim3A_858 = vector.broadcast %broadcast_in_dim3A_857 : i32 to vector<16xi32>
    %eq3A_859 = arith.constant 0 : i32
    %eq3A_860 = vector.broadcast %eq3A_859 : i32 to vector<16xi32>
    %eq3A_861 = arith.cmpi eq, %get3A_853, %eq3A_860 : vector<16xi32>
    %slice3A_862 = vector.extract_strided_slice %get3A_4 {offsets = [0], sizes = [1], strides = [1]} : vector<16xi32> to vector<1xi32>
    %squeeze3A_863 = vector.extract %slice3A_862[0] : i32 from vector<1xi32>
    %broadcast_in_dim3A_864 = vector.broadcast %squeeze3A_863 : i32 to vector<16xi32>
    %select_n3A_865 = arith.select %eq3A_861, %broadcast_in_dim3A_864, %broadcast_in_dim3A_858 : vector<16xi1>, vector<16xi32>
    %eq3A_866 = arith.constant 1 : i32
    %eq3A_867 = vector.broadcast %eq3A_866 : i32 to vector<16xi32>
    %eq3A_868 = arith.cmpi eq, %get3A_853, %eq3A_867 : vector<16xi32>
    %slice3A_869 = vector.extract_strided_slice %get3A_4 {offsets = [1], sizes = [1], strides = [1]} : vector<16xi32> to vector<1xi32>
    %squeeze3A_870 = vector.extract %slice3A_869[0] : i32 from vector<1xi32>
    %broadcast_in_dim3A_871 = vector.broadcast %squeeze3A_870 : i32 to vector<16xi32>
    %select_n3A_872 = arith.select %eq3A_868, %broadcast_in_dim3A_871, %select_n3A_865 : vector<16xi1>, vector<16xi32>
    %eq3A_873 = arith.constant 2 : i32
    %eq3A_874 = vector.broadcast %eq3A_873 : i32 to vector<16xi32>
    %eq3A_875 = arith.cmpi eq, %get3A_853, %eq3A_874 : vector<16xi32>
    %slice3A_876 = vector.extract_strided_slice %get3A_4 {offsets = [2], sizes = [1], strides = [1]} : vector<16xi32> to vector<1xi32>
    %squeeze3A_877 = vector.extract %slice3A_876[0] : i32 from vector<1xi32>
    %broadcast_in_dim3A_878 = vector.broadcast %squeeze3A_877 : i32 to vector<16xi32>
    %select_n3A_879 = arith.select %eq3A_875, %broadcast_in_dim3A_878, %select_n3A_872 : vector<16xi1>, vector<16xi32>
    %eq3A_880 = arith.constant 3 : i32
    %eq3A_881 = vector.broadcast %eq3A_880 : i32 to vector<16xi32>
    %eq3A_882 = arith.cmpi eq, %get3A_853, %eq3A_881 : vector<16xi32>
    %slice3A_883 = vector.extract_strided_slice %get3A_4 {offsets = [3], sizes = [1], strides = [1]} : vector<16xi32> to vector<1xi32>
    %squeeze3A_884 = vector.extract %slice3A_883[0] : i32 from vector<1xi32>
    %broadcast_in_dim3A_885 = vector.broadcast %squeeze3A_884 : i32 to vector<16xi32>
    %select_n3A_886 = arith.select %eq3A_882, %broadcast_in_dim3A_885, %select_n3A_879 : vector<16xi1>, vector<16xi32>
    %eq3A_887 = arith.constant 4 : i32
    %eq3A_888 = vector.broadcast %eq3A_887 : i32 to vector<16xi32>
    %eq3A_889 = arith.cmpi eq, %get3A_853, %eq3A_888 : vector<16xi32>
    %slice3A_890 = vector.extract_strided_slice %get3A_4 {offsets = [4], sizes = [1], strides = [1]} : vector<16xi32> to vector<1xi32>
    %squeeze3A_891 = vector.extract %slice3A_890[0] : i32 from vector<1xi32>
    %broadcast_in_dim3A_892 = vector.broadcast %squeeze3A_891 : i32 to vector<16xi32>
    %select_n3A_893 = arith.select %eq3A_889, %broadcast_in_dim3A_892, %select_n3A_886 : vector<16xi1>, vector<16xi32>
    %eq3A_894 = arith.constant 5 : i32
    %eq3A_895 = vector.broadcast %eq3A_894 : i32 to vector<16xi32>
    %eq3A_896 = arith.cmpi eq, %get3A_853, %eq3A_895 : vector<16xi32>
    %slice3A_897 = vector.extract_strided_slice %get3A_4 {offsets = [5], sizes = [1], strides = [1]} : vector<16xi32> to vector<1xi32>
    %squeeze3A_898 = vector.extract %slice3A_897[0] : i32 from vector<1xi32>
    %broadcast_in_dim3A_899 = vector.broadcast %squeeze3A_898 : i32 to vector<16xi32>
    %select_n3A_900 = arith.select %eq3A_896, %broadcast_in_dim3A_899, %select_n3A_893 : vector<16xi1>, vector<16xi32>
    %eq3A_901 = arith.constant 6 : i32
    %eq3A_902 = vector.broadcast %eq3A_901 : i32 to vector<16xi32>
    %eq3A_903 = arith.cmpi eq, %get3A_853, %eq3A_902 : vector<16xi32>
    %slice3A_904 = vector.extract_strided_slice %get3A_4 {offsets = [6], sizes = [1], strides = [1]} : vector<16xi32> to vector<1xi32>
    %squeeze3A_905 = vector.extract %slice3A_904[0] : i32 from vector<1xi32>
    %broadcast_in_dim3A_906 = vector.broadcast %squeeze3A_905 : i32 to vector<16xi32>
    %select_n3A_907 = arith.select %eq3A_903, %broadcast_in_dim3A_906, %select_n3A_900 : vector<16xi1>, vector<16xi32>
    %eq3A_908 = arith.constant 7 : i32
    %eq3A_909 = vector.broadcast %eq3A_908 : i32 to vector<16xi32>
    %eq3A_910 = arith.cmpi eq, %get3A_853, %eq3A_909 : vector<16xi32>
    %slice3A_911 = vector.extract_strided_slice %get3A_4 {offsets = [7], sizes = [1], strides = [1]} : vector<16xi32> to vector<1xi32>
    %squeeze3A_912 = vector.extract %slice3A_911[0] : i32 from vector<1xi32>
    %broadcast_in_dim3A_913 = vector.broadcast %squeeze3A_912 : i32 to vector<16xi32>
    %select_n3A_914 = arith.select %eq3A_910, %broadcast_in_dim3A_913, %select_n3A_907 : vector<16xi1>, vector<16xi32>
    %add3A_915 = arith.addi %get3A_856, %select_n3A_914 : vector<16xi32>
    %swap3A_916 = arith.constant 2 : i32
    %swap3A_917 = arith.index_cast %swap3A_916 : i32 to index
    %swap3A_918 = arith.constant 0 : index
    %swap3A_919 = tpu.vector_load %arg14[%swap3A_917, %swap3A_918] {strides = array<i32>} : memref<4x32xi32, #tpu.memory_space<vmem>>, vector<1x16xi32>,
    %swap3A_920 = vector.shape_cast %swap3A_919 : vector<1x16xi32> to vector<16xi32>
    %swap3A_921 = vector.shape_cast %add3A_915 : vector<16xi32> to vector<1x16xi32>
    tpu.vector_store %arg14[%swap3A_917, %swap3A_918], %swap3A_921 {strides = array<i32>} : memref<4x32xi32, #tpu.memory_space<vmem>>, vector<1x16xi32>,
    %get3A_922 = arith.constant 80 : index
    %get3A_923 = tpu.vector_load %arg11[%get3A_922] {strides = array<i32>} : memref<128xi32, #tpu.memory_space<vmem>>, vector<16xi32>,
    %get3A_924 = vector.shape_cast %get3A_923 : vector<16xi32> to vector<16xi32>
    %get3A_925 = arith.constant 80 : index
    %get3A_926 = tpu.vector_load %arg12[%get3A_925] {strides = array<i32>} : memref<128xi32, #tpu.memory_space<vmem>>, vector<16xi32>,
    %get3A_927 = vector.shape_cast %get3A_926 : vector<16xi32> to vector<16xi32>
    %broadcast_in_dim3A_928 = arith.constant 0 : i32
    %broadcast_in_dim3A_929 = vector.broadcast %broadcast_in_dim3A_928 : i32 to vector<16xi32>
    %eq3A_930 = arith.constant 0 : i32
    %eq3A_931 = vector.broadcast %eq3A_930 : i32 to vector<16xi32>
    %eq3A_932 = arith.cmpi eq, %get3A_924, %eq3A_931 : vector<16xi32>
    %slice3A_933 = vector.extract_strided_slice %get3A_4 {offsets = [0], sizes = [1], strides = [1]} : vector<16xi32> to vector<1xi32>
    %squeeze3A_934 = vector.extract %slice3A_933[0] : i32 from vector<1xi32>
    %broadcast_in_dim3A_935 = vector.broadcast %squeeze3A_934 : i32 to vector<16xi32>
    %select_n3A_936 = arith.select %eq3A_932, %broadcast_in_dim3A_935, %broadcast_in_dim3A_929 : vector<16xi1>, vector<16xi32>
    %eq3A_937 = arith.constant 1 : i32
    %eq3A_938 = vector.broadcast %eq3A_937 : i32 to vector<16xi32>
    %eq3A_939 = arith.cmpi eq, %get3A_924, %eq3A_938 : vector<16xi32>
    %slice3A_940 = vector.extract_strided_slice %get3A_4 {offsets = [1], sizes = [1], strides = [1]} : vector<16xi32> to vector<1xi32>
    %squeeze3A_941 = vector.extract %slice3A_940[0] : i32 from vector<1xi32>
    %broadcast_in_dim3A_942 = vector.broadcast %squeeze3A_941 : i32 to vector<16xi32>
    %select_n3A_943 = arith.select %eq3A_939, %broadcast_in_dim3A_942, %select_n3A_936 : vector<16xi1>, vector<16xi32>
    %eq3A_944 = arith.constant 2 : i32
    %eq3A_945 = vector.broadcast %eq3A_944 : i32 to vector<16xi32>
    %eq3A_946 = arith.cmpi eq, %get3A_924, %eq3A_945 : vector<16xi32>
    %slice3A_947 = vector.extract_strided_slice %get3A_4 {offsets = [2], sizes = [1], strides = [1]} : vector<16xi32> to vector<1xi32>
    %squeeze3A_948 = vector.extract %slice3A_947[0] : i32 from vector<1xi32>
    %broadcast_in_dim3A_949 = vector.broadcast %squeeze3A_948 : i32 to vector<16xi32>
    %select_n3A_950 = arith.select %eq3A_946, %broadcast_in_dim3A_949, %select_n3A_943 : vector<16xi1>, vector<16xi32>
    %eq3A_951 = arith.constant 3 : i32
    %eq3A_952 = vector.broadcast %eq3A_951 : i32 to vector<16xi32>
    %eq3A_953 = arith.cmpi eq, %get3A_924, %eq3A_952 : vector<16xi32>
    %slice3A_954 = vector.extract_strided_slice %get3A_4 {offsets = [3], sizes = [1], strides = [1]} : vector<16xi32> to vector<1xi32>
    %squeeze3A_955 = vector.extract %slice3A_954[0] : i32 from vector<1xi32>
    %broadcast_in_dim3A_956 = vector.broadcast %squeeze3A_955 : i32 to vector<16xi32>
    %select_n3A_957 = arith.select %eq3A_953, %broadcast_in_dim3A_956, %select_n3A_950 : vector<16xi1>, vector<16xi32>
    %eq3A_958 = arith.constant 4 : i32
    %eq3A_959 = vector.broadcast %eq3A_958 : i32 to vector<16xi32>
    %eq3A_960 = arith.cmpi eq, %get3A_924, %eq3A_959 : vector<16xi32>
    %slice3A_961 = vector.extract_strided_slice %get3A_4 {offsets = [4], sizes = [1], strides = [1]} : vector<16xi32> to vector<1xi32>
    %squeeze3A_962 = vector.extract %slice3A_961[0] : i32 from vector<1xi32>
    %broadcast_in_dim3A_963 = vector.broadcast %squeeze3A_962 : i32 to vector<16xi32>
    %select_n3A_964 = arith.select %eq3A_960, %broadcast_in_dim3A_963, %select_n3A_957 : vector<16xi1>, vector<16xi32>
    %eq3A_965 = arith.constant 5 : i32
    %eq3A_966 = vector.broadcast %eq3A_965 : i32 to vector<16xi32>
    %eq3A_967 = arith.cmpi eq, %get3A_924, %eq3A_966 : vector<16xi32>
    %slice3A_968 = vector.extract_strided_slice %get3A_4 {offsets = [5], sizes = [1], strides = [1]} : vector<16xi32> to vector<1xi32>
    %squeeze3A_969 = vector.extract %slice3A_968[0] : i32 from vector<1xi32>
    %broadcast_in_dim3A_970 = vector.broadcast %squeeze3A_969 : i32 to vector<16xi32>
    %select_n3A_971 = arith.select %eq3A_967, %broadcast_in_dim3A_970, %select_n3A_964 : vector<16xi1>, vector<16xi32>
    %eq3A_972 = arith.constant 6 : i32
    %eq3A_973 = vector.broadcast %eq3A_972 : i32 to vector<16xi32>
    %eq3A_974 = arith.cmpi eq, %get3A_924, %eq3A_973 : vector<16xi32>
    %slice3A_975 = vector.extract_strided_slice %get3A_4 {offsets = [6], sizes = [1], strides = [1]} : vector<16xi32> to vector<1xi32>
    %squeeze3A_976 = vector.extract %slice3A_975[0] : i32 from vector<1xi32>
    %broadcast_in_dim3A_977 = vector.broadcast %squeeze3A_976 : i32 to vector<16xi32>
    %select_n3A_978 = arith.select %eq3A_974, %broadcast_in_dim3A_977, %select_n3A_971 : vector<16xi1>, vector<16xi32>
    %eq3A_979 = arith.constant 7 : i32
    %eq3A_980 = vector.broadcast %eq3A_979 : i32 to vector<16xi32>
    %eq3A_981 = arith.cmpi eq, %get3A_924, %eq3A_980 : vector<16xi32>
    %slice3A_982 = vector.extract_strided_slice %get3A_4 {offsets = [7], sizes = [1], strides = [1]} : vector<16xi32> to vector<1xi32>
    %squeeze3A_983 = vector.extract %slice3A_982[0] : i32 from vector<1xi32>
    %broadcast_in_dim3A_984 = vector.broadcast %squeeze3A_983 : i32 to vector<16xi32>
    %select_n3A_985 = arith.select %eq3A_981, %broadcast_in_dim3A_984, %select_n3A_978 : vector<16xi1>, vector<16xi32>
    %add3A_986 = arith.addi %get3A_927, %select_n3A_985 : vector<16xi32>
    %swap3A_987 = arith.constant 2 : i32
    %swap3A_988 = arith.index_cast %swap3A_987 : i32 to index
    %swap3A_989 = arith.constant 16 : index
    %swap3A_990 = tpu.vector_load %arg14[%swap3A_988, %swap3A_989] {strides = array<i32>} : memref<4x32xi32, #tpu.memory_space<vmem>>, vector<1x16xi32>,
    %swap3A_991 = vector.shape_cast %swap3A_990 : vector<1x16xi32> to vector<16xi32>
    %swap3A_992 = vector.shape_cast %add3A_986 : vector<16xi32> to vector<1x16xi32>
    tpu.vector_store %arg14[%swap3A_988, %swap3A_989], %swap3A_992 {strides = array<i32>} : memref<4x32xi32, #tpu.memory_space<vmem>>, vector<1x16xi32>,
    %get3A_993 = arith.constant 96 : index
    %get3A_994 = tpu.vector_load %arg11[%get3A_993] {strides = array<i32>} : memref<128xi32, #tpu.memory_space<vmem>>, vector<16xi32>,
    %get3A_995 = vector.shape_cast %get3A_994 : vector<16xi32> to vector<16xi32>
    %get3A_996 = arith.constant 96 : index
    %get3A_997 = tpu.vector_load %arg12[%get3A_996] {strides = array<i32>} : memref<128xi32, #tpu.memory_space<vmem>>, vector<16xi32>,
    %get3A_998 = vector.shape_cast %get3A_997 : vector<16xi32> to vector<16xi32>
    %broadcast_in_dim3A_999 = arith.constant 0 : i32
    %broadcast_in_dim3A_1000 = vector.broadcast %broadcast_in_dim3A_999 : i32 to vector<16xi32>
    %eq3A_1001 = arith.constant 0 : i32
    %eq3A_1002 = vector.broadcast %eq3A_1001 : i32 to vector<16xi32>
    %eq3A_1003 = arith.cmpi eq, %get3A_995, %eq3A_1002 : vector<16xi32>
    %slice3A_1004 = vector.extract_strided_slice %get3A_4 {offsets = [0], sizes = [1], strides = [1]} : vector<16xi32> to vector<1xi32>
    %squeeze3A_1005 = vector.extract %slice3A_1004[0] : i32 from vector<1xi32>
    %broadcast_in_dim3A_1006 = vector.broadcast %squeeze3A_1005 : i32 to vector<16xi32>
    %select_n3A_1007 = arith.select %eq3A_1003, %broadcast_in_dim3A_1006, %broadcast_in_dim3A_1000 : vector<16xi1>, vector<16xi32>
    %eq3A_1008 = arith.constant 1 : i32
    %eq3A_1009 = vector.broadcast %eq3A_1008 : i32 to vector<16xi32>
    %eq3A_1010 = arith.cmpi eq, %get3A_995, %eq3A_1009 : vector<16xi32>
    %slice3A_1011 = vector.extract_strided_slice %get3A_4 {offsets = [1], sizes = [1], strides = [1]} : vector<16xi32> to vector<1xi32>
    %squeeze3A_1012 = vector.extract %slice3A_1011[0] : i32 from vector<1xi32>
    %broadcast_in_dim3A_1013 = vector.broadcast %squeeze3A_1012 : i32 to vector<16xi32>
    %select_n3A_1014 = arith.select %eq3A_1010, %broadcast_in_dim3A_1013, %select_n3A_1007 : vector<16xi1>, vector<16xi32>
    %eq3A_1015 = arith.constant 2 : i32
    %eq3A_1016 = vector.broadcast %eq3A_1015 : i32 to vector<16xi32>
    %eq3A_1017 = arith.cmpi eq, %get3A_995, %eq3A_1016 : vector<16xi32>
    %slice3A_1018 = vector.extract_strided_slice %get3A_4 {offsets = [2], sizes = [1], strides = [1]} : vector<16xi32> to vector<1xi32>
    %squeeze3A_1019 = vector.extract %slice3A_1018[0] : i32 from vector<1xi32>
    %broadcast_in_dim3A_1020 = vector.broadcast %squeeze3A_1019 : i32 to vector<16xi32>
    %select_n3A_1021 = arith.select %eq3A_1017, %broadcast_in_dim3A_1020, %select_n3A_1014 : vector<16xi1>, vector<16xi32>
    %eq3A_1022 = arith.constant 3 : i32
    %eq3A_1023 = vector.broadcast %eq3A_1022 : i32 to vector<16xi32>
    %eq3A_1024 = arith.cmpi eq, %get3A_995, %eq3A_1023 : vector<16xi32>
    %slice3A_1025 = vector.extract_strided_slice %get3A_4 {offsets = [3], sizes = [1], strides = [1]} : vector<16xi32> to vector<1xi32>
    %squeeze3A_1026 = vector.extract %slice3A_1025[0] : i32 from vector<1xi32>
    %broadcast_in_dim3A_1027 = vector.broadcast %squeeze3A_1026 : i32 to vector<16xi32>
    %select_n3A_1028 = arith.select %eq3A_1024, %broadcast_in_dim3A_1027, %select_n3A_1021 : vector<16xi1>, vector<16xi32>
    %eq3A_1029 = arith.constant 4 : i32
    %eq3A_1030 = vector.broadcast %eq3A_1029 : i32 to vector<16xi32>
    %eq3A_1031 = arith.cmpi eq, %get3A_995, %eq3A_1030 : vector<16xi32>
    %slice3A_1032 = vector.extract_strided_slice %get3A_4 {offsets = [4], sizes = [1], strides = [1]} : vector<16xi32> to vector<1xi32>
    %squeeze3A_1033 = vector.extract %slice3A_1032[0] : i32 from vector<1xi32>
    %broadcast_in_dim3A_1034 = vector.broadcast %squeeze3A_1033 : i32 to vector<16xi32>
    %select_n3A_1035 = arith.select %eq3A_1031, %broadcast_in_dim3A_1034, %select_n3A_1028 : vector<16xi1>, vector<16xi32>
    %eq3A_1036 = arith.constant 5 : i32
    %eq3A_1037 = vector.broadcast %eq3A_1036 : i32 to vector<16xi32>
    %eq3A_1038 = arith.cmpi eq, %get3A_995, %eq3A_1037 : vector<16xi32>
    %slice3A_1039 = vector.extract_strided_slice %get3A_4 {offsets = [5], sizes = [1], strides = [1]} : vector<16xi32> to vector<1xi32>
    %squeeze3A_1040 = vector.extract %slice3A_1039[0] : i32 from vector<1xi32>
    %broadcast_in_dim3A_1041 = vector.broadcast %squeeze3A_1040 : i32 to vector<16xi32>
    %select_n3A_1042 = arith.select %eq3A_1038, %broadcast_in_dim3A_1041, %select_n3A_1035 : vector<16xi1>, vector<16xi32>
    %eq3A_1043 = arith.constant 6 : i32
    %eq3A_1044 = vector.broadcast %eq3A_1043 : i32 to vector<16xi32>
    %eq3A_1045 = arith.cmpi eq, %get3A_995, %eq3A_1044 : vector<16xi32>
    %slice3A_1046 = vector.extract_strided_slice %get3A_4 {offsets = [6], sizes = [1], strides = [1]} : vector<16xi32> to vector<1xi32>
    %squeeze3A_1047 = vector.extract %slice3A_1046[0] : i32 from vector<1xi32>
    %broadcast_in_dim3A_1048 = vector.broadcast %squeeze3A_1047 : i32 to vector<16xi32>
    %select_n3A_1049 = arith.select %eq3A_1045, %broadcast_in_dim3A_1048, %select_n3A_1042 : vector<16xi1>, vector<16xi32>
    %eq3A_1050 = arith.constant 7 : i32
    %eq3A_1051 = vector.broadcast %eq3A_1050 : i32 to vector<16xi32>
    %eq3A_1052 = arith.cmpi eq, %get3A_995, %eq3A_1051 : vector<16xi32>
    %slice3A_1053 = vector.extract_strided_slice %get3A_4 {offsets = [7], sizes = [1], strides = [1]} : vector<16xi32> to vector<1xi32>
    %squeeze3A_1054 = vector.extract %slice3A_1053[0] : i32 from vector<1xi32>
    %broadcast_in_dim3A_1055 = vector.broadcast %squeeze3A_1054 : i32 to vector<16xi32>
    %select_n3A_1056 = arith.select %eq3A_1052, %broadcast_in_dim3A_1055, %select_n3A_1049 : vector<16xi1>, vector<16xi32>
    %add3A_1057 = arith.addi %get3A_998, %select_n3A_1056 : vector<16xi32>
    %swap3A_1058 = arith.constant 3 : i32
    %swap3A_1059 = arith.index_cast %swap3A_1058 : i32 to index
    %swap3A_1060 = arith.constant 0 : index
    %swap3A_1061 = tpu.vector_load %arg14[%swap3A_1059, %swap3A_1060] {strides = array<i32>} : memref<4x32xi32, #tpu.memory_space<vmem>>, vector<1x16xi32>,
    %swap3A_1062 = vector.shape_cast %swap3A_1061 : vector<1x16xi32> to vector<16xi32>
    %swap3A_1063 = vector.shape_cast %add3A_1057 : vector<16xi32> to vector<1x16xi32>
    tpu.vector_store %arg14[%swap3A_1059, %swap3A_1060], %swap3A_1063 {strides = array<i32>} : memref<4x32xi32, #tpu.memory_space<vmem>>, vector<1x16xi32>,
    %get3A_1064 = arith.constant 112 : index
    %get3A_1065 = tpu.vector_load %arg11[%get3A_1064] {strides = array<i32>} : memref<128xi32, #tpu.memory_space<vmem>>, vector<16xi32>,
    %get3A_1066 = vector.shape_cast %get3A_1065 : vector<16xi32> to vector<16xi32>
    %get3A_1067 = arith.constant 112 : index
    %get3A_1068 = tpu.vector_load %arg12[%get3A_1067] {strides = array<i32>} : memref<128xi32, #tpu.memory_space<vmem>>, vector<16xi32>,
    %get3A_1069 = vector.shape_cast %get3A_1068 : vector<16xi32> to vector<16xi32>
    %broadcast_in_dim3A_1070 = arith.constant 0 : i32
    %broadcast_in_dim3A_1071 = vector.broadcast %broadcast_in_dim3A_1070 : i32 to vector<16xi32>
    %eq3A_1072 = arith.constant 0 : i32
    %eq3A_1073 = vector.broadcast %eq3A_1072 : i32 to vector<16xi32>
    %eq3A_1074 = arith.cmpi eq, %get3A_1066, %eq3A_1073 : vector<16xi32>
    %slice3A_1075 = vector.extract_strided_slice %get3A_4 {offsets = [0], sizes = [1], strides = [1]} : vector<16xi32> to vector<1xi32>
    %squeeze3A_1076 = vector.extract %slice3A_1075[0] : i32 from vector<1xi32>
    %broadcast_in_dim3A_1077 = vector.broadcast %squeeze3A_1076 : i32 to vector<16xi32>
    %select_n3A_1078 = arith.select %eq3A_1074, %broadcast_in_dim3A_1077, %broadcast_in_dim3A_1071 : vector<16xi1>, vector<16xi32>
    %eq3A_1079 = arith.constant 1 : i32
    %eq3A_1080 = vector.broadcast %eq3A_1079 : i32 to vector<16xi32>
    %eq3A_1081 = arith.cmpi eq, %get3A_1066, %eq3A_1080 : vector<16xi32>
    %slice3A_1082 = vector.extract_strided_slice %get3A_4 {offsets = [1], sizes = [1], strides = [1]} : vector<16xi32> to vector<1xi32>
    %squeeze3A_1083 = vector.extract %slice3A_1082[0] : i32 from vector<1xi32>
    %broadcast_in_dim3A_1084 = vector.broadcast %squeeze3A_1083 : i32 to vector<16xi32>
    %select_n3A_1085 = arith.select %eq3A_1081, %broadcast_in_dim3A_1084, %select_n3A_1078 : vector<16xi1>, vector<16xi32>
    %eq3A_1086 = arith.constant 2 : i32
    %eq3A_1087 = vector.broadcast %eq3A_1086 : i32 to vector<16xi32>
    %eq3A_1088 = arith.cmpi eq, %get3A_1066, %eq3A_1087 : vector<16xi32>
    %slice3A_1089 = vector.extract_strided_slice %get3A_4 {offsets = [2], sizes = [1], strides = [1]} : vector<16xi32> to vector<1xi32>
    %squeeze3A_1090 = vector.extract %slice3A_1089[0] : i32 from vector<1xi32>
    %broadcast_in_dim3A_1091 = vector.broadcast %squeeze3A_1090 : i32 to vector<16xi32>
    %select_n3A_1092 = arith.select %eq3A_1088, %broadcast_in_dim3A_1091, %select_n3A_1085 : vector<16xi1>, vector<16xi32>
    %eq3A_1093 = arith.constant 3 : i32
    %eq3A_1094 = vector.broadcast %eq3A_1093 : i32 to vector<16xi32>
    %eq3A_1095 = arith.cmpi eq, %get3A_1066, %eq3A_1094 : vector<16xi32>
    %slice3A_1096 = vector.extract_strided_slice %get3A_4 {offsets = [3], sizes = [1], strides = [1]} : vector<16xi32> to vector<1xi32>
    %squeeze3A_1097 = vector.extract %slice3A_1096[0] : i32 from vector<1xi32>
    %broadcast_in_dim3A_1098 = vector.broadcast %squeeze3A_1097 : i32 to vector<16xi32>
    %select_n3A_1099 = arith.select %eq3A_1095, %broadcast_in_dim3A_1098, %select_n3A_1092 : vector<16xi1>, vector<16xi32>
    %eq3A_1100 = arith.constant 4 : i32
    %eq3A_1101 = vector.broadcast %eq3A_1100 : i32 to vector<16xi32>
    %eq3A_1102 = arith.cmpi eq, %get3A_1066, %eq3A_1101 : vector<16xi32>
    %slice3A_1103 = vector.extract_strided_slice %get3A_4 {offsets = [4], sizes = [1], strides = [1]} : vector<16xi32> to vector<1xi32>
    %squeeze3A_1104 = vector.extract %slice3A_1103[0] : i32 from vector<1xi32>
    %broadcast_in_dim3A_1105 = vector.broadcast %squeeze3A_1104 : i32 to vector<16xi32>
    %select_n3A_1106 = arith.select %eq3A_1102, %broadcast_in_dim3A_1105, %select_n3A_1099 : vector<16xi1>, vector<16xi32>
    %eq3A_1107 = arith.constant 5 : i32
    %eq3A_1108 = vector.broadcast %eq3A_1107 : i32 to vector<16xi32>
    %eq3A_1109 = arith.cmpi eq, %get3A_1066, %eq3A_1108 : vector<16xi32>
    %slice3A_1110 = vector.extract_strided_slice %get3A_4 {offsets = [5], sizes = [1], strides = [1]} : vector<16xi32> to vector<1xi32>
    %squeeze3A_1111 = vector.extract %slice3A_1110[0] : i32 from vector<1xi32>
    %broadcast_in_dim3A_1112 = vector.broadcast %squeeze3A_1111 : i32 to vector<16xi32>
    %select_n3A_1113 = arith.select %eq3A_1109, %broadcast_in_dim3A_1112, %select_n3A_1106 : vector<16xi1>, vector<16xi32>
    %eq3A_1114 = arith.constant 6 : i32
    %eq3A_1115 = vector.broadcast %eq3A_1114 : i32 to vector<16xi32>
    %eq3A_1116 = arith.cmpi eq, %get3A_1066, %eq3A_1115 : vector<16xi32>
    %slice3A_1117 = vector.extract_strided_slice %get3A_4 {offsets = [6], sizes = [1], strides = [1]} : vector<16xi32> to vector<1xi32>
    %squeeze3A_1118 = vector.extract %slice3A_1117[0] : i32 from vector<1xi32>
    %broadcast_in_dim3A_1119 = vector.broadcast %squeeze3A_1118 : i32 to vector<16xi32>
    %select_n3A_1120 = arith.select %eq3A_1116, %broadcast_in_dim3A_1119, %select_n3A_1113 : vector<16xi1>, vector<16xi32>
    %eq3A_1121 = arith.constant 7 : i32
    %eq3A_1122 = vector.broadcast %eq3A_1121 : i32 to vector<16xi32>
    %eq3A_1123 = arith.cmpi eq, %get3A_1066, %eq3A_1122 : vector<16xi32>
    %slice3A_1124 = vector.extract_strided_slice %get3A_4 {offsets = [7], sizes = [1], strides = [1]} : vector<16xi32> to vector<1xi32>
    %squeeze3A_1125 = vector.extract %slice3A_1124[0] : i32 from vector<1xi32>
    %broadcast_in_dim3A_1126 = vector.broadcast %squeeze3A_1125 : i32 to vector<16xi32>
    %select_n3A_1127 = arith.select %eq3A_1123, %broadcast_in_dim3A_1126, %select_n3A_1120 : vector<16xi1>, vector<16xi32>
    %add3A_1128 = arith.addi %get3A_1069, %select_n3A_1127 : vector<16xi32>
    %swap3A_1129 = arith.constant 3 : i32
    %swap3A_1130 = arith.index_cast %swap3A_1129 : i32 to index
    %swap3A_1131 = arith.constant 16 : index
    %swap3A_1132 = tpu.vector_load %arg14[%swap3A_1130, %swap3A_1131] {strides = array<i32>} : memref<4x32xi32, #tpu.memory_space<vmem>>, vector<1x16xi32>,
    %swap3A_1133 = vector.shape_cast %swap3A_1132 : vector<1x16xi32> to vector<16xi32>
    %swap3A_1134 = vector.shape_cast %add3A_1128 : vector<16xi32> to vector<1x16xi32>
    tpu.vector_store %arg14[%swap3A_1130, %swap3A_1131], %swap3A_1134 {strides = array<i32>} : memref<4x32xi32, #tpu.memory_space<vmem>>, vector<1x16xi32>,
    %add3A_1135 = arith.constant 0 : i32
    %add3A_1136 = arith.addi %mul3A_2, %add3A_1135 : i32
    %dma_start3A = arith.constant 0 : i32
    %dma_start3A_1137 = arith.constant 0 : i32
    %dma_start3A_1138 = tpu.memref_slice %arg13[%dma_start3A, %dma_start3A_1137] : memref<4x32xi32, #tpu.memory_space<vmem>> -> memref<1x32xi32, #tpu.memory_space<vmem>>
    %dma_start3A_1139 = tpu.memref_squeeze %dma_start3A_1138 : memref<1x32xi32, #tpu.memory_space<vmem>> -> memref<32xi32, #tpu.memory_space<vmem>>
    %dma_start3A_1140 = arith.constant 0 : i32
    %dma_start3A_1141 = arith.constant 0 : i32
    %dma_start3A_1142 = tpu.memref_slice %arg2[%dma_start3A_1140, %dma_start3A_1141] : memref<10240x1024xf32, #tpu.memory_space<hbm>> -> memref<10240x1024xf32, #tpu.memory_space<hbm>>
    tpu.enqueue_indirect_dma source(%dma_start3A_1142 : memref<10240x1024xf32, #tpu.memory_space<hbm>>) target(%arg15 : memref<32x1024xf32, #tpu.memory_space<vmem>>) offsets(%dma_start3A_1139 : memref<32xi32, #tpu.memory_space<vmem>>) semaphore(%arg17 : memref<!tpu.dma_semaphore, #tpu.memory_space<semaphore_mem>>)
    %dma_start3A_1143 = arith.constant 0 : i32
    %dma_start3A_1144 = arith.constant 0 : i32
    %dma_start3A_1145 = tpu.memref_slice %arg14[%dma_start3A_1143, %dma_start3A_1144] : memref<4x32xi32, #tpu.memory_space<vmem>> -> memref<1x32xi32, #tpu.memory_space<vmem>>
    %dma_start3A_1146 = tpu.memref_squeeze %dma_start3A_1145 : memref<1x32xi32, #tpu.memory_space<vmem>> -> memref<32xi32, #tpu.memory_space<vmem>>
    %dma_start3A_1147 = arith.constant 0 : i32
    %dma_start3A_1148 = arith.constant 0 : i32
    %dma_start3A_1149 = tpu.memref_slice %arg2[%dma_start3A_1147, %dma_start3A_1148] : memref<10240x1024xf32, #tpu.memory_space<hbm>> -> memref<10240x1024xf32, #tpu.memory_space<hbm>>
    tpu.enqueue_indirect_dma source(%dma_start3A_1149 : memref<10240x1024xf32, #tpu.memory_space<hbm>>) target(%arg16 : memref<32x1024xf32, #tpu.memory_space<vmem>>) offsets(%dma_start3A_1146 : memref<32xi32, #tpu.memory_space<vmem>>) semaphore(%arg18 : memref<!tpu.dma_semaphore, #tpu.memory_space<semaphore_mem>>)
    %dma_wait3A = arith.constant 0 : i32
    %dma_wait3A_1150 = arith.constant 0 : i32
    %dma_wait3A_1151 = tpu.memref_slice %arg13[%dma_wait3A, %dma_wait3A_1150] : memref<4x32xi32, #tpu.memory_space<vmem>> -> memref<1x32xi32, #tpu.memory_space<vmem>>
    %dma_wait3A_1152 = tpu.memref_squeeze %dma_wait3A_1151 : memref<1x32xi32, #tpu.memory_space<vmem>> -> memref<32xi32, #tpu.memory_space<vmem>>
    %dma_wait3A_1153 = arith.constant 0 : i32
    %dma_wait3A_1154 = arith.constant 0 : i32
    %dma_wait3A_1155 = tpu.memref_slice %arg2[%dma_wait3A_1153, %dma_wait3A_1154] : memref<10240x1024xf32, #tpu.memory_space<hbm>> -> memref<10240x1024xf32, #tpu.memory_space<hbm>>
    tpu.wait_indirect_dma semaphore(%arg17 : memref<!tpu.dma_semaphore, #tpu.memory_space<semaphore_mem>>) src(%dma_wait3A_1155 : memref<10240x1024xf32, #tpu.memory_space<hbm>>) dst(%arg15 : memref<32x1024xf32, #tpu.memory_space<vmem>>)
    %dma_wait3A_1156 = arith.constant 0 : i32
    %dma_wait3A_1157 = arith.constant 0 : i32
    %dma_wait3A_1158 = tpu.memref_slice %arg14[%dma_wait3A_1156, %dma_wait3A_1157] : memref<4x32xi32, #tpu.memory_space<vmem>> -> memref<1x32xi32, #tpu.memory_space<vmem>>
    %dma_wait3A_1159 = tpu.memref_squeeze %dma_wait3A_1158 : memref<1x32xi32, #tpu.memory_space<vmem>> -> memref<32xi32, #tpu.memory_space<vmem>>
    %dma_wait3A_1160 = arith.constant 0 : i32
    %dma_wait3A_1161 = arith.constant 0 : i32
    %dma_wait3A_1162 = tpu.memref_slice %arg2[%dma_wait3A_1160, %dma_wait3A_1161] : memref<10240x1024xf32, #tpu.memory_space<hbm>> -> memref<10240x1024xf32, #tpu.memory_space<hbm>>
    tpu.wait_indirect_dma semaphore(%arg18 : memref<!tpu.dma_semaphore, #tpu.memory_space<semaphore_mem>>) src(%dma_wait3A_1162 : memref<10240x1024xf32, #tpu.memory_space<hbm>>) dst(%arg16 : memref<32x1024xf32, #tpu.memory_space<vmem>>)
    "tpu.region"() ({
      %run_scoped3A = tpu.sem_alloc : memref<!tpu.dma_semaphore, #tpu.memory_space<semaphore_mem>>
      %dma_start3A_1253 = arith.constant 0 : i32
      %dma_start3A_1254 = tpu.memref_slice %arg8[%add3A_1136, %dma_start3A_1253] : memref<4096x1024xf32, #tpu.memory_space<hbm>> -> memref<32x1024xf32, #tpu.memory_space<hbm>>
      %dma_start3A_1255 = arith.constant 0 : i32
      %dma_start3A_1256 = tpu.memref_slice %arg8[%add3A_1136, %dma_start3A_1255] : memref<4096x1024xf32, #tpu.memory_space<hbm>> -> memref<32x1024xf32, #tpu.memory_space<hbm>>
      tpu.enqueue_dma source(%arg15 : memref<32x1024xf32, #tpu.memory_space<vmem>>) target(%dma_start3A_1256 : memref<32x1024xf32, #tpu.memory_space<hbm>>) target_semaphore(%run_scoped3A : memref<!tpu.dma_semaphore, #tpu.memory_space<semaphore_mem>>)
      %dma_wait3A_1257 = arith.constant 0 : i32
      %dma_wait3A_1258 = tpu.memref_slice %arg8[%add3A_1136, %dma_wait3A_1257] : memref<4096x1024xf32, #tpu.memory_space<hbm>> -> memref<32x1024xf32, #tpu.memory_space<hbm>>
      %dma_wait3A_1259 = arith.constant 0 : i32
      %dma_wait3A_1260 = tpu.memref_slice %arg8[%add3A_1136, %dma_wait3A_1259] : memref<4096x1024xf32, #tpu.memory_space<hbm>> -> memref<32x1024xf32, #tpu.memory_space<hbm>>
      tpu.wait_dma2 semaphore(%run_scoped3A : memref<!tpu.dma_semaphore, #tpu.memory_space<semaphore_mem>>) src(%arg15 : memref<32x1024xf32, #tpu.memory_space<vmem>>) dst(%dma_wait3A_1260 : memref<32x1024xf32, #tpu.memory_space<hbm>>)
      tpu.yield
    }) : () -> ()
    "tpu.region"() ({
      %run_scoped3A = tpu.sem_alloc : memref<!tpu.dma_semaphore, #tpu.memory_space<semaphore_mem>>
      %dma_start3A_1253 = arith.constant 0 : i32
      %dma_start3A_1254 = tpu.memref_slice %arg9[%add3A_1136, %dma_start3A_1253] : memref<4096x1024xf32, #tpu.memory_space<hbm>> -> memref<32x1024xf32, #tpu.memory_space<hbm>>
      %dma_start3A_1255 = arith.constant 0 : i32
      %dma_start3A_1256 = tpu.memref_slice %arg9[%add3A_1136, %dma_start3A_1255] : memref<4096x1024xf32, #tpu.memory_space<hbm>> -> memref<32x1024xf32, #tpu.memory_space<hbm>>
      tpu.enqueue_dma source(%arg16 : memref<32x1024xf32, #tpu.memory_space<vmem>>) target(%dma_start3A_1256 : memref<32x1024xf32, #tpu.memory_space<hbm>>) target_semaphore(%run_scoped3A : memref<!tpu.dma_semaphore, #tpu.memory_space<semaphore_mem>>)
      %dma_wait3A_1257 = arith.constant 0 : i32
      %dma_wait3A_1258 = tpu.memref_slice %arg9[%add3A_1136, %dma_wait3A_1257] : memref<4096x1024xf32, #tpu.memory_space<hbm>> -> memref<32x1024xf32, #tpu.memory_space<hbm>>
      %dma_wait3A_1259 = arith.constant 0 : i32
      %dma_wait3A_1260 = tpu.memref_slice %arg9[%add3A_1136, %dma_wait3A_1259] : memref<4096x1024xf32, #tpu.memory_space<hbm>> -> memref<32x1024xf32, #tpu.memory_space<hbm>>
      tpu.wait_dma2 semaphore(%run_scoped3A : memref<!tpu.dma_semaphore, #tpu.memory_space<semaphore_mem>>) src(%arg16 : memref<32x1024xf32, #tpu.memory_space<vmem>>) dst(%dma_wait3A_1260 : memref<32x1024xf32, #tpu.memory_space<hbm>>)
      tpu.yield
    }) : () -> ()
    %add3A_1163 = arith.constant 32 : i32
    %add3A_1164 = arith.addi %mul3A_2, %add3A_1163 : i32
    %dma_start3A_1165 = arith.constant 1 : i32
    %dma_start3A_1166 = arith.constant 0 : i32
    %dma_start3A_1167 = tpu.memref_slice %arg13[%dma_start3A_1165, %dma_start3A_1166] : memref<4x32xi32, #tpu.memory_space<vmem>> -> memref<1x32xi32, #tpu.memory_space<vmem>>
    %dma_start3A_1168 = tpu.memref_squeeze %dma_start3A_1167 : memref<1x32xi32, #tpu.memory_space<vmem>> -> memref<32xi32, #tpu.memory_space<vmem>>
    %dma_start3A_1169 = arith.constant 0 : i32
    %dma_start3A_1170 = arith.constant 0 : i32
    %dma_start3A_1171 = tpu.memref_slice %arg2[%dma_start3A_1169, %dma_start3A_1170] : memref<10240x1024xf32, #tpu.memory_space<hbm>> -> memref<10240x1024xf32, #tpu.memory_space<hbm>>
    tpu.enqueue_indirect_dma source(%dma_start3A_1171 : memref<10240x1024xf32, #tpu.memory_space<hbm>>) target(%arg15 : memref<32x1024xf32, #tpu.memory_space<vmem>>) offsets(%dma_start3A_1168 : memref<32xi32, #tpu.memory_space<vmem>>) semaphore(%arg17 : memref<!tpu.dma_semaphore, #tpu.memory_space<semaphore_mem>>)
    %dma_start3A_1172 = arith.constant 1 : i32
    %dma_start3A_1173 = arith.constant 0 : i32
    %dma_start3A_1174 = tpu.memref_slice %arg14[%dma_start3A_1172, %dma_start3A_1173] : memref<4x32xi32, #tpu.memory_space<vmem>> -> memref<1x32xi32, #tpu.memory_space<vmem>>
    %dma_start3A_1175 = tpu.memref_squeeze %dma_start3A_1174 : memref<1x32xi32, #tpu.memory_space<vmem>> -> memref<32xi32, #tpu.memory_space<vmem>>
    %dma_start3A_1176 = arith.constant 0 : i32
    %dma_start3A_1177 = arith.constant 0 : i32
    %dma_start3A_1178 = tpu.memref_slice %arg2[%dma_start3A_1176, %dma_start3A_1177] : memref<10240x1024xf32, #tpu.memory_space<hbm>> -> memref<10240x1024xf32, #tpu.memory_space<hbm>>
    tpu.enqueue_indirect_dma source(%dma_start3A_1178 : memref<10240x1024xf32, #tpu.memory_space<hbm>>) target(%arg16 : memref<32x1024xf32, #tpu.memory_space<vmem>>) offsets(%dma_start3A_1175 : memref<32xi32, #tpu.memory_space<vmem>>) semaphore(%arg18 : memref<!tpu.dma_semaphore, #tpu.memory_space<semaphore_mem>>)
    %dma_wait3A_1179 = arith.constant 1 : i32
    %dma_wait3A_1180 = arith.constant 0 : i32
    %dma_wait3A_1181 = tpu.memref_slice %arg13[%dma_wait3A_1179, %dma_wait3A_1180] : memref<4x32xi32, #tpu.memory_space<vmem>> -> memref<1x32xi32, #tpu.memory_space<vmem>>
    %dma_wait3A_1182 = tpu.memref_squeeze %dma_wait3A_1181 : memref<1x32xi32, #tpu.memory_space<vmem>> -> memref<32xi32, #tpu.memory_space<vmem>>
    %dma_wait3A_1183 = arith.constant 0 : i32
    %dma_wait3A_1184 = arith.constant 0 : i32
    %dma_wait3A_1185 = tpu.memref_slice %arg2[%dma_wait3A_1183, %dma_wait3A_1184] : memref<10240x1024xf32, #tpu.memory_space<hbm>> -> memref<10240x1024xf32, #tpu.memory_space<hbm>>
    tpu.wait_indirect_dma semaphore(%arg17 : memref<!tpu.dma_semaphore, #tpu.memory_space<semaphore_mem>>) src(%dma_wait3A_1185 : memref<10240x1024xf32, #tpu.memory_space<hbm>>) dst(%arg15 : memref<32x1024xf32, #tpu.memory_space<vmem>>)
    %dma_wait3A_1186 = arith.constant 1 : i32
    %dma_wait3A_1187 = arith.constant 0 : i32
    %dma_wait3A_1188 = tpu.memref_slice %arg14[%dma_wait3A_1186, %dma_wait3A_1187] : memref<4x32xi32, #tpu.memory_space<vmem>> -> memref<1x32xi32, #tpu.memory_space<vmem>>
    %dma_wait3A_1189 = tpu.memref_squeeze %dma_wait3A_1188 : memref<1x32xi32, #tpu.memory_space<vmem>> -> memref<32xi32, #tpu.memory_space<vmem>>
    %dma_wait3A_1190 = arith.constant 0 : i32
    %dma_wait3A_1191 = arith.constant 0 : i32
    %dma_wait3A_1192 = tpu.memref_slice %arg2[%dma_wait3A_1190, %dma_wait3A_1191] : memref<10240x1024xf32, #tpu.memory_space<hbm>> -> memref<10240x1024xf32, #tpu.memory_space<hbm>>
    tpu.wait_indirect_dma semaphore(%arg18 : memref<!tpu.dma_semaphore, #tpu.memory_space<semaphore_mem>>) src(%dma_wait3A_1192 : memref<10240x1024xf32, #tpu.memory_space<hbm>>) dst(%arg16 : memref<32x1024xf32, #tpu.memory_space<vmem>>)
    "tpu.region"() ({
      %run_scoped3A = tpu.sem_alloc : memref<!tpu.dma_semaphore, #tpu.memory_space<semaphore_mem>>
      %dma_start3A_1253 = arith.constant 0 : i32
      %dma_start3A_1254 = tpu.memref_slice %arg8[%add3A_1164, %dma_start3A_1253] : memref<4096x1024xf32, #tpu.memory_space<hbm>> -> memref<32x1024xf32, #tpu.memory_space<hbm>>
      %dma_start3A_1255 = arith.constant 0 : i32
      %dma_start3A_1256 = tpu.memref_slice %arg8[%add3A_1164, %dma_start3A_1255] : memref<4096x1024xf32, #tpu.memory_space<hbm>> -> memref<32x1024xf32, #tpu.memory_space<hbm>>
      tpu.enqueue_dma source(%arg15 : memref<32x1024xf32, #tpu.memory_space<vmem>>) target(%dma_start3A_1256 : memref<32x1024xf32, #tpu.memory_space<hbm>>) target_semaphore(%run_scoped3A : memref<!tpu.dma_semaphore, #tpu.memory_space<semaphore_mem>>)
      %dma_wait3A_1257 = arith.constant 0 : i32
      %dma_wait3A_1258 = tpu.memref_slice %arg8[%add3A_1164, %dma_wait3A_1257] : memref<4096x1024xf32, #tpu.memory_space<hbm>> -> memref<32x1024xf32, #tpu.memory_space<hbm>>
      %dma_wait3A_1259 = arith.constant 0 : i32
      %dma_wait3A_1260 = tpu.memref_slice %arg8[%add3A_1164, %dma_wait3A_1259] : memref<4096x1024xf32, #tpu.memory_space<hbm>> -> memref<32x1024xf32, #tpu.memory_space<hbm>>
      tpu.wait_dma2 semaphore(%run_scoped3A : memref<!tpu.dma_semaphore, #tpu.memory_space<semaphore_mem>>) src(%arg15 : memref<32x1024xf32, #tpu.memory_space<vmem>>) dst(%dma_wait3A_1260 : memref<32x1024xf32, #tpu.memory_space<hbm>>)
      tpu.yield
    }) : () -> ()
    "tpu.region"() ({
      %run_scoped3A = tpu.sem_alloc : memref<!tpu.dma_semaphore, #tpu.memory_space<semaphore_mem>>
      %dma_start3A_1253 = arith.constant 0 : i32
      %dma_start3A_1254 = tpu.memref_slice %arg9[%add3A_1164, %dma_start3A_1253] : memref<4096x1024xf32, #tpu.memory_space<hbm>> -> memref<32x1024xf32, #tpu.memory_space<hbm>>
      %dma_start3A_1255 = arith.constant 0 : i32
      %dma_start3A_1256 = tpu.memref_slice %arg9[%add3A_1164, %dma_start3A_1255] : memref<4096x1024xf32, #tpu.memory_space<hbm>> -> memref<32x1024xf32, #tpu.memory_space<hbm>>
      tpu.enqueue_dma source(%arg16 : memref<32x1024xf32, #tpu.memory_space<vmem>>) target(%dma_start3A_1256 : memref<32x1024xf32, #tpu.memory_space<hbm>>) target_semaphore(%run_scoped3A : memref<!tpu.dma_semaphore, #tpu.memory_space<semaphore_mem>>)
      %dma_wait3A_1257 = arith.constant 0 : i32
      %dma_wait3A_1258 = tpu.memref_slice %arg9[%add3A_1164, %dma_wait3A_1257] : memref<4096x1024xf32, #tpu.memory_space<hbm>> -> memref<32x1024xf32, #tpu.memory_space<hbm>>
      %dma_wait3A_1259 = arith.constant 0 : i32
      %dma_wait3A_1260 = tpu.memref_slice %arg9[%add3A_1164, %dma_wait3A_1259] : memref<4096x1024xf32, #tpu.memory_space<hbm>> -> memref<32x1024xf32, #tpu.memory_space<hbm>>
      tpu.wait_dma2 semaphore(%run_scoped3A : memref<!tpu.dma_semaphore, #tpu.memory_space<semaphore_mem>>) src(%arg16 : memref<32x1024xf32, #tpu.memory_space<vmem>>) dst(%dma_wait3A_1260 : memref<32x1024xf32, #tpu.memory_space<hbm>>)
      tpu.yield
    }) : () -> ()
    %add3A_1193 = arith.constant 64 : i32
    %add3A_1194 = arith.addi %mul3A_2, %add3A_1193 : i32
    %dma_start3A_1195 = arith.constant 2 : i32
    %dma_start3A_1196 = arith.constant 0 : i32
    %dma_start3A_1197 = tpu.memref_slice %arg13[%dma_start3A_1195, %dma_start3A_1196] : memref<4x32xi32, #tpu.memory_space<vmem>> -> memref<1x32xi32, #tpu.memory_space<vmem>>
    %dma_start3A_1198 = tpu.memref_squeeze %dma_start3A_1197 : memref<1x32xi32, #tpu.memory_space<vmem>> -> memref<32xi32, #tpu.memory_space<vmem>>
    %dma_start3A_1199 = arith.constant 0 : i32
    %dma_start3A_1200 = arith.constant 0 : i32
    %dma_start3A_1201 = tpu.memref_slice %arg2[%dma_start3A_1199, %dma_start3A_1200] : memref<10240x1024xf32, #tpu.memory_space<hbm>> -> memref<10240x1024xf32, #tpu.memory_space<hbm>>
    tpu.enqueue_indirect_dma source(%dma_start3A_1201 : memref<10240x1024xf32, #tpu.memory_space<hbm>>) target(%arg15 : memref<32x1024xf32, #tpu.memory_space<vmem>>) offsets(%dma_start3A_1198 : memref<32xi32, #tpu.memory_space<vmem>>) semaphore(%arg17 : memref<!tpu.dma_semaphore, #tpu.memory_space<semaphore_mem>>)
    %dma_start3A_1202 = arith.constant 2 : i32
    %dma_start3A_1203 = arith.constant 0 : i32
    %dma_start3A_1204 = tpu.memref_slice %arg14[%dma_start3A_1202, %dma_start3A_1203] : memref<4x32xi32, #tpu.memory_space<vmem>> -> memref<1x32xi32, #tpu.memory_space<vmem>>
    %dma_start3A_1205 = tpu.memref_squeeze %dma_start3A_1204 : memref<1x32xi32, #tpu.memory_space<vmem>> -> memref<32xi32, #tpu.memory_space<vmem>>
    %dma_start3A_1206 = arith.constant 0 : i32
    %dma_start3A_1207 = arith.constant 0 : i32
    %dma_start3A_1208 = tpu.memref_slice %arg2[%dma_start3A_1206, %dma_start3A_1207] : memref<10240x1024xf32, #tpu.memory_space<hbm>> -> memref<10240x1024xf32, #tpu.memory_space<hbm>>
    tpu.enqueue_indirect_dma source(%dma_start3A_1208 : memref<10240x1024xf32, #tpu.memory_space<hbm>>) target(%arg16 : memref<32x1024xf32, #tpu.memory_space<vmem>>) offsets(%dma_start3A_1205 : memref<32xi32, #tpu.memory_space<vmem>>) semaphore(%arg18 : memref<!tpu.dma_semaphore, #tpu.memory_space<semaphore_mem>>)
    %dma_wait3A_1209 = arith.constant 2 : i32
    %dma_wait3A_1210 = arith.constant 0 : i32
    %dma_wait3A_1211 = tpu.memref_slice %arg13[%dma_wait3A_1209, %dma_wait3A_1210] : memref<4x32xi32, #tpu.memory_space<vmem>> -> memref<1x32xi32, #tpu.memory_space<vmem>>
    %dma_wait3A_1212 = tpu.memref_squeeze %dma_wait3A_1211 : memref<1x32xi32, #tpu.memory_space<vmem>> -> memref<32xi32, #tpu.memory_space<vmem>>
    %dma_wait3A_1213 = arith.constant 0 : i32
    %dma_wait3A_1214 = arith.constant 0 : i32
    %dma_wait3A_1215 = tpu.memref_slice %arg2[%dma_wait3A_1213, %dma_wait3A_1214] : memref<10240x1024xf32, #tpu.memory_space<hbm>> -> memref<10240x1024xf32, #tpu.memory_space<hbm>>
    tpu.wait_indirect_dma semaphore(%arg17 : memref<!tpu.dma_semaphore, #tpu.memory_space<semaphore_mem>>) src(%dma_wait3A_1215 : memref<10240x1024xf32, #tpu.memory_space<hbm>>) dst(%arg15 : memref<32x1024xf32, #tpu.memory_space<vmem>>)
    %dma_wait3A_1216 = arith.constant 2 : i32
    %dma_wait3A_1217 = arith.constant 0 : i32
    %dma_wait3A_1218 = tpu.memref_slice %arg14[%dma_wait3A_1216, %dma_wait3A_1217] : memref<4x32xi32, #tpu.memory_space<vmem>> -> memref<1x32xi32, #tpu.memory_space<vmem>>
    %dma_wait3A_1219 = tpu.memref_squeeze %dma_wait3A_1218 : memref<1x32xi32, #tpu.memory_space<vmem>> -> memref<32xi32, #tpu.memory_space<vmem>>
    %dma_wait3A_1220 = arith.constant 0 : i32
    %dma_wait3A_1221 = arith.constant 0 : i32
    %dma_wait3A_1222 = tpu.memref_slice %arg2[%dma_wait3A_1220, %dma_wait3A_1221] : memref<10240x1024xf32, #tpu.memory_space<hbm>> -> memref<10240x1024xf32, #tpu.memory_space<hbm>>
    tpu.wait_indirect_dma semaphore(%arg18 : memref<!tpu.dma_semaphore, #tpu.memory_space<semaphore_mem>>) src(%dma_wait3A_1222 : memref<10240x1024xf32, #tpu.memory_space<hbm>>) dst(%arg16 : memref<32x1024xf32, #tpu.memory_space<vmem>>)
    "tpu.region"() ({
      %run_scoped3A = tpu.sem_alloc : memref<!tpu.dma_semaphore, #tpu.memory_space<semaphore_mem>>
      %dma_start3A_1253 = arith.constant 0 : i32
      %dma_start3A_1254 = tpu.memref_slice %arg8[%add3A_1194, %dma_start3A_1253] : memref<4096x1024xf32, #tpu.memory_space<hbm>> -> memref<32x1024xf32, #tpu.memory_space<hbm>>
      %dma_start3A_1255 = arith.constant 0 : i32
      %dma_start3A_1256 = tpu.memref_slice %arg8[%add3A_1194, %dma_start3A_1255] : memref<4096x1024xf32, #tpu.memory_space<hbm>> -> memref<32x1024xf32, #tpu.memory_space<hbm>>
      tpu.enqueue_dma source(%arg15 : memref<32x1024xf32, #tpu.memory_space<vmem>>) target(%dma_start3A_1256 : memref<32x1024xf32, #tpu.memory_space<hbm>>) target_semaphore(%run_scoped3A : memref<!tpu.dma_semaphore, #tpu.memory_space<semaphore_mem>>)
      %dma_wait3A_1257 = arith.constant 0 : i32
      %dma_wait3A_1258 = tpu.memref_slice %arg8[%add3A_1194, %dma_wait3A_1257] : memref<4096x1024xf32, #tpu.memory_space<hbm>> -> memref<32x1024xf32, #tpu.memory_space<hbm>>
      %dma_wait3A_1259 = arith.constant 0 : i32
      %dma_wait3A_1260 = tpu.memref_slice %arg8[%add3A_1194, %dma_wait3A_1259] : memref<4096x1024xf32, #tpu.memory_space<hbm>> -> memref<32x1024xf32, #tpu.memory_space<hbm>>
      tpu.wait_dma2 semaphore(%run_scoped3A : memref<!tpu.dma_semaphore, #tpu.memory_space<semaphore_mem>>) src(%arg15 : memref<32x1024xf32, #tpu.memory_space<vmem>>) dst(%dma_wait3A_1260 : memref<32x1024xf32, #tpu.memory_space<hbm>>)
      tpu.yield
    }) : () -> ()
    "tpu.region"() ({
      %run_scoped3A = tpu.sem_alloc : memref<!tpu.dma_semaphore, #tpu.memory_space<semaphore_mem>>
      %dma_start3A_1253 = arith.constant 0 : i32
      %dma_start3A_1254 = tpu.memref_slice %arg9[%add3A_1194, %dma_start3A_1253] : memref<4096x1024xf32, #tpu.memory_space<hbm>> -> memref<32x1024xf32, #tpu.memory_space<hbm>>
      %dma_start3A_1255 = arith.constant 0 : i32
      %dma_start3A_1256 = tpu.memref_slice %arg9[%add3A_1194, %dma_start3A_1255] : memref<4096x1024xf32, #tpu.memory_space<hbm>> -> memref<32x1024xf32, #tpu.memory_space<hbm>>
      tpu.enqueue_dma source(%arg16 : memref<32x1024xf32, #tpu.memory_space<vmem>>) target(%dma_start3A_1256 : memref<32x1024xf32, #tpu.memory_space<hbm>>) target_semaphore(%run_scoped3A : memref<!tpu.dma_semaphore, #tpu.memory_space<semaphore_mem>>)
      %dma_wait3A_1257 = arith.constant 0 : i32
      %dma_wait3A_1258 = tpu.memref_slice %arg9[%add3A_1194, %dma_wait3A_1257] : memref<4096x1024xf32, #tpu.memory_space<hbm>> -> memref<32x1024xf32, #tpu.memory_space<hbm>>
      %dma_wait3A_1259 = arith.constant 0 : i32
      %dma_wait3A_1260 = tpu.memref_slice %arg9[%add3A_1194, %dma_wait3A_1259] : memref<4096x1024xf32, #tpu.memory_space<hbm>> -> memref<32x1024xf32, #tpu.memory_space<hbm>>
      tpu.wait_dma2 semaphore(%run_scoped3A : memref<!tpu.dma_semaphore, #tpu.memory_space<semaphore_mem>>) src(%arg16 : memref<32x1024xf32, #tpu.memory_space<vmem>>) dst(%dma_wait3A_1260 : memref<32x1024xf32, #tpu.memory_space<hbm>>)
      tpu.yield
    }) : () -> ()
    %add3A_1223 = arith.constant 96 : i32
    %add3A_1224 = arith.addi %mul3A_2, %add3A_1223 : i32
    %dma_start3A_1225 = arith.constant 3 : i32
    %dma_start3A_1226 = arith.constant 0 : i32
    %dma_start3A_1227 = tpu.memref_slice %arg13[%dma_start3A_1225, %dma_start3A_1226] : memref<4x32xi32, #tpu.memory_space<vmem>> -> memref<1x32xi32, #tpu.memory_space<vmem>>
    %dma_start3A_1228 = tpu.memref_squeeze %dma_start3A_1227 : memref<1x32xi32, #tpu.memory_space<vmem>> -> memref<32xi32, #tpu.memory_space<vmem>>
    %dma_start3A_1229 = arith.constant 0 : i32
    %dma_start3A_1230 = arith.constant 0 : i32
    %dma_start3A_1231 = tpu.memref_slice %arg2[%dma_start3A_1229, %dma_start3A_1230] : memref<10240x1024xf32, #tpu.memory_space<hbm>> -> memref<10240x1024xf32, #tpu.memory_space<hbm>>
    tpu.enqueue_indirect_dma source(%dma_start3A_1231 : memref<10240x1024xf32, #tpu.memory_space<hbm>>) target(%arg15 : memref<32x1024xf32, #tpu.memory_space<vmem>>) offsets(%dma_start3A_1228 : memref<32xi32, #tpu.memory_space<vmem>>) semaphore(%arg17 : memref<!tpu.dma_semaphore, #tpu.memory_space<semaphore_mem>>)
    %dma_start3A_1232 = arith.constant 3 : i32
    %dma_start3A_1233 = arith.constant 0 : i32
    %dma_start3A_1234 = tpu.memref_slice %arg14[%dma_start3A_1232, %dma_start3A_1233] : memref<4x32xi32, #tpu.memory_space<vmem>> -> memref<1x32xi32, #tpu.memory_space<vmem>>
    %dma_start3A_1235 = tpu.memref_squeeze %dma_start3A_1234 : memref<1x32xi32, #tpu.memory_space<vmem>> -> memref<32xi32, #tpu.memory_space<vmem>>
    %dma_start3A_1236 = arith.constant 0 : i32
    %dma_start3A_1237 = arith.constant 0 : i32
    %dma_start3A_1238 = tpu.memref_slice %arg2[%dma_start3A_1236, %dma_start3A_1237] : memref<10240x1024xf32, #tpu.memory_space<hbm>> -> memref<10240x1024xf32, #tpu.memory_space<hbm>>
    tpu.enqueue_indirect_dma source(%dma_start3A_1238 : memref<10240x1024xf32, #tpu.memory_space<hbm>>) target(%arg16 : memref<32x1024xf32, #tpu.memory_space<vmem>>) offsets(%dma_start3A_1235 : memref<32xi32, #tpu.memory_space<vmem>>) semaphore(%arg18 : memref<!tpu.dma_semaphore, #tpu.memory_space<semaphore_mem>>)
    %dma_wait3A_1239 = arith.constant 3 : i32
    %dma_wait3A_1240 = arith.constant 0 : i32
    %dma_wait3A_1241 = tpu.memref_slice %arg13[%dma_wait3A_1239, %dma_wait3A_1240] : memref<4x32xi32, #tpu.memory_space<vmem>> -> memref<1x32xi32, #tpu.memory_space<vmem>>
    %dma_wait3A_1242 = tpu.memref_squeeze %dma_wait3A_1241 : memref<1x32xi32, #tpu.memory_space<vmem>> -> memref<32xi32, #tpu.memory_space<vmem>>
    %dma_wait3A_1243 = arith.constant 0 : i32
    %dma_wait3A_1244 = arith.constant 0 : i32
    %dma_wait3A_1245 = tpu.memref_slice %arg2[%dma_wait3A_1243, %dma_wait3A_1244] : memref<10240x1024xf32, #tpu.memory_space<hbm>> -> memref<10240x1024xf32, #tpu.memory_space<hbm>>
    tpu.wait_indirect_dma semaphore(%arg17 : memref<!tpu.dma_semaphore, #tpu.memory_space<semaphore_mem>>) src(%dma_wait3A_1245 : memref<10240x1024xf32, #tpu.memory_space<hbm>>) dst(%arg15 : memref<32x1024xf32, #tpu.memory_space<vmem>>)
    %dma_wait3A_1246 = arith.constant 3 : i32
    %dma_wait3A_1247 = arith.constant 0 : i32
    %dma_wait3A_1248 = tpu.memref_slice %arg14[%dma_wait3A_1246, %dma_wait3A_1247] : memref<4x32xi32, #tpu.memory_space<vmem>> -> memref<1x32xi32, #tpu.memory_space<vmem>>
    %dma_wait3A_1249 = tpu.memref_squeeze %dma_wait3A_1248 : memref<1x32xi32, #tpu.memory_space<vmem>> -> memref<32xi32, #tpu.memory_space<vmem>>
    %dma_wait3A_1250 = arith.constant 0 : i32
    %dma_wait3A_1251 = arith.constant 0 : i32
    %dma_wait3A_1252 = tpu.memref_slice %arg2[%dma_wait3A_1250, %dma_wait3A_1251] : memref<10240x1024xf32, #tpu.memory_space<hbm>> -> memref<10240x1024xf32, #tpu.memory_space<hbm>>
    tpu.wait_indirect_dma semaphore(%arg18 : memref<!tpu.dma_semaphore, #tpu.memory_space<semaphore_mem>>) src(%dma_wait3A_1252 : memref<10240x1024xf32, #tpu.memory_space<hbm>>) dst(%arg16 : memref<32x1024xf32, #tpu.memory_space<vmem>>)
    "tpu.region"() ({
      %run_scoped3A = tpu.sem_alloc : memref<!tpu.dma_semaphore, #tpu.memory_space<semaphore_mem>>
      %dma_start3A_1253 = arith.constant 0 : i32
      %dma_start3A_1254 = tpu.memref_slice %arg8[%add3A_1224, %dma_start3A_1253] : memref<4096x1024xf32, #tpu.memory_space<hbm>> -> memref<32x1024xf32, #tpu.memory_space<hbm>>
      %dma_start3A_1255 = arith.constant 0 : i32
      %dma_start3A_1256 = tpu.memref_slice %arg8[%add3A_1224, %dma_start3A_1255] : memref<4096x1024xf32, #tpu.memory_space<hbm>> -> memref<32x1024xf32, #tpu.memory_space<hbm>>
      tpu.enqueue_dma source(%arg15 : memref<32x1024xf32, #tpu.memory_space<vmem>>) target(%dma_start3A_1256 : memref<32x1024xf32, #tpu.memory_space<hbm>>) target_semaphore(%run_scoped3A : memref<!tpu.dma_semaphore, #tpu.memory_space<semaphore_mem>>)
      %dma_wait3A_1257 = arith.constant 0 : i32
      %dma_wait3A_1258 = tpu.memref_slice %arg8[%add3A_1224, %dma_wait3A_1257] : memref<4096x1024xf32, #tpu.memory_space<hbm>> -> memref<32x1024xf32, #tpu.memory_space<hbm>>
      %dma_wait3A_1259 = arith.constant 0 : i32
      %dma_wait3A_1260 = tpu.memref_slice %arg8[%add3A_1224, %dma_wait3A_1259] : memref<4096x1024xf32, #tpu.memory_space<hbm>> -> memref<32x1024xf32, #tpu.memory_space<hbm>>
      tpu.wait_dma2 semaphore(%run_scoped3A : memref<!tpu.dma_semaphore, #tpu.memory_space<semaphore_mem>>) src(%arg15 : memref<32x1024xf32, #tpu.memory_space<vmem>>) dst(%dma_wait3A_1260 : memref<32x1024xf32, #tpu.memory_space<hbm>>)
      tpu.yield
    }) : () -> ()
    "tpu.region"() ({
      %run_scoped3A = tpu.sem_alloc : memref<!tpu.dma_semaphore, #tpu.memory_space<semaphore_mem>>
      %dma_start3A_1253 = arith.constant 0 : i32
      %dma_start3A_1254 = tpu.memref_slice %arg9[%add3A_1224, %dma_start3A_1253] : memref<4096x1024xf32, #tpu.memory_space<hbm>> -> memref<32x1024xf32, #tpu.memory_space<hbm>>
      %dma_start3A_1255 = arith.constant 0 : i32
      %dma_start3A_1256 = tpu.memref_slice %arg9[%add3A_1224, %dma_start3A_1255] : memref<4096x1024xf32, #tpu.memory_space<hbm>> -> memref<32x1024xf32, #tpu.memory_space<hbm>>
      tpu.enqueue_dma source(%arg16 : memref<32x1024xf32, #tpu.memory_space<vmem>>) target(%dma_start3A_1256 : memref<32x1024xf32, #tpu.memory_space<hbm>>) target_semaphore(%run_scoped3A : memref<!tpu.dma_semaphore, #tpu.memory_space<semaphore_mem>>)
      %dma_wait3A_1257 = arith.constant 0 : i32
      %dma_wait3A_1258 = tpu.memref_slice %arg9[%add3A_1224, %dma_wait3A_1257] : memref<4096x1024xf32, #tpu.memory_space<hbm>> -> memref<32x1024xf32, #tpu.memory_space<hbm>>
      %dma_wait3A_1259 = arith.constant 0 : i32
      %dma_wait3A_1260 = tpu.memref_slice %arg9[%add3A_1224, %dma_wait3A_1259] : memref<4096x1024xf32, #tpu.memory_space<hbm>> -> memref<32x1024xf32, #tpu.memory_space<hbm>>
      tpu.wait_dma2 semaphore(%run_scoped3A : memref<!tpu.dma_semaphore, #tpu.memory_space<semaphore_mem>>) src(%arg16 : memref<32x1024xf32, #tpu.memory_space<vmem>>) dst(%dma_wait3A_1260 : memref<32x1024xf32, #tpu.memory_space<hbm>>)
      tpu.yield
    }) : () -> ()
    return
  }
}

#map = affine_map<(d0, d1) -> (0, 0)>
#map1 = affine_map<(d0, d1) -> (0)>
module attributes {stable_mosaic.version = 14 : i64} {
  func.func @scatter(%arg0: i32, %arg1: i32, %arg2: memref<4096x1024xf32, #tpu.memory_space<hbm>>, %arg3: memref<4096xi32, #tpu.memory_space<hbm>>, %arg4: memref<4096xi32, #tpu.memory_space<hbm>>, %arg5: memref<4096xi32, #tpu.memory_space<hbm>>, %arg6: memref<4096xi32, #tpu.memory_space<hbm>>, %arg7: memref<16xi32, #tpu.memory_space<hbm>>, %arg8: memref<10240x1024xf32, #tpu.memory_space<hbm>>, %arg9: memref<16xi32, #tpu.memory_space<vmem>>, %arg10: memref<128xi32, #tpu.memory_space<vmem>>, %arg11: memref<128xi32, #tpu.memory_space<vmem>>, %arg12: memref<4x32xi32, #tpu.memory_space<vmem>>, %arg13: memref<4x32xi32, #tpu.memory_space<vmem>>, %arg14: memref<32x1024xf32, #tpu.memory_space<vmem>>, %arg15: memref<32x1024xf32, #tpu.memory_space<vmem>>, %arg16: memref<!tpu.dma_semaphore, #tpu.memory_space<semaphore_mem>>, %arg17: memref<!tpu.dma_semaphore, #tpu.memory_space<semaphore_mem>>, %arg18: memref<!tpu.dma_semaphore, #tpu.memory_space<semaphore_mem>>, %arg19: memref<!tpu.dma_semaphore, #tpu.memory_space<semaphore_mem>>) attributes {dimension_semantics = [#tpu.dimension_semantics<core_parallel>, #tpu.dimension_semantics<subcore_parallel>], iteration_bounds = array<i64: 2, 16>, scalar_prefetch = 0 : i64, scratch_operands = 11 : i64, tpu.core_type = #tpu.core_type<sc_vector_subcore>, window_params = [{transform_indices = #map}, {transform_indices = #map1}, {transform_indices = #map1}, {transform_indices = #map1}, {transform_indices = #map1}, {transform_indices = #map1}, {transform_indices = #map}]} {
    %mul3A = arith.constant 2 : i32
    %mul3A_0 = arith.muli %arg1, %mul3A : i32
    %add3A = arith.addi %mul3A_0, %arg0 : i32
    %mul3A_1 = arith.constant 128 : i32
    %mul3A_2 = arith.muli %add3A, %mul3A_1 : i32
    "tpu.region"() ({
      %run_scoped3A = tpu.sem_alloc : memref<!tpu.dma_semaphore, #tpu.memory_space<semaphore_mem>>
      tpu.enqueue_dma source(%arg7 : memref<16xi32, #tpu.memory_space<hbm>>) target(%arg9 : memref<16xi32, #tpu.memory_space<vmem>>) target_semaphore(%run_scoped3A : memref<!tpu.dma_semaphore, #tpu.memory_space<semaphore_mem>>)
      tpu.wait_dma2 semaphore(%run_scoped3A : memref<!tpu.dma_semaphore, #tpu.memory_space<semaphore_mem>>) src(%arg7 : memref<16xi32, #tpu.memory_space<hbm>>) dst(%arg9 : memref<16xi32, #tpu.memory_space<vmem>>)
      tpu.yield
    }) : () -> ()
    %get3A = arith.constant 0 : index
    %get3A_3 = tpu.vector_load %arg9[%get3A] {strides = array<i32>} : memref<16xi32, #tpu.memory_space<vmem>>, vector<16xi32>,
    %get3A_4 = vector.shape_cast %get3A_3 : vector<16xi32> to vector<16xi32>
    %dma_start3A = arith.constant 0 : i32
    %dma_start3A_5 = tpu.memref_slice %arg2[%mul3A_2, %dma_start3A] : memref<4096x1024xf32, #tpu.memory_space<hbm>> -> memref<32x1024xf32, #tpu.memory_space<hbm>>
    %dma_start3A_6 = arith.constant 0 : i32
    %dma_start3A_7 = tpu.memref_slice %arg2[%mul3A_2, %dma_start3A_6] : memref<4096x1024xf32, #tpu.memory_space<hbm>> -> memref<32x1024xf32, #tpu.memory_space<hbm>>
    tpu.enqueue_dma source(%dma_start3A_7 : memref<32x1024xf32, #tpu.memory_space<hbm>>) target(%arg14 : memref<32x1024xf32, #tpu.memory_space<vmem>>) target_semaphore(%arg16 : memref<!tpu.dma_semaphore, #tpu.memory_space<semaphore_mem>>)
    "tpu.region"() ({
      %run_scoped3A = tpu.sem_alloc : memref<!tpu.dma_semaphore, #tpu.memory_space<semaphore_mem>>
      %dma_start3A_1283 = tpu.memref_slice %arg3[%mul3A_2] : memref<4096xi32, #tpu.memory_space<hbm>> -> memref<128xi32, #tpu.memory_space<hbm>>
      %dma_start3A_1284 = tpu.memref_slice %arg3[%mul3A_2] : memref<4096xi32, #tpu.memory_space<hbm>> -> memref<128xi32, #tpu.memory_space<hbm>>
      tpu.enqueue_dma source(%dma_start3A_1284 : memref<128xi32, #tpu.memory_space<hbm>>) target(%arg10 : memref<128xi32, #tpu.memory_space<vmem>>) target_semaphore(%run_scoped3A : memref<!tpu.dma_semaphore, #tpu.memory_space<semaphore_mem>>)
      %dma_wait3A_1285 = tpu.memref_slice %arg3[%mul3A_2] : memref<4096xi32, #tpu.memory_space<hbm>> -> memref<128xi32, #tpu.memory_space<hbm>>
      %dma_wait3A_1286 = tpu.memref_slice %arg3[%mul3A_2] : memref<4096xi32, #tpu.memory_space<hbm>> -> memref<128xi32, #tpu.memory_space<hbm>>
      tpu.wait_dma2 semaphore(%run_scoped3A : memref<!tpu.dma_semaphore, #tpu.memory_space<semaphore_mem>>) src(%dma_wait3A_1286 : memref<128xi32, #tpu.memory_space<hbm>>) dst(%arg10 : memref<128xi32, #tpu.memory_space<vmem>>)
      tpu.yield
    }) : () -> ()
    "tpu.region"() ({
      %run_scoped3A = tpu.sem_alloc : memref<!tpu.dma_semaphore, #tpu.memory_space<semaphore_mem>>
      %dma_start3A_1283 = tpu.memref_slice %arg5[%mul3A_2] : memref<4096xi32, #tpu.memory_space<hbm>> -> memref<128xi32, #tpu.memory_space<hbm>>
      %dma_start3A_1284 = tpu.memref_slice %arg5[%mul3A_2] : memref<4096xi32, #tpu.memory_space<hbm>> -> memref<128xi32, #tpu.memory_space<hbm>>
      tpu.enqueue_dma source(%dma_start3A_1284 : memref<128xi32, #tpu.memory_space<hbm>>) target(%arg11 : memref<128xi32, #tpu.memory_space<vmem>>) target_semaphore(%run_scoped3A : memref<!tpu.dma_semaphore, #tpu.memory_space<semaphore_mem>>)
      %dma_wait3A_1285 = tpu.memref_slice %arg5[%mul3A_2] : memref<4096xi32, #tpu.memory_space<hbm>> -> memref<128xi32, #tpu.memory_space<hbm>>
      %dma_wait3A_1286 = tpu.memref_slice %arg5[%mul3A_2] : memref<4096xi32, #tpu.memory_space<hbm>> -> memref<128xi32, #tpu.memory_space<hbm>>
      tpu.wait_dma2 semaphore(%run_scoped3A : memref<!tpu.dma_semaphore, #tpu.memory_space<semaphore_mem>>) src(%dma_wait3A_1286 : memref<128xi32, #tpu.memory_space<hbm>>) dst(%arg11 : memref<128xi32, #tpu.memory_space<vmem>>)
      tpu.yield
    }) : () -> ()
    %get3A_8 = arith.constant 0 : index
    %get3A_9 = tpu.vector_load %arg10[%get3A_8] {strides = array<i32>} : memref<128xi32, #tpu.memory_space<vmem>>, vector<16xi32>,
    %get3A_10 = vector.shape_cast %get3A_9 : vector<16xi32> to vector<16xi32>
    %get3A_11 = arith.constant 0 : index
    %get3A_12 = tpu.vector_load %arg11[%get3A_11] {strides = array<i32>} : memref<128xi32, #tpu.memory_space<vmem>>, vector<16xi32>,
    %get3A_13 = vector.shape_cast %get3A_12 : vector<16xi32> to vector<16xi32>
    %broadcast_in_dim3A = arith.constant 0 : i32
    %broadcast_in_dim3A_14 = vector.broadcast %broadcast_in_dim3A : i32 to vector<16xi32>
    %eq3A = arith.constant 0 : i32
    %eq3A_15 = vector.broadcast %eq3A : i32 to vector<16xi32>
    %eq3A_16 = arith.cmpi eq, %get3A_10, %eq3A_15 : vector<16xi32>
    %slice3A = vector.extract_strided_slice %get3A_4 {offsets = [0], sizes = [1], strides = [1]} : vector<16xi32> to vector<1xi32>
    %squeeze3A = vector.extract %slice3A[0] : i32 from vector<1xi32>
    %broadcast_in_dim3A_17 = vector.broadcast %squeeze3A : i32 to vector<16xi32>
    %select_n3A = arith.select %eq3A_16, %broadcast_in_dim3A_17, %broadcast_in_dim3A_14 : vector<16xi1>, vector<16xi32>
    %eq3A_18 = arith.constant 1 : i32
    %eq3A_19 = vector.broadcast %eq3A_18 : i32 to vector<16xi32>
    %eq3A_20 = arith.cmpi eq, %get3A_10, %eq3A_19 : vector<16xi32>
    %slice3A_21 = vector.extract_strided_slice %get3A_4 {offsets = [1], sizes = [1], strides = [1]} : vector<16xi32> to vector<1xi32>
    %squeeze3A_22 = vector.extract %slice3A_21[0] : i32 from vector<1xi32>
    %broadcast_in_dim3A_23 = vector.broadcast %squeeze3A_22 : i32 to vector<16xi32>
    %select_n3A_24 = arith.select %eq3A_20, %broadcast_in_dim3A_23, %select_n3A : vector<16xi1>, vector<16xi32>
    %eq3A_25 = arith.constant 2 : i32
    %eq3A_26 = vector.broadcast %eq3A_25 : i32 to vector<16xi32>
    %eq3A_27 = arith.cmpi eq, %get3A_10, %eq3A_26 : vector<16xi32>
    %slice3A_28 = vector.extract_strided_slice %get3A_4 {offsets = [2], sizes = [1], strides = [1]} : vector<16xi32> to vector<1xi32>
    %squeeze3A_29 = vector.extract %slice3A_28[0] : i32 from vector<1xi32>
    %broadcast_in_dim3A_30 = vector.broadcast %squeeze3A_29 : i32 to vector<16xi32>
    %select_n3A_31 = arith.select %eq3A_27, %broadcast_in_dim3A_30, %select_n3A_24 : vector<16xi1>, vector<16xi32>
    %eq3A_32 = arith.constant 3 : i32
    %eq3A_33 = vector.broadcast %eq3A_32 : i32 to vector<16xi32>
    %eq3A_34 = arith.cmpi eq, %get3A_10, %eq3A_33 : vector<16xi32>
    %slice3A_35 = vector.extract_strided_slice %get3A_4 {offsets = [3], sizes = [1], strides = [1]} : vector<16xi32> to vector<1xi32>
    %squeeze3A_36 = vector.extract %slice3A_35[0] : i32 from vector<1xi32>
    %broadcast_in_dim3A_37 = vector.broadcast %squeeze3A_36 : i32 to vector<16xi32>
    %select_n3A_38 = arith.select %eq3A_34, %broadcast_in_dim3A_37, %select_n3A_31 : vector<16xi1>, vector<16xi32>
    %eq3A_39 = arith.constant 4 : i32
    %eq3A_40 = vector.broadcast %eq3A_39 : i32 to vector<16xi32>
    %eq3A_41 = arith.cmpi eq, %get3A_10, %eq3A_40 : vector<16xi32>
    %slice3A_42 = vector.extract_strided_slice %get3A_4 {offsets = [4], sizes = [1], strides = [1]} : vector<16xi32> to vector<1xi32>
    %squeeze3A_43 = vector.extract %slice3A_42[0] : i32 from vector<1xi32>
    %broadcast_in_dim3A_44 = vector.broadcast %squeeze3A_43 : i32 to vector<16xi32>
    %select_n3A_45 = arith.select %eq3A_41, %broadcast_in_dim3A_44, %select_n3A_38 : vector<16xi1>, vector<16xi32>
    %eq3A_46 = arith.constant 5 : i32
    %eq3A_47 = vector.broadcast %eq3A_46 : i32 to vector<16xi32>
    %eq3A_48 = arith.cmpi eq, %get3A_10, %eq3A_47 : vector<16xi32>
    %slice3A_49 = vector.extract_strided_slice %get3A_4 {offsets = [5], sizes = [1], strides = [1]} : vector<16xi32> to vector<1xi32>
    %squeeze3A_50 = vector.extract %slice3A_49[0] : i32 from vector<1xi32>
    %broadcast_in_dim3A_51 = vector.broadcast %squeeze3A_50 : i32 to vector<16xi32>
    %select_n3A_52 = arith.select %eq3A_48, %broadcast_in_dim3A_51, %select_n3A_45 : vector<16xi1>, vector<16xi32>
    %eq3A_53 = arith.constant 6 : i32
    %eq3A_54 = vector.broadcast %eq3A_53 : i32 to vector<16xi32>
    %eq3A_55 = arith.cmpi eq, %get3A_10, %eq3A_54 : vector<16xi32>
    %slice3A_56 = vector.extract_strided_slice %get3A_4 {offsets = [6], sizes = [1], strides = [1]} : vector<16xi32> to vector<1xi32>
    %squeeze3A_57 = vector.extract %slice3A_56[0] : i32 from vector<1xi32>
    %broadcast_in_dim3A_58 = vector.broadcast %squeeze3A_57 : i32 to vector<16xi32>
    %select_n3A_59 = arith.select %eq3A_55, %broadcast_in_dim3A_58, %select_n3A_52 : vector<16xi1>, vector<16xi32>
    %eq3A_60 = arith.constant 7 : i32
    %eq3A_61 = vector.broadcast %eq3A_60 : i32 to vector<16xi32>
    %eq3A_62 = arith.cmpi eq, %get3A_10, %eq3A_61 : vector<16xi32>
    %slice3A_63 = vector.extract_strided_slice %get3A_4 {offsets = [7], sizes = [1], strides = [1]} : vector<16xi32> to vector<1xi32>
    %squeeze3A_64 = vector.extract %slice3A_63[0] : i32 from vector<1xi32>
    %broadcast_in_dim3A_65 = vector.broadcast %squeeze3A_64 : i32 to vector<16xi32>
    %select_n3A_66 = arith.select %eq3A_62, %broadcast_in_dim3A_65, %select_n3A_59 : vector<16xi1>, vector<16xi32>
    %add3A_67 = arith.addi %get3A_13, %select_n3A_66 : vector<16xi32>
    %swap3A = arith.constant 0 : i32
    %swap3A_68 = arith.index_cast %swap3A : i32 to index
    %swap3A_69 = arith.constant 0 : index
    %swap3A_70 = tpu.vector_load %arg12[%swap3A_68, %swap3A_69] {strides = array<i32>} : memref<4x32xi32, #tpu.memory_space<vmem>>, vector<1x16xi32>,
    %swap3A_71 = vector.shape_cast %swap3A_70 : vector<1x16xi32> to vector<16xi32>
    %swap3A_72 = vector.shape_cast %add3A_67 : vector<16xi32> to vector<1x16xi32>
    tpu.vector_store %arg12[%swap3A_68, %swap3A_69], %swap3A_72 {strides = array<i32>} : memref<4x32xi32, #tpu.memory_space<vmem>>, vector<1x16xi32>,
    %get3A_73 = arith.constant 16 : index
    %get3A_74 = tpu.vector_load %arg10[%get3A_73] {strides = array<i32>} : memref<128xi32, #tpu.memory_space<vmem>>, vector<16xi32>,
    %get3A_75 = vector.shape_cast %get3A_74 : vector<16xi32> to vector<16xi32>
    %get3A_76 = arith.constant 16 : index
    %get3A_77 = tpu.vector_load %arg11[%get3A_76] {strides = array<i32>} : memref<128xi32, #tpu.memory_space<vmem>>, vector<16xi32>,
    %get3A_78 = vector.shape_cast %get3A_77 : vector<16xi32> to vector<16xi32>
    %broadcast_in_dim3A_79 = arith.constant 0 : i32
    %broadcast_in_dim3A_80 = vector.broadcast %broadcast_in_dim3A_79 : i32 to vector<16xi32>
    %eq3A_81 = arith.constant 0 : i32
    %eq3A_82 = vector.broadcast %eq3A_81 : i32 to vector<16xi32>
    %eq3A_83 = arith.cmpi eq, %get3A_75, %eq3A_82 : vector<16xi32>
    %slice3A_84 = vector.extract_strided_slice %get3A_4 {offsets = [0], sizes = [1], strides = [1]} : vector<16xi32> to vector<1xi32>
    %squeeze3A_85 = vector.extract %slice3A_84[0] : i32 from vector<1xi32>
    %broadcast_in_dim3A_86 = vector.broadcast %squeeze3A_85 : i32 to vector<16xi32>
    %select_n3A_87 = arith.select %eq3A_83, %broadcast_in_dim3A_86, %broadcast_in_dim3A_80 : vector<16xi1>, vector<16xi32>
    %eq3A_88 = arith.constant 1 : i32
    %eq3A_89 = vector.broadcast %eq3A_88 : i32 to vector<16xi32>
    %eq3A_90 = arith.cmpi eq, %get3A_75, %eq3A_89 : vector<16xi32>
    %slice3A_91 = vector.extract_strided_slice %get3A_4 {offsets = [1], sizes = [1], strides = [1]} : vector<16xi32> to vector<1xi32>
    %squeeze3A_92 = vector.extract %slice3A_91[0] : i32 from vector<1xi32>
    %broadcast_in_dim3A_93 = vector.broadcast %squeeze3A_92 : i32 to vector<16xi32>
    %select_n3A_94 = arith.select %eq3A_90, %broadcast_in_dim3A_93, %select_n3A_87 : vector<16xi1>, vector<16xi32>
    %eq3A_95 = arith.constant 2 : i32
    %eq3A_96 = vector.broadcast %eq3A_95 : i32 to vector<16xi32>
    %eq3A_97 = arith.cmpi eq, %get3A_75, %eq3A_96 : vector<16xi32>
    %slice3A_98 = vector.extract_strided_slice %get3A_4 {offsets = [2], sizes = [1], strides = [1]} : vector<16xi32> to vector<1xi32>
    %squeeze3A_99 = vector.extract %slice3A_98[0] : i32 from vector<1xi32>
    %broadcast_in_dim3A_100 = vector.broadcast %squeeze3A_99 : i32 to vector<16xi32>
    %select_n3A_101 = arith.select %eq3A_97, %broadcast_in_dim3A_100, %select_n3A_94 : vector<16xi1>, vector<16xi32>
    %eq3A_102 = arith.constant 3 : i32
    %eq3A_103 = vector.broadcast %eq3A_102 : i32 to vector<16xi32>
    %eq3A_104 = arith.cmpi eq, %get3A_75, %eq3A_103 : vector<16xi32>
    %slice3A_105 = vector.extract_strided_slice %get3A_4 {offsets = [3], sizes = [1], strides = [1]} : vector<16xi32> to vector<1xi32>
    %squeeze3A_106 = vector.extract %slice3A_105[0] : i32 from vector<1xi32>
    %broadcast_in_dim3A_107 = vector.broadcast %squeeze3A_106 : i32 to vector<16xi32>
    %select_n3A_108 = arith.select %eq3A_104, %broadcast_in_dim3A_107, %select_n3A_101 : vector<16xi1>, vector<16xi32>
    %eq3A_109 = arith.constant 4 : i32
    %eq3A_110 = vector.broadcast %eq3A_109 : i32 to vector<16xi32>
    %eq3A_111 = arith.cmpi eq, %get3A_75, %eq3A_110 : vector<16xi32>
    %slice3A_112 = vector.extract_strided_slice %get3A_4 {offsets = [4], sizes = [1], strides = [1]} : vector<16xi32> to vector<1xi32>
    %squeeze3A_113 = vector.extract %slice3A_112[0] : i32 from vector<1xi32>
    %broadcast_in_dim3A_114 = vector.broadcast %squeeze3A_113 : i32 to vector<16xi32>
    %select_n3A_115 = arith.select %eq3A_111, %broadcast_in_dim3A_114, %select_n3A_108 : vector<16xi1>, vector<16xi32>
    %eq3A_116 = arith.constant 5 : i32
    %eq3A_117 = vector.broadcast %eq3A_116 : i32 to vector<16xi32>
    %eq3A_118 = arith.cmpi eq, %get3A_75, %eq3A_117 : vector<16xi32>
    %slice3A_119 = vector.extract_strided_slice %get3A_4 {offsets = [5], sizes = [1], strides = [1]} : vector<16xi32> to vector<1xi32>
    %squeeze3A_120 = vector.extract %slice3A_119[0] : i32 from vector<1xi32>
    %broadcast_in_dim3A_121 = vector.broadcast %squeeze3A_120 : i32 to vector<16xi32>
    %select_n3A_122 = arith.select %eq3A_118, %broadcast_in_dim3A_121, %select_n3A_115 : vector<16xi1>, vector<16xi32>
    %eq3A_123 = arith.constant 6 : i32
    %eq3A_124 = vector.broadcast %eq3A_123 : i32 to vector<16xi32>
    %eq3A_125 = arith.cmpi eq, %get3A_75, %eq3A_124 : vector<16xi32>
    %slice3A_126 = vector.extract_strided_slice %get3A_4 {offsets = [6], sizes = [1], strides = [1]} : vector<16xi32> to vector<1xi32>
    %squeeze3A_127 = vector.extract %slice3A_126[0] : i32 from vector<1xi32>
    %broadcast_in_dim3A_128 = vector.broadcast %squeeze3A_127 : i32 to vector<16xi32>
    %select_n3A_129 = arith.select %eq3A_125, %broadcast_in_dim3A_128, %select_n3A_122 : vector<16xi1>, vector<16xi32>
    %eq3A_130 = arith.constant 7 : i32
    %eq3A_131 = vector.broadcast %eq3A_130 : i32 to vector<16xi32>
    %eq3A_132 = arith.cmpi eq, %get3A_75, %eq3A_131 : vector<16xi32>
    %slice3A_133 = vector.extract_strided_slice %get3A_4 {offsets = [7], sizes = [1], strides = [1]} : vector<16xi32> to vector<1xi32>
    %squeeze3A_134 = vector.extract %slice3A_133[0] : i32 from vector<1xi32>
    %broadcast_in_dim3A_135 = vector.broadcast %squeeze3A_134 : i32 to vector<16xi32>
    %select_n3A_136 = arith.select %eq3A_132, %broadcast_in_dim3A_135, %select_n3A_129 : vector<16xi1>, vector<16xi32>
    %add3A_137 = arith.addi %get3A_78, %select_n3A_136 : vector<16xi32>
    %swap3A_138 = arith.constant 0 : i32
    %swap3A_139 = arith.index_cast %swap3A_138 : i32 to index
    %swap3A_140 = arith.constant 16 : index
    %swap3A_141 = tpu.vector_load %arg12[%swap3A_139, %swap3A_140] {strides = array<i32>} : memref<4x32xi32, #tpu.memory_space<vmem>>, vector<1x16xi32>,
    %swap3A_142 = vector.shape_cast %swap3A_141 : vector<1x16xi32> to vector<16xi32>
    %swap3A_143 = vector.shape_cast %add3A_137 : vector<16xi32> to vector<1x16xi32>
    tpu.vector_store %arg12[%swap3A_139, %swap3A_140], %swap3A_143 {strides = array<i32>} : memref<4x32xi32, #tpu.memory_space<vmem>>, vector<1x16xi32>,
    %get3A_144 = arith.constant 32 : index
    %get3A_145 = tpu.vector_load %arg10[%get3A_144] {strides = array<i32>} : memref<128xi32, #tpu.memory_space<vmem>>, vector<16xi32>,
    %get3A_146 = vector.shape_cast %get3A_145 : vector<16xi32> to vector<16xi32>
    %get3A_147 = arith.constant 32 : index
    %get3A_148 = tpu.vector_load %arg11[%get3A_147] {strides = array<i32>} : memref<128xi32, #tpu.memory_space<vmem>>, vector<16xi32>,
    %get3A_149 = vector.shape_cast %get3A_148 : vector<16xi32> to vector<16xi32>
    %broadcast_in_dim3A_150 = arith.constant 0 : i32
    %broadcast_in_dim3A_151 = vector.broadcast %broadcast_in_dim3A_150 : i32 to vector<16xi32>
    %eq3A_152 = arith.constant 0 : i32
    %eq3A_153 = vector.broadcast %eq3A_152 : i32 to vector<16xi32>
    %eq3A_154 = arith.cmpi eq, %get3A_146, %eq3A_153 : vector<16xi32>
    %slice3A_155 = vector.extract_strided_slice %get3A_4 {offsets = [0], sizes = [1], strides = [1]} : vector<16xi32> to vector<1xi32>
    %squeeze3A_156 = vector.extract %slice3A_155[0] : i32 from vector<1xi32>
    %broadcast_in_dim3A_157 = vector.broadcast %squeeze3A_156 : i32 to vector<16xi32>
    %select_n3A_158 = arith.select %eq3A_154, %broadcast_in_dim3A_157, %broadcast_in_dim3A_151 : vector<16xi1>, vector<16xi32>
    %eq3A_159 = arith.constant 1 : i32
    %eq3A_160 = vector.broadcast %eq3A_159 : i32 to vector<16xi32>
    %eq3A_161 = arith.cmpi eq, %get3A_146, %eq3A_160 : vector<16xi32>
    %slice3A_162 = vector.extract_strided_slice %get3A_4 {offsets = [1], sizes = [1], strides = [1]} : vector<16xi32> to vector<1xi32>
    %squeeze3A_163 = vector.extract %slice3A_162[0] : i32 from vector<1xi32>
    %broadcast_in_dim3A_164 = vector.broadcast %squeeze3A_163 : i32 to vector<16xi32>
    %select_n3A_165 = arith.select %eq3A_161, %broadcast_in_dim3A_164, %select_n3A_158 : vector<16xi1>, vector<16xi32>
    %eq3A_166 = arith.constant 2 : i32
    %eq3A_167 = vector.broadcast %eq3A_166 : i32 to vector<16xi32>
    %eq3A_168 = arith.cmpi eq, %get3A_146, %eq3A_167 : vector<16xi32>
    %slice3A_169 = vector.extract_strided_slice %get3A_4 {offsets = [2], sizes = [1], strides = [1]} : vector<16xi32> to vector<1xi32>
    %squeeze3A_170 = vector.extract %slice3A_169[0] : i32 from vector<1xi32>
    %broadcast_in_dim3A_171 = vector.broadcast %squeeze3A_170 : i32 to vector<16xi32>
    %select_n3A_172 = arith.select %eq3A_168, %broadcast_in_dim3A_171, %select_n3A_165 : vector<16xi1>, vector<16xi32>
    %eq3A_173 = arith.constant 3 : i32
    %eq3A_174 = vector.broadcast %eq3A_173 : i32 to vector<16xi32>
    %eq3A_175 = arith.cmpi eq, %get3A_146, %eq3A_174 : vector<16xi32>
    %slice3A_176 = vector.extract_strided_slice %get3A_4 {offsets = [3], sizes = [1], strides = [1]} : vector<16xi32> to vector<1xi32>
    %squeeze3A_177 = vector.extract %slice3A_176[0] : i32 from vector<1xi32>
    %broadcast_in_dim3A_178 = vector.broadcast %squeeze3A_177 : i32 to vector<16xi32>
    %select_n3A_179 = arith.select %eq3A_175, %broadcast_in_dim3A_178, %select_n3A_172 : vector<16xi1>, vector<16xi32>
    %eq3A_180 = arith.constant 4 : i32
    %eq3A_181 = vector.broadcast %eq3A_180 : i32 to vector<16xi32>
    %eq3A_182 = arith.cmpi eq, %get3A_146, %eq3A_181 : vector<16xi32>
    %slice3A_183 = vector.extract_strided_slice %get3A_4 {offsets = [4], sizes = [1], strides = [1]} : vector<16xi32> to vector<1xi32>
    %squeeze3A_184 = vector.extract %slice3A_183[0] : i32 from vector<1xi32>
    %broadcast_in_dim3A_185 = vector.broadcast %squeeze3A_184 : i32 to vector<16xi32>
    %select_n3A_186 = arith.select %eq3A_182, %broadcast_in_dim3A_185, %select_n3A_179 : vector<16xi1>, vector<16xi32>
    %eq3A_187 = arith.constant 5 : i32
    %eq3A_188 = vector.broadcast %eq3A_187 : i32 to vector<16xi32>
    %eq3A_189 = arith.cmpi eq, %get3A_146, %eq3A_188 : vector<16xi32>
    %slice3A_190 = vector.extract_strided_slice %get3A_4 {offsets = [5], sizes = [1], strides = [1]} : vector<16xi32> to vector<1xi32>
    %squeeze3A_191 = vector.extract %slice3A_190[0] : i32 from vector<1xi32>
    %broadcast_in_dim3A_192 = vector.broadcast %squeeze3A_191 : i32 to vector<16xi32>
    %select_n3A_193 = arith.select %eq3A_189, %broadcast_in_dim3A_192, %select_n3A_186 : vector<16xi1>, vector<16xi32>
    %eq3A_194 = arith.constant 6 : i32
    %eq3A_195 = vector.broadcast %eq3A_194 : i32 to vector<16xi32>
    %eq3A_196 = arith.cmpi eq, %get3A_146, %eq3A_195 : vector<16xi32>
    %slice3A_197 = vector.extract_strided_slice %get3A_4 {offsets = [6], sizes = [1], strides = [1]} : vector<16xi32> to vector<1xi32>
    %squeeze3A_198 = vector.extract %slice3A_197[0] : i32 from vector<1xi32>
    %broadcast_in_dim3A_199 = vector.broadcast %squeeze3A_198 : i32 to vector<16xi32>
    %select_n3A_200 = arith.select %eq3A_196, %broadcast_in_dim3A_199, %select_n3A_193 : vector<16xi1>, vector<16xi32>
    %eq3A_201 = arith.constant 7 : i32
    %eq3A_202 = vector.broadcast %eq3A_201 : i32 to vector<16xi32>
    %eq3A_203 = arith.cmpi eq, %get3A_146, %eq3A_202 : vector<16xi32>
    %slice3A_204 = vector.extract_strided_slice %get3A_4 {offsets = [7], sizes = [1], strides = [1]} : vector<16xi32> to vector<1xi32>
    %squeeze3A_205 = vector.extract %slice3A_204[0] : i32 from vector<1xi32>
    %broadcast_in_dim3A_206 = vector.broadcast %squeeze3A_205 : i32 to vector<16xi32>
    %select_n3A_207 = arith.select %eq3A_203, %broadcast_in_dim3A_206, %select_n3A_200 : vector<16xi1>, vector<16xi32>
    %add3A_208 = arith.addi %get3A_149, %select_n3A_207 : vector<16xi32>
    %swap3A_209 = arith.constant 1 : i32
    %swap3A_210 = arith.index_cast %swap3A_209 : i32 to index
    %swap3A_211 = arith.constant 0 : index
    %swap3A_212 = tpu.vector_load %arg12[%swap3A_210, %swap3A_211] {strides = array<i32>} : memref<4x32xi32, #tpu.memory_space<vmem>>, vector<1x16xi32>,
    %swap3A_213 = vector.shape_cast %swap3A_212 : vector<1x16xi32> to vector<16xi32>
    %swap3A_214 = vector.shape_cast %add3A_208 : vector<16xi32> to vector<1x16xi32>
    tpu.vector_store %arg12[%swap3A_210, %swap3A_211], %swap3A_214 {strides = array<i32>} : memref<4x32xi32, #tpu.memory_space<vmem>>, vector<1x16xi32>,
    %get3A_215 = arith.constant 48 : index
    %get3A_216 = tpu.vector_load %arg10[%get3A_215] {strides = array<i32>} : memref<128xi32, #tpu.memory_space<vmem>>, vector<16xi32>,
    %get3A_217 = vector.shape_cast %get3A_216 : vector<16xi32> to vector<16xi32>
    %get3A_218 = arith.constant 48 : index
    %get3A_219 = tpu.vector_load %arg11[%get3A_218] {strides = array<i32>} : memref<128xi32, #tpu.memory_space<vmem>>, vector<16xi32>,
    %get3A_220 = vector.shape_cast %get3A_219 : vector<16xi32> to vector<16xi32>
    %broadcast_in_dim3A_221 = arith.constant 0 : i32
    %broadcast_in_dim3A_222 = vector.broadcast %broadcast_in_dim3A_221 : i32 to vector<16xi32>
    %eq3A_223 = arith.constant 0 : i32
    %eq3A_224 = vector.broadcast %eq3A_223 : i32 to vector<16xi32>
    %eq3A_225 = arith.cmpi eq, %get3A_217, %eq3A_224 : vector<16xi32>
    %slice3A_226 = vector.extract_strided_slice %get3A_4 {offsets = [0], sizes = [1], strides = [1]} : vector<16xi32> to vector<1xi32>
    %squeeze3A_227 = vector.extract %slice3A_226[0] : i32 from vector<1xi32>
    %broadcast_in_dim3A_228 = vector.broadcast %squeeze3A_227 : i32 to vector<16xi32>
    %select_n3A_229 = arith.select %eq3A_225, %broadcast_in_dim3A_228, %broadcast_in_dim3A_222 : vector<16xi1>, vector<16xi32>
    %eq3A_230 = arith.constant 1 : i32
    %eq3A_231 = vector.broadcast %eq3A_230 : i32 to vector<16xi32>
    %eq3A_232 = arith.cmpi eq, %get3A_217, %eq3A_231 : vector<16xi32>
    %slice3A_233 = vector.extract_strided_slice %get3A_4 {offsets = [1], sizes = [1], strides = [1]} : vector<16xi32> to vector<1xi32>
    %squeeze3A_234 = vector.extract %slice3A_233[0] : i32 from vector<1xi32>
    %broadcast_in_dim3A_235 = vector.broadcast %squeeze3A_234 : i32 to vector<16xi32>
    %select_n3A_236 = arith.select %eq3A_232, %broadcast_in_dim3A_235, %select_n3A_229 : vector<16xi1>, vector<16xi32>
    %eq3A_237 = arith.constant 2 : i32
    %eq3A_238 = vector.broadcast %eq3A_237 : i32 to vector<16xi32>
    %eq3A_239 = arith.cmpi eq, %get3A_217, %eq3A_238 : vector<16xi32>
    %slice3A_240 = vector.extract_strided_slice %get3A_4 {offsets = [2], sizes = [1], strides = [1]} : vector<16xi32> to vector<1xi32>
    %squeeze3A_241 = vector.extract %slice3A_240[0] : i32 from vector<1xi32>
    %broadcast_in_dim3A_242 = vector.broadcast %squeeze3A_241 : i32 to vector<16xi32>
    %select_n3A_243 = arith.select %eq3A_239, %broadcast_in_dim3A_242, %select_n3A_236 : vector<16xi1>, vector<16xi32>
    %eq3A_244 = arith.constant 3 : i32
    %eq3A_245 = vector.broadcast %eq3A_244 : i32 to vector<16xi32>
    %eq3A_246 = arith.cmpi eq, %get3A_217, %eq3A_245 : vector<16xi32>
    %slice3A_247 = vector.extract_strided_slice %get3A_4 {offsets = [3], sizes = [1], strides = [1]} : vector<16xi32> to vector<1xi32>
    %squeeze3A_248 = vector.extract %slice3A_247[0] : i32 from vector<1xi32>
    %broadcast_in_dim3A_249 = vector.broadcast %squeeze3A_248 : i32 to vector<16xi32>
    %select_n3A_250 = arith.select %eq3A_246, %broadcast_in_dim3A_249, %select_n3A_243 : vector<16xi1>, vector<16xi32>
    %eq3A_251 = arith.constant 4 : i32
    %eq3A_252 = vector.broadcast %eq3A_251 : i32 to vector<16xi32>
    %eq3A_253 = arith.cmpi eq, %get3A_217, %eq3A_252 : vector<16xi32>
    %slice3A_254 = vector.extract_strided_slice %get3A_4 {offsets = [4], sizes = [1], strides = [1]} : vector<16xi32> to vector<1xi32>
    %squeeze3A_255 = vector.extract %slice3A_254[0] : i32 from vector<1xi32>
    %broadcast_in_dim3A_256 = vector.broadcast %squeeze3A_255 : i32 to vector<16xi32>
    %select_n3A_257 = arith.select %eq3A_253, %broadcast_in_dim3A_256, %select_n3A_250 : vector<16xi1>, vector<16xi32>
    %eq3A_258 = arith.constant 5 : i32
    %eq3A_259 = vector.broadcast %eq3A_258 : i32 to vector<16xi32>
    %eq3A_260 = arith.cmpi eq, %get3A_217, %eq3A_259 : vector<16xi32>
    %slice3A_261 = vector.extract_strided_slice %get3A_4 {offsets = [5], sizes = [1], strides = [1]} : vector<16xi32> to vector<1xi32>
    %squeeze3A_262 = vector.extract %slice3A_261[0] : i32 from vector<1xi32>
    %broadcast_in_dim3A_263 = vector.broadcast %squeeze3A_262 : i32 to vector<16xi32>
    %select_n3A_264 = arith.select %eq3A_260, %broadcast_in_dim3A_263, %select_n3A_257 : vector<16xi1>, vector<16xi32>
    %eq3A_265 = arith.constant 6 : i32
    %eq3A_266 = vector.broadcast %eq3A_265 : i32 to vector<16xi32>
    %eq3A_267 = arith.cmpi eq, %get3A_217, %eq3A_266 : vector<16xi32>
    %slice3A_268 = vector.extract_strided_slice %get3A_4 {offsets = [6], sizes = [1], strides = [1]} : vector<16xi32> to vector<1xi32>
    %squeeze3A_269 = vector.extract %slice3A_268[0] : i32 from vector<1xi32>
    %broadcast_in_dim3A_270 = vector.broadcast %squeeze3A_269 : i32 to vector<16xi32>
    %select_n3A_271 = arith.select %eq3A_267, %broadcast_in_dim3A_270, %select_n3A_264 : vector<16xi1>, vector<16xi32>
    %eq3A_272 = arith.constant 7 : i32
    %eq3A_273 = vector.broadcast %eq3A_272 : i32 to vector<16xi32>
    %eq3A_274 = arith.cmpi eq, %get3A_217, %eq3A_273 : vector<16xi32>
    %slice3A_275 = vector.extract_strided_slice %get3A_4 {offsets = [7], sizes = [1], strides = [1]} : vector<16xi32> to vector<1xi32>
    %squeeze3A_276 = vector.extract %slice3A_275[0] : i32 from vector<1xi32>
    %broadcast_in_dim3A_277 = vector.broadcast %squeeze3A_276 : i32 to vector<16xi32>
    %select_n3A_278 = arith.select %eq3A_274, %broadcast_in_dim3A_277, %select_n3A_271 : vector<16xi1>, vector<16xi32>
    %add3A_279 = arith.addi %get3A_220, %select_n3A_278 : vector<16xi32>
    %swap3A_280 = arith.constant 1 : i32
    %swap3A_281 = arith.index_cast %swap3A_280 : i32 to index
    %swap3A_282 = arith.constant 16 : index
    %swap3A_283 = tpu.vector_load %arg12[%swap3A_281, %swap3A_282] {strides = array<i32>} : memref<4x32xi32, #tpu.memory_space<vmem>>, vector<1x16xi32>,
    %swap3A_284 = vector.shape_cast %swap3A_283 : vector<1x16xi32> to vector<16xi32>
    %swap3A_285 = vector.shape_cast %add3A_279 : vector<16xi32> to vector<1x16xi32>
    tpu.vector_store %arg12[%swap3A_281, %swap3A_282], %swap3A_285 {strides = array<i32>} : memref<4x32xi32, #tpu.memory_space<vmem>>, vector<1x16xi32>,
    %get3A_286 = arith.constant 64 : index
    %get3A_287 = tpu.vector_load %arg10[%get3A_286] {strides = array<i32>} : memref<128xi32, #tpu.memory_space<vmem>>, vector<16xi32>,
    %get3A_288 = vector.shape_cast %get3A_287 : vector<16xi32> to vector<16xi32>
    %get3A_289 = arith.constant 64 : index
    %get3A_290 = tpu.vector_load %arg11[%get3A_289] {strides = array<i32>} : memref<128xi32, #tpu.memory_space<vmem>>, vector<16xi32>,
    %get3A_291 = vector.shape_cast %get3A_290 : vector<16xi32> to vector<16xi32>
    %broadcast_in_dim3A_292 = arith.constant 0 : i32
    %broadcast_in_dim3A_293 = vector.broadcast %broadcast_in_dim3A_292 : i32 to vector<16xi32>
    %eq3A_294 = arith.constant 0 : i32
    %eq3A_295 = vector.broadcast %eq3A_294 : i32 to vector<16xi32>
    %eq3A_296 = arith.cmpi eq, %get3A_288, %eq3A_295 : vector<16xi32>
    %slice3A_297 = vector.extract_strided_slice %get3A_4 {offsets = [0], sizes = [1], strides = [1]} : vector<16xi32> to vector<1xi32>
    %squeeze3A_298 = vector.extract %slice3A_297[0] : i32 from vector<1xi32>
    %broadcast_in_dim3A_299 = vector.broadcast %squeeze3A_298 : i32 to vector<16xi32>
    %select_n3A_300 = arith.select %eq3A_296, %broadcast_in_dim3A_299, %broadcast_in_dim3A_293 : vector<16xi1>, vector<16xi32>
    %eq3A_301 = arith.constant 1 : i32
    %eq3A_302 = vector.broadcast %eq3A_301 : i32 to vector<16xi32>
    %eq3A_303 = arith.cmpi eq, %get3A_288, %eq3A_302 : vector<16xi32>
    %slice3A_304 = vector.extract_strided_slice %get3A_4 {offsets = [1], sizes = [1], strides = [1]} : vector<16xi32> to vector<1xi32>
    %squeeze3A_305 = vector.extract %slice3A_304[0] : i32 from vector<1xi32>
    %broadcast_in_dim3A_306 = vector.broadcast %squeeze3A_305 : i32 to vector<16xi32>
    %select_n3A_307 = arith.select %eq3A_303, %broadcast_in_dim3A_306, %select_n3A_300 : vector<16xi1>, vector<16xi32>
    %eq3A_308 = arith.constant 2 : i32
    %eq3A_309 = vector.broadcast %eq3A_308 : i32 to vector<16xi32>
    %eq3A_310 = arith.cmpi eq, %get3A_288, %eq3A_309 : vector<16xi32>
    %slice3A_311 = vector.extract_strided_slice %get3A_4 {offsets = [2], sizes = [1], strides = [1]} : vector<16xi32> to vector<1xi32>
    %squeeze3A_312 = vector.extract %slice3A_311[0] : i32 from vector<1xi32>
    %broadcast_in_dim3A_313 = vector.broadcast %squeeze3A_312 : i32 to vector<16xi32>
    %select_n3A_314 = arith.select %eq3A_310, %broadcast_in_dim3A_313, %select_n3A_307 : vector<16xi1>, vector<16xi32>
    %eq3A_315 = arith.constant 3 : i32
    %eq3A_316 = vector.broadcast %eq3A_315 : i32 to vector<16xi32>
    %eq3A_317 = arith.cmpi eq, %get3A_288, %eq3A_316 : vector<16xi32>
    %slice3A_318 = vector.extract_strided_slice %get3A_4 {offsets = [3], sizes = [1], strides = [1]} : vector<16xi32> to vector<1xi32>
    %squeeze3A_319 = vector.extract %slice3A_318[0] : i32 from vector<1xi32>
    %broadcast_in_dim3A_320 = vector.broadcast %squeeze3A_319 : i32 to vector<16xi32>
    %select_n3A_321 = arith.select %eq3A_317, %broadcast_in_dim3A_320, %select_n3A_314 : vector<16xi1>, vector<16xi32>
    %eq3A_322 = arith.constant 4 : i32
    %eq3A_323 = vector.broadcast %eq3A_322 : i32 to vector<16xi32>
    %eq3A_324 = arith.cmpi eq, %get3A_288, %eq3A_323 : vector<16xi32>
    %slice3A_325 = vector.extract_strided_slice %get3A_4 {offsets = [4], sizes = [1], strides = [1]} : vector<16xi32> to vector<1xi32>
    %squeeze3A_326 = vector.extract %slice3A_325[0] : i32 from vector<1xi32>
    %broadcast_in_dim3A_327 = vector.broadcast %squeeze3A_326 : i32 to vector<16xi32>
    %select_n3A_328 = arith.select %eq3A_324, %broadcast_in_dim3A_327, %select_n3A_321 : vector<16xi1>, vector<16xi32>
    %eq3A_329 = arith.constant 5 : i32
    %eq3A_330 = vector.broadcast %eq3A_329 : i32 to vector<16xi32>
    %eq3A_331 = arith.cmpi eq, %get3A_288, %eq3A_330 : vector<16xi32>
    %slice3A_332 = vector.extract_strided_slice %get3A_4 {offsets = [5], sizes = [1], strides = [1]} : vector<16xi32> to vector<1xi32>
    %squeeze3A_333 = vector.extract %slice3A_332[0] : i32 from vector<1xi32>
    %broadcast_in_dim3A_334 = vector.broadcast %squeeze3A_333 : i32 to vector<16xi32>
    %select_n3A_335 = arith.select %eq3A_331, %broadcast_in_dim3A_334, %select_n3A_328 : vector<16xi1>, vector<16xi32>
    %eq3A_336 = arith.constant 6 : i32
    %eq3A_337 = vector.broadcast %eq3A_336 : i32 to vector<16xi32>
    %eq3A_338 = arith.cmpi eq, %get3A_288, %eq3A_337 : vector<16xi32>
    %slice3A_339 = vector.extract_strided_slice %get3A_4 {offsets = [6], sizes = [1], strides = [1]} : vector<16xi32> to vector<1xi32>
    %squeeze3A_340 = vector.extract %slice3A_339[0] : i32 from vector<1xi32>
    %broadcast_in_dim3A_341 = vector.broadcast %squeeze3A_340 : i32 to vector<16xi32>
    %select_n3A_342 = arith.select %eq3A_338, %broadcast_in_dim3A_341, %select_n3A_335 : vector<16xi1>, vector<16xi32>
    %eq3A_343 = arith.constant 7 : i32
    %eq3A_344 = vector.broadcast %eq3A_343 : i32 to vector<16xi32>
    %eq3A_345 = arith.cmpi eq, %get3A_288, %eq3A_344 : vector<16xi32>
    %slice3A_346 = vector.extract_strided_slice %get3A_4 {offsets = [7], sizes = [1], strides = [1]} : vector<16xi32> to vector<1xi32>
    %squeeze3A_347 = vector.extract %slice3A_346[0] : i32 from vector<1xi32>
    %broadcast_in_dim3A_348 = vector.broadcast %squeeze3A_347 : i32 to vector<16xi32>
    %select_n3A_349 = arith.select %eq3A_345, %broadcast_in_dim3A_348, %select_n3A_342 : vector<16xi1>, vector<16xi32>
    %add3A_350 = arith.addi %get3A_291, %select_n3A_349 : vector<16xi32>
    %swap3A_351 = arith.constant 2 : i32
    %swap3A_352 = arith.index_cast %swap3A_351 : i32 to index
    %swap3A_353 = arith.constant 0 : index
    %swap3A_354 = tpu.vector_load %arg12[%swap3A_352, %swap3A_353] {strides = array<i32>} : memref<4x32xi32, #tpu.memory_space<vmem>>, vector<1x16xi32>,
    %swap3A_355 = vector.shape_cast %swap3A_354 : vector<1x16xi32> to vector<16xi32>
    %swap3A_356 = vector.shape_cast %add3A_350 : vector<16xi32> to vector<1x16xi32>
    tpu.vector_store %arg12[%swap3A_352, %swap3A_353], %swap3A_356 {strides = array<i32>} : memref<4x32xi32, #tpu.memory_space<vmem>>, vector<1x16xi32>,
    %get3A_357 = arith.constant 80 : index
    %get3A_358 = tpu.vector_load %arg10[%get3A_357] {strides = array<i32>} : memref<128xi32, #tpu.memory_space<vmem>>, vector<16xi32>,
    %get3A_359 = vector.shape_cast %get3A_358 : vector<16xi32> to vector<16xi32>
    %get3A_360 = arith.constant 80 : index
    %get3A_361 = tpu.vector_load %arg11[%get3A_360] {strides = array<i32>} : memref<128xi32, #tpu.memory_space<vmem>>, vector<16xi32>,
    %get3A_362 = vector.shape_cast %get3A_361 : vector<16xi32> to vector<16xi32>
    %broadcast_in_dim3A_363 = arith.constant 0 : i32
    %broadcast_in_dim3A_364 = vector.broadcast %broadcast_in_dim3A_363 : i32 to vector<16xi32>
    %eq3A_365 = arith.constant 0 : i32
    %eq3A_366 = vector.broadcast %eq3A_365 : i32 to vector<16xi32>
    %eq3A_367 = arith.cmpi eq, %get3A_359, %eq3A_366 : vector<16xi32>
    %slice3A_368 = vector.extract_strided_slice %get3A_4 {offsets = [0], sizes = [1], strides = [1]} : vector<16xi32> to vector<1xi32>
    %squeeze3A_369 = vector.extract %slice3A_368[0] : i32 from vector<1xi32>
    %broadcast_in_dim3A_370 = vector.broadcast %squeeze3A_369 : i32 to vector<16xi32>
    %select_n3A_371 = arith.select %eq3A_367, %broadcast_in_dim3A_370, %broadcast_in_dim3A_364 : vector<16xi1>, vector<16xi32>
    %eq3A_372 = arith.constant 1 : i32
    %eq3A_373 = vector.broadcast %eq3A_372 : i32 to vector<16xi32>
    %eq3A_374 = arith.cmpi eq, %get3A_359, %eq3A_373 : vector<16xi32>
    %slice3A_375 = vector.extract_strided_slice %get3A_4 {offsets = [1], sizes = [1], strides = [1]} : vector<16xi32> to vector<1xi32>
    %squeeze3A_376 = vector.extract %slice3A_375[0] : i32 from vector<1xi32>
    %broadcast_in_dim3A_377 = vector.broadcast %squeeze3A_376 : i32 to vector<16xi32>
    %select_n3A_378 = arith.select %eq3A_374, %broadcast_in_dim3A_377, %select_n3A_371 : vector<16xi1>, vector<16xi32>
    %eq3A_379 = arith.constant 2 : i32
    %eq3A_380 = vector.broadcast %eq3A_379 : i32 to vector<16xi32>
    %eq3A_381 = arith.cmpi eq, %get3A_359, %eq3A_380 : vector<16xi32>
    %slice3A_382 = vector.extract_strided_slice %get3A_4 {offsets = [2], sizes = [1], strides = [1]} : vector<16xi32> to vector<1xi32>
    %squeeze3A_383 = vector.extract %slice3A_382[0] : i32 from vector<1xi32>
    %broadcast_in_dim3A_384 = vector.broadcast %squeeze3A_383 : i32 to vector<16xi32>
    %select_n3A_385 = arith.select %eq3A_381, %broadcast_in_dim3A_384, %select_n3A_378 : vector<16xi1>, vector<16xi32>
    %eq3A_386 = arith.constant 3 : i32
    %eq3A_387 = vector.broadcast %eq3A_386 : i32 to vector<16xi32>
    %eq3A_388 = arith.cmpi eq, %get3A_359, %eq3A_387 : vector<16xi32>
    %slice3A_389 = vector.extract_strided_slice %get3A_4 {offsets = [3], sizes = [1], strides = [1]} : vector<16xi32> to vector<1xi32>
    %squeeze3A_390 = vector.extract %slice3A_389[0] : i32 from vector<1xi32>
    %broadcast_in_dim3A_391 = vector.broadcast %squeeze3A_390 : i32 to vector<16xi32>
    %select_n3A_392 = arith.select %eq3A_388, %broadcast_in_dim3A_391, %select_n3A_385 : vector<16xi1>, vector<16xi32>
    %eq3A_393 = arith.constant 4 : i32
    %eq3A_394 = vector.broadcast %eq3A_393 : i32 to vector<16xi32>
    %eq3A_395 = arith.cmpi eq, %get3A_359, %eq3A_394 : vector<16xi32>
    %slice3A_396 = vector.extract_strided_slice %get3A_4 {offsets = [4], sizes = [1], strides = [1]} : vector<16xi32> to vector<1xi32>
    %squeeze3A_397 = vector.extract %slice3A_396[0] : i32 from vector<1xi32>
    %broadcast_in_dim3A_398 = vector.broadcast %squeeze3A_397 : i32 to vector<16xi32>
    %select_n3A_399 = arith.select %eq3A_395, %broadcast_in_dim3A_398, %select_n3A_392 : vector<16xi1>, vector<16xi32>
    %eq3A_400 = arith.constant 5 : i32
    %eq3A_401 = vector.broadcast %eq3A_400 : i32 to vector<16xi32>
    %eq3A_402 = arith.cmpi eq, %get3A_359, %eq3A_401 : vector<16xi32>
    %slice3A_403 = vector.extract_strided_slice %get3A_4 {offsets = [5], sizes = [1], strides = [1]} : vector<16xi32> to vector<1xi32>
    %squeeze3A_404 = vector.extract %slice3A_403[0] : i32 from vector<1xi32>
    %broadcast_in_dim3A_405 = vector.broadcast %squeeze3A_404 : i32 to vector<16xi32>
    %select_n3A_406 = arith.select %eq3A_402, %broadcast_in_dim3A_405, %select_n3A_399 : vector<16xi1>, vector<16xi32>
    %eq3A_407 = arith.constant 6 : i32
    %eq3A_408 = vector.broadcast %eq3A_407 : i32 to vector<16xi32>
    %eq3A_409 = arith.cmpi eq, %get3A_359, %eq3A_408 : vector<16xi32>
    %slice3A_410 = vector.extract_strided_slice %get3A_4 {offsets = [6], sizes = [1], strides = [1]} : vector<16xi32> to vector<1xi32>
    %squeeze3A_411 = vector.extract %slice3A_410[0] : i32 from vector<1xi32>
    %broadcast_in_dim3A_412 = vector.broadcast %squeeze3A_411 : i32 to vector<16xi32>
    %select_n3A_413 = arith.select %eq3A_409, %broadcast_in_dim3A_412, %select_n3A_406 : vector<16xi1>, vector<16xi32>
    %eq3A_414 = arith.constant 7 : i32
    %eq3A_415 = vector.broadcast %eq3A_414 : i32 to vector<16xi32>
    %eq3A_416 = arith.cmpi eq, %get3A_359, %eq3A_415 : vector<16xi32>
    %slice3A_417 = vector.extract_strided_slice %get3A_4 {offsets = [7], sizes = [1], strides = [1]} : vector<16xi32> to vector<1xi32>
    %squeeze3A_418 = vector.extract %slice3A_417[0] : i32 from vector<1xi32>
    %broadcast_in_dim3A_419 = vector.broadcast %squeeze3A_418 : i32 to vector<16xi32>
    %select_n3A_420 = arith.select %eq3A_416, %broadcast_in_dim3A_419, %select_n3A_413 : vector<16xi1>, vector<16xi32>
    %add3A_421 = arith.addi %get3A_362, %select_n3A_420 : vector<16xi32>
    %swap3A_422 = arith.constant 2 : i32
    %swap3A_423 = arith.index_cast %swap3A_422 : i32 to index
    %swap3A_424 = arith.constant 16 : index
    %swap3A_425 = tpu.vector_load %arg12[%swap3A_423, %swap3A_424] {strides = array<i32>} : memref<4x32xi32, #tpu.memory_space<vmem>>, vector<1x16xi32>,
    %swap3A_426 = vector.shape_cast %swap3A_425 : vector<1x16xi32> to vector<16xi32>
    %swap3A_427 = vector.shape_cast %add3A_421 : vector<16xi32> to vector<1x16xi32>
    tpu.vector_store %arg12[%swap3A_423, %swap3A_424], %swap3A_427 {strides = array<i32>} : memref<4x32xi32, #tpu.memory_space<vmem>>, vector<1x16xi32>,
    %get3A_428 = arith.constant 96 : index
    %get3A_429 = tpu.vector_load %arg10[%get3A_428] {strides = array<i32>} : memref<128xi32, #tpu.memory_space<vmem>>, vector<16xi32>,
    %get3A_430 = vector.shape_cast %get3A_429 : vector<16xi32> to vector<16xi32>
    %get3A_431 = arith.constant 96 : index
    %get3A_432 = tpu.vector_load %arg11[%get3A_431] {strides = array<i32>} : memref<128xi32, #tpu.memory_space<vmem>>, vector<16xi32>,
    %get3A_433 = vector.shape_cast %get3A_432 : vector<16xi32> to vector<16xi32>
    %broadcast_in_dim3A_434 = arith.constant 0 : i32
    %broadcast_in_dim3A_435 = vector.broadcast %broadcast_in_dim3A_434 : i32 to vector<16xi32>
    %eq3A_436 = arith.constant 0 : i32
    %eq3A_437 = vector.broadcast %eq3A_436 : i32 to vector<16xi32>
    %eq3A_438 = arith.cmpi eq, %get3A_430, %eq3A_437 : vector<16xi32>
    %slice3A_439 = vector.extract_strided_slice %get3A_4 {offsets = [0], sizes = [1], strides = [1]} : vector<16xi32> to vector<1xi32>
    %squeeze3A_440 = vector.extract %slice3A_439[0] : i32 from vector<1xi32>
    %broadcast_in_dim3A_441 = vector.broadcast %squeeze3A_440 : i32 to vector<16xi32>
    %select_n3A_442 = arith.select %eq3A_438, %broadcast_in_dim3A_441, %broadcast_in_dim3A_435 : vector<16xi1>, vector<16xi32>
    %eq3A_443 = arith.constant 1 : i32
    %eq3A_444 = vector.broadcast %eq3A_443 : i32 to vector<16xi32>
    %eq3A_445 = arith.cmpi eq, %get3A_430, %eq3A_444 : vector<16xi32>
    %slice3A_446 = vector.extract_strided_slice %get3A_4 {offsets = [1], sizes = [1], strides = [1]} : vector<16xi32> to vector<1xi32>
    %squeeze3A_447 = vector.extract %slice3A_446[0] : i32 from vector<1xi32>
    %broadcast_in_dim3A_448 = vector.broadcast %squeeze3A_447 : i32 to vector<16xi32>
    %select_n3A_449 = arith.select %eq3A_445, %broadcast_in_dim3A_448, %select_n3A_442 : vector<16xi1>, vector<16xi32>
    %eq3A_450 = arith.constant 2 : i32
    %eq3A_451 = vector.broadcast %eq3A_450 : i32 to vector<16xi32>
    %eq3A_452 = arith.cmpi eq, %get3A_430, %eq3A_451 : vector<16xi32>
    %slice3A_453 = vector.extract_strided_slice %get3A_4 {offsets = [2], sizes = [1], strides = [1]} : vector<16xi32> to vector<1xi32>
    %squeeze3A_454 = vector.extract %slice3A_453[0] : i32 from vector<1xi32>
    %broadcast_in_dim3A_455 = vector.broadcast %squeeze3A_454 : i32 to vector<16xi32>
    %select_n3A_456 = arith.select %eq3A_452, %broadcast_in_dim3A_455, %select_n3A_449 : vector<16xi1>, vector<16xi32>
    %eq3A_457 = arith.constant 3 : i32
    %eq3A_458 = vector.broadcast %eq3A_457 : i32 to vector<16xi32>
    %eq3A_459 = arith.cmpi eq, %get3A_430, %eq3A_458 : vector<16xi32>
    %slice3A_460 = vector.extract_strided_slice %get3A_4 {offsets = [3], sizes = [1], strides = [1]} : vector<16xi32> to vector<1xi32>
    %squeeze3A_461 = vector.extract %slice3A_460[0] : i32 from vector<1xi32>
    %broadcast_in_dim3A_462 = vector.broadcast %squeeze3A_461 : i32 to vector<16xi32>
    %select_n3A_463 = arith.select %eq3A_459, %broadcast_in_dim3A_462, %select_n3A_456 : vector<16xi1>, vector<16xi32>
    %eq3A_464 = arith.constant 4 : i32
    %eq3A_465 = vector.broadcast %eq3A_464 : i32 to vector<16xi32>
    %eq3A_466 = arith.cmpi eq, %get3A_430, %eq3A_465 : vector<16xi32>
    %slice3A_467 = vector.extract_strided_slice %get3A_4 {offsets = [4], sizes = [1], strides = [1]} : vector<16xi32> to vector<1xi32>
    %squeeze3A_468 = vector.extract %slice3A_467[0] : i32 from vector<1xi32>
    %broadcast_in_dim3A_469 = vector.broadcast %squeeze3A_468 : i32 to vector<16xi32>
    %select_n3A_470 = arith.select %eq3A_466, %broadcast_in_dim3A_469, %select_n3A_463 : vector<16xi1>, vector<16xi32>
    %eq3A_471 = arith.constant 5 : i32
    %eq3A_472 = vector.broadcast %eq3A_471 : i32 to vector<16xi32>
    %eq3A_473 = arith.cmpi eq, %get3A_430, %eq3A_472 : vector<16xi32>
    %slice3A_474 = vector.extract_strided_slice %get3A_4 {offsets = [5], sizes = [1], strides = [1]} : vector<16xi32> to vector<1xi32>
    %squeeze3A_475 = vector.extract %slice3A_474[0] : i32 from vector<1xi32>
    %broadcast_in_dim3A_476 = vector.broadcast %squeeze3A_475 : i32 to vector<16xi32>
    %select_n3A_477 = arith.select %eq3A_473, %broadcast_in_dim3A_476, %select_n3A_470 : vector<16xi1>, vector<16xi32>
    %eq3A_478 = arith.constant 6 : i32
    %eq3A_479 = vector.broadcast %eq3A_478 : i32 to vector<16xi32>
    %eq3A_480 = arith.cmpi eq, %get3A_430, %eq3A_479 : vector<16xi32>
    %slice3A_481 = vector.extract_strided_slice %get3A_4 {offsets = [6], sizes = [1], strides = [1]} : vector<16xi32> to vector<1xi32>
    %squeeze3A_482 = vector.extract %slice3A_481[0] : i32 from vector<1xi32>
    %broadcast_in_dim3A_483 = vector.broadcast %squeeze3A_482 : i32 to vector<16xi32>
    %select_n3A_484 = arith.select %eq3A_480, %broadcast_in_dim3A_483, %select_n3A_477 : vector<16xi1>, vector<16xi32>
    %eq3A_485 = arith.constant 7 : i32
    %eq3A_486 = vector.broadcast %eq3A_485 : i32 to vector<16xi32>
    %eq3A_487 = arith.cmpi eq, %get3A_430, %eq3A_486 : vector<16xi32>
    %slice3A_488 = vector.extract_strided_slice %get3A_4 {offsets = [7], sizes = [1], strides = [1]} : vector<16xi32> to vector<1xi32>
    %squeeze3A_489 = vector.extract %slice3A_488[0] : i32 from vector<1xi32>
    %broadcast_in_dim3A_490 = vector.broadcast %squeeze3A_489 : i32 to vector<16xi32>
    %select_n3A_491 = arith.select %eq3A_487, %broadcast_in_dim3A_490, %select_n3A_484 : vector<16xi1>, vector<16xi32>
    %add3A_492 = arith.addi %get3A_433, %select_n3A_491 : vector<16xi32>
    %swap3A_493 = arith.constant 3 : i32
    %swap3A_494 = arith.index_cast %swap3A_493 : i32 to index
    %swap3A_495 = arith.constant 0 : index
    %swap3A_496 = tpu.vector_load %arg12[%swap3A_494, %swap3A_495] {strides = array<i32>} : memref<4x32xi32, #tpu.memory_space<vmem>>, vector<1x16xi32>,
    %swap3A_497 = vector.shape_cast %swap3A_496 : vector<1x16xi32> to vector<16xi32>
    %swap3A_498 = vector.shape_cast %add3A_492 : vector<16xi32> to vector<1x16xi32>
    tpu.vector_store %arg12[%swap3A_494, %swap3A_495], %swap3A_498 {strides = array<i32>} : memref<4x32xi32, #tpu.memory_space<vmem>>, vector<1x16xi32>,
    %get3A_499 = arith.constant 112 : index
    %get3A_500 = tpu.vector_load %arg10[%get3A_499] {strides = array<i32>} : memref<128xi32, #tpu.memory_space<vmem>>, vector<16xi32>,
    %get3A_501 = vector.shape_cast %get3A_500 : vector<16xi32> to vector<16xi32>
    %get3A_502 = arith.constant 112 : index
    %get3A_503 = tpu.vector_load %arg11[%get3A_502] {strides = array<i32>} : memref<128xi32, #tpu.memory_space<vmem>>, vector<16xi32>,
    %get3A_504 = vector.shape_cast %get3A_503 : vector<16xi32> to vector<16xi32>
    %broadcast_in_dim3A_505 = arith.constant 0 : i32
    %broadcast_in_dim3A_506 = vector.broadcast %broadcast_in_dim3A_505 : i32 to vector<16xi32>
    %eq3A_507 = arith.constant 0 : i32
    %eq3A_508 = vector.broadcast %eq3A_507 : i32 to vector<16xi32>
    %eq3A_509 = arith.cmpi eq, %get3A_501, %eq3A_508 : vector<16xi32>
    %slice3A_510 = vector.extract_strided_slice %get3A_4 {offsets = [0], sizes = [1], strides = [1]} : vector<16xi32> to vector<1xi32>
    %squeeze3A_511 = vector.extract %slice3A_510[0] : i32 from vector<1xi32>
    %broadcast_in_dim3A_512 = vector.broadcast %squeeze3A_511 : i32 to vector<16xi32>
    %select_n3A_513 = arith.select %eq3A_509, %broadcast_in_dim3A_512, %broadcast_in_dim3A_506 : vector<16xi1>, vector<16xi32>
    %eq3A_514 = arith.constant 1 : i32
    %eq3A_515 = vector.broadcast %eq3A_514 : i32 to vector<16xi32>
    %eq3A_516 = arith.cmpi eq, %get3A_501, %eq3A_515 : vector<16xi32>
    %slice3A_517 = vector.extract_strided_slice %get3A_4 {offsets = [1], sizes = [1], strides = [1]} : vector<16xi32> to vector<1xi32>
    %squeeze3A_518 = vector.extract %slice3A_517[0] : i32 from vector<1xi32>
    %broadcast_in_dim3A_519 = vector.broadcast %squeeze3A_518 : i32 to vector<16xi32>
    %select_n3A_520 = arith.select %eq3A_516, %broadcast_in_dim3A_519, %select_n3A_513 : vector<16xi1>, vector<16xi32>
    %eq3A_521 = arith.constant 2 : i32
    %eq3A_522 = vector.broadcast %eq3A_521 : i32 to vector<16xi32>
    %eq3A_523 = arith.cmpi eq, %get3A_501, %eq3A_522 : vector<16xi32>
    %slice3A_524 = vector.extract_strided_slice %get3A_4 {offsets = [2], sizes = [1], strides = [1]} : vector<16xi32> to vector<1xi32>
    %squeeze3A_525 = vector.extract %slice3A_524[0] : i32 from vector<1xi32>
    %broadcast_in_dim3A_526 = vector.broadcast %squeeze3A_525 : i32 to vector<16xi32>
    %select_n3A_527 = arith.select %eq3A_523, %broadcast_in_dim3A_526, %select_n3A_520 : vector<16xi1>, vector<16xi32>
    %eq3A_528 = arith.constant 3 : i32
    %eq3A_529 = vector.broadcast %eq3A_528 : i32 to vector<16xi32>
    %eq3A_530 = arith.cmpi eq, %get3A_501, %eq3A_529 : vector<16xi32>
    %slice3A_531 = vector.extract_strided_slice %get3A_4 {offsets = [3], sizes = [1], strides = [1]} : vector<16xi32> to vector<1xi32>
    %squeeze3A_532 = vector.extract %slice3A_531[0] : i32 from vector<1xi32>
    %broadcast_in_dim3A_533 = vector.broadcast %squeeze3A_532 : i32 to vector<16xi32>
    %select_n3A_534 = arith.select %eq3A_530, %broadcast_in_dim3A_533, %select_n3A_527 : vector<16xi1>, vector<16xi32>
    %eq3A_535 = arith.constant 4 : i32
    %eq3A_536 = vector.broadcast %eq3A_535 : i32 to vector<16xi32>
    %eq3A_537 = arith.cmpi eq, %get3A_501, %eq3A_536 : vector<16xi32>
    %slice3A_538 = vector.extract_strided_slice %get3A_4 {offsets = [4], sizes = [1], strides = [1]} : vector<16xi32> to vector<1xi32>
    %squeeze3A_539 = vector.extract %slice3A_538[0] : i32 from vector<1xi32>
    %broadcast_in_dim3A_540 = vector.broadcast %squeeze3A_539 : i32 to vector<16xi32>
    %select_n3A_541 = arith.select %eq3A_537, %broadcast_in_dim3A_540, %select_n3A_534 : vector<16xi1>, vector<16xi32>
    %eq3A_542 = arith.constant 5 : i32
    %eq3A_543 = vector.broadcast %eq3A_542 : i32 to vector<16xi32>
    %eq3A_544 = arith.cmpi eq, %get3A_501, %eq3A_543 : vector<16xi32>
    %slice3A_545 = vector.extract_strided_slice %get3A_4 {offsets = [5], sizes = [1], strides = [1]} : vector<16xi32> to vector<1xi32>
    %squeeze3A_546 = vector.extract %slice3A_545[0] : i32 from vector<1xi32>
    %broadcast_in_dim3A_547 = vector.broadcast %squeeze3A_546 : i32 to vector<16xi32>
    %select_n3A_548 = arith.select %eq3A_544, %broadcast_in_dim3A_547, %select_n3A_541 : vector<16xi1>, vector<16xi32>
    %eq3A_549 = arith.constant 6 : i32
    %eq3A_550 = vector.broadcast %eq3A_549 : i32 to vector<16xi32>
    %eq3A_551 = arith.cmpi eq, %get3A_501, %eq3A_550 : vector<16xi32>
    %slice3A_552 = vector.extract_strided_slice %get3A_4 {offsets = [6], sizes = [1], strides = [1]} : vector<16xi32> to vector<1xi32>
    %squeeze3A_553 = vector.extract %slice3A_552[0] : i32 from vector<1xi32>
    %broadcast_in_dim3A_554 = vector.broadcast %squeeze3A_553 : i32 to vector<16xi32>
    %select_n3A_555 = arith.select %eq3A_551, %broadcast_in_dim3A_554, %select_n3A_548 : vector<16xi1>, vector<16xi32>
    %eq3A_556 = arith.constant 7 : i32
    %eq3A_557 = vector.broadcast %eq3A_556 : i32 to vector<16xi32>
    %eq3A_558 = arith.cmpi eq, %get3A_501, %eq3A_557 : vector<16xi32>
    %slice3A_559 = vector.extract_strided_slice %get3A_4 {offsets = [7], sizes = [1], strides = [1]} : vector<16xi32> to vector<1xi32>
    %squeeze3A_560 = vector.extract %slice3A_559[0] : i32 from vector<1xi32>
    %broadcast_in_dim3A_561 = vector.broadcast %squeeze3A_560 : i32 to vector<16xi32>
    %select_n3A_562 = arith.select %eq3A_558, %broadcast_in_dim3A_561, %select_n3A_555 : vector<16xi1>, vector<16xi32>
    %add3A_563 = arith.addi %get3A_504, %select_n3A_562 : vector<16xi32>
    %swap3A_564 = arith.constant 3 : i32
    %swap3A_565 = arith.index_cast %swap3A_564 : i32 to index
    %swap3A_566 = arith.constant 16 : index
    %swap3A_567 = tpu.vector_load %arg12[%swap3A_565, %swap3A_566] {strides = array<i32>} : memref<4x32xi32, #tpu.memory_space<vmem>>, vector<1x16xi32>,
    %swap3A_568 = vector.shape_cast %swap3A_567 : vector<1x16xi32> to vector<16xi32>
    %swap3A_569 = vector.shape_cast %add3A_563 : vector<16xi32> to vector<1x16xi32>
    tpu.vector_store %arg12[%swap3A_565, %swap3A_566], %swap3A_569 {strides = array<i32>} : memref<4x32xi32, #tpu.memory_space<vmem>>, vector<1x16xi32>,
    "tpu.region"() ({
      %run_scoped3A = tpu.sem_alloc : memref<!tpu.dma_semaphore, #tpu.memory_space<semaphore_mem>>
      %dma_start3A_1283 = tpu.memref_slice %arg4[%mul3A_2] : memref<4096xi32, #tpu.memory_space<hbm>> -> memref<128xi32, #tpu.memory_space<hbm>>
      %dma_start3A_1284 = tpu.memref_slice %arg4[%mul3A_2] : memref<4096xi32, #tpu.memory_space<hbm>> -> memref<128xi32, #tpu.memory_space<hbm>>
      tpu.enqueue_dma source(%dma_start3A_1284 : memref<128xi32, #tpu.memory_space<hbm>>) target(%arg10 : memref<128xi32, #tpu.memory_space<vmem>>) target_semaphore(%run_scoped3A : memref<!tpu.dma_semaphore, #tpu.memory_space<semaphore_mem>>)
      %dma_wait3A_1285 = tpu.memref_slice %arg4[%mul3A_2] : memref<4096xi32, #tpu.memory_space<hbm>> -> memref<128xi32, #tpu.memory_space<hbm>>
      %dma_wait3A_1286 = tpu.memref_slice %arg4[%mul3A_2] : memref<4096xi32, #tpu.memory_space<hbm>> -> memref<128xi32, #tpu.memory_space<hbm>>
      tpu.wait_dma2 semaphore(%run_scoped3A : memref<!tpu.dma_semaphore, #tpu.memory_space<semaphore_mem>>) src(%dma_wait3A_1286 : memref<128xi32, #tpu.memory_space<hbm>>) dst(%arg10 : memref<128xi32, #tpu.memory_space<vmem>>)
      tpu.yield
    }) : () -> ()
    "tpu.region"() ({
      %run_scoped3A = tpu.sem_alloc : memref<!tpu.dma_semaphore, #tpu.memory_space<semaphore_mem>>
      %dma_start3A_1283 = tpu.memref_slice %arg6[%mul3A_2] : memref<4096xi32, #tpu.memory_space<hbm>> -> memref<128xi32, #tpu.memory_space<hbm>>
      %dma_start3A_1284 = tpu.memref_slice %arg6[%mul3A_2] : memref<4096xi32, #tpu.memory_space<hbm>> -> memref<128xi32, #tpu.memory_space<hbm>>
      tpu.enqueue_dma source(%dma_start3A_1284 : memref<128xi32, #tpu.memory_space<hbm>>) target(%arg11 : memref<128xi32, #tpu.memory_space<vmem>>) target_semaphore(%run_scoped3A : memref<!tpu.dma_semaphore, #tpu.memory_space<semaphore_mem>>)
      %dma_wait3A_1285 = tpu.memref_slice %arg6[%mul3A_2] : memref<4096xi32, #tpu.memory_space<hbm>> -> memref<128xi32, #tpu.memory_space<hbm>>
      %dma_wait3A_1286 = tpu.memref_slice %arg6[%mul3A_2] : memref<4096xi32, #tpu.memory_space<hbm>> -> memref<128xi32, #tpu.memory_space<hbm>>
      tpu.wait_dma2 semaphore(%run_scoped3A : memref<!tpu.dma_semaphore, #tpu.memory_space<semaphore_mem>>) src(%dma_wait3A_1286 : memref<128xi32, #tpu.memory_space<hbm>>) dst(%arg11 : memref<128xi32, #tpu.memory_space<vmem>>)
      tpu.yield
    }) : () -> ()
    %get3A_570 = arith.constant 0 : index
    %get3A_571 = tpu.vector_load %arg10[%get3A_570] {strides = array<i32>} : memref<128xi32, #tpu.memory_space<vmem>>, vector<16xi32>,
    %get3A_572 = vector.shape_cast %get3A_571 : vector<16xi32> to vector<16xi32>
    %get3A_573 = arith.constant 0 : index
    %get3A_574 = tpu.vector_load %arg11[%get3A_573] {strides = array<i32>} : memref<128xi32, #tpu.memory_space<vmem>>, vector<16xi32>,
    %get3A_575 = vector.shape_cast %get3A_574 : vector<16xi32> to vector<16xi32>
    %broadcast_in_dim3A_576 = arith.constant 0 : i32
    %broadcast_in_dim3A_577 = vector.broadcast %broadcast_in_dim3A_576 : i32 to vector<16xi32>
    %eq3A_578 = arith.constant 0 : i32
    %eq3A_579 = vector.broadcast %eq3A_578 : i32 to vector<16xi32>
    %eq3A_580 = arith.cmpi eq, %get3A_572, %eq3A_579 : vector<16xi32>
    %slice3A_581 = vector.extract_strided_slice %get3A_4 {offsets = [0], sizes = [1], strides = [1]} : vector<16xi32> to vector<1xi32>
    %squeeze3A_582 = vector.extract %slice3A_581[0] : i32 from vector<1xi32>
    %broadcast_in_dim3A_583 = vector.broadcast %squeeze3A_582 : i32 to vector<16xi32>
    %select_n3A_584 = arith.select %eq3A_580, %broadcast_in_dim3A_583, %broadcast_in_dim3A_577 : vector<16xi1>, vector<16xi32>
    %eq3A_585 = arith.constant 1 : i32
    %eq3A_586 = vector.broadcast %eq3A_585 : i32 to vector<16xi32>
    %eq3A_587 = arith.cmpi eq, %get3A_572, %eq3A_586 : vector<16xi32>
    %slice3A_588 = vector.extract_strided_slice %get3A_4 {offsets = [1], sizes = [1], strides = [1]} : vector<16xi32> to vector<1xi32>
    %squeeze3A_589 = vector.extract %slice3A_588[0] : i32 from vector<1xi32>
    %broadcast_in_dim3A_590 = vector.broadcast %squeeze3A_589 : i32 to vector<16xi32>
    %select_n3A_591 = arith.select %eq3A_587, %broadcast_in_dim3A_590, %select_n3A_584 : vector<16xi1>, vector<16xi32>
    %eq3A_592 = arith.constant 2 : i32
    %eq3A_593 = vector.broadcast %eq3A_592 : i32 to vector<16xi32>
    %eq3A_594 = arith.cmpi eq, %get3A_572, %eq3A_593 : vector<16xi32>
    %slice3A_595 = vector.extract_strided_slice %get3A_4 {offsets = [2], sizes = [1], strides = [1]} : vector<16xi32> to vector<1xi32>
    %squeeze3A_596 = vector.extract %slice3A_595[0] : i32 from vector<1xi32>
    %broadcast_in_dim3A_597 = vector.broadcast %squeeze3A_596 : i32 to vector<16xi32>
    %select_n3A_598 = arith.select %eq3A_594, %broadcast_in_dim3A_597, %select_n3A_591 : vector<16xi1>, vector<16xi32>
    %eq3A_599 = arith.constant 3 : i32
    %eq3A_600 = vector.broadcast %eq3A_599 : i32 to vector<16xi32>
    %eq3A_601 = arith.cmpi eq, %get3A_572, %eq3A_600 : vector<16xi32>
    %slice3A_602 = vector.extract_strided_slice %get3A_4 {offsets = [3], sizes = [1], strides = [1]} : vector<16xi32> to vector<1xi32>
    %squeeze3A_603 = vector.extract %slice3A_602[0] : i32 from vector<1xi32>
    %broadcast_in_dim3A_604 = vector.broadcast %squeeze3A_603 : i32 to vector<16xi32>
    %select_n3A_605 = arith.select %eq3A_601, %broadcast_in_dim3A_604, %select_n3A_598 : vector<16xi1>, vector<16xi32>
    %eq3A_606 = arith.constant 4 : i32
    %eq3A_607 = vector.broadcast %eq3A_606 : i32 to vector<16xi32>
    %eq3A_608 = arith.cmpi eq, %get3A_572, %eq3A_607 : vector<16xi32>
    %slice3A_609 = vector.extract_strided_slice %get3A_4 {offsets = [4], sizes = [1], strides = [1]} : vector<16xi32> to vector<1xi32>
    %squeeze3A_610 = vector.extract %slice3A_609[0] : i32 from vector<1xi32>
    %broadcast_in_dim3A_611 = vector.broadcast %squeeze3A_610 : i32 to vector<16xi32>
    %select_n3A_612 = arith.select %eq3A_608, %broadcast_in_dim3A_611, %select_n3A_605 : vector<16xi1>, vector<16xi32>
    %eq3A_613 = arith.constant 5 : i32
    %eq3A_614 = vector.broadcast %eq3A_613 : i32 to vector<16xi32>
    %eq3A_615 = arith.cmpi eq, %get3A_572, %eq3A_614 : vector<16xi32>
    %slice3A_616 = vector.extract_strided_slice %get3A_4 {offsets = [5], sizes = [1], strides = [1]} : vector<16xi32> to vector<1xi32>
    %squeeze3A_617 = vector.extract %slice3A_616[0] : i32 from vector<1xi32>
    %broadcast_in_dim3A_618 = vector.broadcast %squeeze3A_617 : i32 to vector<16xi32>
    %select_n3A_619 = arith.select %eq3A_615, %broadcast_in_dim3A_618, %select_n3A_612 : vector<16xi1>, vector<16xi32>
    %eq3A_620 = arith.constant 6 : i32
    %eq3A_621 = vector.broadcast %eq3A_620 : i32 to vector<16xi32>
    %eq3A_622 = arith.cmpi eq, %get3A_572, %eq3A_621 : vector<16xi32>
    %slice3A_623 = vector.extract_strided_slice %get3A_4 {offsets = [6], sizes = [1], strides = [1]} : vector<16xi32> to vector<1xi32>
    %squeeze3A_624 = vector.extract %slice3A_623[0] : i32 from vector<1xi32>
    %broadcast_in_dim3A_625 = vector.broadcast %squeeze3A_624 : i32 to vector<16xi32>
    %select_n3A_626 = arith.select %eq3A_622, %broadcast_in_dim3A_625, %select_n3A_619 : vector<16xi1>, vector<16xi32>
    %eq3A_627 = arith.constant 7 : i32
    %eq3A_628 = vector.broadcast %eq3A_627 : i32 to vector<16xi32>
    %eq3A_629 = arith.cmpi eq, %get3A_572, %eq3A_628 : vector<16xi32>
    %slice3A_630 = vector.extract_strided_slice %get3A_4 {offsets = [7], sizes = [1], strides = [1]} : vector<16xi32> to vector<1xi32>
    %squeeze3A_631 = vector.extract %slice3A_630[0] : i32 from vector<1xi32>
    %broadcast_in_dim3A_632 = vector.broadcast %squeeze3A_631 : i32 to vector<16xi32>
    %select_n3A_633 = arith.select %eq3A_629, %broadcast_in_dim3A_632, %select_n3A_626 : vector<16xi1>, vector<16xi32>
    %add3A_634 = arith.addi %get3A_575, %select_n3A_633 : vector<16xi32>
    %swap3A_635 = arith.constant 0 : i32
    %swap3A_636 = arith.index_cast %swap3A_635 : i32 to index
    %swap3A_637 = arith.constant 0 : index
    %swap3A_638 = tpu.vector_load %arg13[%swap3A_636, %swap3A_637] {strides = array<i32>} : memref<4x32xi32, #tpu.memory_space<vmem>>, vector<1x16xi32>,
    %swap3A_639 = vector.shape_cast %swap3A_638 : vector<1x16xi32> to vector<16xi32>
    %swap3A_640 = vector.shape_cast %add3A_634 : vector<16xi32> to vector<1x16xi32>
    tpu.vector_store %arg13[%swap3A_636, %swap3A_637], %swap3A_640 {strides = array<i32>} : memref<4x32xi32, #tpu.memory_space<vmem>>, vector<1x16xi32>,
    %get3A_641 = arith.constant 16 : index
    %get3A_642 = tpu.vector_load %arg10[%get3A_641] {strides = array<i32>} : memref<128xi32, #tpu.memory_space<vmem>>, vector<16xi32>,
    %get3A_643 = vector.shape_cast %get3A_642 : vector<16xi32> to vector<16xi32>
    %get3A_644 = arith.constant 16 : index
    %get3A_645 = tpu.vector_load %arg11[%get3A_644] {strides = array<i32>} : memref<128xi32, #tpu.memory_space<vmem>>, vector<16xi32>,
    %get3A_646 = vector.shape_cast %get3A_645 : vector<16xi32> to vector<16xi32>
    %broadcast_in_dim3A_647 = arith.constant 0 : i32
    %broadcast_in_dim3A_648 = vector.broadcast %broadcast_in_dim3A_647 : i32 to vector<16xi32>
    %eq3A_649 = arith.constant 0 : i32
    %eq3A_650 = vector.broadcast %eq3A_649 : i32 to vector<16xi32>
    %eq3A_651 = arith.cmpi eq, %get3A_643, %eq3A_650 : vector<16xi32>
    %slice3A_652 = vector.extract_strided_slice %get3A_4 {offsets = [0], sizes = [1], strides = [1]} : vector<16xi32> to vector<1xi32>
    %squeeze3A_653 = vector.extract %slice3A_652[0] : i32 from vector<1xi32>
    %broadcast_in_dim3A_654 = vector.broadcast %squeeze3A_653 : i32 to vector<16xi32>
    %select_n3A_655 = arith.select %eq3A_651, %broadcast_in_dim3A_654, %broadcast_in_dim3A_648 : vector<16xi1>, vector<16xi32>
    %eq3A_656 = arith.constant 1 : i32
    %eq3A_657 = vector.broadcast %eq3A_656 : i32 to vector<16xi32>
    %eq3A_658 = arith.cmpi eq, %get3A_643, %eq3A_657 : vector<16xi32>
    %slice3A_659 = vector.extract_strided_slice %get3A_4 {offsets = [1], sizes = [1], strides = [1]} : vector<16xi32> to vector<1xi32>
    %squeeze3A_660 = vector.extract %slice3A_659[0] : i32 from vector<1xi32>
    %broadcast_in_dim3A_661 = vector.broadcast %squeeze3A_660 : i32 to vector<16xi32>
    %select_n3A_662 = arith.select %eq3A_658, %broadcast_in_dim3A_661, %select_n3A_655 : vector<16xi1>, vector<16xi32>
    %eq3A_663 = arith.constant 2 : i32
    %eq3A_664 = vector.broadcast %eq3A_663 : i32 to vector<16xi32>
    %eq3A_665 = arith.cmpi eq, %get3A_643, %eq3A_664 : vector<16xi32>
    %slice3A_666 = vector.extract_strided_slice %get3A_4 {offsets = [2], sizes = [1], strides = [1]} : vector<16xi32> to vector<1xi32>
    %squeeze3A_667 = vector.extract %slice3A_666[0] : i32 from vector<1xi32>
    %broadcast_in_dim3A_668 = vector.broadcast %squeeze3A_667 : i32 to vector<16xi32>
    %select_n3A_669 = arith.select %eq3A_665, %broadcast_in_dim3A_668, %select_n3A_662 : vector<16xi1>, vector<16xi32>
    %eq3A_670 = arith.constant 3 : i32
    %eq3A_671 = vector.broadcast %eq3A_670 : i32 to vector<16xi32>
    %eq3A_672 = arith.cmpi eq, %get3A_643, %eq3A_671 : vector<16xi32>
    %slice3A_673 = vector.extract_strided_slice %get3A_4 {offsets = [3], sizes = [1], strides = [1]} : vector<16xi32> to vector<1xi32>
    %squeeze3A_674 = vector.extract %slice3A_673[0] : i32 from vector<1xi32>
    %broadcast_in_dim3A_675 = vector.broadcast %squeeze3A_674 : i32 to vector<16xi32>
    %select_n3A_676 = arith.select %eq3A_672, %broadcast_in_dim3A_675, %select_n3A_669 : vector<16xi1>, vector<16xi32>
    %eq3A_677 = arith.constant 4 : i32
    %eq3A_678 = vector.broadcast %eq3A_677 : i32 to vector<16xi32>
    %eq3A_679 = arith.cmpi eq, %get3A_643, %eq3A_678 : vector<16xi32>
    %slice3A_680 = vector.extract_strided_slice %get3A_4 {offsets = [4], sizes = [1], strides = [1]} : vector<16xi32> to vector<1xi32>
    %squeeze3A_681 = vector.extract %slice3A_680[0] : i32 from vector<1xi32>
    %broadcast_in_dim3A_682 = vector.broadcast %squeeze3A_681 : i32 to vector<16xi32>
    %select_n3A_683 = arith.select %eq3A_679, %broadcast_in_dim3A_682, %select_n3A_676 : vector<16xi1>, vector<16xi32>
    %eq3A_684 = arith.constant 5 : i32
    %eq3A_685 = vector.broadcast %eq3A_684 : i32 to vector<16xi32>
    %eq3A_686 = arith.cmpi eq, %get3A_643, %eq3A_685 : vector<16xi32>
    %slice3A_687 = vector.extract_strided_slice %get3A_4 {offsets = [5], sizes = [1], strides = [1]} : vector<16xi32> to vector<1xi32>
    %squeeze3A_688 = vector.extract %slice3A_687[0] : i32 from vector<1xi32>
    %broadcast_in_dim3A_689 = vector.broadcast %squeeze3A_688 : i32 to vector<16xi32>
    %select_n3A_690 = arith.select %eq3A_686, %broadcast_in_dim3A_689, %select_n3A_683 : vector<16xi1>, vector<16xi32>
    %eq3A_691 = arith.constant 6 : i32
    %eq3A_692 = vector.broadcast %eq3A_691 : i32 to vector<16xi32>
    %eq3A_693 = arith.cmpi eq, %get3A_643, %eq3A_692 : vector<16xi32>
    %slice3A_694 = vector.extract_strided_slice %get3A_4 {offsets = [6], sizes = [1], strides = [1]} : vector<16xi32> to vector<1xi32>
    %squeeze3A_695 = vector.extract %slice3A_694[0] : i32 from vector<1xi32>
    %broadcast_in_dim3A_696 = vector.broadcast %squeeze3A_695 : i32 to vector<16xi32>
    %select_n3A_697 = arith.select %eq3A_693, %broadcast_in_dim3A_696, %select_n3A_690 : vector<16xi1>, vector<16xi32>
    %eq3A_698 = arith.constant 7 : i32
    %eq3A_699 = vector.broadcast %eq3A_698 : i32 to vector<16xi32>
    %eq3A_700 = arith.cmpi eq, %get3A_643, %eq3A_699 : vector<16xi32>
    %slice3A_701 = vector.extract_strided_slice %get3A_4 {offsets = [7], sizes = [1], strides = [1]} : vector<16xi32> to vector<1xi32>
    %squeeze3A_702 = vector.extract %slice3A_701[0] : i32 from vector<1xi32>
    %broadcast_in_dim3A_703 = vector.broadcast %squeeze3A_702 : i32 to vector<16xi32>
    %select_n3A_704 = arith.select %eq3A_700, %broadcast_in_dim3A_703, %select_n3A_697 : vector<16xi1>, vector<16xi32>
    %add3A_705 = arith.addi %get3A_646, %select_n3A_704 : vector<16xi32>
    %swap3A_706 = arith.constant 0 : i32
    %swap3A_707 = arith.index_cast %swap3A_706 : i32 to index
    %swap3A_708 = arith.constant 16 : index
    %swap3A_709 = tpu.vector_load %arg13[%swap3A_707, %swap3A_708] {strides = array<i32>} : memref<4x32xi32, #tpu.memory_space<vmem>>, vector<1x16xi32>,
    %swap3A_710 = vector.shape_cast %swap3A_709 : vector<1x16xi32> to vector<16xi32>
    %swap3A_711 = vector.shape_cast %add3A_705 : vector<16xi32> to vector<1x16xi32>
    tpu.vector_store %arg13[%swap3A_707, %swap3A_708], %swap3A_711 {strides = array<i32>} : memref<4x32xi32, #tpu.memory_space<vmem>>, vector<1x16xi32>,
    %get3A_712 = arith.constant 32 : index
    %get3A_713 = tpu.vector_load %arg10[%get3A_712] {strides = array<i32>} : memref<128xi32, #tpu.memory_space<vmem>>, vector<16xi32>,
    %get3A_714 = vector.shape_cast %get3A_713 : vector<16xi32> to vector<16xi32>
    %get3A_715 = arith.constant 32 : index
    %get3A_716 = tpu.vector_load %arg11[%get3A_715] {strides = array<i32>} : memref<128xi32, #tpu.memory_space<vmem>>, vector<16xi32>,
    %get3A_717 = vector.shape_cast %get3A_716 : vector<16xi32> to vector<16xi32>
    %broadcast_in_dim3A_718 = arith.constant 0 : i32
    %broadcast_in_dim3A_719 = vector.broadcast %broadcast_in_dim3A_718 : i32 to vector<16xi32>
    %eq3A_720 = arith.constant 0 : i32
    %eq3A_721 = vector.broadcast %eq3A_720 : i32 to vector<16xi32>
    %eq3A_722 = arith.cmpi eq, %get3A_714, %eq3A_721 : vector<16xi32>
    %slice3A_723 = vector.extract_strided_slice %get3A_4 {offsets = [0], sizes = [1], strides = [1]} : vector<16xi32> to vector<1xi32>
    %squeeze3A_724 = vector.extract %slice3A_723[0] : i32 from vector<1xi32>
    %broadcast_in_dim3A_725 = vector.broadcast %squeeze3A_724 : i32 to vector<16xi32>
    %select_n3A_726 = arith.select %eq3A_722, %broadcast_in_dim3A_725, %broadcast_in_dim3A_719 : vector<16xi1>, vector<16xi32>
    %eq3A_727 = arith.constant 1 : i32
    %eq3A_728 = vector.broadcast %eq3A_727 : i32 to vector<16xi32>
    %eq3A_729 = arith.cmpi eq, %get3A_714, %eq3A_728 : vector<16xi32>
    %slice3A_730 = vector.extract_strided_slice %get3A_4 {offsets = [1], sizes = [1], strides = [1]} : vector<16xi32> to vector<1xi32>
    %squeeze3A_731 = vector.extract %slice3A_730[0] : i32 from vector<1xi32>
    %broadcast_in_dim3A_732 = vector.broadcast %squeeze3A_731 : i32 to vector<16xi32>
    %select_n3A_733 = arith.select %eq3A_729, %broadcast_in_dim3A_732, %select_n3A_726 : vector<16xi1>, vector<16xi32>
    %eq3A_734 = arith.constant 2 : i32
    %eq3A_735 = vector.broadcast %eq3A_734 : i32 to vector<16xi32>
    %eq3A_736 = arith.cmpi eq, %get3A_714, %eq3A_735 : vector<16xi32>
    %slice3A_737 = vector.extract_strided_slice %get3A_4 {offsets = [2], sizes = [1], strides = [1]} : vector<16xi32> to vector<1xi32>
    %squeeze3A_738 = vector.extract %slice3A_737[0] : i32 from vector<1xi32>
    %broadcast_in_dim3A_739 = vector.broadcast %squeeze3A_738 : i32 to vector<16xi32>
    %select_n3A_740 = arith.select %eq3A_736, %broadcast_in_dim3A_739, %select_n3A_733 : vector<16xi1>, vector<16xi32>
    %eq3A_741 = arith.constant 3 : i32
    %eq3A_742 = vector.broadcast %eq3A_741 : i32 to vector<16xi32>
    %eq3A_743 = arith.cmpi eq, %get3A_714, %eq3A_742 : vector<16xi32>
    %slice3A_744 = vector.extract_strided_slice %get3A_4 {offsets = [3], sizes = [1], strides = [1]} : vector<16xi32> to vector<1xi32>
    %squeeze3A_745 = vector.extract %slice3A_744[0] : i32 from vector<1xi32>
    %broadcast_in_dim3A_746 = vector.broadcast %squeeze3A_745 : i32 to vector<16xi32>
    %select_n3A_747 = arith.select %eq3A_743, %broadcast_in_dim3A_746, %select_n3A_740 : vector<16xi1>, vector<16xi32>
    %eq3A_748 = arith.constant 4 : i32
    %eq3A_749 = vector.broadcast %eq3A_748 : i32 to vector<16xi32>
    %eq3A_750 = arith.cmpi eq, %get3A_714, %eq3A_749 : vector<16xi32>
    %slice3A_751 = vector.extract_strided_slice %get3A_4 {offsets = [4], sizes = [1], strides = [1]} : vector<16xi32> to vector<1xi32>
    %squeeze3A_752 = vector.extract %slice3A_751[0] : i32 from vector<1xi32>
    %broadcast_in_dim3A_753 = vector.broadcast %squeeze3A_752 : i32 to vector<16xi32>
    %select_n3A_754 = arith.select %eq3A_750, %broadcast_in_dim3A_753, %select_n3A_747 : vector<16xi1>, vector<16xi32>
    %eq3A_755 = arith.constant 5 : i32
    %eq3A_756 = vector.broadcast %eq3A_755 : i32 to vector<16xi32>
    %eq3A_757 = arith.cmpi eq, %get3A_714, %eq3A_756 : vector<16xi32>
    %slice3A_758 = vector.extract_strided_slice %get3A_4 {offsets = [5], sizes = [1], strides = [1]} : vector<16xi32> to vector<1xi32>
    %squeeze3A_759 = vector.extract %slice3A_758[0] : i32 from vector<1xi32>
    %broadcast_in_dim3A_760 = vector.broadcast %squeeze3A_759 : i32 to vector<16xi32>
    %select_n3A_761 = arith.select %eq3A_757, %broadcast_in_dim3A_760, %select_n3A_754 : vector<16xi1>, vector<16xi32>
    %eq3A_762 = arith.constant 6 : i32
    %eq3A_763 = vector.broadcast %eq3A_762 : i32 to vector<16xi32>
    %eq3A_764 = arith.cmpi eq, %get3A_714, %eq3A_763 : vector<16xi32>
    %slice3A_765 = vector.extract_strided_slice %get3A_4 {offsets = [6], sizes = [1], strides = [1]} : vector<16xi32> to vector<1xi32>
    %squeeze3A_766 = vector.extract %slice3A_765[0] : i32 from vector<1xi32>
    %broadcast_in_dim3A_767 = vector.broadcast %squeeze3A_766 : i32 to vector<16xi32>
    %select_n3A_768 = arith.select %eq3A_764, %broadcast_in_dim3A_767, %select_n3A_761 : vector<16xi1>, vector<16xi32>
    %eq3A_769 = arith.constant 7 : i32
    %eq3A_770 = vector.broadcast %eq3A_769 : i32 to vector<16xi32>
    %eq3A_771 = arith.cmpi eq, %get3A_714, %eq3A_770 : vector<16xi32>
    %slice3A_772 = vector.extract_strided_slice %get3A_4 {offsets = [7], sizes = [1], strides = [1]} : vector<16xi32> to vector<1xi32>
    %squeeze3A_773 = vector.extract %slice3A_772[0] : i32 from vector<1xi32>
    %broadcast_in_dim3A_774 = vector.broadcast %squeeze3A_773 : i32 to vector<16xi32>
    %select_n3A_775 = arith.select %eq3A_771, %broadcast_in_dim3A_774, %select_n3A_768 : vector<16xi1>, vector<16xi32>
    %add3A_776 = arith.addi %get3A_717, %select_n3A_775 : vector<16xi32>
    %swap3A_777 = arith.constant 1 : i32
    %swap3A_778 = arith.index_cast %swap3A_777 : i32 to index
    %swap3A_779 = arith.constant 0 : index
    %swap3A_780 = tpu.vector_load %arg13[%swap3A_778, %swap3A_779] {strides = array<i32>} : memref<4x32xi32, #tpu.memory_space<vmem>>, vector<1x16xi32>,
    %swap3A_781 = vector.shape_cast %swap3A_780 : vector<1x16xi32> to vector<16xi32>
    %swap3A_782 = vector.shape_cast %add3A_776 : vector<16xi32> to vector<1x16xi32>
    tpu.vector_store %arg13[%swap3A_778, %swap3A_779], %swap3A_782 {strides = array<i32>} : memref<4x32xi32, #tpu.memory_space<vmem>>, vector<1x16xi32>,
    %get3A_783 = arith.constant 48 : index
    %get3A_784 = tpu.vector_load %arg10[%get3A_783] {strides = array<i32>} : memref<128xi32, #tpu.memory_space<vmem>>, vector<16xi32>,
    %get3A_785 = vector.shape_cast %get3A_784 : vector<16xi32> to vector<16xi32>
    %get3A_786 = arith.constant 48 : index
    %get3A_787 = tpu.vector_load %arg11[%get3A_786] {strides = array<i32>} : memref<128xi32, #tpu.memory_space<vmem>>, vector<16xi32>,
    %get3A_788 = vector.shape_cast %get3A_787 : vector<16xi32> to vector<16xi32>
    %broadcast_in_dim3A_789 = arith.constant 0 : i32
    %broadcast_in_dim3A_790 = vector.broadcast %broadcast_in_dim3A_789 : i32 to vector<16xi32>
    %eq3A_791 = arith.constant 0 : i32
    %eq3A_792 = vector.broadcast %eq3A_791 : i32 to vector<16xi32>
    %eq3A_793 = arith.cmpi eq, %get3A_785, %eq3A_792 : vector<16xi32>
    %slice3A_794 = vector.extract_strided_slice %get3A_4 {offsets = [0], sizes = [1], strides = [1]} : vector<16xi32> to vector<1xi32>
    %squeeze3A_795 = vector.extract %slice3A_794[0] : i32 from vector<1xi32>
    %broadcast_in_dim3A_796 = vector.broadcast %squeeze3A_795 : i32 to vector<16xi32>
    %select_n3A_797 = arith.select %eq3A_793, %broadcast_in_dim3A_796, %broadcast_in_dim3A_790 : vector<16xi1>, vector<16xi32>
    %eq3A_798 = arith.constant 1 : i32
    %eq3A_799 = vector.broadcast %eq3A_798 : i32 to vector<16xi32>
    %eq3A_800 = arith.cmpi eq, %get3A_785, %eq3A_799 : vector<16xi32>
    %slice3A_801 = vector.extract_strided_slice %get3A_4 {offsets = [1], sizes = [1], strides = [1]} : vector<16xi32> to vector<1xi32>
    %squeeze3A_802 = vector.extract %slice3A_801[0] : i32 from vector<1xi32>
    %broadcast_in_dim3A_803 = vector.broadcast %squeeze3A_802 : i32 to vector<16xi32>
    %select_n3A_804 = arith.select %eq3A_800, %broadcast_in_dim3A_803, %select_n3A_797 : vector<16xi1>, vector<16xi32>
    %eq3A_805 = arith.constant 2 : i32
    %eq3A_806 = vector.broadcast %eq3A_805 : i32 to vector<16xi32>
    %eq3A_807 = arith.cmpi eq, %get3A_785, %eq3A_806 : vector<16xi32>
    %slice3A_808 = vector.extract_strided_slice %get3A_4 {offsets = [2], sizes = [1], strides = [1]} : vector<16xi32> to vector<1xi32>
    %squeeze3A_809 = vector.extract %slice3A_808[0] : i32 from vector<1xi32>
    %broadcast_in_dim3A_810 = vector.broadcast %squeeze3A_809 : i32 to vector<16xi32>
    %select_n3A_811 = arith.select %eq3A_807, %broadcast_in_dim3A_810, %select_n3A_804 : vector<16xi1>, vector<16xi32>
    %eq3A_812 = arith.constant 3 : i32
    %eq3A_813 = vector.broadcast %eq3A_812 : i32 to vector<16xi32>
    %eq3A_814 = arith.cmpi eq, %get3A_785, %eq3A_813 : vector<16xi32>
    %slice3A_815 = vector.extract_strided_slice %get3A_4 {offsets = [3], sizes = [1], strides = [1]} : vector<16xi32> to vector<1xi32>
    %squeeze3A_816 = vector.extract %slice3A_815[0] : i32 from vector<1xi32>
    %broadcast_in_dim3A_817 = vector.broadcast %squeeze3A_816 : i32 to vector<16xi32>
    %select_n3A_818 = arith.select %eq3A_814, %broadcast_in_dim3A_817, %select_n3A_811 : vector<16xi1>, vector<16xi32>
    %eq3A_819 = arith.constant 4 : i32
    %eq3A_820 = vector.broadcast %eq3A_819 : i32 to vector<16xi32>
    %eq3A_821 = arith.cmpi eq, %get3A_785, %eq3A_820 : vector<16xi32>
    %slice3A_822 = vector.extract_strided_slice %get3A_4 {offsets = [4], sizes = [1], strides = [1]} : vector<16xi32> to vector<1xi32>
    %squeeze3A_823 = vector.extract %slice3A_822[0] : i32 from vector<1xi32>
    %broadcast_in_dim3A_824 = vector.broadcast %squeeze3A_823 : i32 to vector<16xi32>
    %select_n3A_825 = arith.select %eq3A_821, %broadcast_in_dim3A_824, %select_n3A_818 : vector<16xi1>, vector<16xi32>
    %eq3A_826 = arith.constant 5 : i32
    %eq3A_827 = vector.broadcast %eq3A_826 : i32 to vector<16xi32>
    %eq3A_828 = arith.cmpi eq, %get3A_785, %eq3A_827 : vector<16xi32>
    %slice3A_829 = vector.extract_strided_slice %get3A_4 {offsets = [5], sizes = [1], strides = [1]} : vector<16xi32> to vector<1xi32>
    %squeeze3A_830 = vector.extract %slice3A_829[0] : i32 from vector<1xi32>
    %broadcast_in_dim3A_831 = vector.broadcast %squeeze3A_830 : i32 to vector<16xi32>
    %select_n3A_832 = arith.select %eq3A_828, %broadcast_in_dim3A_831, %select_n3A_825 : vector<16xi1>, vector<16xi32>
    %eq3A_833 = arith.constant 6 : i32
    %eq3A_834 = vector.broadcast %eq3A_833 : i32 to vector<16xi32>
    %eq3A_835 = arith.cmpi eq, %get3A_785, %eq3A_834 : vector<16xi32>
    %slice3A_836 = vector.extract_strided_slice %get3A_4 {offsets = [6], sizes = [1], strides = [1]} : vector<16xi32> to vector<1xi32>
    %squeeze3A_837 = vector.extract %slice3A_836[0] : i32 from vector<1xi32>
    %broadcast_in_dim3A_838 = vector.broadcast %squeeze3A_837 : i32 to vector<16xi32>
    %select_n3A_839 = arith.select %eq3A_835, %broadcast_in_dim3A_838, %select_n3A_832 : vector<16xi1>, vector<16xi32>
    %eq3A_840 = arith.constant 7 : i32
    %eq3A_841 = vector.broadcast %eq3A_840 : i32 to vector<16xi32>
    %eq3A_842 = arith.cmpi eq, %get3A_785, %eq3A_841 : vector<16xi32>
    %slice3A_843 = vector.extract_strided_slice %get3A_4 {offsets = [7], sizes = [1], strides = [1]} : vector<16xi32> to vector<1xi32>
    %squeeze3A_844 = vector.extract %slice3A_843[0] : i32 from vector<1xi32>
    %broadcast_in_dim3A_845 = vector.broadcast %squeeze3A_844 : i32 to vector<16xi32>
    %select_n3A_846 = arith.select %eq3A_842, %broadcast_in_dim3A_845, %select_n3A_839 : vector<16xi1>, vector<16xi32>
    %add3A_847 = arith.addi %get3A_788, %select_n3A_846 : vector<16xi32>
    %swap3A_848 = arith.constant 1 : i32
    %swap3A_849 = arith.index_cast %swap3A_848 : i32 to index
    %swap3A_850 = arith.constant 16 : index
    %swap3A_851 = tpu.vector_load %arg13[%swap3A_849, %swap3A_850] {strides = array<i32>} : memref<4x32xi32, #tpu.memory_space<vmem>>, vector<1x16xi32>,
    %swap3A_852 = vector.shape_cast %swap3A_851 : vector<1x16xi32> to vector<16xi32>
    %swap3A_853 = vector.shape_cast %add3A_847 : vector<16xi32> to vector<1x16xi32>
    tpu.vector_store %arg13[%swap3A_849, %swap3A_850], %swap3A_853 {strides = array<i32>} : memref<4x32xi32, #tpu.memory_space<vmem>>, vector<1x16xi32>,
    %get3A_854 = arith.constant 64 : index
    %get3A_855 = tpu.vector_load %arg10[%get3A_854] {strides = array<i32>} : memref<128xi32, #tpu.memory_space<vmem>>, vector<16xi32>,
    %get3A_856 = vector.shape_cast %get3A_855 : vector<16xi32> to vector<16xi32>
    %get3A_857 = arith.constant 64 : index
    %get3A_858 = tpu.vector_load %arg11[%get3A_857] {strides = array<i32>} : memref<128xi32, #tpu.memory_space<vmem>>, vector<16xi32>,
    %get3A_859 = vector.shape_cast %get3A_858 : vector<16xi32> to vector<16xi32>
    %broadcast_in_dim3A_860 = arith.constant 0 : i32
    %broadcast_in_dim3A_861 = vector.broadcast %broadcast_in_dim3A_860 : i32 to vector<16xi32>
    %eq3A_862 = arith.constant 0 : i32
    %eq3A_863 = vector.broadcast %eq3A_862 : i32 to vector<16xi32>
    %eq3A_864 = arith.cmpi eq, %get3A_856, %eq3A_863 : vector<16xi32>
    %slice3A_865 = vector.extract_strided_slice %get3A_4 {offsets = [0], sizes = [1], strides = [1]} : vector<16xi32> to vector<1xi32>
    %squeeze3A_866 = vector.extract %slice3A_865[0] : i32 from vector<1xi32>
    %broadcast_in_dim3A_867 = vector.broadcast %squeeze3A_866 : i32 to vector<16xi32>
    %select_n3A_868 = arith.select %eq3A_864, %broadcast_in_dim3A_867, %broadcast_in_dim3A_861 : vector<16xi1>, vector<16xi32>
    %eq3A_869 = arith.constant 1 : i32
    %eq3A_870 = vector.broadcast %eq3A_869 : i32 to vector<16xi32>
    %eq3A_871 = arith.cmpi eq, %get3A_856, %eq3A_870 : vector<16xi32>
    %slice3A_872 = vector.extract_strided_slice %get3A_4 {offsets = [1], sizes = [1], strides = [1]} : vector<16xi32> to vector<1xi32>
    %squeeze3A_873 = vector.extract %slice3A_872[0] : i32 from vector<1xi32>
    %broadcast_in_dim3A_874 = vector.broadcast %squeeze3A_873 : i32 to vector<16xi32>
    %select_n3A_875 = arith.select %eq3A_871, %broadcast_in_dim3A_874, %select_n3A_868 : vector<16xi1>, vector<16xi32>
    %eq3A_876 = arith.constant 2 : i32
    %eq3A_877 = vector.broadcast %eq3A_876 : i32 to vector<16xi32>
    %eq3A_878 = arith.cmpi eq, %get3A_856, %eq3A_877 : vector<16xi32>
    %slice3A_879 = vector.extract_strided_slice %get3A_4 {offsets = [2], sizes = [1], strides = [1]} : vector<16xi32> to vector<1xi32>
    %squeeze3A_880 = vector.extract %slice3A_879[0] : i32 from vector<1xi32>
    %broadcast_in_dim3A_881 = vector.broadcast %squeeze3A_880 : i32 to vector<16xi32>
    %select_n3A_882 = arith.select %eq3A_878, %broadcast_in_dim3A_881, %select_n3A_875 : vector<16xi1>, vector<16xi32>
    %eq3A_883 = arith.constant 3 : i32
    %eq3A_884 = vector.broadcast %eq3A_883 : i32 to vector<16xi32>
    %eq3A_885 = arith.cmpi eq, %get3A_856, %eq3A_884 : vector<16xi32>
    %slice3A_886 = vector.extract_strided_slice %get3A_4 {offsets = [3], sizes = [1], strides = [1]} : vector<16xi32> to vector<1xi32>
    %squeeze3A_887 = vector.extract %slice3A_886[0] : i32 from vector<1xi32>
    %broadcast_in_dim3A_888 = vector.broadcast %squeeze3A_887 : i32 to vector<16xi32>
    %select_n3A_889 = arith.select %eq3A_885, %broadcast_in_dim3A_888, %select_n3A_882 : vector<16xi1>, vector<16xi32>
    %eq3A_890 = arith.constant 4 : i32
    %eq3A_891 = vector.broadcast %eq3A_890 : i32 to vector<16xi32>
    %eq3A_892 = arith.cmpi eq, %get3A_856, %eq3A_891 : vector<16xi32>
    %slice3A_893 = vector.extract_strided_slice %get3A_4 {offsets = [4], sizes = [1], strides = [1]} : vector<16xi32> to vector<1xi32>
    %squeeze3A_894 = vector.extract %slice3A_893[0] : i32 from vector<1xi32>
    %broadcast_in_dim3A_895 = vector.broadcast %squeeze3A_894 : i32 to vector<16xi32>
    %select_n3A_896 = arith.select %eq3A_892, %broadcast_in_dim3A_895, %select_n3A_889 : vector<16xi1>, vector<16xi32>
    %eq3A_897 = arith.constant 5 : i32
    %eq3A_898 = vector.broadcast %eq3A_897 : i32 to vector<16xi32>
    %eq3A_899 = arith.cmpi eq, %get3A_856, %eq3A_898 : vector<16xi32>
    %slice3A_900 = vector.extract_strided_slice %get3A_4 {offsets = [5], sizes = [1], strides = [1]} : vector<16xi32> to vector<1xi32>
    %squeeze3A_901 = vector.extract %slice3A_900[0] : i32 from vector<1xi32>
    %broadcast_in_dim3A_902 = vector.broadcast %squeeze3A_901 : i32 to vector<16xi32>
    %select_n3A_903 = arith.select %eq3A_899, %broadcast_in_dim3A_902, %select_n3A_896 : vector<16xi1>, vector<16xi32>
    %eq3A_904 = arith.constant 6 : i32
    %eq3A_905 = vector.broadcast %eq3A_904 : i32 to vector<16xi32>
    %eq3A_906 = arith.cmpi eq, %get3A_856, %eq3A_905 : vector<16xi32>
    %slice3A_907 = vector.extract_strided_slice %get3A_4 {offsets = [6], sizes = [1], strides = [1]} : vector<16xi32> to vector<1xi32>
    %squeeze3A_908 = vector.extract %slice3A_907[0] : i32 from vector<1xi32>
    %broadcast_in_dim3A_909 = vector.broadcast %squeeze3A_908 : i32 to vector<16xi32>
    %select_n3A_910 = arith.select %eq3A_906, %broadcast_in_dim3A_909, %select_n3A_903 : vector<16xi1>, vector<16xi32>
    %eq3A_911 = arith.constant 7 : i32
    %eq3A_912 = vector.broadcast %eq3A_911 : i32 to vector<16xi32>
    %eq3A_913 = arith.cmpi eq, %get3A_856, %eq3A_912 : vector<16xi32>
    %slice3A_914 = vector.extract_strided_slice %get3A_4 {offsets = [7], sizes = [1], strides = [1]} : vector<16xi32> to vector<1xi32>
    %squeeze3A_915 = vector.extract %slice3A_914[0] : i32 from vector<1xi32>
    %broadcast_in_dim3A_916 = vector.broadcast %squeeze3A_915 : i32 to vector<16xi32>
    %select_n3A_917 = arith.select %eq3A_913, %broadcast_in_dim3A_916, %select_n3A_910 : vector<16xi1>, vector<16xi32>
    %add3A_918 = arith.addi %get3A_859, %select_n3A_917 : vector<16xi32>
    %swap3A_919 = arith.constant 2 : i32
    %swap3A_920 = arith.index_cast %swap3A_919 : i32 to index
    %swap3A_921 = arith.constant 0 : index
    %swap3A_922 = tpu.vector_load %arg13[%swap3A_920, %swap3A_921] {strides = array<i32>} : memref<4x32xi32, #tpu.memory_space<vmem>>, vector<1x16xi32>,
    %swap3A_923 = vector.shape_cast %swap3A_922 : vector<1x16xi32> to vector<16xi32>
    %swap3A_924 = vector.shape_cast %add3A_918 : vector<16xi32> to vector<1x16xi32>
    tpu.vector_store %arg13[%swap3A_920, %swap3A_921], %swap3A_924 {strides = array<i32>} : memref<4x32xi32, #tpu.memory_space<vmem>>, vector<1x16xi32>,
    %get3A_925 = arith.constant 80 : index
    %get3A_926 = tpu.vector_load %arg10[%get3A_925] {strides = array<i32>} : memref<128xi32, #tpu.memory_space<vmem>>, vector<16xi32>,
    %get3A_927 = vector.shape_cast %get3A_926 : vector<16xi32> to vector<16xi32>
    %get3A_928 = arith.constant 80 : index
    %get3A_929 = tpu.vector_load %arg11[%get3A_928] {strides = array<i32>} : memref<128xi32, #tpu.memory_space<vmem>>, vector<16xi32>,
    %get3A_930 = vector.shape_cast %get3A_929 : vector<16xi32> to vector<16xi32>
    %broadcast_in_dim3A_931 = arith.constant 0 : i32
    %broadcast_in_dim3A_932 = vector.broadcast %broadcast_in_dim3A_931 : i32 to vector<16xi32>
    %eq3A_933 = arith.constant 0 : i32
    %eq3A_934 = vector.broadcast %eq3A_933 : i32 to vector<16xi32>
    %eq3A_935 = arith.cmpi eq, %get3A_927, %eq3A_934 : vector<16xi32>
    %slice3A_936 = vector.extract_strided_slice %get3A_4 {offsets = [0], sizes = [1], strides = [1]} : vector<16xi32> to vector<1xi32>
    %squeeze3A_937 = vector.extract %slice3A_936[0] : i32 from vector<1xi32>
    %broadcast_in_dim3A_938 = vector.broadcast %squeeze3A_937 : i32 to vector<16xi32>
    %select_n3A_939 = arith.select %eq3A_935, %broadcast_in_dim3A_938, %broadcast_in_dim3A_932 : vector<16xi1>, vector<16xi32>
    %eq3A_940 = arith.constant 1 : i32
    %eq3A_941 = vector.broadcast %eq3A_940 : i32 to vector<16xi32>
    %eq3A_942 = arith.cmpi eq, %get3A_927, %eq3A_941 : vector<16xi32>
    %slice3A_943 = vector.extract_strided_slice %get3A_4 {offsets = [1], sizes = [1], strides = [1]} : vector<16xi32> to vector<1xi32>
    %squeeze3A_944 = vector.extract %slice3A_943[0] : i32 from vector<1xi32>
    %broadcast_in_dim3A_945 = vector.broadcast %squeeze3A_944 : i32 to vector<16xi32>
    %select_n3A_946 = arith.select %eq3A_942, %broadcast_in_dim3A_945, %select_n3A_939 : vector<16xi1>, vector<16xi32>
    %eq3A_947 = arith.constant 2 : i32
    %eq3A_948 = vector.broadcast %eq3A_947 : i32 to vector<16xi32>
    %eq3A_949 = arith.cmpi eq, %get3A_927, %eq3A_948 : vector<16xi32>
    %slice3A_950 = vector.extract_strided_slice %get3A_4 {offsets = [2], sizes = [1], strides = [1]} : vector<16xi32> to vector<1xi32>
    %squeeze3A_951 = vector.extract %slice3A_950[0] : i32 from vector<1xi32>
    %broadcast_in_dim3A_952 = vector.broadcast %squeeze3A_951 : i32 to vector<16xi32>
    %select_n3A_953 = arith.select %eq3A_949, %broadcast_in_dim3A_952, %select_n3A_946 : vector<16xi1>, vector<16xi32>
    %eq3A_954 = arith.constant 3 : i32
    %eq3A_955 = vector.broadcast %eq3A_954 : i32 to vector<16xi32>
    %eq3A_956 = arith.cmpi eq, %get3A_927, %eq3A_955 : vector<16xi32>
    %slice3A_957 = vector.extract_strided_slice %get3A_4 {offsets = [3], sizes = [1], strides = [1]} : vector<16xi32> to vector<1xi32>
    %squeeze3A_958 = vector.extract %slice3A_957[0] : i32 from vector<1xi32>
    %broadcast_in_dim3A_959 = vector.broadcast %squeeze3A_958 : i32 to vector<16xi32>
    %select_n3A_960 = arith.select %eq3A_956, %broadcast_in_dim3A_959, %select_n3A_953 : vector<16xi1>, vector<16xi32>
    %eq3A_961 = arith.constant 4 : i32
    %eq3A_962 = vector.broadcast %eq3A_961 : i32 to vector<16xi32>
    %eq3A_963 = arith.cmpi eq, %get3A_927, %eq3A_962 : vector<16xi32>
    %slice3A_964 = vector.extract_strided_slice %get3A_4 {offsets = [4], sizes = [1], strides = [1]} : vector<16xi32> to vector<1xi32>
    %squeeze3A_965 = vector.extract %slice3A_964[0] : i32 from vector<1xi32>
    %broadcast_in_dim3A_966 = vector.broadcast %squeeze3A_965 : i32 to vector<16xi32>
    %select_n3A_967 = arith.select %eq3A_963, %broadcast_in_dim3A_966, %select_n3A_960 : vector<16xi1>, vector<16xi32>
    %eq3A_968 = arith.constant 5 : i32
    %eq3A_969 = vector.broadcast %eq3A_968 : i32 to vector<16xi32>
    %eq3A_970 = arith.cmpi eq, %get3A_927, %eq3A_969 : vector<16xi32>
    %slice3A_971 = vector.extract_strided_slice %get3A_4 {offsets = [5], sizes = [1], strides = [1]} : vector<16xi32> to vector<1xi32>
    %squeeze3A_972 = vector.extract %slice3A_971[0] : i32 from vector<1xi32>
    %broadcast_in_dim3A_973 = vector.broadcast %squeeze3A_972 : i32 to vector<16xi32>
    %select_n3A_974 = arith.select %eq3A_970, %broadcast_in_dim3A_973, %select_n3A_967 : vector<16xi1>, vector<16xi32>
    %eq3A_975 = arith.constant 6 : i32
    %eq3A_976 = vector.broadcast %eq3A_975 : i32 to vector<16xi32>
    %eq3A_977 = arith.cmpi eq, %get3A_927, %eq3A_976 : vector<16xi32>
    %slice3A_978 = vector.extract_strided_slice %get3A_4 {offsets = [6], sizes = [1], strides = [1]} : vector<16xi32> to vector<1xi32>
    %squeeze3A_979 = vector.extract %slice3A_978[0] : i32 from vector<1xi32>
    %broadcast_in_dim3A_980 = vector.broadcast %squeeze3A_979 : i32 to vector<16xi32>
    %select_n3A_981 = arith.select %eq3A_977, %broadcast_in_dim3A_980, %select_n3A_974 : vector<16xi1>, vector<16xi32>
    %eq3A_982 = arith.constant 7 : i32
    %eq3A_983 = vector.broadcast %eq3A_982 : i32 to vector<16xi32>
    %eq3A_984 = arith.cmpi eq, %get3A_927, %eq3A_983 : vector<16xi32>
    %slice3A_985 = vector.extract_strided_slice %get3A_4 {offsets = [7], sizes = [1], strides = [1]} : vector<16xi32> to vector<1xi32>
    %squeeze3A_986 = vector.extract %slice3A_985[0] : i32 from vector<1xi32>
    %broadcast_in_dim3A_987 = vector.broadcast %squeeze3A_986 : i32 to vector<16xi32>
    %select_n3A_988 = arith.select %eq3A_984, %broadcast_in_dim3A_987, %select_n3A_981 : vector<16xi1>, vector<16xi32>
    %add3A_989 = arith.addi %get3A_930, %select_n3A_988 : vector<16xi32>
    %swap3A_990 = arith.constant 2 : i32
    %swap3A_991 = arith.index_cast %swap3A_990 : i32 to index
    %swap3A_992 = arith.constant 16 : index
    %swap3A_993 = tpu.vector_load %arg13[%swap3A_991, %swap3A_992] {strides = array<i32>} : memref<4x32xi32, #tpu.memory_space<vmem>>, vector<1x16xi32>,
    %swap3A_994 = vector.shape_cast %swap3A_993 : vector<1x16xi32> to vector<16xi32>
    %swap3A_995 = vector.shape_cast %add3A_989 : vector<16xi32> to vector<1x16xi32>
    tpu.vector_store %arg13[%swap3A_991, %swap3A_992], %swap3A_995 {strides = array<i32>} : memref<4x32xi32, #tpu.memory_space<vmem>>, vector<1x16xi32>,
    %get3A_996 = arith.constant 96 : index
    %get3A_997 = tpu.vector_load %arg10[%get3A_996] {strides = array<i32>} : memref<128xi32, #tpu.memory_space<vmem>>, vector<16xi32>,
    %get3A_998 = vector.shape_cast %get3A_997 : vector<16xi32> to vector<16xi32>
    %get3A_999 = arith.constant 96 : index
    %get3A_1000 = tpu.vector_load %arg11[%get3A_999] {strides = array<i32>} : memref<128xi32, #tpu.memory_space<vmem>>, vector<16xi32>,
    %get3A_1001 = vector.shape_cast %get3A_1000 : vector<16xi32> to vector<16xi32>
    %broadcast_in_dim3A_1002 = arith.constant 0 : i32
    %broadcast_in_dim3A_1003 = vector.broadcast %broadcast_in_dim3A_1002 : i32 to vector<16xi32>
    %eq3A_1004 = arith.constant 0 : i32
    %eq3A_1005 = vector.broadcast %eq3A_1004 : i32 to vector<16xi32>
    %eq3A_1006 = arith.cmpi eq, %get3A_998, %eq3A_1005 : vector<16xi32>
    %slice3A_1007 = vector.extract_strided_slice %get3A_4 {offsets = [0], sizes = [1], strides = [1]} : vector<16xi32> to vector<1xi32>
    %squeeze3A_1008 = vector.extract %slice3A_1007[0] : i32 from vector<1xi32>
    %broadcast_in_dim3A_1009 = vector.broadcast %squeeze3A_1008 : i32 to vector<16xi32>
    %select_n3A_1010 = arith.select %eq3A_1006, %broadcast_in_dim3A_1009, %broadcast_in_dim3A_1003 : vector<16xi1>, vector<16xi32>
    %eq3A_1011 = arith.constant 1 : i32
    %eq3A_1012 = vector.broadcast %eq3A_1011 : i32 to vector<16xi32>
    %eq3A_1013 = arith.cmpi eq, %get3A_998, %eq3A_1012 : vector<16xi32>
    %slice3A_1014 = vector.extract_strided_slice %get3A_4 {offsets = [1], sizes = [1], strides = [1]} : vector<16xi32> to vector<1xi32>
    %squeeze3A_1015 = vector.extract %slice3A_1014[0] : i32 from vector<1xi32>
    %broadcast_in_dim3A_1016 = vector.broadcast %squeeze3A_1015 : i32 to vector<16xi32>
    %select_n3A_1017 = arith.select %eq3A_1013, %broadcast_in_dim3A_1016, %select_n3A_1010 : vector<16xi1>, vector<16xi32>
    %eq3A_1018 = arith.constant 2 : i32
    %eq3A_1019 = vector.broadcast %eq3A_1018 : i32 to vector<16xi32>
    %eq3A_1020 = arith.cmpi eq, %get3A_998, %eq3A_1019 : vector<16xi32>
    %slice3A_1021 = vector.extract_strided_slice %get3A_4 {offsets = [2], sizes = [1], strides = [1]} : vector<16xi32> to vector<1xi32>
    %squeeze3A_1022 = vector.extract %slice3A_1021[0] : i32 from vector<1xi32>
    %broadcast_in_dim3A_1023 = vector.broadcast %squeeze3A_1022 : i32 to vector<16xi32>
    %select_n3A_1024 = arith.select %eq3A_1020, %broadcast_in_dim3A_1023, %select_n3A_1017 : vector<16xi1>, vector<16xi32>
    %eq3A_1025 = arith.constant 3 : i32
    %eq3A_1026 = vector.broadcast %eq3A_1025 : i32 to vector<16xi32>
    %eq3A_1027 = arith.cmpi eq, %get3A_998, %eq3A_1026 : vector<16xi32>
    %slice3A_1028 = vector.extract_strided_slice %get3A_4 {offsets = [3], sizes = [1], strides = [1]} : vector<16xi32> to vector<1xi32>
    %squeeze3A_1029 = vector.extract %slice3A_1028[0] : i32 from vector<1xi32>
    %broadcast_in_dim3A_1030 = vector.broadcast %squeeze3A_1029 : i32 to vector<16xi32>
    %select_n3A_1031 = arith.select %eq3A_1027, %broadcast_in_dim3A_1030, %select_n3A_1024 : vector<16xi1>, vector<16xi32>
    %eq3A_1032 = arith.constant 4 : i32
    %eq3A_1033 = vector.broadcast %eq3A_1032 : i32 to vector<16xi32>
    %eq3A_1034 = arith.cmpi eq, %get3A_998, %eq3A_1033 : vector<16xi32>
    %slice3A_1035 = vector.extract_strided_slice %get3A_4 {offsets = [4], sizes = [1], strides = [1]} : vector<16xi32> to vector<1xi32>
    %squeeze3A_1036 = vector.extract %slice3A_1035[0] : i32 from vector<1xi32>
    %broadcast_in_dim3A_1037 = vector.broadcast %squeeze3A_1036 : i32 to vector<16xi32>
    %select_n3A_1038 = arith.select %eq3A_1034, %broadcast_in_dim3A_1037, %select_n3A_1031 : vector<16xi1>, vector<16xi32>
    %eq3A_1039 = arith.constant 5 : i32
    %eq3A_1040 = vector.broadcast %eq3A_1039 : i32 to vector<16xi32>
    %eq3A_1041 = arith.cmpi eq, %get3A_998, %eq3A_1040 : vector<16xi32>
    %slice3A_1042 = vector.extract_strided_slice %get3A_4 {offsets = [5], sizes = [1], strides = [1]} : vector<16xi32> to vector<1xi32>
    %squeeze3A_1043 = vector.extract %slice3A_1042[0] : i32 from vector<1xi32>
    %broadcast_in_dim3A_1044 = vector.broadcast %squeeze3A_1043 : i32 to vector<16xi32>
    %select_n3A_1045 = arith.select %eq3A_1041, %broadcast_in_dim3A_1044, %select_n3A_1038 : vector<16xi1>, vector<16xi32>
    %eq3A_1046 = arith.constant 6 : i32
    %eq3A_1047 = vector.broadcast %eq3A_1046 : i32 to vector<16xi32>
    %eq3A_1048 = arith.cmpi eq, %get3A_998, %eq3A_1047 : vector<16xi32>
    %slice3A_1049 = vector.extract_strided_slice %get3A_4 {offsets = [6], sizes = [1], strides = [1]} : vector<16xi32> to vector<1xi32>
    %squeeze3A_1050 = vector.extract %slice3A_1049[0] : i32 from vector<1xi32>
    %broadcast_in_dim3A_1051 = vector.broadcast %squeeze3A_1050 : i32 to vector<16xi32>
    %select_n3A_1052 = arith.select %eq3A_1048, %broadcast_in_dim3A_1051, %select_n3A_1045 : vector<16xi1>, vector<16xi32>
    %eq3A_1053 = arith.constant 7 : i32
    %eq3A_1054 = vector.broadcast %eq3A_1053 : i32 to vector<16xi32>
    %eq3A_1055 = arith.cmpi eq, %get3A_998, %eq3A_1054 : vector<16xi32>
    %slice3A_1056 = vector.extract_strided_slice %get3A_4 {offsets = [7], sizes = [1], strides = [1]} : vector<16xi32> to vector<1xi32>
    %squeeze3A_1057 = vector.extract %slice3A_1056[0] : i32 from vector<1xi32>
    %broadcast_in_dim3A_1058 = vector.broadcast %squeeze3A_1057 : i32 to vector<16xi32>
    %select_n3A_1059 = arith.select %eq3A_1055, %broadcast_in_dim3A_1058, %select_n3A_1052 : vector<16xi1>, vector<16xi32>
    %add3A_1060 = arith.addi %get3A_1001, %select_n3A_1059 : vector<16xi32>
    %swap3A_1061 = arith.constant 3 : i32
    %swap3A_1062 = arith.index_cast %swap3A_1061 : i32 to index
    %swap3A_1063 = arith.constant 0 : index
    %swap3A_1064 = tpu.vector_load %arg13[%swap3A_1062, %swap3A_1063] {strides = array<i32>} : memref<4x32xi32, #tpu.memory_space<vmem>>, vector<1x16xi32>,
    %swap3A_1065 = vector.shape_cast %swap3A_1064 : vector<1x16xi32> to vector<16xi32>
    %swap3A_1066 = vector.shape_cast %add3A_1060 : vector<16xi32> to vector<1x16xi32>
    tpu.vector_store %arg13[%swap3A_1062, %swap3A_1063], %swap3A_1066 {strides = array<i32>} : memref<4x32xi32, #tpu.memory_space<vmem>>, vector<1x16xi32>,
    %get3A_1067 = arith.constant 112 : index
    %get3A_1068 = tpu.vector_load %arg10[%get3A_1067] {strides = array<i32>} : memref<128xi32, #tpu.memory_space<vmem>>, vector<16xi32>,
    %get3A_1069 = vector.shape_cast %get3A_1068 : vector<16xi32> to vector<16xi32>
    %get3A_1070 = arith.constant 112 : index
    %get3A_1071 = tpu.vector_load %arg11[%get3A_1070] {strides = array<i32>} : memref<128xi32, #tpu.memory_space<vmem>>, vector<16xi32>,
    %get3A_1072 = vector.shape_cast %get3A_1071 : vector<16xi32> to vector<16xi32>
    %broadcast_in_dim3A_1073 = arith.constant 0 : i32
    %broadcast_in_dim3A_1074 = vector.broadcast %broadcast_in_dim3A_1073 : i32 to vector<16xi32>
    %eq3A_1075 = arith.constant 0 : i32
    %eq3A_1076 = vector.broadcast %eq3A_1075 : i32 to vector<16xi32>
    %eq3A_1077 = arith.cmpi eq, %get3A_1069, %eq3A_1076 : vector<16xi32>
    %slice3A_1078 = vector.extract_strided_slice %get3A_4 {offsets = [0], sizes = [1], strides = [1]} : vector<16xi32> to vector<1xi32>
    %squeeze3A_1079 = vector.extract %slice3A_1078[0] : i32 from vector<1xi32>
    %broadcast_in_dim3A_1080 = vector.broadcast %squeeze3A_1079 : i32 to vector<16xi32>
    %select_n3A_1081 = arith.select %eq3A_1077, %broadcast_in_dim3A_1080, %broadcast_in_dim3A_1074 : vector<16xi1>, vector<16xi32>
    %eq3A_1082 = arith.constant 1 : i32
    %eq3A_1083 = vector.broadcast %eq3A_1082 : i32 to vector<16xi32>
    %eq3A_1084 = arith.cmpi eq, %get3A_1069, %eq3A_1083 : vector<16xi32>
    %slice3A_1085 = vector.extract_strided_slice %get3A_4 {offsets = [1], sizes = [1], strides = [1]} : vector<16xi32> to vector<1xi32>
    %squeeze3A_1086 = vector.extract %slice3A_1085[0] : i32 from vector<1xi32>
    %broadcast_in_dim3A_1087 = vector.broadcast %squeeze3A_1086 : i32 to vector<16xi32>
    %select_n3A_1088 = arith.select %eq3A_1084, %broadcast_in_dim3A_1087, %select_n3A_1081 : vector<16xi1>, vector<16xi32>
    %eq3A_1089 = arith.constant 2 : i32
    %eq3A_1090 = vector.broadcast %eq3A_1089 : i32 to vector<16xi32>
    %eq3A_1091 = arith.cmpi eq, %get3A_1069, %eq3A_1090 : vector<16xi32>
    %slice3A_1092 = vector.extract_strided_slice %get3A_4 {offsets = [2], sizes = [1], strides = [1]} : vector<16xi32> to vector<1xi32>
    %squeeze3A_1093 = vector.extract %slice3A_1092[0] : i32 from vector<1xi32>
    %broadcast_in_dim3A_1094 = vector.broadcast %squeeze3A_1093 : i32 to vector<16xi32>
    %select_n3A_1095 = arith.select %eq3A_1091, %broadcast_in_dim3A_1094, %select_n3A_1088 : vector<16xi1>, vector<16xi32>
    %eq3A_1096 = arith.constant 3 : i32
    %eq3A_1097 = vector.broadcast %eq3A_1096 : i32 to vector<16xi32>
    %eq3A_1098 = arith.cmpi eq, %get3A_1069, %eq3A_1097 : vector<16xi32>
    %slice3A_1099 = vector.extract_strided_slice %get3A_4 {offsets = [3], sizes = [1], strides = [1]} : vector<16xi32> to vector<1xi32>
    %squeeze3A_1100 = vector.extract %slice3A_1099[0] : i32 from vector<1xi32>
    %broadcast_in_dim3A_1101 = vector.broadcast %squeeze3A_1100 : i32 to vector<16xi32>
    %select_n3A_1102 = arith.select %eq3A_1098, %broadcast_in_dim3A_1101, %select_n3A_1095 : vector<16xi1>, vector<16xi32>
    %eq3A_1103 = arith.constant 4 : i32
    %eq3A_1104 = vector.broadcast %eq3A_1103 : i32 to vector<16xi32>
    %eq3A_1105 = arith.cmpi eq, %get3A_1069, %eq3A_1104 : vector<16xi32>
    %slice3A_1106 = vector.extract_strided_slice %get3A_4 {offsets = [4], sizes = [1], strides = [1]} : vector<16xi32> to vector<1xi32>
    %squeeze3A_1107 = vector.extract %slice3A_1106[0] : i32 from vector<1xi32>
    %broadcast_in_dim3A_1108 = vector.broadcast %squeeze3A_1107 : i32 to vector<16xi32>
    %select_n3A_1109 = arith.select %eq3A_1105, %broadcast_in_dim3A_1108, %select_n3A_1102 : vector<16xi1>, vector<16xi32>
    %eq3A_1110 = arith.constant 5 : i32
    %eq3A_1111 = vector.broadcast %eq3A_1110 : i32 to vector<16xi32>
    %eq3A_1112 = arith.cmpi eq, %get3A_1069, %eq3A_1111 : vector<16xi32>
    %slice3A_1113 = vector.extract_strided_slice %get3A_4 {offsets = [5], sizes = [1], strides = [1]} : vector<16xi32> to vector<1xi32>
    %squeeze3A_1114 = vector.extract %slice3A_1113[0] : i32 from vector<1xi32>
    %broadcast_in_dim3A_1115 = vector.broadcast %squeeze3A_1114 : i32 to vector<16xi32>
    %select_n3A_1116 = arith.select %eq3A_1112, %broadcast_in_dim3A_1115, %select_n3A_1109 : vector<16xi1>, vector<16xi32>
    %eq3A_1117 = arith.constant 6 : i32
    %eq3A_1118 = vector.broadcast %eq3A_1117 : i32 to vector<16xi32>
    %eq3A_1119 = arith.cmpi eq, %get3A_1069, %eq3A_1118 : vector<16xi32>
    %slice3A_1120 = vector.extract_strided_slice %get3A_4 {offsets = [6], sizes = [1], strides = [1]} : vector<16xi32> to vector<1xi32>
    %squeeze3A_1121 = vector.extract %slice3A_1120[0] : i32 from vector<1xi32>
    %broadcast_in_dim3A_1122 = vector.broadcast %squeeze3A_1121 : i32 to vector<16xi32>
    %select_n3A_1123 = arith.select %eq3A_1119, %broadcast_in_dim3A_1122, %select_n3A_1116 : vector<16xi1>, vector<16xi32>
    %eq3A_1124 = arith.constant 7 : i32
    %eq3A_1125 = vector.broadcast %eq3A_1124 : i32 to vector<16xi32>
    %eq3A_1126 = arith.cmpi eq, %get3A_1069, %eq3A_1125 : vector<16xi32>
    %slice3A_1127 = vector.extract_strided_slice %get3A_4 {offsets = [7], sizes = [1], strides = [1]} : vector<16xi32> to vector<1xi32>
    %squeeze3A_1128 = vector.extract %slice3A_1127[0] : i32 from vector<1xi32>
    %broadcast_in_dim3A_1129 = vector.broadcast %squeeze3A_1128 : i32 to vector<16xi32>
    %select_n3A_1130 = arith.select %eq3A_1126, %broadcast_in_dim3A_1129, %select_n3A_1123 : vector<16xi1>, vector<16xi32>
    %add3A_1131 = arith.addi %get3A_1072, %select_n3A_1130 : vector<16xi32>
    %swap3A_1132 = arith.constant 3 : i32
    %swap3A_1133 = arith.index_cast %swap3A_1132 : i32 to index
    %swap3A_1134 = arith.constant 16 : index
    %swap3A_1135 = tpu.vector_load %arg13[%swap3A_1133, %swap3A_1134] {strides = array<i32>} : memref<4x32xi32, #tpu.memory_space<vmem>>, vector<1x16xi32>,
    %swap3A_1136 = vector.shape_cast %swap3A_1135 : vector<1x16xi32> to vector<16xi32>
    %swap3A_1137 = vector.shape_cast %add3A_1131 : vector<16xi32> to vector<1x16xi32>
    tpu.vector_store %arg13[%swap3A_1133, %swap3A_1134], %swap3A_1137 {strides = array<i32>} : memref<4x32xi32, #tpu.memory_space<vmem>>, vector<1x16xi32>,
    %dma_wait3A = arith.constant 0 : i32
    %dma_wait3A_1138 = tpu.memref_slice %arg2[%mul3A_2, %dma_wait3A] : memref<4096x1024xf32, #tpu.memory_space<hbm>> -> memref<32x1024xf32, #tpu.memory_space<hbm>>
    %dma_wait3A_1139 = arith.constant 0 : i32
    %dma_wait3A_1140 = tpu.memref_slice %arg2[%mul3A_2, %dma_wait3A_1139] : memref<4096x1024xf32, #tpu.memory_space<hbm>> -> memref<32x1024xf32, #tpu.memory_space<hbm>>
    tpu.wait_dma2 semaphore(%arg16 : memref<!tpu.dma_semaphore, #tpu.memory_space<semaphore_mem>>) src(%dma_wait3A_1140 : memref<32x1024xf32, #tpu.memory_space<hbm>>) dst(%arg14 : memref<32x1024xf32, #tpu.memory_space<vmem>>)
    %add3A_1141 = arith.constant 32 : i32
    %add3A_1142 = arith.addi %mul3A_2, %add3A_1141 : i32
    %dma_start3A_1143 = arith.constant 0 : i32
    %dma_start3A_1144 = tpu.memref_slice %arg2[%add3A_1142, %dma_start3A_1143] : memref<4096x1024xf32, #tpu.memory_space<hbm>> -> memref<32x1024xf32, #tpu.memory_space<hbm>>
    %dma_start3A_1145 = arith.constant 0 : i32
    %dma_start3A_1146 = tpu.memref_slice %arg2[%add3A_1142, %dma_start3A_1145] : memref<4096x1024xf32, #tpu.memory_space<hbm>> -> memref<32x1024xf32, #tpu.memory_space<hbm>>
    tpu.enqueue_dma source(%dma_start3A_1146 : memref<32x1024xf32, #tpu.memory_space<hbm>>) target(%arg15 : memref<32x1024xf32, #tpu.memory_space<vmem>>) target_semaphore(%arg17 : memref<!tpu.dma_semaphore, #tpu.memory_space<semaphore_mem>>)
    %dma_start3A_1147 = arith.constant 0 : i32
    %dma_start3A_1148 = arith.constant 0 : i32
    %dma_start3A_1149 = tpu.memref_slice %arg12[%dma_start3A_1147, %dma_start3A_1148] : memref<4x32xi32, #tpu.memory_space<vmem>> -> memref<1x32xi32, #tpu.memory_space<vmem>>
    %dma_start3A_1150 = tpu.memref_squeeze %dma_start3A_1149 : memref<1x32xi32, #tpu.memory_space<vmem>> -> memref<32xi32, #tpu.memory_space<vmem>>
    %dma_start3A_1151 = arith.constant 0 : i32
    %dma_start3A_1152 = arith.constant 0 : i32
    %dma_start3A_1153 = tpu.memref_slice %arg8[%dma_start3A_1151, %dma_start3A_1152] : memref<10240x1024xf32, #tpu.memory_space<hbm>> -> memref<10240x1024xf32, #tpu.memory_space<hbm>>
    tpu.enqueue_indirect_dma source(%arg14 : memref<32x1024xf32, #tpu.memory_space<vmem>>) target(%dma_start3A_1153 : memref<10240x1024xf32, #tpu.memory_space<hbm>>) offsets(%dma_start3A_1150 : memref<32xi32, #tpu.memory_space<vmem>>) semaphore(%arg18 : memref<!tpu.dma_semaphore, #tpu.memory_space<semaphore_mem>>)
    %dma_start3A_1154 = arith.constant 0 : i32
    %dma_start3A_1155 = arith.constant 0 : i32
    %dma_start3A_1156 = tpu.memref_slice %arg13[%dma_start3A_1154, %dma_start3A_1155] : memref<4x32xi32, #tpu.memory_space<vmem>> -> memref<1x32xi32, #tpu.memory_space<vmem>>
    %dma_start3A_1157 = tpu.memref_squeeze %dma_start3A_1156 : memref<1x32xi32, #tpu.memory_space<vmem>> -> memref<32xi32, #tpu.memory_space<vmem>>
    %dma_start3A_1158 = arith.constant 0 : i32
    %dma_start3A_1159 = arith.constant 0 : i32
    %dma_start3A_1160 = tpu.memref_slice %arg8[%dma_start3A_1158, %dma_start3A_1159] : memref<10240x1024xf32, #tpu.memory_space<hbm>> -> memref<10240x1024xf32, #tpu.memory_space<hbm>>
    tpu.enqueue_indirect_dma source(%arg14 : memref<32x1024xf32, #tpu.memory_space<vmem>>) target(%dma_start3A_1160 : memref<10240x1024xf32, #tpu.memory_space<hbm>>) offsets(%dma_start3A_1157 : memref<32xi32, #tpu.memory_space<vmem>>) semaphore(%arg19 : memref<!tpu.dma_semaphore, #tpu.memory_space<semaphore_mem>>)
    %dma_wait3A_1161 = arith.constant 0 : i32
    %dma_wait3A_1162 = arith.constant 0 : i32
    %dma_wait3A_1163 = tpu.memref_slice %arg12[%dma_wait3A_1161, %dma_wait3A_1162] : memref<4x32xi32, #tpu.memory_space<vmem>> -> memref<1x32xi32, #tpu.memory_space<vmem>>
    %dma_wait3A_1164 = tpu.memref_squeeze %dma_wait3A_1163 : memref<1x32xi32, #tpu.memory_space<vmem>> -> memref<32xi32, #tpu.memory_space<vmem>>
    %dma_wait3A_1165 = arith.constant 0 : i32
    %dma_wait3A_1166 = arith.constant 0 : i32
    %dma_wait3A_1167 = tpu.memref_slice %arg8[%dma_wait3A_1165, %dma_wait3A_1166] : memref<10240x1024xf32, #tpu.memory_space<hbm>> -> memref<10240x1024xf32, #tpu.memory_space<hbm>>
    tpu.wait_indirect_dma semaphore(%arg18 : memref<!tpu.dma_semaphore, #tpu.memory_space<semaphore_mem>>) src(%arg14 : memref<32x1024xf32, #tpu.memory_space<vmem>>) dst(%dma_wait3A_1167 : memref<10240x1024xf32, #tpu.memory_space<hbm>>)
    %dma_wait3A_1168 = arith.constant 0 : i32
    %dma_wait3A_1169 = arith.constant 0 : i32
    %dma_wait3A_1170 = tpu.memref_slice %arg13[%dma_wait3A_1168, %dma_wait3A_1169] : memref<4x32xi32, #tpu.memory_space<vmem>> -> memref<1x32xi32, #tpu.memory_space<vmem>>
    %dma_wait3A_1171 = tpu.memref_squeeze %dma_wait3A_1170 : memref<1x32xi32, #tpu.memory_space<vmem>> -> memref<32xi32, #tpu.memory_space<vmem>>
    %dma_wait3A_1172 = arith.constant 0 : i32
    %dma_wait3A_1173 = arith.constant 0 : i32
    %dma_wait3A_1174 = tpu.memref_slice %arg8[%dma_wait3A_1172, %dma_wait3A_1173] : memref<10240x1024xf32, #tpu.memory_space<hbm>> -> memref<10240x1024xf32, #tpu.memory_space<hbm>>
    tpu.wait_indirect_dma semaphore(%arg19 : memref<!tpu.dma_semaphore, #tpu.memory_space<semaphore_mem>>) src(%arg14 : memref<32x1024xf32, #tpu.memory_space<vmem>>) dst(%dma_wait3A_1174 : memref<10240x1024xf32, #tpu.memory_space<hbm>>)
    %dma_wait3A_1175 = arith.constant 0 : i32
    %dma_wait3A_1176 = tpu.memref_slice %arg2[%add3A_1142, %dma_wait3A_1175] : memref<4096x1024xf32, #tpu.memory_space<hbm>> -> memref<32x1024xf32, #tpu.memory_space<hbm>>
    %dma_wait3A_1177 = arith.constant 0 : i32
    %dma_wait3A_1178 = tpu.memref_slice %arg2[%add3A_1142, %dma_wait3A_1177] : memref<4096x1024xf32, #tpu.memory_space<hbm>> -> memref<32x1024xf32, #tpu.memory_space<hbm>>
    tpu.wait_dma2 semaphore(%arg17 : memref<!tpu.dma_semaphore, #tpu.memory_space<semaphore_mem>>) src(%dma_wait3A_1178 : memref<32x1024xf32, #tpu.memory_space<hbm>>) dst(%arg15 : memref<32x1024xf32, #tpu.memory_space<vmem>>)
    %add3A_1179 = arith.constant 64 : i32
    %add3A_1180 = arith.addi %mul3A_2, %add3A_1179 : i32
    %dma_start3A_1181 = arith.constant 0 : i32
    %dma_start3A_1182 = tpu.memref_slice %arg2[%add3A_1180, %dma_start3A_1181] : memref<4096x1024xf32, #tpu.memory_space<hbm>> -> memref<32x1024xf32, #tpu.memory_space<hbm>>
    %dma_start3A_1183 = arith.constant 0 : i32
    %dma_start3A_1184 = tpu.memref_slice %arg2[%add3A_1180, %dma_start3A_1183] : memref<4096x1024xf32, #tpu.memory_space<hbm>> -> memref<32x1024xf32, #tpu.memory_space<hbm>>
    tpu.enqueue_dma source(%dma_start3A_1184 : memref<32x1024xf32, #tpu.memory_space<hbm>>) target(%arg14 : memref<32x1024xf32, #tpu.memory_space<vmem>>) target_semaphore(%arg16 : memref<!tpu.dma_semaphore, #tpu.memory_space<semaphore_mem>>)
    %dma_start3A_1185 = arith.constant 1 : i32
    %dma_start3A_1186 = arith.constant 0 : i32
    %dma_start3A_1187 = tpu.memref_slice %arg12[%dma_start3A_1185, %dma_start3A_1186] : memref<4x32xi32, #tpu.memory_space<vmem>> -> memref<1x32xi32, #tpu.memory_space<vmem>>
    %dma_start3A_1188 = tpu.memref_squeeze %dma_start3A_1187 : memref<1x32xi32, #tpu.memory_space<vmem>> -> memref<32xi32, #tpu.memory_space<vmem>>
    %dma_start3A_1189 = arith.constant 0 : i32
    %dma_start3A_1190 = arith.constant 0 : i32
    %dma_start3A_1191 = tpu.memref_slice %arg8[%dma_start3A_1189, %dma_start3A_1190] : memref<10240x1024xf32, #tpu.memory_space<hbm>> -> memref<10240x1024xf32, #tpu.memory_space<hbm>>
    tpu.enqueue_indirect_dma source(%arg15 : memref<32x1024xf32, #tpu.memory_space<vmem>>) target(%dma_start3A_1191 : memref<10240x1024xf32, #tpu.memory_space<hbm>>) offsets(%dma_start3A_1188 : memref<32xi32, #tpu.memory_space<vmem>>) semaphore(%arg18 : memref<!tpu.dma_semaphore, #tpu.memory_space<semaphore_mem>>)
    %dma_start3A_1192 = arith.constant 1 : i32
    %dma_start3A_1193 = arith.constant 0 : i32
    %dma_start3A_1194 = tpu.memref_slice %arg13[%dma_start3A_1192, %dma_start3A_1193] : memref<4x32xi32, #tpu.memory_space<vmem>> -> memref<1x32xi32, #tpu.memory_space<vmem>>
    %dma_start3A_1195 = tpu.memref_squeeze %dma_start3A_1194 : memref<1x32xi32, #tpu.memory_space<vmem>> -> memref<32xi32, #tpu.memory_space<vmem>>
    %dma_start3A_1196 = arith.constant 0 : i32
    %dma_start3A_1197 = arith.constant 0 : i32
    %dma_start3A_1198 = tpu.memref_slice %arg8[%dma_start3A_1196, %dma_start3A_1197] : memref<10240x1024xf32, #tpu.memory_space<hbm>> -> memref<10240x1024xf32, #tpu.memory_space<hbm>>
    tpu.enqueue_indirect_dma source(%arg15 : memref<32x1024xf32, #tpu.memory_space<vmem>>) target(%dma_start3A_1198 : memref<10240x1024xf32, #tpu.memory_space<hbm>>) offsets(%dma_start3A_1195 : memref<32xi32, #tpu.memory_space<vmem>>) semaphore(%arg19 : memref<!tpu.dma_semaphore, #tpu.memory_space<semaphore_mem>>)
    %dma_wait3A_1199 = arith.constant 1 : i32
    %dma_wait3A_1200 = arith.constant 0 : i32
    %dma_wait3A_1201 = tpu.memref_slice %arg12[%dma_wait3A_1199, %dma_wait3A_1200] : memref<4x32xi32, #tpu.memory_space<vmem>> -> memref<1x32xi32, #tpu.memory_space<vmem>>
    %dma_wait3A_1202 = tpu.memref_squeeze %dma_wait3A_1201 : memref<1x32xi32, #tpu.memory_space<vmem>> -> memref<32xi32, #tpu.memory_space<vmem>>
    %dma_wait3A_1203 = arith.constant 0 : i32
    %dma_wait3A_1204 = arith.constant 0 : i32
    %dma_wait3A_1205 = tpu.memref_slice %arg8[%dma_wait3A_1203, %dma_wait3A_1204] : memref<10240x1024xf32, #tpu.memory_space<hbm>> -> memref<10240x1024xf32, #tpu.memory_space<hbm>>
    tpu.wait_indirect_dma semaphore(%arg18 : memref<!tpu.dma_semaphore, #tpu.memory_space<semaphore_mem>>) src(%arg15 : memref<32x1024xf32, #tpu.memory_space<vmem>>) dst(%dma_wait3A_1205 : memref<10240x1024xf32, #tpu.memory_space<hbm>>)
    %dma_wait3A_1206 = arith.constant 1 : i32
    %dma_wait3A_1207 = arith.constant 0 : i32
    %dma_wait3A_1208 = tpu.memref_slice %arg13[%dma_wait3A_1206, %dma_wait3A_1207] : memref<4x32xi32, #tpu.memory_space<vmem>> -> memref<1x32xi32, #tpu.memory_space<vmem>>
    %dma_wait3A_1209 = tpu.memref_squeeze %dma_wait3A_1208 : memref<1x32xi32, #tpu.memory_space<vmem>> -> memref<32xi32, #tpu.memory_space<vmem>>
    %dma_wait3A_1210 = arith.constant 0 : i32
    %dma_wait3A_1211 = arith.constant 0 : i32
    %dma_wait3A_1212 = tpu.memref_slice %arg8[%dma_wait3A_1210, %dma_wait3A_1211] : memref<10240x1024xf32, #tpu.memory_space<hbm>> -> memref<10240x1024xf32, #tpu.memory_space<hbm>>
    tpu.wait_indirect_dma semaphore(%arg19 : memref<!tpu.dma_semaphore, #tpu.memory_space<semaphore_mem>>) src(%arg15 : memref<32x1024xf32, #tpu.memory_space<vmem>>) dst(%dma_wait3A_1212 : memref<10240x1024xf32, #tpu.memory_space<hbm>>)
    %dma_wait3A_1213 = arith.constant 0 : i32
    %dma_wait3A_1214 = tpu.memref_slice %arg2[%add3A_1180, %dma_wait3A_1213] : memref<4096x1024xf32, #tpu.memory_space<hbm>> -> memref<32x1024xf32, #tpu.memory_space<hbm>>
    %dma_wait3A_1215 = arith.constant 0 : i32
    %dma_wait3A_1216 = tpu.memref_slice %arg2[%add3A_1180, %dma_wait3A_1215] : memref<4096x1024xf32, #tpu.memory_space<hbm>> -> memref<32x1024xf32, #tpu.memory_space<hbm>>
    tpu.wait_dma2 semaphore(%arg16 : memref<!tpu.dma_semaphore, #tpu.memory_space<semaphore_mem>>) src(%dma_wait3A_1216 : memref<32x1024xf32, #tpu.memory_space<hbm>>) dst(%arg14 : memref<32x1024xf32, #tpu.memory_space<vmem>>)
    %add3A_1217 = arith.constant 96 : i32
    %add3A_1218 = arith.addi %mul3A_2, %add3A_1217 : i32
    %dma_start3A_1219 = arith.constant 0 : i32
    %dma_start3A_1220 = tpu.memref_slice %arg2[%add3A_1218, %dma_start3A_1219] : memref<4096x1024xf32, #tpu.memory_space<hbm>> -> memref<32x1024xf32, #tpu.memory_space<hbm>>
    %dma_start3A_1221 = arith.constant 0 : i32
    %dma_start3A_1222 = tpu.memref_slice %arg2[%add3A_1218, %dma_start3A_1221] : memref<4096x1024xf32, #tpu.memory_space<hbm>> -> memref<32x1024xf32, #tpu.memory_space<hbm>>
    tpu.enqueue_dma source(%dma_start3A_1222 : memref<32x1024xf32, #tpu.memory_space<hbm>>) target(%arg15 : memref<32x1024xf32, #tpu.memory_space<vmem>>) target_semaphore(%arg17 : memref<!tpu.dma_semaphore, #tpu.memory_space<semaphore_mem>>)
    %dma_start3A_1223 = arith.constant 2 : i32
    %dma_start3A_1224 = arith.constant 0 : i32
    %dma_start3A_1225 = tpu.memref_slice %arg12[%dma_start3A_1223, %dma_start3A_1224] : memref<4x32xi32, #tpu.memory_space<vmem>> -> memref<1x32xi32, #tpu.memory_space<vmem>>
    %dma_start3A_1226 = tpu.memref_squeeze %dma_start3A_1225 : memref<1x32xi32, #tpu.memory_space<vmem>> -> memref<32xi32, #tpu.memory_space<vmem>>
    %dma_start3A_1227 = arith.constant 0 : i32
    %dma_start3A_1228 = arith.constant 0 : i32
    %dma_start3A_1229 = tpu.memref_slice %arg8[%dma_start3A_1227, %dma_start3A_1228] : memref<10240x1024xf32, #tpu.memory_space<hbm>> -> memref<10240x1024xf32, #tpu.memory_space<hbm>>
    tpu.enqueue_indirect_dma source(%arg14 : memref<32x1024xf32, #tpu.memory_space<vmem>>) target(%dma_start3A_1229 : memref<10240x1024xf32, #tpu.memory_space<hbm>>) offsets(%dma_start3A_1226 : memref<32xi32, #tpu.memory_space<vmem>>) semaphore(%arg18 : memref<!tpu.dma_semaphore, #tpu.memory_space<semaphore_mem>>)
    %dma_start3A_1230 = arith.constant 2 : i32
    %dma_start3A_1231 = arith.constant 0 : i32
    %dma_start3A_1232 = tpu.memref_slice %arg13[%dma_start3A_1230, %dma_start3A_1231] : memref<4x32xi32, #tpu.memory_space<vmem>> -> memref<1x32xi32, #tpu.memory_space<vmem>>
    %dma_start3A_1233 = tpu.memref_squeeze %dma_start3A_1232 : memref<1x32xi32, #tpu.memory_space<vmem>> -> memref<32xi32, #tpu.memory_space<vmem>>
    %dma_start3A_1234 = arith.constant 0 : i32
    %dma_start3A_1235 = arith.constant 0 : i32
    %dma_start3A_1236 = tpu.memref_slice %arg8[%dma_start3A_1234, %dma_start3A_1235] : memref<10240x1024xf32, #tpu.memory_space<hbm>> -> memref<10240x1024xf32, #tpu.memory_space<hbm>>
    tpu.enqueue_indirect_dma source(%arg14 : memref<32x1024xf32, #tpu.memory_space<vmem>>) target(%dma_start3A_1236 : memref<10240x1024xf32, #tpu.memory_space<hbm>>) offsets(%dma_start3A_1233 : memref<32xi32, #tpu.memory_space<vmem>>) semaphore(%arg19 : memref<!tpu.dma_semaphore, #tpu.memory_space<semaphore_mem>>)
    %dma_wait3A_1237 = arith.constant 2 : i32
    %dma_wait3A_1238 = arith.constant 0 : i32
    %dma_wait3A_1239 = tpu.memref_slice %arg12[%dma_wait3A_1237, %dma_wait3A_1238] : memref<4x32xi32, #tpu.memory_space<vmem>> -> memref<1x32xi32, #tpu.memory_space<vmem>>
    %dma_wait3A_1240 = tpu.memref_squeeze %dma_wait3A_1239 : memref<1x32xi32, #tpu.memory_space<vmem>> -> memref<32xi32, #tpu.memory_space<vmem>>
    %dma_wait3A_1241 = arith.constant 0 : i32
    %dma_wait3A_1242 = arith.constant 0 : i32
    %dma_wait3A_1243 = tpu.memref_slice %arg8[%dma_wait3A_1241, %dma_wait3A_1242] : memref<10240x1024xf32, #tpu.memory_space<hbm>> -> memref<10240x1024xf32, #tpu.memory_space<hbm>>
    tpu.wait_indirect_dma semaphore(%arg18 : memref<!tpu.dma_semaphore, #tpu.memory_space<semaphore_mem>>) src(%arg14 : memref<32x1024xf32, #tpu.memory_space<vmem>>) dst(%dma_wait3A_1243 : memref<10240x1024xf32, #tpu.memory_space<hbm>>)
    %dma_wait3A_1244 = arith.constant 2 : i32
    %dma_wait3A_1245 = arith.constant 0 : i32
    %dma_wait3A_1246 = tpu.memref_slice %arg13[%dma_wait3A_1244, %dma_wait3A_1245] : memref<4x32xi32, #tpu.memory_space<vmem>> -> memref<1x32xi32, #tpu.memory_space<vmem>>
    %dma_wait3A_1247 = tpu.memref_squeeze %dma_wait3A_1246 : memref<1x32xi32, #tpu.memory_space<vmem>> -> memref<32xi32, #tpu.memory_space<vmem>>
    %dma_wait3A_1248 = arith.constant 0 : i32
    %dma_wait3A_1249 = arith.constant 0 : i32
    %dma_wait3A_1250 = tpu.memref_slice %arg8[%dma_wait3A_1248, %dma_wait3A_1249] : memref<10240x1024xf32, #tpu.memory_space<hbm>> -> memref<10240x1024xf32, #tpu.memory_space<hbm>>
    tpu.wait_indirect_dma semaphore(%arg19 : memref<!tpu.dma_semaphore, #tpu.memory_space<semaphore_mem>>) src(%arg14 : memref<32x1024xf32, #tpu.memory_space<vmem>>) dst(%dma_wait3A_1250 : memref<10240x1024xf32, #tpu.memory_space<hbm>>)
    %dma_wait3A_1251 = arith.constant 0 : i32
    %dma_wait3A_1252 = tpu.memref_slice %arg2[%add3A_1218, %dma_wait3A_1251] : memref<4096x1024xf32, #tpu.memory_space<hbm>> -> memref<32x1024xf32, #tpu.memory_space<hbm>>
    %dma_wait3A_1253 = arith.constant 0 : i32
    %dma_wait3A_1254 = tpu.memref_slice %arg2[%add3A_1218, %dma_wait3A_1253] : memref<4096x1024xf32, #tpu.memory_space<hbm>> -> memref<32x1024xf32, #tpu.memory_space<hbm>>
    tpu.wait_dma2 semaphore(%arg17 : memref<!tpu.dma_semaphore, #tpu.memory_space<semaphore_mem>>) src(%dma_wait3A_1254 : memref<32x1024xf32, #tpu.memory_space<hbm>>) dst(%arg15 : memref<32x1024xf32, #tpu.memory_space<vmem>>)
    %dma_start3A_1255 = arith.constant 3 : i32
    %dma_start3A_1256 = arith.constant 0 : i32
    %dma_start3A_1257 = tpu.memref_slice %arg12[%dma_start3A_1255, %dma_start3A_1256] : memref<4x32xi32, #tpu.memory_space<vmem>> -> memref<1x32xi32, #tpu.memory_space<vmem>>
    %dma_start3A_1258 = tpu.memref_squeeze %dma_start3A_1257 : memref<1x32xi32, #tpu.memory_space<vmem>> -> memref<32xi32, #tpu.memory_space<vmem>>
    %dma_start3A_1259 = arith.constant 0 : i32
    %dma_start3A_1260 = arith.constant 0 : i32
    %dma_start3A_1261 = tpu.memref_slice %arg8[%dma_start3A_1259, %dma_start3A_1260] : memref<10240x1024xf32, #tpu.memory_space<hbm>> -> memref<10240x1024xf32, #tpu.memory_space<hbm>>
    tpu.enqueue_indirect_dma source(%arg15 : memref<32x1024xf32, #tpu.memory_space<vmem>>) target(%dma_start3A_1261 : memref<10240x1024xf32, #tpu.memory_space<hbm>>) offsets(%dma_start3A_1258 : memref<32xi32, #tpu.memory_space<vmem>>) semaphore(%arg18 : memref<!tpu.dma_semaphore, #tpu.memory_space<semaphore_mem>>)
    %dma_start3A_1262 = arith.constant 3 : i32
    %dma_start3A_1263 = arith.constant 0 : i32
    %dma_start3A_1264 = tpu.memref_slice %arg13[%dma_start3A_1262, %dma_start3A_1263] : memref<4x32xi32, #tpu.memory_space<vmem>> -> memref<1x32xi32, #tpu.memory_space<vmem>>
    %dma_start3A_1265 = tpu.memref_squeeze %dma_start3A_1264 : memref<1x32xi32, #tpu.memory_space<vmem>> -> memref<32xi32, #tpu.memory_space<vmem>>
    %dma_start3A_1266 = arith.constant 0 : i32
    %dma_start3A_1267 = arith.constant 0 : i32
    %dma_start3A_1268 = tpu.memref_slice %arg8[%dma_start3A_1266, %dma_start3A_1267] : memref<10240x1024xf32, #tpu.memory_space<hbm>> -> memref<10240x1024xf32, #tpu.memory_space<hbm>>
    tpu.enqueue_indirect_dma source(%arg15 : memref<32x1024xf32, #tpu.memory_space<vmem>>) target(%dma_start3A_1268 : memref<10240x1024xf32, #tpu.memory_space<hbm>>) offsets(%dma_start3A_1265 : memref<32xi32, #tpu.memory_space<vmem>>) semaphore(%arg19 : memref<!tpu.dma_semaphore, #tpu.memory_space<semaphore_mem>>)
    %dma_wait3A_1269 = arith.constant 3 : i32
    %dma_wait3A_1270 = arith.constant 0 : i32
    %dma_wait3A_1271 = tpu.memref_slice %arg12[%dma_wait3A_1269, %dma_wait3A_1270] : memref<4x32xi32, #tpu.memory_space<vmem>> -> memref<1x32xi32, #tpu.memory_space<vmem>>
    %dma_wait3A_1272 = tpu.memref_squeeze %dma_wait3A_1271 : memref<1x32xi32, #tpu.memory_space<vmem>> -> memref<32xi32, #tpu.memory_space<vmem>>
    %dma_wait3A_1273 = arith.constant 0 : i32
    %dma_wait3A_1274 = arith.constant 0 : i32
    %dma_wait3A_1275 = tpu.memref_slice %arg8[%dma_wait3A_1273, %dma_wait3A_1274] : memref<10240x1024xf32, #tpu.memory_space<hbm>> -> memref<10240x1024xf32, #tpu.memory_space<hbm>>
    tpu.wait_indirect_dma semaphore(%arg18 : memref<!tpu.dma_semaphore, #tpu.memory_space<semaphore_mem>>) src(%arg15 : memref<32x1024xf32, #tpu.memory_space<vmem>>) dst(%dma_wait3A_1275 : memref<10240x1024xf32, #tpu.memory_space<hbm>>)
    %dma_wait3A_1276 = arith.constant 3 : i32
    %dma_wait3A_1277 = arith.constant 0 : i32
    %dma_wait3A_1278 = tpu.memref_slice %arg13[%dma_wait3A_1276, %dma_wait3A_1277] : memref<4x32xi32, #tpu.memory_space<vmem>> -> memref<1x32xi32, #tpu.memory_space<vmem>>
    %dma_wait3A_1279 = tpu.memref_squeeze %dma_wait3A_1278 : memref<1x32xi32, #tpu.memory_space<vmem>> -> memref<32xi32, #tpu.memory_space<vmem>>
    %dma_wait3A_1280 = arith.constant 0 : i32
    %dma_wait3A_1281 = arith.constant 0 : i32
    %dma_wait3A_1282 = tpu.memref_slice %arg8[%dma_wait3A_1280, %dma_wait3A_1281] : memref<10240x1024xf32, #tpu.memory_space<hbm>> -> memref<10240x1024xf32, #tpu.memory_space<hbm>>
    tpu.wait_indirect_dma semaphore(%arg19 : memref<!tpu.dma_semaphore, #tpu.memory_space<semaphore_mem>>) src(%arg15 : memref<32x1024xf32, #tpu.memory_space<vmem>>) dst(%dma_wait3A_1282 : memref<10240x1024xf32, #tpu.memory_space<hbm>>)
    return
  }
}

module attributes {stable_mosaic.version = 14 : i64} {
  func.func @_route_kernel(%arg0: i32, %arg1: memref<256x1024xf32, #tpu.memory_space<vmem>>, %arg2: memref<1024x8xf32, #tpu.memory_space<vmem>>, %arg3: memref<1x8xf32, #tpu.memory_space<vmem>>, %arg4: memref<256xi32, #tpu.memory_space<vmem>>, %arg5: memref<256xi32, #tpu.memory_space<vmem>>, %arg6: memref<256xi32, #tpu.memory_space<vmem>>, %arg7: memref<256xi32, #tpu.memory_space<vmem>>, %arg8: memref<256x1xf32, #tpu.memory_space<vmem>>, %arg9: memref<256x1xf32, #tpu.memory_space<vmem>>, %arg10: memref<1x8xi32, #tpu.memory_space<vmem>>, %arg11: memref<1x8xf32, #tpu.memory_space<vmem>>) attributes {dimension_semantics = [#tpu.dimension_semantics<arbitrary>], iteration_bounds = array<i64: 16>, scalar_prefetch = 0 : i64, scratch_operands = 1 : i64, tpu.core_type = #tpu.core_type<tc>, window_params = [{transform_indices = @transform_0, window_bounds = array<i64: 256, 1024>}, {pipeline_mode = #tpu.pipeline_mode<synchronous>, transform_indices = @transform_1, window_bounds = array<i64: 1024, 8>}, {pipeline_mode = #tpu.pipeline_mode<synchronous>, transform_indices = @transform_2, window_bounds = array<i64: 1, 8>}, {transform_indices = @transform_3, window_bounds = array<i64: 256>}, {transform_indices = @transform_4, window_bounds = array<i64: 256>}, {transform_indices = @transform_5, window_bounds = array<i64: 256>}, {transform_indices = @transform_6, window_bounds = array<i64: 256>}, {transform_indices = @transform_7, window_bounds = array<i64: 256, 1>}, {transform_indices = @transform_8, window_bounds = array<i64: 256, 1>}, {pipeline_mode = #tpu.pipeline_mode<synchronous>, transform_indices = @transform_9, window_bounds = array<i64: 1, 8>}]} {
    %get3A = arith.constant 0 : index
    %get3A_0 = arith.constant 0 : index
    %get3A_1 = vector.load %arg1[%get3A, %get3A_0] : memref<256x1024xf32, #tpu.memory_space<vmem>>, vector<256x1024xf32>
    %get3A_2 = arith.constant 0 : index
    %get3A_3 = arith.constant 0 : index
    %get3A_4 = vector.load %arg2[%get3A_2, %get3A_3] : memref<1024x8xf32, #tpu.memory_space<vmem>>, vector<1024x8xf32>
    %dot_general3A = arith.constant dense<0.000000e+00> : vector<256x8xf32>
    %dot_general3A_5 = tpu.matmul %get3A_1, %get3A_4, %dot_general3A {dimension_numbers = #tpu.dot_dimension_numbers<[1], [0], [0], [1], [0, 0, 1, 1], [], []>, transpose_lhs_hint = false} : vector<256x1024xf32>, vector<1024x8xf32>, vector<256x8xf32> -> vector<256x8xf32>
    %get3A_6 = arith.constant 0 : index
    %get3A_7 = arith.constant 0 : index
    %get3A_8 = vector.load %arg3[%get3A_6, %get3A_7] : memref<1x8xf32, #tpu.memory_space<vmem>>, vector<1x8xf32>
    %add3A = vector.broadcast %get3A_8 : vector<1x8xf32> to vector<256x8xf32>
    %add3A_9 = arith.addf %dot_general3A_5, %add3A : vector<256x8xf32>
    %iota3A = tpu.iota {dimensions = array<i32: 1>} : vector<256x8xi32>
    %reduce_max3A = arith.constant dense<0xFF800000> : vector<256xf32>
    %reduce_max3A_10 = vector.multi_reduction <maximumf>, %add3A_9, %reduce_max3A [1] : vector<256x8xf32> to vector<256xf32>
    %broadcast_in_dim3A = vector.shape_cast %reduce_max3A_10 : vector<256xf32> to vector<256x1xf32>
    %eq3A = vector.broadcast %broadcast_in_dim3A : vector<256x1xf32> to vector<256x8xf32>
    %eq3A_11 = arith.cmpf oeq, %add3A_9, %eq3A : vector<256x8xf32>
    %jit3A = arith.constant 8 : i32
    %broadcast_in_dim3A_12 = vector.broadcast %jit3A : i32 to vector<256x8xi32>
    %select_n3A = arith.select %eq3A_11, %iota3A, %broadcast_in_dim3A_12 : vector<256x8xi1>, vector<256x8xi32>
    %reduce_min3A = arith.constant dense<2147483647> : vector<256xi32>
    %reduce_min3A_13 = vector.multi_reduction <minsi>, %select_n3A, %reduce_min3A [1] : vector<256x8xi32> to vector<256xi32>
    %broadcast_in_dim3A_14 = vector.shape_cast %reduce_min3A_13 : vector<256xi32> to vector<256x1xi32>
    %eq3A_15 = vector.broadcast %broadcast_in_dim3A_14 : vector<256x1xi32> to vector<256x8xi32>
    %eq3A_16 = arith.cmpi eq, %iota3A, %eq3A_15 : vector<256x8xi32>
    %jit3A_17 = arith.constant 0xFF800000 : f32
    %broadcast_in_dim3A_18 = vector.broadcast %jit3A_17 : f32 to vector<256x8xf32>
    %select_n3A_19 = arith.select %eq3A_16, %broadcast_in_dim3A_18, %add3A_9 : vector<256x8xi1>, vector<256x8xf32>
    %reduce_max3A_20 = arith.constant dense<0xFF800000> : vector<256xf32>
    %reduce_max3A_21 = vector.multi_reduction <maximumf>, %select_n3A_19, %reduce_max3A_20 [1] : vector<256x8xf32> to vector<256xf32>
    %broadcast_in_dim3A_22 = vector.shape_cast %reduce_max3A_21 : vector<256xf32> to vector<256x1xf32>
    %eq3A_23 = vector.broadcast %broadcast_in_dim3A_22 : vector<256x1xf32> to vector<256x8xf32>
    %eq3A_24 = arith.cmpf oeq, %select_n3A_19, %eq3A_23 : vector<256x8xf32>
    %jit3A_25 = arith.constant 8 : i32
    %broadcast_in_dim3A_26 = vector.broadcast %jit3A_25 : i32 to vector<256x8xi32>
    %select_n3A_27 = arith.select %eq3A_24, %iota3A, %broadcast_in_dim3A_26 : vector<256x8xi1>, vector<256x8xi32>
    %reduce_min3A_28 = arith.constant dense<2147483647> : vector<256xi32>
    %reduce_min3A_29 = vector.multi_reduction <minsi>, %select_n3A_27, %reduce_min3A_28 [1] : vector<256x8xi32> to vector<256xi32>
    %broadcast_in_dim3A_30 = vector.shape_cast %reduce_min3A_29 : vector<256xi32> to vector<256x1xi32>
    %eq3A_31 = vector.broadcast %broadcast_in_dim3A_14 : vector<256x1xi32> to vector<256x8xi32>
    %eq3A_32 = arith.cmpi eq, %iota3A, %eq3A_31 : vector<256x8xi32>
    %convert_element_type3A = arith.extui %eq3A_32 : vector<256x8xi1> to vector<256x8xi32>
    %convert_element_type3A_33 = arith.sitofp %convert_element_type3A : vector<256x8xi32> to vector<256x8xf32>
    %eq3A_34 = vector.broadcast %broadcast_in_dim3A_30 : vector<256x1xi32> to vector<256x8xi32>
    %eq3A_35 = arith.cmpi eq, %iota3A, %eq3A_34 : vector<256x8xi32>
    %convert_element_type3A_36 = arith.extui %eq3A_35 : vector<256x8xi1> to vector<256x8xi32>
    %convert_element_type3A_37 = arith.sitofp %convert_element_type3A_36 : vector<256x8xi32> to vector<256x8xf32>
    %add3A_38 = arith.addf %convert_element_type3A_33, %convert_element_type3A_37 : vector<256x8xf32>
    %reduce_sum3A = arith.constant dense<0.000000e+00> : vector<8xf32>
    %reduce_sum3A_39 = vector.multi_reduction <add>, %add3A_38, %reduce_sum3A [0] : vector<256x8xf32> to vector<8xf32>
    %broadcast_in_dim3A_40 = vector.shape_cast %reduce_sum3A_39 : vector<8xf32> to vector<1x8xf32>
    %eq3A_41 = arith.constant 0 : i32
    %eq3A_42 = arith.cmpi eq, %arg0, %eq3A_41 : i32
    %convert_element_type3A_43 = arith.extui %eq3A_42 : i1 to i32
    %cond3A = arith.constant 0 : i32
    %cond3A_44 = arith.cmpi ne, %convert_element_type3A_43, %cond3A : i32
    scf.if %cond3A_44 {
      %broadcast_in_dim3A_106 = arith.constant 0.000000e+00 : f32
      %broadcast_in_dim3A_107 = vector.broadcast %broadcast_in_dim3A_106 : f32 to vector<1x8xf32>
      %swap3A_108 = arith.constant 0 : index
      %swap3A_109 = arith.constant 0 : index
      %swap3A_110 = vector.load %arg11[%swap3A_108, %swap3A_109] : memref<1x8xf32, #tpu.memory_space<vmem>>, vector<1x8xf32>
      tpu.vector_store %arg11[%swap3A_108, %swap3A_109], %broadcast_in_dim3A_107 {strides = array<i32>} : memref<1x8xf32, #tpu.memory_space<vmem>>, vector<1x8xf32>,
    } else {
    }
    %iota3A_45 = tpu.iota {dimensions = array<i32: 0>} : vector<256x256xi32>
    %iota3A_46 = tpu.iota {dimensions = array<i32: 1>} : vector<256x256xi32>
    %ge3A = arith.cmpi sge, %iota3A_45, %iota3A_46 : vector<256x256xi32>
    %convert_element_type3A_47 = arith.extui %ge3A : vector<256x256xi1> to vector<256x256xi32>
    %convert_element_type3A_48 = arith.sitofp %convert_element_type3A_47 : vector<256x256xi32> to vector<256x256xf32>
    %convert_element_type3A_49 = arith.truncf %convert_element_type3A_48 : vector<256x256xf32> to vector<256x256xbf16>
    %convert_element_type3A_50 = arith.truncf %convert_element_type3A_33 : vector<256x8xf32> to vector<256x8xbf16>
    %dot_general3A_51 = arith.constant dense<0.000000e+00> : vector<256x8xf32>
    %dot_general3A_52 = tpu.matmul %convert_element_type3A_49, %convert_element_type3A_50, %dot_general3A_51 {dimension_numbers = #tpu.dot_dimension_numbers<[1], [0], [0], [1], [0, 0, 1, 1], [], []>, transpose_lhs_hint = false} : vector<256x256xbf16>, vector<256x8xbf16>, vector<256x8xf32> -> vector<256x8xf32>
    %convert_element_type3A_53 = arith.truncf %convert_element_type3A_37 : vector<256x8xf32> to vector<256x8xbf16>
    %dot_general3A_54 = arith.constant dense<0.000000e+00> : vector<256x8xf32>
    %dot_general3A_55 = tpu.matmul %convert_element_type3A_49, %convert_element_type3A_53, %dot_general3A_54 {dimension_numbers = #tpu.dot_dimension_numbers<[1], [0], [0], [1], [0, 0, 1, 1], [], []>, transpose_lhs_hint = false} : vector<256x256xbf16>, vector<256x8xbf16>, vector<256x8xf32> -> vector<256x8xf32>
    %get3A_56 = arith.constant 0 : index
    %get3A_57 = arith.constant 0 : index
    %get3A_58 = vector.load %arg11[%get3A_56, %get3A_57] : memref<1x8xf32, #tpu.memory_space<vmem>>, vector<1x8xf32>
    %sub3A = arith.subf %dot_general3A_52, %convert_element_type3A_33 : vector<256x8xf32>
    %add3A_59 = vector.broadcast %get3A_58 : vector<1x8xf32> to vector<256x8xf32>
    %add3A_60 = arith.addf %add3A_59, %sub3A : vector<256x8xf32>
    %sub3A_61 = arith.subf %dot_general3A_55, %convert_element_type3A_37 : vector<256x8xf32>
    %add3A_62 = arith.addf %add3A_60, %sub3A_61 : vector<256x8xf32>
    %add3A_63 = vector.broadcast %get3A_58 : vector<1x8xf32> to vector<256x8xf32>
    %add3A_64 = arith.addf %add3A_63, %dot_general3A_52 : vector<256x8xf32>
    %add3A_65 = arith.addf %add3A_64, %dot_general3A_55 : vector<256x8xf32>
    %sub3A_66 = arith.subf %add3A_65, %convert_element_type3A_37 : vector<256x8xf32>
    %reshape3A = vector.shape_cast %broadcast_in_dim3A_14 : vector<256x1xi32> to vector<256xi32>
    %swap3A = arith.constant 0 : index
    %swap3A_67 = vector.load %arg4[%swap3A] : memref<256xi32, #tpu.memory_space<vmem>>, vector<256xi32>
    tpu.vector_store %arg4[%swap3A], %reshape3A {strides = array<i32>} : memref<256xi32, #tpu.memory_space<vmem>>, vector<256xi32>,
    %reshape3A_68 = vector.shape_cast %broadcast_in_dim3A_30 : vector<256x1xi32> to vector<256xi32>
    %swap3A_69 = arith.constant 0 : index
    %swap3A_70 = vector.load %arg5[%swap3A_69] : memref<256xi32, #tpu.memory_space<vmem>>, vector<256xi32>
    tpu.vector_store %arg5[%swap3A_69], %reshape3A_68 {strides = array<i32>} : memref<256xi32, #tpu.memory_space<vmem>>, vector<256xi32>,
    %mul3A = arith.mulf %convert_element_type3A_33, %add3A_62 : vector<256x8xf32>
    %reduce_sum3A_71 = arith.constant dense<0.000000e+00> : vector<256xf32>
    %reduce_sum3A_72 = vector.multi_reduction <add>, %mul3A, %reduce_sum3A_71 [1] : vector<256x8xf32> to vector<256xf32>
    %convert_element_type3A_73 = arith.fptosi %reduce_sum3A_72 : vector<256xf32> to vector<256xi32>
    %swap3A_74 = arith.constant 0 : index
    %swap3A_75 = vector.load %arg6[%swap3A_74] : memref<256xi32, #tpu.memory_space<vmem>>, vector<256xi32>
    tpu.vector_store %arg6[%swap3A_74], %convert_element_type3A_73 {strides = array<i32>} : memref<256xi32, #tpu.memory_space<vmem>>, vector<256xi32>,
    %mul3A_76 = arith.mulf %convert_element_type3A_37, %sub3A_66 : vector<256x8xf32>
    %reduce_sum3A_77 = arith.constant dense<0.000000e+00> : vector<256xf32>
    %reduce_sum3A_78 = vector.multi_reduction <add>, %mul3A_76, %reduce_sum3A_77 [1] : vector<256x8xf32> to vector<256xf32>
    %convert_element_type3A_79 = arith.fptosi %reduce_sum3A_78 : vector<256xf32> to vector<256xi32>
    %swap3A_80 = arith.constant 0 : index
    %swap3A_81 = vector.load %arg7[%swap3A_80] : memref<256xi32, #tpu.memory_space<vmem>>, vector<256xi32>
    tpu.vector_store %arg7[%swap3A_80], %convert_element_type3A_79 {strides = array<i32>} : memref<256xi32, #tpu.memory_space<vmem>>, vector<256xi32>,
    %sub3A_82 = arith.subf %broadcast_in_dim3A_22, %broadcast_in_dim3A : vector<256x1xf32>
    %exp3A = math.exp %sub3A_82 : vector<256x1xf32>
    %add3A_83 = arith.constant 1.000000e+00 : f32
    %add3A_84 = vector.broadcast %add3A_83 : f32 to vector<256x1xf32>
    %add3A_85 = arith.addf %add3A_84, %exp3A : vector<256x1xf32>
    %div3A = arith.constant 1.000000e+00 : f32
    %div3A_86 = vector.broadcast %div3A : f32 to vector<256x1xf32>
    %div3A_87 = arith.divf %div3A_86, %add3A_85 : vector<256x1xf32>
    %swap3A_88 = arith.constant 0 : index
    %swap3A_89 = arith.constant 0 : index
    %swap3A_90 = vector.load %arg8[%swap3A_88, %swap3A_89] : memref<256x1xf32, #tpu.memory_space<vmem>>, vector<256x1xf32>
    tpu.vector_store %arg8[%swap3A_88, %swap3A_89], %div3A_87 {strides = array<i32>} : memref<256x1xf32, #tpu.memory_space<vmem>>, vector<256x1xf32>,
    %sub3A_91 = arith.constant 1.000000e+00 : f32
    %sub3A_92 = vector.broadcast %sub3A_91 : f32 to vector<256x1xf32>
    %sub3A_93 = arith.subf %sub3A_92, %div3A_87 : vector<256x1xf32>
    %swap3A_94 = arith.constant 0 : index
    %swap3A_95 = arith.constant 0 : index
    %swap3A_96 = vector.load %arg9[%swap3A_94, %swap3A_95] : memref<256x1xf32, #tpu.memory_space<vmem>>, vector<256x1xf32>
    tpu.vector_store %arg9[%swap3A_94, %swap3A_95], %sub3A_93 {strides = array<i32>} : memref<256x1xf32, #tpu.memory_space<vmem>>, vector<256x1xf32>,
    %add3A_97 = arith.addf %get3A_58, %broadcast_in_dim3A_40 : vector<1x8xf32>
    %swap3A_98 = arith.constant 0 : index
    %swap3A_99 = arith.constant 0 : index
    %swap3A_100 = vector.load %arg11[%swap3A_98, %swap3A_99] : memref<1x8xf32, #tpu.memory_space<vmem>>, vector<1x8xf32>
    tpu.vector_store %arg11[%swap3A_98, %swap3A_99], %add3A_97 {strides = array<i32>} : memref<1x8xf32, #tpu.memory_space<vmem>>, vector<1x8xf32>,
    %add3A_101 = arith.addf %get3A_58, %broadcast_in_dim3A_40 : vector<1x8xf32>
    %convert_element_type3A_102 = arith.fptosi %add3A_101 : vector<1x8xf32> to vector<1x8xi32>
    %swap3A_103 = arith.constant 0 : index
    %swap3A_104 = arith.constant 0 : index
    %swap3A_105 = vector.load %arg10[%swap3A_103, %swap3A_104] : memref<1x8xi32, #tpu.memory_space<vmem>>, vector<1x8xi32>
    tpu.vector_store %arg10[%swap3A_103, %swap3A_104], %convert_element_type3A_102 {strides = array<i32>} : memref<1x8xi32, #tpu.memory_space<vmem>>, vector<1x8xi32>,
    return
  }
  func.func @transform_0(%arg0: i32) -> (i32, i32) {
    %c0_i32 = arith.constant 0 : i32
    %c0_i32_0 = arith.constant 0 : i32
    return %arg0, %c0_i32 : i32, i32
  }
  func.func @transform_1(%arg0: i32) -> (i32, i32) {
    %c0_i32 = arith.constant 0 : i32
    %c0_i32_0 = arith.constant 0 : i32
    %c0_i32_1 = arith.constant 0 : i32
    return %c0_i32, %c0_i32_0 : i32, i32
  }
  func.func @transform_2(%arg0: i32) -> (i32, i32) {
    %c0_i32 = arith.constant 0 : i32
    %c0_i32_0 = arith.constant 0 : i32
    %c0_i32_1 = arith.constant 0 : i32
    return %c0_i32, %c0_i32_0 : i32, i32
  }
  func.func @transform_3(%arg0: i32) -> i32 {
    %c0_i32 = arith.constant 0 : i32
    return %arg0 : i32
  }
  func.func @transform_4(%arg0: i32) -> i32 {
    %c0_i32 = arith.constant 0 : i32
    return %arg0 : i32
  }
  func.func @transform_5(%arg0: i32) -> i32 {
    %c0_i32 = arith.constant 0 : i32
    return %arg0 : i32
  }
  func.func @transform_6(%arg0: i32) -> i32 {
    %c0_i32 = arith.constant 0 : i32
    return %arg0 : i32
  }
  func.func @transform_7(%arg0: i32) -> (i32, i32) {
    %c0_i32 = arith.constant 0 : i32
    %c0_i32_0 = arith.constant 0 : i32
    return %arg0, %c0_i32 : i32, i32
  }
  func.func @transform_8(%arg0: i32) -> (i32, i32) {
    %c0_i32 = arith.constant 0 : i32
    %c0_i32_0 = arith.constant 0 : i32
    return %arg0, %c0_i32 : i32, i32
  }
  func.func @transform_9(%arg0: i32) -> (i32, i32) {
    %c0_i32 = arith.constant 0 : i32
    %c0_i32_0 = arith.constant 0 : i32
    %c0_i32_1 = arith.constant 0 : i32
    return %c0_i32, %c0_i32_0 : i32, i32
  }
}

module attributes {stable_mosaic.version = 14 : i64} {
  func.func @_combine_kernel(%arg0: i32, %arg1: memref<512x1024xf32, #tpu.memory_space<vmem>>, %arg2: memref<512x1024xf32, #tpu.memory_space<vmem>>, %arg3: memref<512x1xf32, #tpu.memory_space<vmem>>, %arg4: memref<512x1xf32, #tpu.memory_space<vmem>>, %arg5: memref<512x1024xf32, #tpu.memory_space<vmem>>) attributes {dimension_semantics = [#tpu.dimension_semantics<arbitrary>], iteration_bounds = array<i64: 8>, scalar_prefetch = 0 : i64, scratch_operands = 0 : i64, tpu.core_type = #tpu.core_type<tc>, window_params = [{transform_indices = @transform_0, window_bounds = array<i64: 512, 1024>}, {transform_indices = @transform_1, window_bounds = array<i64: 512, 1024>}, {transform_indices = @transform_2, window_bounds = array<i64: 512, 1>}, {transform_indices = @transform_3, window_bounds = array<i64: 512, 1>}, {transform_indices = @transform_4, window_bounds = array<i64: 512, 1024>}]} {
    %get3A = arith.constant 0 : index
    %get3A_0 = arith.constant 0 : index
    %get3A_1 = vector.load %arg1[%get3A, %get3A_0] : memref<512x1024xf32, #tpu.memory_space<vmem>>, vector<512x1024xf32>
    %get3A_2 = arith.constant 0 : index
    %get3A_3 = arith.constant 0 : index
    %get3A_4 = vector.load %arg3[%get3A_2, %get3A_3] : memref<512x1xf32, #tpu.memory_space<vmem>>, vector<512x1xf32>
    %mul3A = vector.broadcast %get3A_4 : vector<512x1xf32> to vector<512x1024xf32>
    %mul3A_5 = arith.mulf %get3A_1, %mul3A : vector<512x1024xf32>
    %get3A_6 = arith.constant 0 : index
    %get3A_7 = arith.constant 0 : index
    %get3A_8 = vector.load %arg2[%get3A_6, %get3A_7] : memref<512x1024xf32, #tpu.memory_space<vmem>>, vector<512x1024xf32>
    %get3A_9 = arith.constant 0 : index
    %get3A_10 = arith.constant 0 : index
    %get3A_11 = vector.load %arg4[%get3A_9, %get3A_10] : memref<512x1xf32, #tpu.memory_space<vmem>>, vector<512x1xf32>
    %mul3A_12 = vector.broadcast %get3A_11 : vector<512x1xf32> to vector<512x1024xf32>
    %mul3A_13 = arith.mulf %get3A_8, %mul3A_12 : vector<512x1024xf32>
    %add3A = arith.addf %mul3A_5, %mul3A_13 : vector<512x1024xf32>
    %swap3A = arith.constant 0 : index
    %swap3A_14 = arith.constant 0 : index
    %swap3A_15 = vector.load %arg5[%swap3A, %swap3A_14] : memref<512x1024xf32, #tpu.memory_space<vmem>>, vector<512x1024xf32>
    tpu.vector_store %arg5[%swap3A, %swap3A_14], %add3A {strides = array<i32>} : memref<512x1024xf32, #tpu.memory_space<vmem>>, vector<512x1024xf32>,
    return
  }
  func.func @transform_0(%arg0: i32) -> (i32, i32) {
    %c0_i32 = arith.constant 0 : i32
    %c0_i32_0 = arith.constant 0 : i32
    return %arg0, %c0_i32 : i32, i32
  }
  func.func @transform_1(%arg0: i32) -> (i32, i32) {
    %c0_i32 = arith.constant 0 : i32
    %c0_i32_0 = arith.constant 0 : i32
    return %arg0, %c0_i32 : i32, i32
  }
  func.func @transform_2(%arg0: i32) -> (i32, i32) {
    %c0_i32 = arith.constant 0 : i32
    %c0_i32_0 = arith.constant 0 : i32
    return %arg0, %c0_i32 : i32, i32
  }
  func.func @transform_3(%arg0: i32) -> (i32, i32) {
    %c0_i32 = arith.constant 0 : i32
    %c0_i32_0 = arith.constant 0 : i32
    return %arg0, %c0_i32 : i32, i32
  }
  func.func @transform_4(%arg0: i32) -> (i32, i32) {
    %c0_i32 = arith.constant 0 : i32
    %c0_i32_0 = arith.constant 0 : i32
    return %arg0, %c0_i32 : i32, i32
  }
}

module attributes {stable_mosaic.version = 14 : i64} {
  func.func @_gmm_kernel(%arg0: i32, %arg1: memref<40xi32, #tpu.memory_space<smem>>, %arg2: memref<256x1024xf32, #tpu.memory_space<vmem>>, %arg3: memref<1x1024x1024xbf16, #tpu.memory_space<vmem>>, %arg4: memref<1x1x1024xf32, #tpu.memory_space<vmem>>, %arg5: memref<256x1024xf32, #tpu.memory_space<vmem>>) attributes {dimension_semantics = [#tpu.dimension_semantics<arbitrary>], iteration_bounds = array<i64: 40>, scalar_prefetch = 1 : i64, scratch_operands = 0 : i64, tpu.core_type = #tpu.core_type<tc>, window_params = [{transform_indices = @transform_0, window_bounds = array<i64: 256, 1024>}, {transform_indices = @transform_1, window_bounds = array<i64: 1, 1024, 1024>}, {transform_indices = @transform_2, window_bounds = array<i64: 1, 1, 1024>}, {transform_indices = @transform_3, window_bounds = array<i64: 256, 1024>}]} {
    %get3A = arith.constant 0 : index
    %get3A_0 = arith.constant 0 : index
    %get3A_1 = vector.load %arg2[%get3A, %get3A_0] : memref<256x1024xf32, #tpu.memory_space<vmem>>, vector<256x1024xf32>
    %convert_element_type3A = arith.truncf %get3A_1 : vector<256x1024xf32> to vector<256x1024xbf16>
    %get3A_2 = arith.constant 0 : index
    %get3A_3 = arith.constant 0 : index
    %get3A_4 = arith.constant 0 : index
    %get3A_5 = vector.load %arg3[%get3A_2, %get3A_3, %get3A_4] : memref<1x1024x1024xbf16, #tpu.memory_space<vmem>>, vector<1x1024x1024xbf16>
    %get3A_6 = vector.shape_cast %get3A_5 : vector<1x1024x1024xbf16> to vector<1024x1024xbf16>
    %dot_general3A = arith.constant dense<0.000000e+00> : vector<256x1024xf32>
    %dot_general3A_7 = tpu.matmul %convert_element_type3A, %get3A_6, %dot_general3A {dimension_numbers = #tpu.dot_dimension_numbers<[1], [0], [0], [1], [0, 0, 1, 1], [], []>, transpose_lhs_hint = false} : vector<256x1024xbf16>, vector<1024x1024xbf16>, vector<256x1024xf32> -> vector<256x1024xf32>
    %get3A_8 = arith.constant 0 : index
    %get3A_9 = arith.constant 0 : index
    %get3A_10 = arith.constant 0 : index
    %get3A_11 = vector.load %arg4[%get3A_8, %get3A_9, %get3A_10] : memref<1x1x1024xf32, #tpu.memory_space<vmem>>, vector<1x1x1024xf32>
    %get3A_12 = vector.shape_cast %get3A_11 : vector<1x1x1024xf32> to vector<1x1024xf32>
    %add3A = vector.broadcast %get3A_12 : vector<1x1024xf32> to vector<256x1024xf32>
    %add3A_13 = arith.addf %dot_general3A_7, %add3A : vector<256x1024xf32>
    %swap3A = arith.constant 0 : index
    %swap3A_14 = arith.constant 0 : index
    %swap3A_15 = vector.load %arg5[%swap3A, %swap3A_14] : memref<256x1024xf32, #tpu.memory_space<vmem>>, vector<256x1024xf32>
    tpu.vector_store %arg5[%swap3A, %swap3A_14], %add3A_13 {strides = array<i32>} : memref<256x1024xf32, #tpu.memory_space<vmem>>, vector<256x1024xf32>,
    return
  }
  func.func @transform_0(%arg0: i32, %arg1: memref<40xi32, #tpu.memory_space<smem>>) -> (i32, i32) {
    %c0_i32 = arith.constant 0 : i32
    %c0_i32_0 = arith.constant 0 : i32
    return %arg0, %c0_i32 : i32, i32
  }
  func.func @transform_1(%arg0: i32, %arg1: memref<40xi32, #tpu.memory_space<smem>>) -> (i32, i32, i32) {
    %get3A = arith.index_cast %arg0 : i32 to index
    %get3A_0 = memref.load %arg1[%get3A] : memref<40xi32, #tpu.memory_space<smem>>
    %c0_i32 = arith.constant 0 : i32
    %c0_i32_1 = arith.constant 0 : i32
    %c0_i32_2 = arith.constant 0 : i32
    return %get3A_0, %c0_i32, %c0_i32_1 : i32, i32, i32
  }
  func.func @transform_2(%arg0: i32, %arg1: memref<40xi32, #tpu.memory_space<smem>>) -> (i32, i32, i32) {
    %get3A = arith.index_cast %arg0 : i32 to index
    %get3A_0 = memref.load %arg1[%get3A] : memref<40xi32, #tpu.memory_space<smem>>
    %c0_i32 = arith.constant 0 : i32
    %c0_i32_1 = arith.constant 0 : i32
    %c0_i32_2 = arith.constant 0 : i32
    return %get3A_0, %c0_i32, %c0_i32_1 : i32, i32, i32
  }
  func.func @transform_3(%arg0: i32, %arg1: memref<40xi32, #tpu.memory_space<smem>>) -> (i32, i32) {
    %c0_i32 = arith.constant 0 : i32
    %c0_i32_0 = arith.constant 0 : i32
    return %arg0, %c0_i32 : i32, i32
  }
}

</mosaic_0001>

<sc_bundles>
// kernel: kernel.10.cloned.1.call-start
scs
__scs_entry_jumppad:
0x0: {  	(pc) =	sbr.rel $0x88, $3  }
0x1: {  	(tag) =	ssettag $0x0;
	lr =	simm.s32 $0x1  }
0x2: {  	[smem:$0x3F9C] =	sst lr;
	_ =	strace $0xD0000000  }
0x3: {  	_ = 	snop  }
0x4: {  	_ = 	snop  }
0x5: {  	_ = 	snop  }
0x6: {  	_ = 	snop  }
0x7: {  	_ = 	snop  }
__scs_overlays_trampoline_lowered:
0x8: {  	[smem:$0x3FAB] =	sst s0  }
0x9: {  	[smem:$0x3FAC] =	sst s1  }
0xa: {  	[smem:$0x3FAD] =	sst s2  }
0xb: {  	[smem:$0x3FAE] =	sst s3  }
0xc: {  	[smem:$0x3FAF] =	sst s4  }
0xd: {  	[smem:$0x3FB0] =	sst s5  }
0xe: {  	[smem:$0x3FB1] =	sst s6  }
0xf: {  	[smem:$0x3FB2] =	sst s7  }
0x10: {  	[smem:$0x3FB3] =	sst s8  }
0x11: {  	[smem:$0x3FB4] =	sst s9;
	s0 =	simm.s32 @!p0 $0x0  }
0x12: {  	s1 =	sld [smem:$0x3F9A];
	s0 =	simm.s32 @p0 $0x1  }
0x13: {  	[smem:$0x3FB5] =	sst s0;
	s0 =	simm.s32 @!p1 $0x0  }
0x14: {  	s2 =	sld [smem:$0x3F99];
	s0 =	simm.s32 @p1 $0x1  }
0x15: {  	[smem:$0x3FB6] =	sst s0;
	s0 =	simm.s32 @!p2 $0x0  }
0x16: {  	s3 =	sld [smem:$0x3FDB];
	s0 =	simm.s32 @p2 $0x1  }
0x17: {  	s4 =	simm.s32 $0x1BF5;
	[smem:$0x3FB8] =	sst s0  }
0x18: {  	s0 =	sld [smem:$0x3F9B];
	_ =	swait.ge [sflag:s4], $0x0  }
0x19: {  	s7 =	sld [smem:$0x3F9C]  }
0x1a: {  	s8 =	sadd.s32 $0xFFFFE003, lr  }
0x1b: {  	s9 =	sadd.s32 $0xFFFFFEF7, lr;
	s5 =	simm.s32 $0xFFFFFFFF;
	p2 =	slt.u32 s8, $0xFFFFF086  }
0x1c: {  	p1 =	slt.u32 s9, $0xF7A;
	s5 =	simm.s32 @!p2 $0x0  }
0x1d: {  	s5 =	simm.s32 @p1 $0x1;
	p0 =	seq.s32 s7, s2  }
0x1e: {  	s7 =	smul.u32 @!p0 $0xF7A, s2;
	p2 =	seq.s32 @!p0 s5, $0x0  }
0x1f: {  	s9 =	smul.u32 $0xF7A, s1;
	s8 =	simm.s32 @!p0 $0x1BF5;
	p2 =	por !p2, p0  }
0x20: {  	[sflag:s8] =	ssyncset.s32 @!p0 $0xFFFFF086;
	s6 =	sadd.s32 @!p0 s3, s7;
	s7 =	simm.s32 @!p0 $0x108  }
0x21: {  	s3 =	sadd.s32 s3, s9;
	s6 =	sadd.s32 @!p0 $0x88, s6;
	s7 =	simm.s32 @p2 $0x1082  }
0x22: {  	[simem:s7], [sflag:s8] =	dma.local @!p0 [hbm:s6], $0xF7A  }
0x23: {  	s9 =	sor.u32 $0xD0000000, s2;
	s6 =	simm.s32 $0x108;
	_ =	swait.ge @!p0 [sflag:s8], $0x0  }
0x24: {  	s3 =	sadd.s32 $0x88, s3;
	s6 =	simm.s32 @!p1 $0x1082;
	[sflag:s4] =	ssyncset.s32 $0xFFFFF086  }
0x25: {  	[simem:s6], [sflag:s4] =	dma.local [hbm:s3], $0xF7A  }
0x26: {  	[smem:$0x3F9C] =	sst s1;
	(tag) =	ssettag s2;
	_ =	strace s9  }
0x27: {  	s1 =	sld [smem:$0x3FAC]  }
0x28: {  	s2 =	sld [smem:$0x3FAD]  }
0x29: {  	s4 =	sld [smem:$0x3FAF]  }
0x2a: {  	p0 =	seq.s32 s5, $0x0;
	s5 =	sld [smem:$0x3FB0]  }
0x2b: {  	s6 =	sld [smem:$0x3FB1]  }
0x2c: {  	s7 =	sld [smem:$0x3FB2]  }
0x2d: {  	s3 =	simm.s32 $0x108;
	s8 =	sld [smem:$0x3FB3]  }
0x2e: {  	s3 =	simm.s32 @!p0 $0x1082;
	s9 =	sld [smem:$0x3FB4]  }
0x2f: {  	lr =	sadd.s32 s0, s3;
	s0 =	sld [smem:$0x3FAB]  }
0x30: {  	s3 =	sld [smem:$0x3FAE]  }
0x31: {  	[smem:$0x3FB7] =	sst s10  }
0x32: {  	s10 =	sld [smem:$0x3FB5];
	_ =	sdelay $0x3  }
0x33: {  	p0 =	seq.s32 s10, $0x1;
	s10 =	sld [smem:$0x3FB7];
	_ =	sdelay $0x3  }
0x34: {  	[smem:$0x3FB7] =	sst s10  }
0x35: {  	s10 =	sld [smem:$0x3FB6];
	_ =	sdelay $0x3  }
0x36: {  	p1 =	seq.s32 s10, $0x1;
	s10 =	sld [smem:$0x3FB7];
	_ =	sdelay $0x3  }
0x37: {  	[smem:$0x3FB7] =	sst s10  }
0x38: {  	s10 =	sld [smem:$0x3FB8]  }
0x39: {  	_ = 	snop;
	(pc) =	sbr.ind lr, $3  }
0x3a: {  	_ = 	snop  }
0x3b: {  	_ = 	snop  }
0x3c: {  	p2 =	seq.s32 s10, $0x1;
	s10 =	sld [smem:$0x3FB7]  }
0x3d: {  	_ =	shalt  }
0x3e: {  	_ =	shalt  }
0x3f: {  	_ =	shalt  }
0x40: {  	_ =	shalt  }
0x41: {  	_ =	shalt  }
0x42: {  	_ =	shalt  }
0x43: {  	_ =	shalt  }
0x44: {  	_ =	shalt  }
0x45: {  	_ =	shalt  }
0x46: {  	_ =	shalt  }
0x47: {  	_ =	shalt  }
0x48: {  	_ =	shalt  }
0x49: {  	_ =	shalt  }
0x4a: {  	_ =	shalt  }
0x4b: {  	_ =	shalt  }
0x4c: {  	_ =	shalt  }
0x4d: {  	_ =	shalt  }
0x4e: {  	_ =	shalt  }
0x4f: {  	_ =	shalt  }
0x50: {  	_ =	shalt  }
0x51: {  	_ =	shalt  }
0x52: {  	_ =	shalt  }
0x53: {  	_ =	shalt  }
0x54: {  	_ =	shalt  }
0x55: {  	_ =	shalt  }
0x56: {  	_ =	shalt  }
0x57: {  	_ =	shalt  }
0x58: {  	_ =	shalt  }
0x59: {  	_ =	shalt  }
0x5a: {  	_ =	shalt  }
0x5b: {  	_ =	shalt  }
0x5c: {  	_ =	shalt  }
0x5d: {  	_ =	shalt  }
0x5e: {  	_ =	shalt  }
0x5f: {  	_ =	shalt  }
0x60: {  	_ =	shalt  }
0x61: {  	_ =	shalt  }
0x62: {  	_ =	shalt  }
0x63: {  	_ =	shalt  }
0x64: {  	_ =	shalt  }
0x65: {  	_ =	shalt  }
0x66: {  	_ =	shalt  }
0x67: {  	_ =	shalt  }
0x68: {  	_ =	shalt  }
0x69: {  	_ =	shalt  }
0x6a: {  	_ =	shalt  }
0x6b: {  	_ =	shalt  }
0x6c: {  	_ =	shalt  }
0x6d: {  	_ =	shalt  }
0x6e: {  	_ =	shalt  }
0x6f: {  	_ =	shalt  }
0x70: {  	_ =	shalt  }
0x71: {  	_ =	shalt  }
0x72: {  	_ =	shalt  }
0x73: {  	_ =	shalt  }
0x74: {  	_ =	shalt  }
0x75: {  	_ =	shalt  }
0x76: {  	_ =	shalt  }
0x77: {  	_ =	shalt  }
0x78: {  	_ =	shalt  }
0x79: {  	_ =	shalt  }
0x7a: {  	_ =	shalt  }
0x7b: {  	_ =	shalt  }
0x7c: {  	_ =	shalt  }
0x7d: {  	_ =	shalt  }
0x7e: {  	_ =	shalt  }
0x7f: {  	_ =	shalt  }
0x80: {  	_ =	shalt  }
0x81: {  	_ =	shalt  }
0x82: {  	_ =	shalt  }
0x83: {  	_ =	shalt  }
0x84: {  	_ =	shalt  }
0x85: {  	_ =	shalt  }
0x86: {  	_ =	shalt  }
0x87: {  	_ =	shalt  }
.Lfunc_end0:
.L_simem_size_0:
called_computation.1_lowered:
.L_overlay_start_0:
0x88: {  	s2 =	sld [smem:$0x3FD9]  }
0x89: {  	s3 =	sld [smem:$0x3FFE];
	_ =	sdelay $0x1  }
0x8a: {  	s1 =	srdreg.scid  }
0x8b: {  	s0 =	sand.u32 $0x1, s1  }
0x8c: {  	s17 =	sshll.u32 s0, $0xA;
	s2 =	sadd.s32 s3, s2  }
0x8d: {  	s2 =	sadd.s32 s2, s17  }
0x8e: {  	[smem:$0x3FC3] =	sst s2  }
0x8f: {  	_ = 	snop  }
0x90: {  	s2 =	sld [smem:$0x3FD0];
	(tm) =	ssettm $0x1  }
0x91: {  	s18 =	sld [smem:$0x3FFB];
	_ =	sdelay $0x3  }
0x92: {  	_ =	strace s18  }
0x93: {  	s3 =	sld [smem:$0x3FFC];
	_ =	sdelay $0x3  }
0x94: {  	_ =	strace s3  }
0x95: {  	s3 =	sld [smem:$0x3FFD];
	_ =	sdelay $0x3  }
0x96: {  	_ =	strace s3  }
0x97: {  	_ =	strace $0x8FFFFFFF  }
0x98: {  	s19 =	sld [smem:$0x3FDB];
	_ =	sdelay $0x1  }
0x99: {  	s4 =	simm.s32 $_scs_section_size  }
0x9a: {  	s5 =	simm.s32 $_size__tile_overlayer_lowered;
	s6 =	simm.s32 $_tile_overlayer_lowered  }
0x9b: {  	s22 =	simm.s32 $0x1BFF;
	s21 =	sshll.u32 s6, $0x1;
	s3 =	sadd.s32 s4, s19  }
0x9c: {  	s7 =	simm.s32 $0x0;
	s20 =	sshll.u32 s5, $0x1;
	s5 =	sadd.s32 s21, s3  }
0x9d: {  	[timem:s7], [sflag:s22] =	dma.local [hbm:s5], s20  }
0x9e: {  	_ =	swait.ge [sflag:s22], s20  }
0x9f: {  	s4 =	ssub.s32 $0x0, s20;
	[sflag:s22] =	ssyncset.done $0x0  }
0xa0: {  	[sflag:s22] =	ssyncadd.s32 s4;
	_ =	sdelay $0x1  }
0xa1: {  	s23 =	simm.s32 $0x1B8B  }
0xa2: {  	_ =	swait.ge [sflag:s23], $0x1  }
0xa3: {  	[sflag:s23] =	ssyncset.done $0x0  }
0xa4: {  	s25 =	simm.s32 $0x1B8E;
	s24 =	sld [smem:$0x3FFE];
	[sflag:s23] =	ssyncadd.s32 $0xFFFFFFFF  }
0xa5: {  	s26 =	simm.s32 $execute0_lowered;
	[smem:$0x3FD2] =	sst s25  }
0xa6: {  	s5 =	sshll.u32 s26, $0x1;
	_ =	strace $0x80000049;
	[dreg:$0x1] =	wrdreg $0xFFFFFFFF  }
0xa7: {  	s28 =	simm.s32 $_size_execute0_lowered;
	s3 =	sadd.s32 s3, s5;
	[dreg:$0x0] =	wrdreg $0x0  }
0xa8: {  	s5 =	sshll.u32 s28, $0x1;
	[dreg:$0x2] =	wrdreg s3  }
0xa9: {  	[dreg:$0x3] =	wrdreg s5  }
0xaa: {  	[dreg:$0x4] =	wrdreg $0xC0  }
0xab: {  	_ =	task [dreg:s7], $0x5FFFF  }
0xac: {  	[dreg:$0x1] =	wrdreg $0xFFFFFFFF  }
0xad: {  	[dreg:$0x0] =	wrdreg $0x60  }
0xae: {  	[dreg:$0x2] =	wrdreg s24  }
0xaf: {  	[dreg:$0x3] =	wrdreg s2  }
0xb0: {  	[dreg:$0x4] =	wrdreg $0x9  }
0xb1: {  	_ =	task.clear_ibuf [dreg:s7], $0x5FFFF;
	_ =	strace $0x90000049  }
0xb2: {  	s29 =	simm.s32 $0x9;
	_ =	strace $0x8000004B  }
0xb3: {  	_ =	swait.ge [sflag:s29], $0x1  }
0xb4: {  	[sflag:s29] =	ssyncadd.s32 $0xFFFFFFFF  }
0xb5: {  	_ =	strace $0x9000004B  }
0xb6: {  	_ =	sfence  }
0xb7: {  	s30 =	sld [smem:$0x0];
	_ =	sdelay $0x2  }
0xb8: {  	s31 =	sshll.u32 s1, $0xD;
	s1 =	sshrl.u32 s1, $0x2  }
0xb9: {  	s3 =	sand.u32 $0x4000, s31;
	s1 =	sadd.s32 s1, s30  }
0xba: {  	s0 =	sor.u32 s3, s0;
	s1 =	sshll.u32 s1, $0x11  }
0xbb: {  	s0 =	sor.u32 s1, s0  }
0xbc: {  	s0 =	sadd.s32 $0x8F2B, s0  }
0xbd: {  	[sflag:s0] =	ssyncadd.remote.s32 $0x1  }
0xbe: {  	_ =	sfence.sel $0xFFFF  }
0xbf: {  	[dreg:$0x0] =	wrdreg $0xFFFFFFFF;
	(pc) =	sbr.abs _section_cstart, $3  }
0xc0: {  	[dreg:$0x1] =	wrdreg $0xFFFFFFFF  }
0xc1: {  	_ =	task.clear_ibuf [dreg:s7], $0x2FFFF;
	_ =	strace $0x9FFFFFFF  }
0xc2: {  	(tm) =	ssettm $0x7FFFFFFF  }
0xc3: {  	_ =	shalt  }
tec
execute0_lowered:
.L_overlay_start_1:
0x0: {  	(tag) =	ssettag $0x1  }
0x1: {  	s0 =	srdreg.scid;
	s1 =	rddreg [dreg:$0x0]  }
0x2: {  	s2 =	stileid.u32;
	s6 =	rddreg [dreg:$0x1]  }
0x3: {  	s28 =	simm.s32 $0x580;
	s0 =	sand.u32 $0x1, s0;
	s3 =	sshll.u32 s2, $0x8  }
0x4: {  	s2 =	simm.s32 $0x0;
	s7 =	sadd.s32 $0x1C00, s1;
	s4 =	sshll.u32 s0, $0x7  }
0x5: {  	s8 =	sadd.s32 $0x1E00, s1;
	[smem:$0x7FF] =	sst s2;
	s4 =	sor.u32 s4, s3  }
0x6: {  	s0 =	ssub.s32 $0x2, s0;
	_ =	strace $0x8000004A;
	s20 =	sshll.u32 s4, $0x7  }
0x7: {  	[dreg:$0x3] =	wrdreg s7;
	s3 =	sshrl.u32 s4, $0x3;
	s22 =	sadd.s32 s6, s20  }
0x8: {  	s5 =	sadd.s32 s3, s1;
	s23 =	sadd.s32 s8, s20;
	[dreg:$0x8] =	wrdreg s22  }
0x9: {  	s21 =	sshrl.u32 s0, $0x1;
	s17 =	sadd.s32 $0x1A00, s5;
	[dreg:$0x9] =	wrdreg s23  }
0xa: {  	s0 =	ssub.s32 s0, s21;
	s18 =	sadd.s32 $0x1600, s5;
	[dreg:$0x4] =	wrdreg s17  }
0xb: {  	s4 =	sadd.s32 $0x141F00, s1;
	s19 =	sadd.s32 $0x1400, s5;
	[dreg:$0x5] =	wrdreg s18  }
0xc: {  	s9 =	sor.u32 $0x1000, s20;
	s5 =	sadd.s32 $0x1800, s5;
	[dreg:$0x6] =	wrdreg s19  }
0xd: {  	s3 =	sadd.s32 $0x141E00, s1;
	s24 =	sadd.s32 s6, s9;
	[dreg:$0x7] =	wrdreg s5  }
0xe: {  	s26 =	sor.u32 $0x2000, s20;
	s25 =	sadd.s32 s8, s9;
	[dreg:$0xa] =	wrdreg s24  }
0xf: {  	s7 =	sor.u32 $0x3000, s20;
	s29 =	sadd.s32 s6, s26;
	[dreg:$0xb] =	wrdreg s25  }
0x10: {  	s0 =	smax.u32 s0, $0x1;
	s9 =	sadd.s32 s8, s26;
	[dreg:$0xc] =	wrdreg s29  }
0x11: {  	v2 =	vlaneseq.u32;
	s20 =	simm.s32 $0x8580;
	s30 =	sadd.s32 s6, s7;
	[dreg:$0xd] =	wrdreg s9  }
0x12: {  	vm0 =	vmmov $0xffff;
	v1 =	vshrl.u32 v2, $0x3;
	s6 =	sadd.s32 $0x142100, s1;
	s31 =	sadd.s32 s8, s7;
	[dreg:$0xe] =	wrdreg s30  }
0x13: {  	v0 =	vand.u32 $0x7, v2;
	v2 =	vor.u32 $0x8, v2;
	v1 =	vmul.u32 $0x8, v1;
	s8 =	simm.s32 $0x3;
	s5 =	sadd.s32 $0x142000, s1;
	[dreg:$0xf] =	wrdreg s31  }
.LBB2_1:
0x14: {  	[dreg:$0x10] =	wrdreg s0  }
0x15: {  	s22 =	rddreg [dreg:$0x3]  }
0x16: {  	[tilespmem:s2], [sflag:$0x3] =	stream.linear.gather [hbm4b:s22+s2], $0x80, $0x38;
	[tilespmem:$0x10580] =	vst v63  }
0x17: {  	_ =	swait.ge [sflag:s8], $0x80  }
0x18: {  	[sflag:s8] =	ssyncset.done $0x0  }
0x19: {  	s18 =	simm.s32 $0x80;
	s17 =	rddreg [dreg:$0x4];
	[sflag:s8] =	ssyncadd.s32 $0xFFFFFF80  }
0x1a: {  	v4 =	vld [tilespmem:$0x0];
	[tilespmem:s18], [sflag:$0x3] =	stream.linear.gather [hbm4b:s17+s2], $0x80, $0x38  }
0x1b: {  	_ =	swait.ge [sflag:s8], $0x80  }
0x1c: {  	[sflag:s8] =	ssyncset.done $0x0  }
0x1d: {  	s1 =	simm.s32 $0x100;
	s19 =	rddreg [dreg:$0x5];
	[sflag:s8] =	ssyncadd.s32 $0xFFFFFF80  }
0x1e: {  	[tilespmem:s1], [sflag:$0x3] =	stream.linear.gather [hbm4b:s19+s2], $0x80, $0x38;
	[tilespmem:$0x10580] =	vst v63  }
0x1f: {  	_ =	swait.ge [sflag:s8], $0x80  }
0x20: {  	[sflag:s8] =	ssyncset.done $0x0  }
0x21: {  	[sflag:s8] =	ssyncadd.s32 $0xFFFFFF80  }
0x22: {  	v11 =	vld [tilespmem:$0x80];
	_ =	sdelay $0x3  }
0x23: {  	v10 =	vbroadcast v4, $0x0  }
0x24: {  	v9 =	vbroadcast v4, $0x1;
	vm1 =	veq.s32 v11, $0x0  }
0x25: {  	v7 =	vbroadcast v4, $0x2;
	v12 =	vld [tilespmem:$0x90];
	v3 =	vnsel vm1, $0x0, v10;
	vm1 =	veq.s32 v11, $0x1  }
0x26: {  	v8 =	vbroadcast v4, $0x3;
	v3 =	vsel vm1, v9, v3;
	vm1 =	veq.s32 v11, $0x2  }
0x27: {  	v6 =	vbroadcast v4, $0x4;
	v3 =	vsel vm1, v7, v3;
	vm1 =	veq.s32 v11, $0x3  }
0x28: {  	v5 =	vbroadcast v4, $0x5;
	v3 =	vsel vm1, v8, v3;
	vm1 =	veq.s32 v11, $0x4  }
0x29: {  	v13 =	vsel vm1, v6, v3;
	vm1 =	veq.s32 v11, $0x5;
	v3 =	vbroadcast v4, $0x6  }
0x2a: {  	v16 =	vld [tilespmem:$0xA0];
	vm2 =	veq.s32 v12, $0x0;
	v13 =	vsel vm1, v5, v13;
	vm1 =	veq.s32 v11, $0x6  }
0x2b: {  	v14 =	vld [tilespmem:$0x100];
	v15 =	vnsel vm2, $0x0, v10;
	v13 =	vsel vm1, v3, v13;
	vm1 =	veq.s32 v12, $0x1  }
0x2c: {  	v4 =	vbroadcast v4, $0x7;
	v15 =	vsel vm1, v9, v15;
	vm1 =	veq.s32 v12, $0x2  }
0x2d: {  	vm2 =	veq.s32 v11, $0x7;
	v37 =	vsel vm1, v7, v15;
	vm1 =	veq.s32 v12, $0x3  }
0x2e: {  	v13 =	vsel vm2, v4, v13;
	v11 =	vsel vm1, v8, v37;
	vm1 =	veq.s32 v12, $0x4  }
0x2f: {  	v39 =	vld [tilespmem:$0xB0];
	vm2 =	veq.s32 v16, $0x0;
	v11 =	vsel vm1, v6, v11;
	vm1 =	veq.s32 v12, $0x5  }
0x30: {  	v38 =	vld [tilespmem:$0x110];
	v13 =	vadd.s32 v14, v13;
	v11 =	vsel vm1, v5, v11;
	vm1 =	veq.s32 v12, $0x6  }
0x31: {  	v17 =	vnsel vm2, $0x0, v10;
	v11 =	vsel vm1, v3, v11;
	vm1 =	veq.s32 v16, $0x1  }
0x32: {  	vm2 =	veq.s32 v12, $0x7;
	v40 =	vsel vm1, v9, v17;
	vm1 =	veq.s32 v16, $0x2  }
0x33: {  	v11 =	vsel vm2, v4, v11;
	v12 =	vsel vm1, v7, v40;
	vm1 =	veq.s32 v16, $0x3  }
0x34: {  	vm2 =	veq.s32 v39, $0x0;
	v12 =	vsel vm1, v8, v12;
	vm1 =	veq.s32 v16, $0x4  }
0x35: {  	v11 =	vadd.s32 v38, v11;
	v12 =	vsel vm1, v6, v12;
	vm1 =	veq.s32 v16, $0x5  }
0x36: {  	v18 =	vld [tilespmem:$0xC0];
	v42 =	vnsel vm2, $0x0, v10;
	v12 =	vsel vm1, v5, v12;
	vm1 =	veq.s32 v39, $0x1  }
0x37: {  	v41 =	vld [tilespmem:$0x120];
	vm2 =	veq.s32 v16, $0x6;
	v17 =	vsel vm1, v9, v42;
	vm1 =	veq.s32 v39, $0x2  }
0x38: {  	v12 =	vsel vm2, v3, v12;
	v17 =	vsel vm1, v7, v17;
	vm1 =	veq.s32 v39, $0x3  }
0x39: {  	vm2 =	veq.s32 v16, $0x7;
	v43 =	vsel vm1, v8, v17;
	vm1 =	veq.s32 v39, $0x4  }
0x3a: {  	v12 =	vsel vm2, v4, v12;
	v16 =	vsel vm1, v6, v43;
	vm1 =	veq.s32 v39, $0x5  }
0x3b: {  	v46 =	vld [tilespmem:$0xD0];
	vm2 =	veq.s32 v39, $0x6;
	v45 =	vsel vm1, v5, v16;
	vm1 =	veq.s32 v18, $0x0  }
0x3c: {  	v44 =	vld [tilespmem:$0x130];
	v12 =	vadd.s32 v41, v12;
	v19 =	vnsel vm1, $0x0, v10;
	vm1 =	veq.s32 v18, $0x1  }
0x3d: {  	v14 =	vsel vm2, v3, v45;
	v19 =	vsel vm1, v9, v19;
	vm1 =	veq.s32 v18, $0x2  }
0x3e: {  	vm2 =	veq.s32 v39, $0x7;
	v47 =	vsel vm1, v7, v19;
	vm1 =	veq.s32 v18, $0x3  }
0x3f: {  	v14 =	vsel vm2, v4, v14;
	v15 =	vsel vm1, v8, v47;
	vm1 =	veq.s32 v18, $0x4  }
0x40: {  	vm2 =	veq.s32 v18, $0x5;
	v15 =	vsel vm1, v6, v15;
	vm1 =	veq.s32 v46, $0x0  }
0x41: {  	v14 =	vadd.s32 v44, v14;
	v49 =	vnsel vm1, $0x0, v10;
	vm1 =	veq.s32 v46, $0x1  }
0x42: {  	v20 =	vld [tilespmem:$0xE0];
	v15 =	vsel vm2, v5, v15;
	v19 =	vsel vm1, v9, v49;
	vm1 =	veq.s32 v46, $0x2  }
0x43: {  	v48 =	vld [tilespmem:$0x140];
	vm2 =	veq.s32 v18, $0x6;
	v19 =	vsel vm1, v7, v19;
	vm1 =	veq.s32 v46, $0x3  }
0x44: {  	v15 =	vsel vm2, v3, v15;
	v19 =	vsel vm1, v8, v19;
	vm1 =	veq.s32 v46, $0x4  }
0x45: {  	v21 =	vld [tilespmem:$0xF0];
	vm2 =	veq.s32 v18, $0x7;
	v19 =	vsel vm1, v6, v19;
	vm1 =	veq.s32 v46, $0x5  }
0x46: {  	v50 =	vld [tilespmem:$0x150];
	v15 =	vsel vm2, v4, v15;
	v19 =	vsel vm1, v5, v19;
	vm1 =	veq.s32 v46, $0x6  }
0x47: {  	vm2 =	veq.s32 v46, $0x7;
	v51 =	vsel vm1, v3, v19;
	vm1 =	veq.s32 v20, $0x0  }
0x48: {  	v15 =	vadd.s32 v48, v15;
	v52 =	vnsel vm1, $0x0, v10;
	vm1 =	veq.s32 v20, $0x1  }
0x49: {  	v17 =	vsel vm2, v4, v51;
	v16 =	vsel vm1, v9, v52;
	vm1 =	veq.s32 v20, $0x2  }
0x4a: {  	vm2 =	veq.s32 v21, $0x0;
	v16 =	vsel vm1, v7, v16;
	vm1 =	veq.s32 v20, $0x3  }
0x4b: {  	v17 =	vadd.s32 v50, v17;
	v16 =	vsel vm1, v8, v16;
	vm1 =	veq.s32 v20, $0x4  }
0x4c: {  	v53 =	vnsel vm2, $0x0, v10;
	v16 =	vsel vm1, v6, v16;
	vm1 =	veq.s32 v21, $0x1  }
0x4d: {  	vm2 =	veq.s32 v20, $0x5;
	v18 =	vsel vm1, v9, v53;
	vm1 =	veq.s32 v21, $0x2  }
0x4e: {  	v54 =	vld [tilespmem:$0x160];
	[tilespmem:$0x180] =	vst v13;
	v16 =	vsel vm2, v5, v16;
	v18 =	vsel vm1, v7, v18;
	vm1 =	veq.s32 v21, $0x3  }
0x4f: {  	v55 =	vld [tilespmem:$0x170];
	[tilespmem:$0x190] =	vst v11;
	vm2 =	veq.s32 v20, $0x6;
	v18 =	vsel vm1, v8, v18;
	vm1 =	veq.s32 v21, $0x4  }
0x50: {  	[tilespmem:$0x200] =	vst v12;
	v56 =	vsel vm2, v3, v16;
	v57 =	vsel vm1, v6, v18;
	vm1 =	veq.s32 v21, $0x5  }
0x51: {  	[tilespmem:$0x210] =	vst v14;
	vm2 =	veq.s32 v20, $0x7;
	v58 =	vsel vm1, v5, v57;
	vm1 =	veq.s32 v21, $0x6  }
0x52: {  	[tilespmem:$0x280] =	vst v15;
	v12 =	vsel vm2, v4, v56;
	v14 =	vsel vm1, v3, v58;
	vm1 =	veq.s32 v21, $0x7  }
0x53: {  	[tilespmem:$0x290] =	vst v17;
	v12 =	vadd.s32 v54, v12;
	v59 =	vsel vm1, v4, v14  }
0x54: {  	[tilespmem:$0x300] =	vst v12;
	v11 =	vadd.s32 v55, v59  }
0x55: {  	s21 =	rddreg [dreg:$0x6];
	[tilespmem:$0x310] =	vst v11  }
0x56: {  	[tilespmem:s18], [sflag:$0x3] =	stream.linear.gather [hbm4b:s21+s2], $0x80, $0x38;
	[tilespmem:$0x10580] =	vst v63  }
0x57: {  	_ =	swait.ge [sflag:s8], $0x80  }
0x58: {  	[sflag:s8] =	ssyncset.done $0x0  }
0x59: {  	s23 =	rddreg [dreg:$0x7];
	[sflag:s8] =	ssyncadd.s32 $0xFFFFFF80  }
0x5a: {  	[tilespmem:s1], [sflag:$0x3] =	stream.linear.gather [hbm4b:s23+s2], $0x80, $0x38;
	[tilespmem:$0x10580] =	vst v63  }
0x5b: {  	_ =	swait.ge [sflag:s8], $0x80  }
0x5c: {  	[sflag:s8] =	ssyncset.done $0x0  }
0x5d: {  	[sflag:s8] =	ssyncadd.s32 $0xFFFFFF80  }
0x5e: {  	v60 =	vld [tilespmem:$0x80];
	_ =	sdelay $0x4  }
0x5f: {  	vm1 =	veq.s32 v60, $0x0  }
0x60: {  	v62 =	vld [tilespmem:$0x90];
	v61 =	vnsel vm1, $0x0, v10;
	vm1 =	veq.s32 v60, $0x1  }
0x61: {  	v36 =	vld [tilespmem:$0x180];
	v12 =	vsel vm1, v9, v61;
	vm1 =	veq.s32 v60, $0x2  }
0x62: {  	v12 =	vsel vm1, v7, v12;
	vm1 =	veq.s32 v60, $0x3  }
0x63: {  	v12 =	vsel vm1, v8, v12;
	vm1 =	veq.s32 v60, $0x4  }
0x64: {  	v63 =	vld [tilespmem:$0xA0];
	v12 =	vsel vm1, v6, v12;
	vm1 =	veq.s32 v60, $0x5  }
0x65: {  	v12 =	vsel vm1, v5, v12;
	vm1 =	veq.s32 v62, $0x0  }
0x66: {  	vm2 =	veq.s32 v60, $0x6;
	v40 =	vshll.u32 v36, $0x3;
	v19 =	vnsel vm1, $0x0, v10  }
0x67: {  	v34 =	vld [tilespmem:$0x100];
	vm1 =	veq.s32 v62, $0x1;
	v12 =	vsel vm2, v3, v12;
	vm2 =	veq.s32 v60, $0x7  }
0x68: {  	v15 =	vsel vm1, v9, v19;
	vm1 =	veq.s32 v62, $0x2;
	v12 =	vsel vm2, v4, v12  }
0x69: {  	vm2 =	veq.s32 v63, $0x0;
	v20 =	vsel vm1, v7, v15;
	vm1 =	veq.s32 v62, $0x3  }
0x6a: {  	v21 =	vnsel vm2, $0x0, v10;
	v11 =	vsel vm1, v8, v20;
	vm1 =	veq.s32 v62, $0x4  }
0x6b: {  	v22 =	vld [tilespmem:$0xB0];
	vm2 =	veq.s32 v62, $0x6;
	v11 =	vsel vm1, v6, v11;
	vm1 =	veq.s32 v62, $0x5  }
0x6c: {  	v12 =	vadd.s32 v34, v12;
	v11 =	vsel vm1, v5, v11;
	vm1 =	veq.s32 v63, $0x1  }
0x6d: {  	v15 =	vsel vm1, v9, v21;
	vm1 =	veq.s32 v63, $0x2;
	v11 =	vsel vm2, v3, v11  }
0x6e: {  	vm2 =	veq.s32 v62, $0x7;
	v15 =	vsel vm1, v7, v15;
	vm1 =	veq.s32 v63, $0x3  }
0x6f: {  	v24 =	vld [tilespmem:$0xC0];
	v11 =	vsel vm2, v4, v11;
	v23 =	vsel vm1, v8, v15;
	vm1 =	veq.s32 v63, $0x4  }
0x70: {  	vm2 =	veq.s32 v22, $0x0;
	v13 =	vsel vm1, v6, v23;
	vm1 =	veq.s32 v63, $0x5  }
0x71: {  	v25 =	vnsel vm2, $0x0, v10;
	v13 =	vsel vm1, v5, v13;
	vm1 =	veq.s32 v63, $0x6  }
0x72: {  	vm2 =	veq.s32 v63, $0x7;
	v23 =	vld [tilespmem:$0x120];
	v13 =	vsel vm1, v3, v13;
	vm1 =	veq.s32 v22, $0x1  }
0x73: {  	v26 =	vsel vm1, v9, v25;
	vm1 =	veq.s32 v22, $0x2;
	v13 =	vsel vm2, v4, v13  }
0x74: {  	vm2 =	veq.s32 v24, $0x0;
	v14 =	vsel vm1, v7, v26;
	vm1 =	veq.s32 v22, $0x3  }
0x75: {  	v27 =	vnsel vm2, $0x0, v10;
	v14 =	vsel vm1, v8, v14;
	vm1 =	veq.s32 v22, $0x4  }
0x76: {  	vm2 =	veq.s32 v22, $0x5;
	v14 =	vsel vm1, v6, v14;
	vm1 =	veq.s32 v24, $0x1  }
0x77: {  	v28 =	vld [tilespmem:$0xD0];
	v13 =	vadd.s32 v23, v13;
	v17 =	vsel vm1, v9, v27;
	vm1 =	veq.s32 v24, $0x2  }
0x78: {  	v14 =	vsel vm2, v5, v14;
	v17 =	vsel vm1, v7, v17;
	vm1 =	veq.s32 v24, $0x3  }
0x79: {  	vm2 =	veq.s32 v22, $0x6;
	v17 =	vsel vm1, v8, v17;
	vm1 =	veq.s32 v24, $0x4  }
0x7a: {  	v29 =	vld [tilespmem:$0xE0];
	v14 =	vsel vm2, v3, v14;
	v17 =	vsel vm1, v6, v17;
	vm1 =	veq.s32 v24, $0x5  }
0x7b: {  	vm2 =	veq.s32 v22, $0x7;
	v30 =	vsel vm1, v5, v17;
	vm1 =	veq.s32 v24, $0x6  }
0x7c: {  	v31 =	vld [tilespmem:$0xF0];
	v14 =	vsel vm2, v4, v14;
	v16 =	vsel vm1, v3, v30;
	vm1 =	veq.s32 v28, $0x0  }
0x7d: {  	vm2 =	veq.s32 v24, $0x7;
	v32 =	vnsel vm1, $0x0, v10;
	vm1 =	veq.s32 v28, $0x1  }
0x7e: {  	v16 =	vsel vm2, v4, v16;
	v15 =	vsel vm1, v9, v32;
	vm1 =	veq.s32 v28, $0x2  }
0x7f: {  	vm2 =	veq.s32 v29, $0x0;
	v15 =	vsel vm1, v7, v15;
	vm1 =	veq.s32 v28, $0x3  }
0x80: {  	v33 =	vnsel vm2, $0x0, v10;
	v15 =	vsel vm1, v8, v15;
	vm1 =	veq.s32 v29, $0x1  }
0x81: {  	vm2 =	veq.s32 v31, $0x0;
	v20 =	vsel vm1, v9, v33;
	vm1 =	veq.s32 v29, $0x2  }
0x82: {  	v22 =	vld [tilespmem:$0x110];
	v10 =	vnsel vm2, $0x0, v10;
	v20 =	vsel vm1, v7, v20;
	vm1 =	veq.s32 v31, $0x1  }
0x83: {  	v38 =	vld [tilespmem:$0x140];
	vm2 =	veq.s32 v28, $0x4;
	v9 =	vsel vm1, v9, v10;
	vm1 =	veq.s32 v29, $0x3  }
0x84: {  	v15 =	vsel vm2, v6, v15;
	v20 =	vsel vm1, v8, v20;
	vm1 =	veq.s32 v31, $0x2  }
0x85: {  	vm2 =	veq.s32 v28, $0x5;
	v7 =	vsel vm1, v7, v9;
	vm1 =	veq.s32 v31, $0x3  }
0x86: {  	v37 =	vsel vm2, v5, v15;
	v7 =	vsel vm1, v8, v7;
	vm1 =	veq.s32 v28, $0x6  }
0x87: {  	v11 =	vadd.s32 v22, v11;
	v8 =	vsel vm1, v3, v37;
	vm1 =	veq.s32 v28, $0x7  }
0x88: {  	v35 =	vld [tilespmem:$0x130];
	v46 =	vadd.s32 v38, v16;
	v8 =	vsel vm1, v4, v8;
	vm1 =	veq.s32 v29, $0x4  }
0x89: {  	v9 =	vand.u32 $0x7, v36;
	v39 =	vsel vm1, v6, v20;
	vm1 =	veq.s32 v31, $0x4  }
0x8a: {  	v41 =	vld [tilespmem:$0x150];
	v6 =	vsel vm1, v6, v7;
	vm1 =	veq.s32 v29, $0x5;
	v7 =	vand.u32 $0xFFFFFFC0, v40  }
0x8b: {  	v42 =	vld [tilespmem:$0x160];
	[tilespmem:$0x380] =	vst v12;
	v7 =	vor.u32 v9, v7;
	v43 =	vsel vm1, v5, v39;
	vm1 =	veq.s32 v31, $0x5  }
0x8c: {  	v44 =	vld [tilespmem:$0x170];
	[tilespmem:$0x400] =	vst v13;
	v5 =	vsel vm1, v5, v6;
	vm1 =	veq.s32 v29, $0x6;
	v45 =	vperm.xlane v7, v0  }
0x8d: {  	[tilespmem:$0x390] =	vst v11;
	v10 =	vadd.s32 v35, v14;
	v12 =	vsel vm1, v3, v43;
	vm1 =	veq.s32 v29, $0x7  }
0x8e: {  	[tilespmem:$0x480] =	vst v46;
	v47 =	vsel vm1, v4, v12;
	vm1 =	veq.s32 v31, $0x6;
	v11 =	vadd.s32 v1, v45  }
0x8f: {  	[tilespmem:$0x410] =	vst v10;
	v8 =	vadd.s32 v41, v8;
	v3 =	vsel vm1, v3, v5;
	vm1 =	veq.s32 v31, $0x7  }
0x90: {  	[tilespmem:$0x490] =	vst v8;
	v48 =	vadd.s32 v42, v47;
	v3 =	vsel vm1, v4, v3  }
0x91: {  	[tilespmem:$0x500] =	vst v48;
	v3 =	vadd.s32 v44, v3  }
0x92: {  	[tilespmem:$0x510] =	vst v3  }
0x93: {  	[tilespmem:s28], [sflag:$0x1] =	stream.indirect_vreg.gather [hbm4b:s3+s2], $0x80, v11, vm0, $0xb8;
	[tilespmem:$0x10580] =	vst v63  }
0x94: {  	s24 =	simm.s32 $0xD80;
	v3 =	vperm.xlane v7, v2  }
0x95: {  	[tilespmem:s24], [sflag:$0x1] =	stream.indirect_vreg.gather [hbm4b:s4+s2], $0x80, v11, vm0, $0xb8;
	[tilespmem:$0x10580] =	vst v63  }
0x96: {  	s25 =	simm.s32 $0x1580;
	v3 =	vadd.s32 v1, v3  }
0x97: {  	[tilespmem:s25], [sflag:$0x1] =	stream.indirect_vreg.gather [hbm4b:s5+s2], $0x80, v11, vm0, $0xb8;
	[tilespmem:$0x10580] =	vst v63  }
0x98: {  	s26 =	simm.s32 $0x1D80  }
0x99: {  	[tilespmem:s26], [sflag:$0x1] =	stream.indirect_vreg.gather [hbm4b:s6+s2], $0x80, v11, vm0, $0xb8;
	[tilespmem:$0x10580] =	vst v63  }
0x9a: {  	s29 =	simm.s32 $0x2580  }
0x9b: {  	[tilespmem:s29], [sflag:$0x1] =	stream.indirect_vreg.gather [hbm4b:s3+s2], $0x80, v3, vm0, $0xb8;
	[tilespmem:$0x10580] =	vst v63  }
0x9c: {  	s30 =	simm.s32 $0x2D80  }
0x9d: {  	[tilespmem:s30], [sflag:$0x1] =	stream.indirect_vreg.gather [hbm4b:s4+s2], $0x80, v3, vm0, $0xb8;
	[tilespmem:$0x10580] =	vst v63  }
0x9e: {  	s31 =	simm.s32 $0x3580  }
0x9f: {  	[tilespmem:s31], [sflag:$0x1] =	stream.indirect_vreg.gather [hbm4b:s5+s2], $0x80, v3, vm0, $0xb8;
	[tilespmem:$0x10580] =	vst v63  }
0xa0: {  	s1 =	simm.s32 $0x3D80  }
0xa1: {  	[tilespmem:s1], [sflag:$0x1] =	stream.indirect_vreg.gather [hbm4b:s6+s2], $0x80, v3, vm0, $0xb8;
	[tilespmem:$0x10580] =	vst v63  }
0xa2: {  	v3 =	vld [tilespmem:$0x190];
	_ =	sdelay $0x4  }
0xa3: {  	v49 =	vshll.u32 v3, $0x3  }
0xa4: {  	v3 =	vand.u32 $0x7, v3;
	v4 =	vand.u32 $0xFFFFFFC0, v49  }
0xa5: {  	v3 =	vor.u32 v3, v4  }
0xa6: {  	v4 =	vperm.xlane v3, v0;
	_ =	sdelay $0x1  }
0xa7: {  	v4 =	vadd.s32 v1, v4;
	_ =	sdelay $0x3  }
0xa8: {  	s7 =	simm.s32 $0x4580  }
0xa9: {  	[tilespmem:s7], [sflag:$0x1] =	stream.indirect_vreg.gather [hbm4b:s3+s2], $0x80, v4, vm0, $0xb8;
	[tilespmem:$0x10580] =	vst v63  }
0xaa: {  	s9 =	simm.s32 $0x4D80;
	v3 =	vperm.xlane v3, v2  }
0xab: {  	[tilespmem:s9], [sflag:$0x1] =	stream.indirect_vreg.gather [hbm4b:s4+s2], $0x80, v4, vm0, $0xb8;
	[tilespmem:$0x10580] =	vst v63  }
0xac: {  	s10 =	simm.s32 $0x5580;
	v3 =	vadd.s32 v1, v3  }
0xad: {  	[tilespmem:s10], [sflag:$0x1] =	stream.indirect_vreg.gather [hbm4b:s5+s2], $0x80, v4, vm0, $0xb8;
	[tilespmem:$0x10580] =	vst v63  }
0xae: {  	s11 =	simm.s32 $0x5D80  }
0xaf: {  	[tilespmem:s11], [sflag:$0x1] =	stream.indirect_vreg.gather [hbm4b:s6+s2], $0x80, v4, vm0, $0xb8;
	[tilespmem:$0x10580] =	vst v63  }
0xb0: {  	s12 =	simm.s32 $0x6580  }
0xb1: {  	[tilespmem:s12], [sflag:$0x1] =	stream.indirect_vreg.gather [hbm4b:s3+s2], $0x80, v3, vm0, $0xb8;
	[tilespmem:$0x10580] =	vst v63  }
0xb2: {  	s13 =	simm.s32 $0x6D80  }
0xb3: {  	[tilespmem:s13], [sflag:$0x1] =	stream.indirect_vreg.gather [hbm4b:s4+s2], $0x80, v3, vm0, $0xb8;
	[tilespmem:$0x10580] =	vst v63  }
0xb4: {  	s14 =	simm.s32 $0x7580  }
0xb5: {  	[tilespmem:s14], [sflag:$0x1] =	stream.indirect_vreg.gather [hbm4b:s5+s2], $0x80, v3, vm0, $0xb8;
	[tilespmem:$0x10580] =	vst v63  }
0xb6: {  	s22 =	simm.s32 $0x7D80  }
0xb7: {  	[tilespmem:s22], [sflag:$0x1] =	stream.indirect_vreg.gather [hbm4b:s6+s2], $0x80, v3, vm0, $0xb8;
	[tilespmem:$0x10580] =	vst v63  }
0xb8: {  	v3 =	vld [tilespmem:$0x380];
	_ =	sdelay $0x4  }
0xb9: {  	v50 =	vshll.u32 v3, $0x3  }
0xba: {  	v3 =	vand.u32 $0x7, v3;
	v4 =	vand.u32 $0xFFFFFFC0, v50  }
0xbb: {  	v3 =	vor.u32 v3, v4  }
0xbc: {  	v4 =	vperm.xlane v3, v0;
	_ =	sdelay $0x1  }
0xbd: {  	v4 =	vadd.s32 v1, v4;
	_ =	sdelay $0x4  }
0xbe: {  	[tilespmem:s20], [sflag:$0x2] =	stream.indirect_vreg.gather [hbm4b:s3+s2], $0x80, v4, vm0, $0xb8;
	[tilespmem:$0x10580] =	vst v63  }
0xbf: {  	s26 =	simm.s32 $0x8D80;
	v3 =	vperm.xlane v3, v2  }
0xc0: {  	[tilespmem:s26], [sflag:$0x2] =	stream.indirect_vreg.gather [hbm4b:s4+s2], $0x80, v4, vm0, $0xb8;
	[tilespmem:$0x10580] =	vst v63  }
0xc1: {  	s29 =	simm.s32 $0x9580;
	v3 =	vadd.s32 v1, v3  }
0xc2: {  	[tilespmem:s29], [sflag:$0x2] =	stream.indirect_vreg.gather [hbm4b:s5+s2], $0x80, v4, vm0, $0xb8;
	[tilespmem:$0x10580] =	vst v63  }
0xc3: {  	s30 =	simm.s32 $0x9D80  }
0xc4: {  	[tilespmem:s30], [sflag:$0x2] =	stream.indirect_vreg.gather [hbm4b:s6+s2], $0x80, v4, vm0, $0xb8;
	[tilespmem:$0x10580] =	vst v63  }
0xc5: {  	s31 =	simm.s32 $0xA580  }
0xc6: {  	[tilespmem:s31], [sflag:$0x2] =	stream.indirect_vreg.gather [hbm4b:s3+s2], $0x80, v3, vm0, $0xb8;
	[tilespmem:$0x10580] =	vst v63  }
0xc7: {  	s1 =	simm.s32 $0xAD80  }
0xc8: {  	[tilespmem:s1], [sflag:$0x2] =	stream.indirect_vreg.gather [hbm4b:s4+s2], $0x80, v3, vm0, $0xb8;
	[tilespmem:$0x10580] =	vst v63  }
0xc9: {  	s10 =	simm.s32 $0xB580  }
0xca: {  	[tilespmem:s10], [sflag:$0x2] =	stream.indirect_vreg.gather [hbm4b:s5+s2], $0x80, v3, vm0, $0xb8;
	[tilespmem:$0x10580] =	vst v63  }
0xcb: {  	s11 =	simm.s32 $0xBD80  }
0xcc: {  	[tilespmem:s11], [sflag:$0x2] =	stream.indirect_vreg.gather [hbm4b:s6+s2], $0x80, v3, vm0, $0xb8;
	[tilespmem:$0x10580] =	vst v63  }
0xcd: {  	v3 =	vld [tilespmem:$0x390];
	_ =	sdelay $0x4  }
0xce: {  	v51 =	vshll.u32 v3, $0x3  }
0xcf: {  	v3 =	vand.u32 $0x7, v3;
	v4 =	vand.u32 $0xFFFFFFC0, v51  }
0xd0: {  	v3 =	vor.u32 v3, v4  }
0xd1: {  	v4 =	vperm.xlane v3, v0;
	_ =	sdelay $0x1  }
0xd2: {  	v4 =	vadd.s32 v1, v4;
	_ =	sdelay $0x3  }
0xd3: {  	s12 =	simm.s32 $0xC580  }
0xd4: {  	[tilespmem:s12], [sflag:$0x2] =	stream.indirect_vreg.gather [hbm4b:s3+s2], $0x80, v4, vm0, $0xb8;
	[tilespmem:$0x10580] =	vst v63  }
0xd5: {  	s22 =	simm.s32 $0xCD80;
	v3 =	vperm.xlane v3, v2  }
0xd6: {  	[tilespmem:s22], [sflag:$0x2] =	stream.indirect_vreg.gather [hbm4b:s4+s2], $0x80, v4, vm0, $0xb8;
	[tilespmem:$0x10580] =	vst v63  }
0xd7: {  	s29 =	simm.s32 $0xD580;
	v3 =	vadd.s32 v1, v3  }
0xd8: {  	[tilespmem:s29], [sflag:$0x2] =	stream.indirect_vreg.gather [hbm4b:s5+s2], $0x80, v4, vm0, $0xb8;
	[tilespmem:$0x10580] =	vst v63  }
0xd9: {  	s30 =	simm.s32 $0xDD80  }
0xda: {  	[tilespmem:s30], [sflag:$0x2] =	stream.indirect_vreg.gather [hbm4b:s6+s2], $0x80, v4, vm0, $0xb8;
	[tilespmem:$0x10580] =	vst v63  }
0xdb: {  	s31 =	simm.s32 $0xE580  }
0xdc: {  	[tilespmem:s31], [sflag:$0x2] =	stream.indirect_vreg.gather [hbm4b:s3+s2], $0x80, v3, vm0, $0xb8;
	[tilespmem:$0x10580] =	vst v63  }
0xdd: {  	s1 =	simm.s32 $0xED80  }
0xde: {  	[tilespmem:s1], [sflag:$0x2] =	stream.indirect_vreg.gather [hbm4b:s4+s2], $0x80, v3, vm0, $0xb8;
	[tilespmem:$0x10580] =	vst v63  }
0xdf: {  	s22 =	simm.s32 $0xF580  }
0xe0: {  	[tilespmem:s22], [sflag:$0x2] =	stream.indirect_vreg.gather [hbm4b:s5+s2], $0x80, v3, vm0, $0xb8;
	[tilespmem:$0x10580] =	vst v63  }
0xe1: {  	s0 =	simm.s32 $0x1;
	s29 =	simm.s32 $0xFD80  }
0xe2: {  	[tilespmem:s29], [sflag:$0x2] =	stream.indirect_vreg.gather [hbm4b:s6+s2], $0x80, v3, vm0, $0xb8;
	[tilespmem:$0x10580] =	vst v63  }
0xe3: {  	_ =	swait.ge [sflag:s0], $0x8000  }
0xe4: {  	[sflag:s0] =	ssyncset.done $0x0  }
0xe5: {  	s1 =	simm.s32 $0x2;
	[sflag:s0] =	ssyncadd.s32 $0xFFFF8000  }
0xe6: {  	_ =	swait.ge [sflag:s1], $0x8000  }
0xe7: {  	[sflag:s1] =	ssyncset.done $0x0  }
0xe8: {  	s30 =	rddreg [dreg:$0x8];
	[sflag:s1] =	ssyncadd.s32 $0xFFFF8000  }
0xe9: {  	[hbm4b:s30+s2] =	stream.linear.scatter [tilespmem:s28], [sflag:$0x3], $0x8000, $0x38;
	[tilespmem:$0x10580] =	vst v63  }
0xea: {  	_ =	swait.ge [sflag:s8], $0x8000  }
0xeb: {  	[sflag:s8] =	ssyncset.done $0x0  }
0xec: {  	s31 =	rddreg [dreg:$0x9];
	[sflag:s8] =	ssyncadd.s32 $0xFFFF8000  }
0xed: {  	[hbm4b:s31+s2] =	stream.linear.scatter [tilespmem:s20], [sflag:$0x3], $0x8000, $0x38;
	[tilespmem:$0x10580] =	vst v63  }
0xee: {  	_ =	swait.ge [sflag:s8], $0x8000  }
0xef: {  	[sflag:s8] =	ssyncset.done $0x0  }
0xf0: {  	[sflag:s8] =	ssyncadd.s32 $0xFFFF8000  }
0xf1: {  	v3 =	vld [tilespmem:$0x200];
	_ =	sdelay $0x4  }
0xf2: {  	v52 =	vshll.u32 v3, $0x3  }
0xf3: {  	v3 =	vand.u32 $0x7, v3;
	v4 =	vand.u32 $0xFFFFFFC0, v52  }
0xf4: {  	v3 =	vor.u32 v3, v4  }
0xf5: {  	v4 =	vperm.xlane v3, v0;
	_ =	sdelay $0x1  }
0xf6: {  	v4 =	vadd.s32 v1, v4;
	_ =	sdelay $0x4  }
0xf7: {  	[tilespmem:s28], [sflag:$0x1] =	stream.indirect_vreg.gather [hbm4b:s3+s2], $0x80, v4, vm0, $0xb8;
	[tilespmem:$0x10580] =	vst v63  }
0xf8: {  	s15 =	simm.s32 $0xD80;
	v3 =	vperm.xlane v3, v2  }
0xf9: {  	[tilespmem:s15], [sflag:$0x1] =	stream.indirect_vreg.gather [hbm4b:s4+s2], $0x80, v4, vm0, $0xb8;
	[tilespmem:$0x10580] =	vst v63  }
0xfa: {  	s18 =	simm.s32 $0x1580;
	v3 =	vadd.s32 v1, v3  }
0xfb: {  	[tilespmem:s18], [sflag:$0x1] =	stream.indirect_vreg.gather [hbm4b:s5+s2], $0x80, v4, vm0, $0xb8;
	[tilespmem:$0x10580] =	vst v63  }
0xfc: {  	s19 =	simm.s32 $0x1D80  }
0xfd: {  	[tilespmem:s19], [sflag:$0x1] =	stream.indirect_vreg.gather [hbm4b:s6+s2], $0x80, v4, vm0, $0xb8;
	[tilespmem:$0x10580] =	vst v63  }
0xfe: {  	s21 =	simm.s32 $0x2580  }
0xff: {  	[tilespmem:s21], [sflag:$0x1] =	stream.indirect_vreg.gather [hbm4b:s3+s2], $0x80, v3, vm0, $0xb8;
	[tilespmem:$0x10580] =	vst v63  }
0x100: {  	s19 =	simm.s32 $0x2D80  }
0x101: {  	[tilespmem:s19], [sflag:$0x1] =	stream.indirect_vreg.gather [hbm4b:s4+s2], $0x80, v3, vm0, $0xb8;
	[tilespmem:$0x10580] =	vst v63  }
0x102: {  	s21 =	simm.s32 $0x3580  }
0x103: {  	[tilespmem:s21], [sflag:$0x1] =	stream.indirect_vreg.gather [hbm4b:s5+s2], $0x80, v3, vm0, $0xb8;
	[tilespmem:$0x10580] =	vst v63  }
0x104: {  	s16 =	simm.s32 $0x3D80  }
0x105: {  	[tilespmem:s16], [sflag:$0x1] =	stream.indirect_vreg.gather [hbm4b:s6+s2], $0x80, v3, vm0, $0xb8;
	[tilespmem:$0x10580] =	vst v63  }
0x106: {  	v3 =	vld [tilespmem:$0x210];
	_ =	sdelay $0x4  }
0x107: {  	v53 =	vshll.u32 v3, $0x3  }
0x108: {  	v3 =	vand.u32 $0x7, v3;
	v4 =	vand.u32 $0xFFFFFFC0, v53  }
0x109: {  	v3 =	vor.u32 v3, v4  }
0x10a: {  	v4 =	vperm.xlane v3, v0;
	_ =	sdelay $0x1  }
0x10b: {  	v4 =	vadd.s32 v1, v4;
	_ =	sdelay $0x3  }
0x10c: {  	s7 =	simm.s32 $0x4580  }
0x10d: {  	[tilespmem:s7], [sflag:$0x1] =	stream.indirect_vreg.gather [hbm4b:s3+s2], $0x80, v4, vm0, $0xb8;
	[tilespmem:$0x10580] =	vst v63  }
0x10e: {  	s9 =	simm.s32 $0x4D80;
	v3 =	vperm.xlane v3, v2  }
0x10f: {  	[tilespmem:s9], [sflag:$0x1] =	stream.indirect_vreg.gather [hbm4b:s4+s2], $0x80, v4, vm0, $0xb8;
	[tilespmem:$0x10580] =	vst v63  }
0x110: {  	s23 =	simm.s32 $0x5580;
	v3 =	vadd.s32 v1, v3  }
0x111: {  	[tilespmem:s23], [sflag:$0x1] =	stream.indirect_vreg.gather [hbm4b:s5+s2], $0x80, v4, vm0, $0xb8;
	[tilespmem:$0x10580] =	vst v63  }
0x112: {  	s24 =	simm.s32 $0x5D80  }
0x113: {  	[tilespmem:s24], [sflag:$0x1] =	stream.indirect_vreg.gather [hbm4b:s6+s2], $0x80, v4, vm0, $0xb8;
	[tilespmem:$0x10580] =	vst v63  }
0x114: {  	s17 =	simm.s32 $0x6580  }
0x115: {  	[tilespmem:s17], [sflag:$0x1] =	stream.indirect_vreg.gather [hbm4b:s3+s2], $0x80, v3, vm0, $0xb8;
	[tilespmem:$0x10580] =	vst v63  }
0x116: {  	s25 =	simm.s32 $0x6D80  }
0x117: {  	[tilespmem:s25], [sflag:$0x1] =	stream.indirect_vreg.gather [hbm4b:s4+s2], $0x80, v3, vm0, $0xb8;
	[tilespmem:$0x10580] =	vst v63  }
0x118: {  	s22 =	simm.s32 $0x7580  }
0x119: {  	[tilespmem:s22], [sflag:$0x1] =	stream.indirect_vreg.gather [hbm4b:s5+s2], $0x80, v3, vm0, $0xb8;
	[tilespmem:$0x10580] =	vst v63  }
0x11a: {  	s13 =	simm.s32 $0x7D80  }
0x11b: {  	[tilespmem:s13], [sflag:$0x1] =	stream.indirect_vreg.gather [hbm4b:s6+s2], $0x80, v3, vm0, $0xb8;
	[tilespmem:$0x10580] =	vst v63  }
0x11c: {  	v3 =	vld [tilespmem:$0x400];
	_ =	sdelay $0x4  }
0x11d: {  	v54 =	vshll.u32 v3, $0x3  }
0x11e: {  	v3 =	vand.u32 $0x7, v3;
	v4 =	vand.u32 $0xFFFFFFC0, v54  }
0x11f: {  	v3 =	vor.u32 v3, v4  }
0x120: {  	v4 =	vperm.xlane v3, v0;
	_ =	sdelay $0x1  }
0x121: {  	v4 =	vadd.s32 v1, v4;
	_ =	sdelay $0x4  }
0x122: {  	[tilespmem:s20], [sflag:$0x2] =	stream.indirect_vreg.gather [hbm4b:s3+s2], $0x80, v4, vm0, $0xb8;
	[tilespmem:$0x10580] =	vst v63  }
0x123: {  	s14 =	simm.s32 $0x8D80;
	v3 =	vperm.xlane v3, v2  }
0x124: {  	[tilespmem:s14], [sflag:$0x2] =	stream.indirect_vreg.gather [hbm4b:s4+s2], $0x80, v4, vm0, $0xb8;
	[tilespmem:$0x10580] =	vst v63  }
0x125: {  	s23 =	simm.s32 $0x9580;
	v3 =	vadd.s32 v1, v3  }
0x126: {  	[tilespmem:s23], [sflag:$0x2] =	stream.indirect_vreg.gather [hbm4b:s5+s2], $0x80, v4, vm0, $0xb8;
	[tilespmem:$0x10580] =	vst v63  }
0x127: {  	s24 =	simm.s32 $0x9D80  }
0x128: {  	[tilespmem:s24], [sflag:$0x2] =	stream.indirect_vreg.gather [hbm4b:s6+s2], $0x80, v4, vm0, $0xb8;
	[tilespmem:$0x10580] =	vst v63  }
0x129: {  	s25 =	simm.s32 $0xA580  }
0x12a: {  	[tilespmem:s25], [sflag:$0x2] =	stream.indirect_vreg.gather [hbm4b:s3+s2], $0x80, v3, vm0, $0xb8;
	[tilespmem:$0x10580] =	vst v63  }
0x12b: {  	s26 =	simm.s32 $0xAD80  }
0x12c: {  	[tilespmem:s26], [sflag:$0x2] =	stream.indirect_vreg.gather [hbm4b:s4+s2], $0x80, v3, vm0, $0xb8;
	[tilespmem:$0x10580] =	vst v63  }
0x12d: {  	s9 =	simm.s32 $0xB580  }
0x12e: {  	[tilespmem:s9], [sflag:$0x2] =	stream.indirect_vreg.gather [hbm4b:s5+s2], $0x80, v3, vm0, $0xb8;
	[tilespmem:$0x10580] =	vst v63  }
0x12f: {  	s10 =	simm.s32 $0xBD80  }
0x130: {  	[tilespmem:s10], [sflag:$0x2] =	stream.indirect_vreg.gather [hbm4b:s6+s2], $0x80, v3, vm0, $0xb8;
	[tilespmem:$0x10580] =	vst v63  }
0x131: {  	v3 =	vld [tilespmem:$0x410];
	_ =	sdelay $0x4  }
0x132: {  	v55 =	vshll.u32 v3, $0x3  }
0x133: {  	v3 =	vand.u32 $0x7, v3;
	v4 =	vand.u32 $0xFFFFFFC0, v55  }
0x134: {  	v3 =	vor.u32 v3, v4  }
0x135: {  	v4 =	vperm.xlane v3, v0;
	_ =	sdelay $0x1  }
0x136: {  	v4 =	vadd.s32 v1, v4;
	_ =	sdelay $0x3  }
0x137: {  	s11 =	simm.s32 $0xC580  }
0x138: {  	[tilespmem:s11], [sflag:$0x2] =	stream.indirect_vreg.gather [hbm4b:s3+s2], $0x80, v4, vm0, $0xb8;
	[tilespmem:$0x10580] =	vst v63  }
0x139: {  	s12 =	simm.s32 $0xCD80;
	v3 =	vperm.xlane v3, v2  }
0x13a: {  	[tilespmem:s12], [sflag:$0x2] =	stream.indirect_vreg.gather [hbm4b:s4+s2], $0x80, v4, vm0, $0xb8;
	[tilespmem:$0x10580] =	vst v63  }
0x13b: {  	s10 =	simm.s32 $0xD580;
	v3 =	vadd.s32 v1, v3  }
0x13c: {  	[tilespmem:s10], [sflag:$0x2] =	stream.indirect_vreg.gather [hbm4b:s5+s2], $0x80, v4, vm0, $0xb8;
	[tilespmem:$0x10580] =	vst v63  }
0x13d: {  	s11 =	simm.s32 $0xDD80  }
0x13e: {  	[tilespmem:s11], [sflag:$0x2] =	stream.indirect_vreg.gather [hbm4b:s6+s2], $0x80, v4, vm0, $0xb8;
	[tilespmem:$0x10580] =	vst v63  }
0x13f: {  	s12 =	simm.s32 $0xE580  }
0x140: {  	[tilespmem:s12], [sflag:$0x2] =	stream.indirect_vreg.gather [hbm4b:s3+s2], $0x80, v3, vm0, $0xb8;
	[tilespmem:$0x10580] =	vst v63  }
0x141: {  	s13 =	simm.s32 $0xED80  }
0x142: {  	[tilespmem:s13], [sflag:$0x2] =	stream.indirect_vreg.gather [hbm4b:s4+s2], $0x80, v3, vm0, $0xb8;
	[tilespmem:$0x10580] =	vst v63  }
0x143: {  	s14 =	simm.s32 $0xF580  }
0x144: {  	[tilespmem:s14], [sflag:$0x2] =	stream.indirect_vreg.gather [hbm4b:s5+s2], $0x80, v3, vm0, $0xb8;
	[tilespmem:$0x10580] =	vst v63  }
0x145: {  	s22 =	simm.s32 $0xFD80  }
0x146: {  	[tilespmem:s22], [sflag:$0x2] =	stream.indirect_vreg.gather [hbm4b:s6+s2], $0x80, v3, vm0, $0xb8;
	[tilespmem:$0x10580] =	vst v63  }
0x147: {  	_ =	swait.ge [sflag:s0], $0x8000  }
0x148: {  	[sflag:s0] =	ssyncset.done $0x0  }
0x149: {  	[sflag:s0] =	ssyncadd.s32 $0xFFFF8000  }
0x14a: {  	_ =	swait.ge [sflag:s1], $0x8000  }
0x14b: {  	[sflag:s1] =	ssyncset.done $0x0  }
0x14c: {  	s14 =	rddreg [dreg:$0xa];
	[sflag:s1] =	ssyncadd.s32 $0xFFFF8000  }
0x14d: {  	[hbm4b:s14+s2] =	stream.linear.scatter [tilespmem:s28], [sflag:$0x3], $0x8000, $0x38;
	[tilespmem:$0x10580] =	vst v63  }
0x14e: {  	_ =	swait.ge [sflag:s8], $0x8000  }
0x14f: {  	[sflag:s8] =	ssyncset.done $0x0  }
0x150: {  	s14 =	rddreg [dreg:$0xb];
	[sflag:s8] =	ssyncadd.s32 $0xFFFF8000  }
0x151: {  	[hbm4b:s14+s2] =	stream.linear.scatter [tilespmem:s20], [sflag:$0x3], $0x8000, $0x38;
	[tilespmem:$0x10580] =	vst v63  }
0x152: {  	_ =	swait.ge [sflag:s8], $0x8000  }
0x153: {  	[sflag:s8] =	ssyncset.done $0x0  }
0x154: {  	[sflag:s8] =	ssyncadd.s32 $0xFFFF8000  }
0x155: {  	v3 =	vld [tilespmem:$0x280];
	_ =	sdelay $0x4  }
0x156: {  	v56 =	vshll.u32 v3, $0x3  }
0x157: {  	v3 =	vand.u32 $0x7, v3;
	v4 =	vand.u32 $0xFFFFFFC0, v56  }
0x158: {  	v3 =	vor.u32 v3, v4  }
0x159: {  	v4 =	vperm.xlane v3, v0;
	_ =	sdelay $0x1  }
0x15a: {  	v4 =	vadd.s32 v1, v4;
	_ =	sdelay $0x4  }
0x15b: {  	[tilespmem:s28], [sflag:$0x1] =	stream.indirect_vreg.gather [hbm4b:s3+s2], $0x80, v4, vm0, $0xb8;
	[tilespmem:$0x10580] =	vst v63  }
0x15c: {  	s22 =	simm.s32 $0xD80;
	v3 =	vperm.xlane v3, v2  }
0x15d: {  	[tilespmem:s22], [sflag:$0x1] =	stream.indirect_vreg.gather [hbm4b:s4+s2], $0x80, v4, vm0, $0xb8;
	[tilespmem:$0x10580] =	vst v63  }
0x15e: {  	s29 =	simm.s32 $0x1580;
	v3 =	vadd.s32 v1, v3  }
0x15f: {  	[tilespmem:s29], [sflag:$0x1] =	stream.indirect_vreg.gather [hbm4b:s5+s2], $0x80, v4, vm0, $0xb8;
	[tilespmem:$0x10580] =	vst v63  }
0x160: {  	s30 =	simm.s32 $0x1D80  }
0x161: {  	[tilespmem:s30], [sflag:$0x1] =	stream.indirect_vreg.gather [hbm4b:s6+s2], $0x80, v4, vm0, $0xb8;
	[tilespmem:$0x10580] =	vst v63  }
0x162: {  	s31 =	simm.s32 $0x2580  }
0x163: {  	[tilespmem:s31], [sflag:$0x1] =	stream.indirect_vreg.gather [hbm4b:s3+s2], $0x80, v3, vm0, $0xb8;
	[tilespmem:$0x10580] =	vst v63  }
0x164: {  	s22 =	simm.s32 $0x2D80  }
0x165: {  	[tilespmem:s22], [sflag:$0x1] =	stream.indirect_vreg.gather [hbm4b:s4+s2], $0x80, v3, vm0, $0xb8;
	[tilespmem:$0x10580] =	vst v63  }
0x166: {  	s22 =	simm.s32 $0x3580  }
0x167: {  	[tilespmem:s22], [sflag:$0x1] =	stream.indirect_vreg.gather [hbm4b:s5+s2], $0x80, v3, vm0, $0xb8;
	[tilespmem:$0x10580] =	vst v63  }
0x168: {  	s22 =	simm.s32 $0x3D80  }
0x169: {  	[tilespmem:s22], [sflag:$0x1] =	stream.indirect_vreg.gather [hbm4b:s6+s2], $0x80, v3, vm0, $0xb8;
	[tilespmem:$0x10580] =	vst v63  }
0x16a: {  	v3 =	vld [tilespmem:$0x290];
	_ =	sdelay $0x4  }
0x16b: {  	v57 =	vshll.u32 v3, $0x3  }
0x16c: {  	v3 =	vand.u32 $0x7, v3;
	v4 =	vand.u32 $0xFFFFFFC0, v57  }
0x16d: {  	v3 =	vor.u32 v3, v4  }
0x16e: {  	v4 =	vperm.xlane v3, v0;
	_ =	sdelay $0x1  }
0x16f: {  	v4 =	vadd.s32 v1, v4;
	_ =	sdelay $0x3  }
0x170: {  	s22 =	simm.s32 $0x4580  }
0x171: {  	[tilespmem:s22], [sflag:$0x1] =	stream.indirect_vreg.gather [hbm4b:s3+s2], $0x80, v4, vm0, $0xb8;
	[tilespmem:$0x10580] =	vst v63  }
0x172: {  	v3 =	vperm.xlane v3, v2;
	s22 =	simm.s32 $0x4D80  }
0x173: {  	[tilespmem:s22], [sflag:$0x1] =	stream.indirect_vreg.gather [hbm4b:s4+s2], $0x80, v4, vm0, $0xb8;
	[tilespmem:$0x10580] =	vst v63  }
0x174: {  	s15 =	simm.s32 $0x5580;
	v3 =	vadd.s32 v1, v3  }
0x175: {  	[tilespmem:s15], [sflag:$0x1] =	stream.indirect_vreg.gather [hbm4b:s5+s2], $0x80, v4, vm0, $0xb8;
	[tilespmem:$0x10580] =	vst v63  }
0x176: {  	s16 =	simm.s32 $0x5D80  }
0x177: {  	[tilespmem:s16], [sflag:$0x1] =	stream.indirect_vreg.gather [hbm4b:s6+s2], $0x80, v4, vm0, $0xb8;
	[tilespmem:$0x10580] =	vst v63  }
0x178: {  	s18 =	simm.s32 $0x6580  }
0x179: {  	[tilespmem:s18], [sflag:$0x1] =	stream.indirect_vreg.gather [hbm4b:s3+s2], $0x80, v3, vm0, $0xb8;
	[tilespmem:$0x10580] =	vst v63  }
0x17a: {  	s19 =	simm.s32 $0x6D80  }
0x17b: {  	[tilespmem:s19], [sflag:$0x1] =	stream.indirect_vreg.gather [hbm4b:s4+s2], $0x80, v3, vm0, $0xb8;
	[tilespmem:$0x10580] =	vst v63  }
0x17c: {  	s21 =	simm.s32 $0x7580  }
0x17d: {  	[tilespmem:s21], [sflag:$0x1] =	stream.indirect_vreg.gather [hbm4b:s5+s2], $0x80, v3, vm0, $0xb8;
	[tilespmem:$0x10580] =	vst v63  }
0x17e: {  	s22 =	simm.s32 $0x7D80  }
0x17f: {  	[tilespmem:s22], [sflag:$0x1] =	stream.indirect_vreg.gather [hbm4b:s6+s2], $0x80, v3, vm0, $0xb8;
	[tilespmem:$0x10580] =	vst v63  }
0x180: {  	v3 =	vld [tilespmem:$0x480];
	_ =	sdelay $0x4  }
0x181: {  	v58 =	vshll.u32 v3, $0x3  }
0x182: {  	v3 =	vand.u32 $0x7, v3;
	v4 =	vand.u32 $0xFFFFFFC0, v58  }
0x183: {  	v3 =	vor.u32 v3, v4  }
0x184: {  	v4 =	vperm.xlane v3, v0;
	_ =	sdelay $0x1  }
0x185: {  	v4 =	vadd.s32 v1, v4;
	_ =	sdelay $0x4  }
0x186: {  	[tilespmem:s20], [sflag:$0x2] =	stream.indirect_vreg.gather [hbm4b:s3+s2], $0x80, v4, vm0, $0xb8;
	[tilespmem:$0x10580] =	vst v63  }
0x187: {  	s22 =	simm.s32 $0x8D80;
	v3 =	vperm.xlane v3, v2  }
0x188: {  	[tilespmem:s22], [sflag:$0x2] =	stream.indirect_vreg.gather [hbm4b:s4+s2], $0x80, v4, vm0, $0xb8;
	[tilespmem:$0x10580] =	vst v63  }
0x189: {  	s23 =	simm.s32 $0x9580;
	v3 =	vadd.s32 v1, v3  }
0x18a: {  	[tilespmem:s23], [sflag:$0x2] =	stream.indirect_vreg.gather [hbm4b:s5+s2], $0x80, v4, vm0, $0xb8;
	[tilespmem:$0x10580] =	vst v63  }
0x18b: {  	s24 =	simm.s32 $0x9D80  }
0x18c: {  	[tilespmem:s24], [sflag:$0x2] =	stream.indirect_vreg.gather [hbm4b:s6+s2], $0x80, v4, vm0, $0xb8;
	[tilespmem:$0x10580] =	vst v63  }
0x18d: {  	s25 =	simm.s32 $0xA580  }
0x18e: {  	[tilespmem:s25], [sflag:$0x2] =	stream.indirect_vreg.gather [hbm4b:s3+s2], $0x80, v3, vm0, $0xb8;
	[tilespmem:$0x10580] =	vst v63  }
0x18f: {  	s17 =	simm.s32 $0xAD80  }
0x190: {  	[tilespmem:s17], [sflag:$0x2] =	stream.indirect_vreg.gather [hbm4b:s4+s2], $0x80, v3, vm0, $0xb8;
	[tilespmem:$0x10580] =	vst v63  }
0x191: {  	s26 =	simm.s32 $0xB580  }
0x192: {  	[tilespmem:s26], [sflag:$0x2] =	stream.indirect_vreg.gather [hbm4b:s5+s2], $0x80, v3, vm0, $0xb8;
	[tilespmem:$0x10580] =	vst v63  }
0x193: {  	s26 =	simm.s32 $0xBD80  }
0x194: {  	[tilespmem:s26], [sflag:$0x2] =	stream.indirect_vreg.gather [hbm4b:s6+s2], $0x80, v3, vm0, $0xb8;
	[tilespmem:$0x10580] =	vst v63  }
0x195: {  	v3 =	vld [tilespmem:$0x490];
	_ =	sdelay $0x4  }
0x196: {  	v59 =	vshll.u32 v3, $0x3  }
0x197: {  	v3 =	vand.u32 $0x7, v3;
	v4 =	vand.u32 $0xFFFFFFC0, v59  }
0x198: {  	v3 =	vor.u32 v3, v4  }
0x199: {  	v4 =	vperm.xlane v3, v0;
	_ =	sdelay $0x1  }
0x19a: {  	v4 =	vadd.s32 v1, v4;
	_ =	sdelay $0x3  }
0x19b: {  	s22 =	simm.s32 $0xC580  }
0x19c: {  	[tilespmem:s22], [sflag:$0x2] =	stream.indirect_vreg.gather [hbm4b:s3+s2], $0x80, v4, vm0, $0xb8;
	[tilespmem:$0x10580] =	vst v63  }
0x19d: {  	v3 =	vperm.xlane v3, v2;
	s22 =	simm.s32 $0xCD80  }
0x19e: {  	[tilespmem:s22], [sflag:$0x2] =	stream.indirect_vreg.gather [hbm4b:s4+s2], $0x80, v4, vm0, $0xb8;
	[tilespmem:$0x10580] =	vst v63  }
0x19f: {  	s7 =	simm.s32 $0xD580;
	v3 =	vadd.s32 v1, v3  }
0x1a0: {  	[tilespmem:s7], [sflag:$0x2] =	stream.indirect_vreg.gather [hbm4b:s5+s2], $0x80, v4, vm0, $0xb8;
	[tilespmem:$0x10580] =	vst v63  }
0x1a1: {  	s9 =	simm.s32 $0xDD80  }
0x1a2: {  	[tilespmem:s9], [sflag:$0x2] =	stream.indirect_vreg.gather [hbm4b:s6+s2], $0x80, v4, vm0, $0xb8;
	[tilespmem:$0x10580] =	vst v63  }
0x1a3: {  	s10 =	simm.s32 $0xE580  }
0x1a4: {  	[tilespmem:s10], [sflag:$0x2] =	stream.indirect_vreg.gather [hbm4b:s3+s2], $0x80, v3, vm0, $0xb8;
	[tilespmem:$0x10580] =	vst v63  }
0x1a5: {  	s11 =	simm.s32 $0xED80  }
0x1a6: {  	[tilespmem:s11], [sflag:$0x2] =	stream.indirect_vreg.gather [hbm4b:s4+s2], $0x80, v3, vm0, $0xb8;
	[tilespmem:$0x10580] =	vst v63  }
0x1a7: {  	s12 =	simm.s32 $0xF580  }
0x1a8: {  	[tilespmem:s12], [sflag:$0x2] =	stream.indirect_vreg.gather [hbm4b:s5+s2], $0x80, v3, vm0, $0xb8;
	[tilespmem:$0x10580] =	vst v63  }
0x1a9: {  	s13 =	simm.s32 $0xFD80  }
0x1aa: {  	[tilespmem:s13], [sflag:$0x2] =	stream.indirect_vreg.gather [hbm4b:s6+s2], $0x80, v3, vm0, $0xb8;
	[tilespmem:$0x10580] =	vst v63  }
0x1ab: {  	_ =	swait.ge [sflag:s0], $0x8000  }
0x1ac: {  	[sflag:s0] =	ssyncset.done $0x0  }
0x1ad: {  	[sflag:s0] =	ssyncadd.s32 $0xFFFF8000  }
0x1ae: {  	_ =	swait.ge [sflag:s1], $0x8000  }
0x1af: {  	[sflag:s1] =	ssyncset.done $0x0  }
0x1b0: {  	s22 =	rddreg [dreg:$0xc];
	[sflag:s1] =	ssyncadd.s32 $0xFFFF8000  }
0x1b1: {  	[hbm4b:s22+s2] =	stream.linear.scatter [tilespmem:s28], [sflag:$0x3], $0x8000, $0x38;
	[tilespmem:$0x10580] =	vst v63  }
0x1b2: {  	_ =	swait.ge [sflag:s8], $0x8000  }
0x1b3: {  	[sflag:s8] =	ssyncset.done $0x0  }
0x1b4: {  	s22 =	rddreg [dreg:$0xd];
	[sflag:s8] =	ssyncadd.s32 $0xFFFF8000  }
0x1b5: {  	[hbm4b:s22+s2] =	stream.linear.scatter [tilespmem:s20], [sflag:$0x3], $0x8000, $0x38;
	[tilespmem:$0x10580] =	vst v63  }
0x1b6: {  	_ =	swait.ge [sflag:s8], $0x8000  }
0x1b7: {  	[sflag:s8] =	ssyncset.done $0x0  }
0x1b8: {  	[sflag:s8] =	ssyncadd.s32 $0xFFFF8000  }
0x1b9: {  	v3 =	vld [tilespmem:$0x300];
	_ =	sdelay $0x4  }
0x1ba: {  	v60 =	vshll.u32 v3, $0x3  }
0x1bb: {  	v3 =	vand.u32 $0x7, v3;
	v4 =	vand.u32 $0xFFFFFFC0, v60  }
0x1bc: {  	v3 =	vor.u32 v3, v4  }
0x1bd: {  	v4 =	vperm.xlane v3, v0;
	_ =	sdelay $0x1  }
0x1be: {  	v4 =	vadd.s32 v1, v4;
	_ =	sdelay $0x4  }
0x1bf: {  	[tilespmem:s28], [sflag:$0x1] =	stream.indirect_vreg.gather [hbm4b:s3+s2], $0x80, v4, vm0, $0xb8;
	[tilespmem:$0x10580] =	vst v63  }
0x1c0: {  	s22 =	simm.s32 $0xD80;
	v3 =	vperm.xlane v3, v2  }
0x1c1: {  	[tilespmem:s22], [sflag:$0x1] =	stream.indirect_vreg.gather [hbm4b:s4+s2], $0x80, v4, vm0, $0xb8;
	[tilespmem:$0x10580] =	vst v63  }
0x1c2: {  	s29 =	simm.s32 $0x1580;
	v3 =	vadd.s32 v1, v3  }
0x1c3: {  	[tilespmem:s29], [sflag:$0x1] =	stream.indirect_vreg.gather [hbm4b:s5+s2], $0x80, v4, vm0, $0xb8;
	[tilespmem:$0x10580] =	vst v63  }
0x1c4: {  	s30 =	simm.s32 $0x1D80  }
0x1c5: {  	[tilespmem:s30], [sflag:$0x1] =	stream.indirect_vreg.gather [hbm4b:s6+s2], $0x80, v4, vm0, $0xb8;
	[tilespmem:$0x10580] =	vst v63  }
0x1c6: {  	s31 =	simm.s32 $0x2580  }
0x1c7: {  	[tilespmem:s31], [sflag:$0x1] =	stream.indirect_vreg.gather [hbm4b:s3+s2], $0x80, v3, vm0, $0xb8;
	[tilespmem:$0x10580] =	vst v63  }
0x1c8: {  	s30 =	simm.s32 $0x2D80  }
0x1c9: {  	[tilespmem:s30], [sflag:$0x1] =	stream.indirect_vreg.gather [hbm4b:s4+s2], $0x80, v3, vm0, $0xb8;
	[tilespmem:$0x10580] =	vst v63  }
0x1ca: {  	s31 =	simm.s32 $0x3580  }
0x1cb: {  	[tilespmem:s31], [sflag:$0x1] =	stream.indirect_vreg.gather [hbm4b:s5+s2], $0x80, v3, vm0, $0xb8;
	[tilespmem:$0x10580] =	vst v63  }
0x1cc: {  	s29 =	simm.s32 $0x3D80  }
0x1cd: {  	[tilespmem:s29], [sflag:$0x1] =	stream.indirect_vreg.gather [hbm4b:s6+s2], $0x80, v3, vm0, $0xb8;
	[tilespmem:$0x10580] =	vst v63  }
0x1ce: {  	v3 =	vld [tilespmem:$0x310];
	_ =	sdelay $0x4  }
0x1cf: {  	v61 =	vshll.u32 v3, $0x3  }
0x1d0: {  	v3 =	vand.u32 $0x7, v3;
	v4 =	vand.u32 $0xFFFFFFC0, v61  }
0x1d1: {  	v3 =	vor.u32 v3, v4  }
0x1d2: {  	v4 =	vperm.xlane v3, v0;
	_ =	sdelay $0x1  }
0x1d3: {  	v4 =	vadd.s32 v1, v4;
	_ =	sdelay $0x3  }
0x1d4: {  	s30 =	simm.s32 $0x4580  }
0x1d5: {  	[tilespmem:s30], [sflag:$0x1] =	stream.indirect_vreg.gather [hbm4b:s3+s2], $0x80, v4, vm0, $0xb8;
	[tilespmem:$0x10580] =	vst v63  }
0x1d6: {  	s31 =	simm.s32 $0x4D80;
	v3 =	vperm.xlane v3, v2  }
0x1d7: {  	[tilespmem:s31], [sflag:$0x1] =	stream.indirect_vreg.gather [hbm4b:s4+s2], $0x80, v4, vm0, $0xb8;
	[tilespmem:$0x10580] =	vst v63  }
0x1d8: {  	s14 =	simm.s32 $0x5580;
	v3 =	vadd.s32 v1, v3  }
0x1d9: {  	[tilespmem:s14], [sflag:$0x1] =	stream.indirect_vreg.gather [hbm4b:s5+s2], $0x80, v4, vm0, $0xb8;
	[tilespmem:$0x10580] =	vst v63  }
0x1da: {  	s15 =	simm.s32 $0x5D80  }
0x1db: {  	[tilespmem:s15], [sflag:$0x1] =	stream.indirect_vreg.gather [hbm4b:s6+s2], $0x80, v4, vm0, $0xb8;
	[tilespmem:$0x10580] =	vst v63  }
0x1dc: {  	s18 =	simm.s32 $0x6580  }
0x1dd: {  	[tilespmem:s18], [sflag:$0x1] =	stream.indirect_vreg.gather [hbm4b:s3+s2], $0x80, v3, vm0, $0xb8;
	[tilespmem:$0x10580] =	vst v63  }
0x1de: {  	s19 =	simm.s32 $0x6D80  }
0x1df: {  	[tilespmem:s19], [sflag:$0x1] =	stream.indirect_vreg.gather [hbm4b:s4+s2], $0x80, v3, vm0, $0xb8;
	[tilespmem:$0x10580] =	vst v63  }
0x1e0: {  	s21 =	simm.s32 $0x7580  }
0x1e1: {  	[tilespmem:s21], [sflag:$0x1] =	stream.indirect_vreg.gather [hbm4b:s5+s2], $0x80, v3, vm0, $0xb8;
	[tilespmem:$0x10580] =	vst v63  }
0x1e2: {  	s21 =	simm.s32 $0x7D80  }
0x1e3: {  	[tilespmem:s21], [sflag:$0x1] =	stream.indirect_vreg.gather [hbm4b:s6+s2], $0x80, v3, vm0, $0xb8;
	[tilespmem:$0x10580] =	vst v63  }
0x1e4: {  	v3 =	vld [tilespmem:$0x500];
	_ =	sdelay $0x4  }
0x1e5: {  	v62 =	vshll.u32 v3, $0x3  }
0x1e6: {  	v3 =	vand.u32 $0x7, v3;
	v4 =	vand.u32 $0xFFFFFFC0, v62  }
0x1e7: {  	v3 =	vor.u32 v3, v4  }
0x1e8: {  	v4 =	vperm.xlane v3, v0;
	_ =	sdelay $0x1  }
0x1e9: {  	v4 =	vadd.s32 v1, v4;
	_ =	sdelay $0x4  }
0x1ea: {  	[tilespmem:s20], [sflag:$0x2] =	stream.indirect_vreg.gather [hbm4b:s3+s2], $0x80, v4, vm0, $0xb8;
	[tilespmem:$0x10580] =	vst v63  }
0x1eb: {  	s22 =	simm.s32 $0x8D80;
	v3 =	vperm.xlane v3, v2  }
0x1ec: {  	[tilespmem:s22], [sflag:$0x2] =	stream.indirect_vreg.gather [hbm4b:s4+s2], $0x80, v4, vm0, $0xb8;
	[tilespmem:$0x10580] =	vst v63  }
0x1ed: {  	s23 =	simm.s32 $0x9580;
	v3 =	vadd.s32 v1, v3  }
0x1ee: {  	[tilespmem:s23], [sflag:$0x2] =	stream.indirect_vreg.gather [hbm4b:s5+s2], $0x80, v4, vm0, $0xb8;
	[tilespmem:$0x10580] =	vst v63  }
0x1ef: {  	s24 =	simm.s32 $0x9D80  }
0x1f0: {  	[tilespmem:s24], [sflag:$0x2] =	stream.indirect_vreg.gather [hbm4b:s6+s2], $0x80, v4, vm0, $0xb8;
	[tilespmem:$0x10580] =	vst v63  }
0x1f1: {  	s25 =	simm.s32 $0xA580  }
0x1f2: {  	[tilespmem:s25], [sflag:$0x2] =	stream.indirect_vreg.gather [hbm4b:s3+s2], $0x80, v3, vm0, $0xb8;
	[tilespmem:$0x10580] =	vst v63  }
0x1f3: {  	s16 =	simm.s32 $0xAD80  }
0x1f4: {  	[tilespmem:s16], [sflag:$0x2] =	stream.indirect_vreg.gather [hbm4b:s4+s2], $0x80, v3, vm0, $0xb8;
	[tilespmem:$0x10580] =	vst v63  }
0x1f5: {  	s17 =	simm.s32 $0xB580  }
0x1f6: {  	[tilespmem:s17], [sflag:$0x2] =	stream.indirect_vreg.gather [hbm4b:s5+s2], $0x80, v3, vm0, $0xb8;
	[tilespmem:$0x10580] =	vst v63  }
0x1f7: {  	s26 =	simm.s32 $0xBD80  }
0x1f8: {  	[tilespmem:s26], [sflag:$0x2] =	stream.indirect_vreg.gather [hbm4b:s6+s2], $0x80, v3, vm0, $0xb8;
	[tilespmem:$0x10580] =	vst v63  }
0x1f9: {  	v3 =	vld [tilespmem:$0x510];
	_ =	sdelay $0x4  }
0x1fa: {  	v63 =	vshll.u32 v3, $0x3  }
0x1fb: {  	v3 =	vand.u32 $0x7, v3;
	v4 =	vand.u32 $0xFFFFFFC0, v63  }
0x1fc: {  	v3 =	vor.u32 v3, v4  }
0x1fd: {  	v4 =	vperm.xlane v3, v0;
	_ =	sdelay $0x1  }
0x1fe: {  	v4 =	vadd.s32 v1, v4;
	_ =	sdelay $0x3  }
0x1ff: {  	s25 =	simm.s32 $0xC580  }
0x200: {  	[tilespmem:s25], [sflag:$0x2] =	stream.indirect_vreg.gather [hbm4b:s3+s2], $0x80, v4, vm0, $0xb8;
	[tilespmem:$0x10580] =	vst v63  }
0x201: {  	s26 =	simm.s32 $0xCD80;
	v3 =	vperm.xlane v3, v2  }
0x202: {  	[tilespmem:s26], [sflag:$0x2] =	stream.indirect_vreg.gather [hbm4b:s4+s2], $0x80, v4, vm0, $0xb8;
	[tilespmem:$0x10580] =	vst v63  }
0x203: {  	s7 =	simm.s32 $0xD580;
	v3 =	vadd.s32 v1, v3  }
0x204: {  	[tilespmem:s7], [sflag:$0x2] =	stream.indirect_vreg.gather [hbm4b:s5+s2], $0x80, v4, vm0, $0xb8;
	[tilespmem:$0x10580] =	vst v63  }
0x205: {  	s9 =	simm.s32 $0xDD80  }
0x206: {  	[tilespmem:s9], [sflag:$0x2] =	stream.indirect_vreg.gather [hbm4b:s6+s2], $0x80, v4, vm0, $0xb8;
	[tilespmem:$0x10580] =	vst v63  }
0x207: {  	s10 =	simm.s32 $0xE580  }
0x208: {  	[tilespmem:s10], [sflag:$0x2] =	stream.indirect_vreg.gather [hbm4b:s3+s2], $0x80, v3, vm0, $0xb8;
	[tilespmem:$0x10580] =	vst v63  }
0x209: {  	s11 =	simm.s32 $0xED80  }
0x20a: {  	[tilespmem:s11], [sflag:$0x2] =	stream.indirect_vreg.gather [hbm4b:s4+s2], $0x80, v3, vm0, $0xb8;
	[tilespmem:$0x10580] =	vst v63  }
0x20b: {  	s12 =	simm.s32 $0xF580  }
0x20c: {  	[tilespmem:s12], [sflag:$0x2] =	stream.indirect_vreg.gather [hbm4b:s5+s2], $0x80, v3, vm0, $0xb8;
	[tilespmem:$0x10580] =	vst v63  }
0x20d: {  	s13 =	simm.s32 $0xFD80  }
0x20e: {  	[tilespmem:s13], [sflag:$0x2] =	stream.indirect_vreg.gather [hbm4b:s6+s2], $0x80, v3, vm0, $0xb8;
	[tilespmem:$0x10580] =	vst v63  }
0x20f: {  	_ =	swait.ge [sflag:s0], $0x8000  }
0x210: {  	[sflag:s0] =	ssyncset.done $0x0  }
0x211: {  	[sflag:s0] =	ssyncadd.s32 $0xFFFF8000  }
0x212: {  	s29 =	rddreg [dreg:$0x10];
	_ =	swait.ge [sflag:s1], $0x8000  }
0x213: {  	[sflag:s1] =	ssyncset.done $0x0  }
0x214: {  	s30 =	rddreg [dreg:$0xe];
	[sflag:s1] =	ssyncadd.s32 $0xFFFF8000  }
0x215: {  	[hbm4b:s30+s2] =	stream.linear.scatter [tilespmem:s28], [sflag:$0x3], $0x8000, $0x38;
	[tilespmem:$0x10580] =	vst v63  }
0x216: {  	_ =	swait.ge [sflag:s8], $0x8000  }
0x217: {  	p0 =	sne.s32 s29, $0x1;
	[sflag:s8] =	ssyncset.done $0x0  }
.Ltmp0:
0x218: {  	s31 =	rddreg [dreg:$0xf];
	[sflag:s8] =	ssyncadd.s32 $0xFFFF8000;
	(pc) =	sbr.rel @p0 .LBB2_1-.Ltmp0, $4  }
0x219: {  	[hbm4b:s31+s2] =	stream.linear.scatter [tilespmem:s20], [sflag:$0x3], $0x8000, $0x38;
	[tilespmem:$0x10580] =	vst v63  }
0x21a: {  	_ =	swait.ge [sflag:s8], $0x8000  }
0x21b: {  	[sflag:s8] =	ssyncset.done $0x0  }
0x21c: {  	s0 =	sadd.s32 $0xFFFFFFFF, s29;
	[sflag:s8] =	ssyncadd.s32 $0xFFFF8000  }
0x21d: {  	_ =	sfence.sel $0x180000  }
0x21e: {  	[bflag:$0x0] =	sbarrier.arrive $0xFFFF  }
0x21f: {  	_ =	strace $0x9000004A  }
0x220: {  	s0 =	stileid.u32;
	[bflag:$0x2] =	sbarrier.arrive $0xFFFF  }
0x221: {  	p0 =	sne.s32 s0, $0x0;
	s0 =	rddreg [dreg:$0x2]  }
0x222: {  	s0 =	sadd.s32 @!p0 $0x100000, s0  }
0x223: {  	[sflag:s0] =	ssyncadd.tile.s32 @!p0 $0x1;
	_ =	shalt  }
.Lfunc_end2:
_tile_overlayer_lowered:
.L_overlay_start_2:
0x224: {  	(tag) =	ssettag $0x2  }
0x225: {  	s0 =	rddreg [dreg:$0x0];
	s2 =	stileid.u32  }
0x226: {  	s1 =	rddreg [dreg:$0x1];
	p0 =	sne.s32 s2, $0x0  }
0x227: {  	s3 =	rddreg [dreg:$0x2];
	[bflag:$0x3] =	sbarrier.arrive $0xFFFF;
	s2 =	simm.s32 @!p0 $0x1C03  }
0x228: {  	[timem:s3], [sflag:s2] =	dma.local @!p0 [hbm:s0], s1  }
0x229: {  	s0 =	simm.s32 @!p0 $0x3  }
0x22a: {  	_ =	swait.ge @!p0 [sflag:s0], s1  }
0x22b: {  	s1 =	ssub.s32 @!p0 $0x0, s1;
	[sflag:s0] =	ssyncset.done @!p0 $0x0  }
0x22c: {  	[sflag:s0] =	ssyncadd.s32 @!p0 s1  }
0x22d: {  	[bflag:$0x3] =	sbarrier.arrive $0xFFFF  }
0x22e: {  	_ =	shalt  }

// kernel: kernel.7.cloned.1.call-start
scs
__scs_entry_jumppad:
0x0: {  	(pc) =	sbr.rel $0x88, $3  }
0x1: {  	(tag) =	ssettag $0x0;
	lr =	simm.s32 $0x1  }
0x2: {  	[smem:$0x3F9C] =	sst lr;
	_ =	strace $0xD0000000  }
0x3: {  	_ = 	snop  }
0x4: {  	_ = 	snop  }
0x5: {  	_ = 	snop  }
0x6: {  	_ = 	snop  }
0x7: {  	_ = 	snop  }
__scs_overlays_trampoline_lowered:
0x8: {  	[smem:$0x3FAB] =	sst s0  }
0x9: {  	[smem:$0x3FAC] =	sst s1  }
0xa: {  	[smem:$0x3FAD] =	sst s2  }
0xb: {  	[smem:$0x3FAE] =	sst s3  }
0xc: {  	[smem:$0x3FAF] =	sst s4  }
0xd: {  	[smem:$0x3FB0] =	sst s5  }
0xe: {  	[smem:$0x3FB1] =	sst s6  }
0xf: {  	[smem:$0x3FB2] =	sst s7  }
0x10: {  	[smem:$0x3FB3] =	sst s8  }
0x11: {  	[smem:$0x3FB4] =	sst s9;
	s0 =	simm.s32 @!p0 $0x0  }
0x12: {  	s1 =	sld [smem:$0x3F9A];
	s0 =	simm.s32 @p0 $0x1  }
0x13: {  	[smem:$0x3FB5] =	sst s0;
	s0 =	simm.s32 @!p1 $0x0  }
0x14: {  	s2 =	sld [smem:$0x3F99];
	s0 =	simm.s32 @p1 $0x1  }
0x15: {  	[smem:$0x3FB6] =	sst s0;
	s0 =	simm.s32 @!p2 $0x0  }
0x16: {  	s3 =	sld [smem:$0x3FDB];
	s0 =	simm.s32 @p2 $0x1  }
0x17: {  	s4 =	simm.s32 $0x1BF5;
	[smem:$0x3FB8] =	sst s0  }
0x18: {  	s0 =	sld [smem:$0x3F9B];
	_ =	swait.ge [sflag:s4], $0x0  }
0x19: {  	s7 =	sld [smem:$0x3F9C]  }
0x1a: {  	s8 =	sadd.s32 $0xFFFFE003, lr  }
0x1b: {  	s9 =	sadd.s32 $0xFFFFFEF7, lr;
	s5 =	simm.s32 $0xFFFFFFFF;
	p2 =	slt.u32 s8, $0xFFFFF086  }
0x1c: {  	p1 =	slt.u32 s9, $0xF7A;
	s5 =	simm.s32 @!p2 $0x0  }
0x1d: {  	s5 =	simm.s32 @p1 $0x1;
	p0 =	seq.s32 s7, s2  }
0x1e: {  	s7 =	smul.u32 @!p0 $0xF7A, s2;
	p2 =	seq.s32 @!p0 s5, $0x0  }
0x1f: {  	s9 =	smul.u32 $0xF7A, s1;
	s8 =	simm.s32 @!p0 $0x1BF5;
	p2 =	por !p2, p0  }
0x20: {  	[sflag:s8] =	ssyncset.s32 @!p0 $0xFFFFF086;
	s6 =	sadd.s32 @!p0 s3, s7;
	s7 =	simm.s32 @!p0 $0x108  }
0x21: {  	s3 =	sadd.s32 s3, s9;
	s6 =	sadd.s32 @!p0 $0x88, s6;
	s7 =	simm.s32 @p2 $0x1082  }
0x22: {  	[simem:s7], [sflag:s8] =	dma.local @!p0 [hbm:s6], $0xF7A  }
0x23: {  	s9 =	sor.u32 $0xD0000000, s2;
	s6 =	simm.s32 $0x108;
	_ =	swait.ge @!p0 [sflag:s8], $0x0  }
0x24: {  	s3 =	sadd.s32 $0x88, s3;
	s6 =	simm.s32 @!p1 $0x1082;
	[sflag:s4] =	ssyncset.s32 $0xFFFFF086  }
0x25: {  	[simem:s6], [sflag:s4] =	dma.local [hbm:s3], $0xF7A  }
0x26: {  	[smem:$0x3F9C] =	sst s1;
	(tag) =	ssettag s2;
	_ =	strace s9  }
0x27: {  	s1 =	sld [smem:$0x3FAC]  }
0x28: {  	s2 =	sld [smem:$0x3FAD]  }
0x29: {  	s4 =	sld [smem:$0x3FAF]  }
0x2a: {  	p0 =	seq.s32 s5, $0x0;
	s5 =	sld [smem:$0x3FB0]  }
0x2b: {  	s6 =	sld [smem:$0x3FB1]  }
0x2c: {  	s7 =	sld [smem:$0x3FB2]  }
0x2d: {  	s3 =	simm.s32 $0x108;
	s8 =	sld [smem:$0x3FB3]  }
0x2e: {  	s3 =	simm.s32 @!p0 $0x1082;
	s9 =	sld [smem:$0x3FB4]  }
0x2f: {  	lr =	sadd.s32 s0, s3;
	s0 =	sld [smem:$0x3FAB]  }
0x30: {  	s3 =	sld [smem:$0x3FAE]  }
0x31: {  	[smem:$0x3FB7] =	sst s10  }
0x32: {  	s10 =	sld [smem:$0x3FB5];
	_ =	sdelay $0x3  }
0x33: {  	p0 =	seq.s32 s10, $0x1;
	s10 =	sld [smem:$0x3FB7];
	_ =	sdelay $0x3  }
0x34: {  	[smem:$0x3FB7] =	sst s10  }
0x35: {  	s10 =	sld [smem:$0x3FB6];
	_ =	sdelay $0x3  }
0x36: {  	p1 =	seq.s32 s10, $0x1;
	s10 =	sld [smem:$0x3FB7];
	_ =	sdelay $0x3  }
0x37: {  	[smem:$0x3FB7] =	sst s10  }
0x38: {  	s10 =	sld [smem:$0x3FB8]  }
0x39: {  	_ = 	snop;
	(pc) =	sbr.ind lr, $3  }
0x3a: {  	_ = 	snop  }
0x3b: {  	_ = 	snop  }
0x3c: {  	p2 =	seq.s32 s10, $0x1;
	s10 =	sld [smem:$0x3FB7]  }
0x3d: {  	_ =	shalt  }
0x3e: {  	_ =	shalt  }
0x3f: {  	_ =	shalt  }
0x40: {  	_ =	shalt  }
0x41: {  	_ =	shalt  }
0x42: {  	_ =	shalt  }
0x43: {  	_ =	shalt  }
0x44: {  	_ =	shalt  }
0x45: {  	_ =	shalt  }
0x46: {  	_ =	shalt  }
0x47: {  	_ =	shalt  }
0x48: {  	_ =	shalt  }
0x49: {  	_ =	shalt  }
0x4a: {  	_ =	shalt  }
0x4b: {  	_ =	shalt  }
0x4c: {  	_ =	shalt  }
0x4d: {  	_ =	shalt  }
0x4e: {  	_ =	shalt  }
0x4f: {  	_ =	shalt  }
0x50: {  	_ =	shalt  }
0x51: {  	_ =	shalt  }
0x52: {  	_ =	shalt  }
0x53: {  	_ =	shalt  }
0x54: {  	_ =	shalt  }
0x55: {  	_ =	shalt  }
0x56: {  	_ =	shalt  }
0x57: {  	_ =	shalt  }
0x58: {  	_ =	shalt  }
0x59: {  	_ =	shalt  }
0x5a: {  	_ =	shalt  }
0x5b: {  	_ =	shalt  }
0x5c: {  	_ =	shalt  }
0x5d: {  	_ =	shalt  }
0x5e: {  	_ =	shalt  }
0x5f: {  	_ =	shalt  }
0x60: {  	_ =	shalt  }
0x61: {  	_ =	shalt  }
0x62: {  	_ =	shalt  }
0x63: {  	_ =	shalt  }
0x64: {  	_ =	shalt  }
0x65: {  	_ =	shalt  }
0x66: {  	_ =	shalt  }
0x67: {  	_ =	shalt  }
0x68: {  	_ =	shalt  }
0x69: {  	_ =	shalt  }
0x6a: {  	_ =	shalt  }
0x6b: {  	_ =	shalt  }
0x6c: {  	_ =	shalt  }
0x6d: {  	_ =	shalt  }
0x6e: {  	_ =	shalt  }
0x6f: {  	_ =	shalt  }
0x70: {  	_ =	shalt  }
0x71: {  	_ =	shalt  }
0x72: {  	_ =	shalt  }
0x73: {  	_ =	shalt  }
0x74: {  	_ =	shalt  }
0x75: {  	_ =	shalt  }
0x76: {  	_ =	shalt  }
0x77: {  	_ =	shalt  }
0x78: {  	_ =	shalt  }
0x79: {  	_ =	shalt  }
0x7a: {  	_ =	shalt  }
0x7b: {  	_ =	shalt  }
0x7c: {  	_ =	shalt  }
0x7d: {  	_ =	shalt  }
0x7e: {  	_ =	shalt  }
0x7f: {  	_ =	shalt  }
0x80: {  	_ =	shalt  }
0x81: {  	_ =	shalt  }
0x82: {  	_ =	shalt  }
0x83: {  	_ =	shalt  }
0x84: {  	_ =	shalt  }
0x85: {  	_ =	shalt  }
0x86: {  	_ =	shalt  }
0x87: {  	_ =	shalt  }
.Lfunc_end0:
.L_simem_size_0:
called_computation_lowered:
.L_overlay_start_0:
0x88: {  	s2 =	sld [smem:$0x3FD9]  }
0x89: {  	s3 =	sld [smem:$0x3FFE];
	_ =	sdelay $0x1  }
0x8a: {  	s1 =	srdreg.scid  }
0x8b: {  	s0 =	sand.u32 $0x1, s1  }
0x8c: {  	s17 =	sshll.u32 s0, $0xA;
	s2 =	sadd.s32 s3, s2  }
0x8d: {  	s2 =	sadd.s32 s2, s17  }
0x8e: {  	[smem:$0x3FC3] =	sst s2  }
0x8f: {  	_ = 	snop  }
0x90: {  	s2 =	sld [smem:$0x3FC9];
	(tm) =	ssettm $0x1  }
0x91: {  	s18 =	sld [smem:$0x3FFB];
	_ =	sdelay $0x3  }
0x92: {  	_ =	strace s18  }
0x93: {  	s3 =	sld [smem:$0x3FFC];
	_ =	sdelay $0x3  }
0x94: {  	_ =	strace s3  }
0x95: {  	s3 =	sld [smem:$0x3FFD];
	_ =	sdelay $0x3  }
0x96: {  	_ =	strace s3  }
0x97: {  	_ =	strace $0x8FFFFFFF  }
0x98: {  	s19 =	sld [smem:$0x3FDB];
	_ =	sdelay $0x1  }
0x99: {  	s4 =	simm.s32 $_scs_section_size  }
0x9a: {  	s5 =	simm.s32 $_size__tile_overlayer_lowered;
	s6 =	simm.s32 $_tile_overlayer_lowered  }
0x9b: {  	s22 =	simm.s32 $0x1BFF;
	s21 =	sshll.u32 s6, $0x1;
	s3 =	sadd.s32 s4, s19  }
0x9c: {  	s7 =	simm.s32 $0x0;
	s20 =	sshll.u32 s5, $0x1;
	s5 =	sadd.s32 s21, s3  }
0x9d: {  	[timem:s7], [sflag:s22] =	dma.local [hbm:s5], s20  }
0x9e: {  	_ =	swait.ge [sflag:s22], s20  }
0x9f: {  	s4 =	ssub.s32 $0x0, s20;
	[sflag:s22] =	ssyncset.done $0x0  }
0xa0: {  	[sflag:s22] =	ssyncadd.s32 s4;
	_ =	sdelay $0x1  }
0xa1: {  	s23 =	simm.s32 $0x1B8B  }
0xa2: {  	_ =	swait.ge [sflag:s23], $0x1  }
0xa3: {  	[sflag:s23] =	ssyncset.done $0x0  }
0xa4: {  	s25 =	simm.s32 $0x1B8E;
	s24 =	sld [smem:$0x3FFE];
	[sflag:s23] =	ssyncadd.s32 $0xFFFFFFFF  }
0xa5: {  	s26 =	simm.s32 $execute0_lowered;
	[smem:$0x3FD2] =	sst s25  }
0xa6: {  	s5 =	sshll.u32 s26, $0x1;
	_ =	strace $0x80000046;
	[dreg:$0x1] =	wrdreg $0xFFFFFFFF  }
0xa7: {  	s28 =	simm.s32 $_size_execute0_lowered;
	s3 =	sadd.s32 s3, s5;
	[dreg:$0x0] =	wrdreg $0x0  }
0xa8: {  	s5 =	sshll.u32 s28, $0x1;
	[dreg:$0x2] =	wrdreg s3  }
0xa9: {  	[dreg:$0x3] =	wrdreg s5  }
0xaa: {  	[dreg:$0x4] =	wrdreg $0xC0  }
0xab: {  	_ =	task [dreg:s7], $0x5FFFF  }
0xac: {  	[dreg:$0x1] =	wrdreg $0xFFFFFFFF  }
0xad: {  	[dreg:$0x0] =	wrdreg $0x60  }
0xae: {  	[dreg:$0x2] =	wrdreg s2  }
0xaf: {  	[dreg:$0x3] =	wrdreg s24  }
0xb0: {  	[dreg:$0x4] =	wrdreg $0x9  }
0xb1: {  	_ =	task.clear_ibuf [dreg:s7], $0x5FFFF;
	_ =	strace $0x90000046  }
0xb2: {  	s29 =	simm.s32 $0x9;
	_ =	strace $0x80000048  }
0xb3: {  	_ =	swait.ge [sflag:s29], $0x1  }
0xb4: {  	[sflag:s29] =	ssyncadd.s32 $0xFFFFFFFF  }
0xb5: {  	_ =	strace $0x90000048  }
0xb6: {  	_ =	sfence  }
0xb7: {  	s30 =	sld [smem:$0x0];
	_ =	sdelay $0x2  }
0xb8: {  	s31 =	sshll.u32 s1, $0xD;
	s1 =	sshrl.u32 s1, $0x2  }
0xb9: {  	s3 =	sand.u32 $0x4000, s31;
	s1 =	sadd.s32 s1, s30  }
0xba: {  	s0 =	sor.u32 s3, s0;
	s1 =	sshll.u32 s1, $0x11  }
0xbb: {  	s0 =	sor.u32 s1, s0  }
0xbc: {  	s0 =	sadd.s32 $0x8F2B, s0  }
0xbd: {  	[sflag:s0] =	ssyncadd.remote.s32 $0x1  }
0xbe: {  	_ =	sfence.sel $0xFFFF  }
0xbf: {  	[dreg:$0x0] =	wrdreg $0xFFFFFFFF;
	(pc) =	sbr.abs _section_cstart, $3  }
0xc0: {  	[dreg:$0x1] =	wrdreg $0xFFFFFFFF  }
0xc1: {  	_ =	task.clear_ibuf [dreg:s7], $0x2FFFF;
	_ =	strace $0x9FFFFFFF  }
0xc2: {  	(tm) =	ssettm $0x7FFFFFFF  }
0xc3: {  	_ =	shalt  }
tec
execute0_lowered:
.L_overlay_start_1:
0x0: {  	(tag) =	ssettag $0x1  }
0x1: {  	s0 =	rddreg [dreg:$0x0]  }
0x2: {  	s1 =	rddreg [dreg:$0x1];
	s2 =	srdreg.scid  }
0x3: {  	s3 =	stileid.u32;
	s31 =	simm.s32 $0x2;
	s4 =	sand.u32 $0x1, s2  }
0x4: {  	s2 =	simm.s32 $0x0;
	s3 =	sshll.u32 s3, $0x8;
	s5 =	sshll.u32 s4, $0x7  }
0x5: {  	s6 =	sadd.s32 $0x1C00, s1;
	[smem:$0x7FF] =	sst s2;
	s5 =	sor.u32 s5, s3  }
0x6: {  	_ =	strace $0x80000047;
	s3 =	sshrl.u32 s5, $0x3;
	s5 =	sshll.u32 s5, $0x7  }
0x7: {  	[dreg:$0x3] =	wrdreg s6;
	s7 =	sadd.s32 s3, s1;
	s9 =	sadd.s32 s0, s5  }
0x8: {  	s4 =	ssub.s32 $0x2, s4;
	s23 =	sadd.s32 $0x1A00, s7;
	[dreg:$0xb] =	wrdreg s9  }
0x9: {  	s8 =	sshrl.u32 s4, $0x1;
	s24 =	sadd.s32 $0x1600, s7;
	[dreg:$0x4] =	wrdreg s23  }
0xa: {  	s6 =	sadd.s32 $0x2000, s1;
	s25 =	sadd.s32 $0x1400, s7;
	[dreg:$0x5] =	wrdreg s24  }
0xb: {  	s4 =	ssub.s32 s4, s8;
	s26 =	sadd.s32 $0x1800, s7;
	[dreg:$0x6] =	wrdreg s25  }
0xc: {  	s3 =	sadd.s32 $0x1E00, s1;
	s28 =	sadd.s32 $0x1000, s9;
	[dreg:$0x7] =	wrdreg s26  }
0xd: {  	s5 =	sadd.s32 $0x1F00, s1;
	s29 =	sadd.s32 $0x2000, s9;
	[dreg:$0x8] =	wrdreg s28  }
0xe: {  	v2 =	vlaneseq.u32;
	s0 =	smax.u32 s4, $0x1;
	s30 =	sadd.s32 $0x3000, s9;
	[dreg:$0x9] =	wrdreg s29  }
0xf: {  	vm0 =	vmmov $0xffff;
	v1 =	vshrl.u32 v2, $0x3;
	s7 =	sadd.s32 $0x2100, s1;
	[dreg:$0xa] =	wrdreg s30;
	s25 =	simm.s32 $0x8D80  }
0x10: {  	v0 =	vand.u32 $0x7, v2;
	v2 =	vor.u32 $0x8, v2;
	v1 =	vmul.u32 $0x8, v1;
	s26 =	simm.s32 $0x9580;
	s24 =	simm.s32 $0x9D80;
	s23 =	simm.s32 $0xAD80  }
.LBB2_1:
0x11: {  	[dreg:$0xc] =	wrdreg s0  }
0x12: {  	s28 =	rddreg [dreg:$0x3];
	s16 =	simm.s32 $0x5  }
0x13: {  	[tilespmem:s2], [sflag:$0x5] =	stream.linear.gather [hbm4b:s28+s2], $0x80, $0x38;
	[tilespmem:$0x10580] =	vst v63  }
0x14: {  	_ =	swait.ge [sflag:s16], $0x80  }
0x15: {  	[sflag:s16] =	ssyncset.done $0x0  }
0x16: {  	s1 =	simm.s32 $0x580;
	s29 =	rddreg [dreg:$0xb];
	[sflag:s16] =	ssyncadd.s32 $0xFFFFFF80  }
0x17: {  	v5 =	vld [tilespmem:$0x0];
	[tilespmem:s1], [sflag:$0x1] =	stream.linear.gather [hbm4b:s29+s2], $0x8000, $0x38  }
0x18: {  	s18 =	simm.s32 $0x80;
	s17 =	rddreg [dreg:$0x4]  }
0x19: {  	[tilespmem:s18], [sflag:$0x5] =	stream.linear.gather [hbm4b:s17+s2], $0x80, $0x38;
	[tilespmem:$0x10580] =	vst v63  }
0x1a: {  	_ =	swait.ge [sflag:s16], $0x80  }
0x1b: {  	[sflag:s16] =	ssyncset.done $0x0  }
0x1c: {  	s30 =	simm.s32 $0x100;
	s19 =	rddreg [dreg:$0x5];
	[sflag:s16] =	ssyncadd.s32 $0xFFFFFF80  }
0x1d: {  	[tilespmem:s30], [sflag:$0x5] =	stream.linear.gather [hbm4b:s19+s2], $0x80, $0x38;
	[tilespmem:$0x10580] =	vst v63  }
0x1e: {  	_ =	swait.ge [sflag:s16], $0x80  }
0x1f: {  	[sflag:s16] =	ssyncset.done $0x0  }
0x20: {  	[sflag:s16] =	ssyncadd.s32 $0xFFFFFF80  }
0x21: {  	v11 =	vld [tilespmem:$0x80];
	_ =	sdelay $0x3  }
0x22: {  	v10 =	vbroadcast v5, $0x0  }
0x23: {  	v9 =	vbroadcast v5, $0x1;
	vm1 =	veq.s32 v11, $0x0  }
0x24: {  	v8 =	vbroadcast v5, $0x2;
	v12 =	vld [tilespmem:$0x90];
	v3 =	vnsel vm1, $0x0, v10;
	vm1 =	veq.s32 v11, $0x1  }
0x25: {  	v7 =	vbroadcast v5, $0x3;
	v3 =	vsel vm1, v9, v3;
	vm1 =	veq.s32 v11, $0x2  }
0x26: {  	v6 =	vbroadcast v5, $0x4;
	v3 =	vsel vm1, v8, v3;
	vm1 =	veq.s32 v11, $0x3  }
0x27: {  	v4 =	vbroadcast v5, $0x5;
	v3 =	vsel vm1, v7, v3;
	vm1 =	veq.s32 v11, $0x4  }
0x28: {  	v13 =	vsel vm1, v6, v3;
	vm1 =	veq.s32 v11, $0x5;
	v3 =	vbroadcast v5, $0x6  }
0x29: {  	v16 =	vld [tilespmem:$0xA0];
	vm2 =	veq.s32 v12, $0x0;
	v13 =	vsel vm1, v4, v13;
	vm1 =	veq.s32 v11, $0x6  }
0x2a: {  	v14 =	vld [tilespmem:$0x100];
	v15 =	vnsel vm2, $0x0, v10;
	v13 =	vsel vm1, v3, v13;
	vm1 =	veq.s32 v12, $0x1  }
0x2b: {  	v5 =	vbroadcast v5, $0x7;
	v15 =	vsel vm1, v9, v15;
	vm1 =	veq.s32 v12, $0x2  }
0x2c: {  	vm2 =	veq.s32 v11, $0x7;
	v30 =	vsel vm1, v8, v15;
	vm1 =	veq.s32 v12, $0x3  }
0x2d: {  	v13 =	vsel vm2, v5, v13;
	v11 =	vsel vm1, v7, v30;
	vm1 =	veq.s32 v12, $0x4  }
0x2e: {  	v32 =	vld [tilespmem:$0xB0];
	vm2 =	veq.s32 v16, $0x0;
	v11 =	vsel vm1, v6, v11;
	vm1 =	veq.s32 v12, $0x5  }
0x2f: {  	v31 =	vld [tilespmem:$0x110];
	v13 =	vadd.s32 v14, v13;
	v11 =	vsel vm1, v4, v11;
	vm1 =	veq.s32 v12, $0x6  }
0x30: {  	v17 =	vnsel vm2, $0x0, v10;
	v11 =	vsel vm1, v3, v11;
	vm1 =	veq.s32 v16, $0x1  }
0x31: {  	vm2 =	veq.s32 v12, $0x7;
	v33 =	vsel vm1, v9, v17;
	vm1 =	veq.s32 v16, $0x2  }
0x32: {  	v11 =	vsel vm2, v5, v11;
	v12 =	vsel vm1, v8, v33;
	vm1 =	veq.s32 v16, $0x3  }
0x33: {  	vm2 =	veq.s32 v32, $0x0;
	v12 =	vsel vm1, v7, v12;
	vm1 =	veq.s32 v16, $0x4  }
0x34: {  	v11 =	vadd.s32 v31, v11;
	v12 =	vsel vm1, v6, v12;
	vm1 =	veq.s32 v16, $0x5  }
0x35: {  	v18 =	vld [tilespmem:$0xC0];
	v35 =	vnsel vm2, $0x0, v10;
	v12 =	vsel vm1, v4, v12;
	vm1 =	veq.s32 v32, $0x1  }
0x36: {  	v34 =	vld [tilespmem:$0x120];
	vm2 =	veq.s32 v16, $0x6;
	v17 =	vsel vm1, v9, v35;
	vm1 =	veq.s32 v32, $0x2  }
0x37: {  	v12 =	vsel vm2, v3, v12;
	v17 =	vsel vm1, v8, v17;
	vm1 =	veq.s32 v32, $0x3  }
0x38: {  	vm2 =	veq.s32 v16, $0x7;
	v36 =	vsel vm1, v7, v17;
	vm1 =	veq.s32 v32, $0x4  }
0x39: {  	v12 =	vsel vm2, v5, v12;
	v16 =	vsel vm1, v6, v36;
	vm1 =	veq.s32 v32, $0x5  }
0x3a: {  	v39 =	vld [tilespmem:$0xD0];
	vm2 =	veq.s32 v32, $0x6;
	v38 =	vsel vm1, v4, v16;
	vm1 =	veq.s32 v18, $0x0  }
0x3b: {  	v37 =	vld [tilespmem:$0x130];
	v12 =	vadd.s32 v34, v12;
	v19 =	vnsel vm1, $0x0, v10;
	vm1 =	veq.s32 v18, $0x1  }
0x3c: {  	v14 =	vsel vm2, v3, v38;
	v19 =	vsel vm1, v9, v19;
	vm1 =	veq.s32 v18, $0x2  }
0x3d: {  	vm2 =	veq.s32 v32, $0x7;
	v40 =	vsel vm1, v8, v19;
	vm1 =	veq.s32 v18, $0x3  }
0x3e: {  	v14 =	vsel vm2, v5, v14;
	v15 =	vsel vm1, v7, v40;
	vm1 =	veq.s32 v18, $0x4  }
0x3f: {  	vm2 =	veq.s32 v18, $0x5;
	v15 =	vsel vm1, v6, v15;
	vm1 =	veq.s32 v39, $0x0  }
0x40: {  	v14 =	vadd.s32 v37, v14;
	v42 =	vnsel vm1, $0x0, v10;
	vm1 =	veq.s32 v39, $0x1  }
0x41: {  	v20 =	vld [tilespmem:$0xE0];
	v15 =	vsel vm2, v4, v15;
	v19 =	vsel vm1, v9, v42;
	vm1 =	veq.s32 v39, $0x2  }
0x42: {  	v41 =	vld [tilespmem:$0x140];
	vm2 =	veq.s32 v18, $0x6;
	v19 =	vsel vm1, v8, v19;
	vm1 =	veq.s32 v39, $0x3  }
0x43: {  	v15 =	vsel vm2, v3, v15;
	v19 =	vsel vm1, v7, v19;
	vm1 =	veq.s32 v39, $0x4  }
0x44: {  	v21 =	vld [tilespmem:$0xF0];
	vm2 =	veq.s32 v18, $0x7;
	v19 =	vsel vm1, v6, v19;
	vm1 =	veq.s32 v39, $0x5  }
0x45: {  	v43 =	vld [tilespmem:$0x150];
	v15 =	vsel vm2, v5, v15;
	v19 =	vsel vm1, v4, v19;
	vm1 =	veq.s32 v39, $0x6  }
0x46: {  	vm2 =	veq.s32 v39, $0x7;
	v44 =	vsel vm1, v3, v19;
	vm1 =	veq.s32 v20, $0x0  }
0x47: {  	v15 =	vadd.s32 v41, v15;
	v45 =	vnsel vm1, $0x0, v10;
	vm1 =	veq.s32 v20, $0x1  }
0x48: {  	v17 =	vsel vm2, v5, v44;
	v16 =	vsel vm1, v9, v45;
	vm1 =	veq.s32 v20, $0x2  }
0x49: {  	vm2 =	veq.s32 v21, $0x0;
	v16 =	vsel vm1, v8, v16;
	vm1 =	veq.s32 v20, $0x3  }
0x4a: {  	v17 =	vadd.s32 v43, v17;
	v16 =	vsel vm1, v7, v16;
	vm1 =	veq.s32 v20, $0x4  }
0x4b: {  	v46 =	vnsel vm2, $0x0, v10;
	v16 =	vsel vm1, v6, v16;
	vm1 =	veq.s32 v21, $0x1  }
0x4c: {  	vm2 =	veq.s32 v20, $0x5;
	v18 =	vsel vm1, v9, v46;
	vm1 =	veq.s32 v21, $0x2  }
0x4d: {  	v47 =	vld [tilespmem:$0x160];
	[tilespmem:$0x180] =	vst v13;
	v16 =	vsel vm2, v4, v16;
	v18 =	vsel vm1, v8, v18;
	vm1 =	veq.s32 v21, $0x3  }
0x4e: {  	v48 =	vld [tilespmem:$0x170];
	[tilespmem:$0x190] =	vst v11;
	vm2 =	veq.s32 v20, $0x6;
	v18 =	vsel vm1, v7, v18;
	vm1 =	veq.s32 v21, $0x4  }
0x4f: {  	[tilespmem:$0x200] =	vst v12;
	v49 =	vsel vm2, v3, v16;
	v50 =	vsel vm1, v6, v18;
	vm1 =	veq.s32 v21, $0x5  }
0x50: {  	[tilespmem:$0x210] =	vst v14;
	vm2 =	veq.s32 v20, $0x7;
	v51 =	vsel vm1, v4, v50;
	vm1 =	veq.s32 v21, $0x6  }
0x51: {  	[tilespmem:$0x280] =	vst v15;
	v12 =	vsel vm2, v5, v49;
	v14 =	vsel vm1, v3, v51;
	vm1 =	veq.s32 v21, $0x7  }
0x52: {  	[tilespmem:$0x290] =	vst v17;
	v12 =	vadd.s32 v47, v12;
	v52 =	vsel vm1, v5, v14  }
0x53: {  	[tilespmem:$0x300] =	vst v12;
	v11 =	vadd.s32 v48, v52  }
0x54: {  	s20 =	rddreg [dreg:$0x6];
	[tilespmem:$0x310] =	vst v11  }
0x55: {  	[tilespmem:s18], [sflag:$0x5] =	stream.linear.gather [hbm4b:s20+s2], $0x80, $0x38;
	[tilespmem:$0x10580] =	vst v63  }
0x56: {  	_ =	swait.ge [sflag:s16], $0x80  }
0x57: {  	[sflag:s16] =	ssyncset.done $0x0  }
0x58: {  	s21 =	rddreg [dreg:$0x7];
	[sflag:s16] =	ssyncadd.s32 $0xFFFFFF80  }
0x59: {  	[tilespmem:s30], [sflag:$0x5] =	stream.linear.gather [hbm4b:s21+s2], $0x80, $0x38;
	[tilespmem:$0x10580] =	vst v63  }
0x5a: {  	_ =	swait.ge [sflag:s16], $0x80  }
0x5b: {  	[sflag:s16] =	ssyncset.done $0x0  }
0x5c: {  	[sflag:s16] =	ssyncadd.s32 $0xFFFFFF80  }
0x5d: {  	v53 =	vld [tilespmem:$0x80];
	_ =	sdelay $0x4  }
0x5e: {  	vm1 =	veq.s32 v53, $0x0  }
0x5f: {  	v55 =	vld [tilespmem:$0x90];
	v54 =	vnsel vm1, $0x0, v10;
	vm1 =	veq.s32 v53, $0x1  }
0x60: {  	v12 =	vsel vm1, v9, v54;
	vm1 =	veq.s32 v53, $0x2  }
0x61: {  	v12 =	vsel vm1, v8, v12;
	vm1 =	veq.s32 v53, $0x3  }
0x62: {  	v12 =	vsel vm1, v7, v12;
	vm1 =	veq.s32 v53, $0x4  }
0x63: {  	v12 =	vsel vm1, v6, v12;
	vm1 =	veq.s32 v53, $0x5  }
0x64: {  	v56 =	vld [tilespmem:$0xA0];
	v12 =	vsel vm1, v4, v12;
	vm1 =	veq.s32 v55, $0x0  }
0x65: {  	vm2 =	veq.s32 v53, $0x6;
	v57 =	vnsel vm1, $0x0, v10;
	vm1 =	veq.s32 v55, $0x1  }
0x66: {  	v12 =	vsel vm2, v3, v12;
	v15 =	vsel vm1, v9, v57;
	vm1 =	veq.s32 v55, $0x2  }
0x67: {  	vm2 =	veq.s32 v53, $0x7;
	v58 =	vsel vm1, v8, v15;
	vm1 =	veq.s32 v55, $0x3  }
0x68: {  	v12 =	vsel vm2, v5, v12;
	v11 =	vsel vm1, v7, v58;
	vm1 =	veq.s32 v55, $0x4  }
0x69: {  	v59 =	vld [tilespmem:$0xB0];
	vm2 =	veq.s32 v56, $0x0;
	v11 =	vsel vm1, v6, v11;
	vm1 =	veq.s32 v55, $0x5  }
0x6a: {  	v60 =	vnsel vm2, $0x0, v10;
	v11 =	vsel vm1, v4, v11;
	vm1 =	veq.s32 v56, $0x1  }
0x6b: {  	vm2 =	veq.s32 v55, $0x6;
	v16 =	vsel vm1, v9, v60;
	vm1 =	veq.s32 v56, $0x2  }
0x6c: {  	v11 =	vsel vm2, v3, v11;
	v16 =	vsel vm1, v8, v16;
	vm1 =	veq.s32 v56, $0x3  }
0x6d: {  	vm2 =	veq.s32 v55, $0x7;
	v61 =	vsel vm1, v7, v16;
	vm1 =	veq.s32 v56, $0x4  }
0x6e: {  	v11 =	vsel vm2, v5, v11;
	v13 =	vsel vm1, v6, v61;
	vm1 =	veq.s32 v59, $0x0  }
0x6f: {  	v63 =	vld [tilespmem:$0xC0];
	vm2 =	veq.s32 v56, $0x5;
	v62 =	vnsel vm1, $0x0, v10;
	vm1 =	veq.s32 v59, $0x1  }
0x70: {  	v13 =	vsel vm2, v4, v13;
	v16 =	vsel vm1, v9, v62;
	vm1 =	veq.s32 v59, $0x2  }
0x71: {  	vm2 =	veq.s32 v56, $0x6;
	v16 =	vsel vm1, v8, v16;
	vm1 =	veq.s32 v59, $0x3  }
0x72: {  	v13 =	vsel vm2, v3, v13;
	v16 =	vsel vm1, v7, v16;
	vm1 =	veq.s32 v59, $0x4  }
0x73: {  	vm2 =	veq.s32 v56, $0x7;
	v24 =	vsel vm1, v6, v16;
	vm1 =	veq.s32 v59, $0x5  }
0x74: {  	v25 =	vld [tilespmem:$0xD0];
	v13 =	vsel vm2, v5, v13;
	v14 =	vsel vm1, v4, v24;
	vm1 =	veq.s32 v63, $0x0  }
0x75: {  	vm2 =	veq.s32 v59, $0x6;
	v26 =	vnsel vm1, $0x0, v10;
	vm1 =	veq.s32 v63, $0x1  }
0x76: {  	v33 =	vld [tilespmem:$0x100];
	v14 =	vsel vm2, v3, v14;
	v18 =	vsel vm1, v9, v26;
	vm1 =	veq.s32 v63, $0x2  }
0x77: {  	vm2 =	veq.s32 v59, $0x7;
	v27 =	vsel vm1, v8, v18;
	vm1 =	veq.s32 v63, $0x3  }
0x78: {  	v14 =	vsel vm2, v5, v14;
	v15 =	vsel vm1, v7, v27;
	vm1 =	veq.s32 v63, $0x4  }
0x79: {  	v28 =	vld [tilespmem:$0xE0];
	vm2 =	veq.s32 v25, $0x0;
	v15 =	vsel vm1, v6, v15;
	vm1 =	veq.s32 v63, $0x5  }
0x7a: {  	v29 =	vnsel vm2, $0x0, v10;
	v15 =	vsel vm1, v4, v15;
	vm1 =	veq.s32 v25, $0x1  }
0x7b: {  	v30 =	vld [tilespmem:$0xF0];
	v12 =	vadd.s32 v33, v12;
	v19 =	vsel vm1, v9, v29;
	vm1 =	veq.s32 v25, $0x2  }
0x7c: {  	vm2 =	veq.s32 v63, $0x6;
	v19 =	vsel vm1, v8, v19;
	vm1 =	veq.s32 v25, $0x3  }
0x7d: {  	v15 =	vsel vm2, v3, v15;
	v31 =	vsel vm1, v7, v19;
	vm1 =	veq.s32 v25, $0x4  }
0x7e: {  	vm2 =	veq.s32 v63, $0x7;
	v17 =	vsel vm1, v6, v31;
	vm1 =	veq.s32 v28, $0x0  }
0x7f: {  	v15 =	vsel vm2, v5, v15;
	v32 =	vnsel vm1, $0x0, v10;
	vm1 =	veq.s32 v28, $0x1  }
0x80: {  	vm2 =	veq.s32 v25, $0x5;
	v19 =	vsel vm1, v9, v32;
	vm1 =	veq.s32 v30, $0x0  }
0x81: {  	v17 =	vsel vm2, v4, v17;
	vm2 =	veq.s32 v28, $0x2;
	v10 =	vnsel vm1, $0x0, v10  }
0x82: {  	vm1 =	veq.s32 v30, $0x1;
	v19 =	vsel vm2, v8, v19;
	vm2 =	veq.s32 v28, $0x3  }
0x83: {  	v38 =	vld [tilespmem:$0x140];
	v9 =	vsel vm1, v9, v10;
	vm1 =	veq.s32 v30, $0x2;
	v19 =	vsel vm2, v7, v19  }
0x84: {  	v34 =	vld [tilespmem:$0x110];
	vm2 =	veq.s32 v28, $0x4;
	v8 =	vsel vm1, v8, v9;
	vm1 =	veq.s32 v30, $0x3  }
0x85: {  	v35 =	vld [tilespmem:$0x120];
	v19 =	vsel vm2, v6, v19;
	v7 =	vsel vm1, v7, v8;
	vm1 =	veq.s32 v25, $0x6  }
0x86: {  	v36 =	vld [tilespmem:$0x130];
	vm2 =	veq.s32 v30, $0x4;
	v37 =	vsel vm1, v3, v17;
	vm1 =	veq.s32 v25, $0x7  }
0x87: {  	v39 =	vld [tilespmem:$0x150];
	v6 =	vsel vm2, v6, v7;
	v7 =	vsel vm1, v5, v37;
	vm1 =	veq.s32 v28, $0x5  }
0x88: {  	v40 =	vld [tilespmem:$0x160];
	[tilespmem:$0x380] =	vst v12;
	v45 =	vadd.s32 v38, v15;
	v41 =	vsel vm1, v4, v19;
	vm1 =	veq.s32 v28, $0x6  }
0x89: {  	v43 =	vld [tilespmem:$0x170];
	[tilespmem:$0x480] =	vst v45;
	v10 =	vadd.s32 v34, v11;
	v42 =	vsel vm1, v3, v41;
	vm1 =	veq.s32 v28, $0x7  }
0x8a: {  	[tilespmem:$0x390] =	vst v10;
	v9 =	vadd.s32 v35, v13;
	v44 =	vsel vm1, v5, v42;
	vm1 =	veq.s32 v30, $0x5  }
0x8b: {  	[tilespmem:$0x400] =	vst v9;
	v8 =	vadd.s32 v36, v14;
	v4 =	vsel vm1, v4, v6;
	vm1 =	veq.s32 v30, $0x6  }
0x8c: {  	[tilespmem:$0x410] =	vst v8;
	v46 =	vadd.s32 v39, v7;
	v3 =	vsel vm1, v3, v4;
	vm1 =	veq.s32 v30, $0x7  }
0x8d: {  	[tilespmem:$0x490] =	vst v46;
	v47 =	vadd.s32 v40, v44;
	v3 =	vsel vm1, v5, v3  }
0x8e: {  	[tilespmem:$0x500] =	vst v47;
	v3 =	vadd.s32 v43, v3  }
0x8f: {  	s14 =	simm.s32 $0x1;
	[tilespmem:$0x510] =	vst v3  }
0x90: {  	_ =	swait.ge [sflag:s14], $0x8000  }
0x91: {  	[sflag:s14] =	ssyncset.done $0x0  }
0x92: {  	s29 =	simm.s32 $0x8580;
	s22 =	rddreg [dreg:$0x8];
	[sflag:s14] =	ssyncadd.s32 $0xFFFF8000  }
0x93: {  	[tilespmem:s29], [sflag:$0x2] =	stream.linear.gather [hbm4b:s22+s2], $0x8000, $0x38;
	[tilespmem:$0x10580] =	vst v63  }
0x94: {  	v3 =	vld [tilespmem:$0x180];
	_ =	sdelay $0x4  }
0x95: {  	v48 =	vshll.u32 v3, $0x3  }
0x96: {  	v3 =	vand.u32 $0x7, v3;
	v4 =	vand.u32 $0xFFFFFFC0, v48  }
0x97: {  	v3 =	vor.u32 v3, v4  }
0x98: {  	v4 =	vperm.xlane v3, v0;
	_ =	sdelay $0x1  }
0x99: {  	v4 =	vadd.s32 v1, v4;
	_ =	sdelay $0x3  }
0x9a: {  	s30 =	simm.s32 $0x580  }
0x9b: {  	[hbm4b:s3+s2] =	stream.indirect_vreg.scatter [tilespmem:s30], [sflag:$0x3], $0x80, v4, vm0, $0xb8;
	[tilespmem:$0x10580] =	vst v63  }
0x9c: {  	s8 =	simm.s32 $0xD80;
	v3 =	vperm.xlane v3, v2  }
0x9d: {  	[hbm4b:s5+s2] =	stream.indirect_vreg.scatter [tilespmem:s8], [sflag:$0x3], $0x80, v4, vm0, $0xb8;
	[tilespmem:$0x10580] =	vst v63  }
0x9e: {  	s9 =	simm.s32 $0x1580;
	v3 =	vadd.s32 v1, v3  }
0x9f: {  	[hbm4b:s6+s2] =	stream.indirect_vreg.scatter [tilespmem:s9], [sflag:$0x3], $0x80, v4, vm0, $0xb8;
	[tilespmem:$0x10580] =	vst v63  }
0xa0: {  	s10 =	simm.s32 $0x1D80  }
0xa1: {  	[hbm4b:s7+s2] =	stream.indirect_vreg.scatter [tilespmem:s10], [sflag:$0x3], $0x80, v4, vm0, $0xb8;
	[tilespmem:$0x10580] =	vst v63  }
0xa2: {  	s11 =	simm.s32 $0x2580  }
0xa3: {  	[hbm4b:s3+s2] =	stream.indirect_vreg.scatter [tilespmem:s11], [sflag:$0x3], $0x80, v3, vm0, $0xb8;
	[tilespmem:$0x10580] =	vst v63  }
0xa4: {  	s12 =	simm.s32 $0x2D80  }
0xa5: {  	[hbm4b:s5+s2] =	stream.indirect_vreg.scatter [tilespmem:s12], [sflag:$0x3], $0x80, v3, vm0, $0xb8;
	[tilespmem:$0x10580] =	vst v63  }
0xa6: {  	s13 =	simm.s32 $0x3580  }
0xa7: {  	[hbm4b:s6+s2] =	stream.indirect_vreg.scatter [tilespmem:s13], [sflag:$0x3], $0x80, v3, vm0, $0xb8;
	[tilespmem:$0x10580] =	vst v63  }
0xa8: {  	s15 =	simm.s32 $0x3D80  }
0xa9: {  	[hbm4b:s7+s2] =	stream.indirect_vreg.scatter [tilespmem:s15], [sflag:$0x3], $0x80, v3, vm0, $0xb8;
	[tilespmem:$0x10580] =	vst v63  }
0xaa: {  	v3 =	vld [tilespmem:$0x190];
	_ =	sdelay $0x4  }
0xab: {  	v49 =	vshll.u32 v3, $0x3  }
0xac: {  	v3 =	vand.u32 $0x7, v3;
	v4 =	vand.u32 $0xFFFFFFC0, v49  }
0xad: {  	v3 =	vor.u32 v3, v4  }
0xae: {  	v4 =	vperm.xlane v3, v0;
	_ =	sdelay $0x1  }
0xaf: {  	v4 =	vadd.s32 v1, v4;
	_ =	sdelay $0x3  }
0xb0: {  	s16 =	simm.s32 $0x4580  }
0xb1: {  	[hbm4b:s3+s2] =	stream.indirect_vreg.scatter [tilespmem:s16], [sflag:$0x3], $0x80, v4, vm0, $0xb8;
	[tilespmem:$0x10580] =	vst v63  }
0xb2: {  	s17 =	simm.s32 $0x4D80;
	v3 =	vperm.xlane v3, v2  }
0xb3: {  	[hbm4b:s5+s2] =	stream.indirect_vreg.scatter [tilespmem:s17], [sflag:$0x3], $0x80, v4, vm0, $0xb8;
	[tilespmem:$0x10580] =	vst v63  }
0xb4: {  	s18 =	simm.s32 $0x5580;
	v3 =	vadd.s32 v1, v3  }
0xb5: {  	[hbm4b:s6+s2] =	stream.indirect_vreg.scatter [tilespmem:s18], [sflag:$0x3], $0x80, v4, vm0, $0xb8;
	[tilespmem:$0x10580] =	vst v63  }
0xb6: {  	s19 =	simm.s32 $0x5D80  }
0xb7: {  	[hbm4b:s7+s2] =	stream.indirect_vreg.scatter [tilespmem:s19], [sflag:$0x3], $0x80, v4, vm0, $0xb8;
	[tilespmem:$0x10580] =	vst v63  }
0xb8: {  	s20 =	simm.s32 $0x6580  }
0xb9: {  	[hbm4b:s3+s2] =	stream.indirect_vreg.scatter [tilespmem:s20], [sflag:$0x3], $0x80, v3, vm0, $0xb8;
	[tilespmem:$0x10580] =	vst v63  }
0xba: {  	s17 =	simm.s32 $0x6D80  }
0xbb: {  	[hbm4b:s5+s2] =	stream.indirect_vreg.scatter [tilespmem:s17], [sflag:$0x3], $0x80, v3, vm0, $0xb8;
	[tilespmem:$0x10580] =	vst v63  }
0xbc: {  	s28 =	simm.s32 $0x7580  }
0xbd: {  	[hbm4b:s6+s2] =	stream.indirect_vreg.scatter [tilespmem:s28], [sflag:$0x3], $0x80, v3, vm0, $0xb8;
	[tilespmem:$0x10580] =	vst v63  }
0xbe: {  	s29 =	simm.s32 $0x7D80  }
0xbf: {  	[hbm4b:s7+s2] =	stream.indirect_vreg.scatter [tilespmem:s29], [sflag:$0x3], $0x80, v3, vm0, $0xb8;
	[tilespmem:$0x10580] =	vst v63  }
0xc0: {  	v3 =	vld [tilespmem:$0x380];
	_ =	sdelay $0x4  }
0xc1: {  	v50 =	vshll.u32 v3, $0x3  }
0xc2: {  	v3 =	vand.u32 $0x7, v3;
	v4 =	vand.u32 $0xFFFFFFC0, v50  }
0xc3: {  	v3 =	vor.u32 v3, v4  }
0xc4: {  	v4 =	vperm.xlane v3, v0;
	_ =	sdelay $0x1  }
0xc5: {  	v4 =	vadd.s32 v1, v4;
	_ =	sdelay $0x4  }
0xc6: {  	[hbm4b:s3+s2] =	stream.indirect_vreg.scatter [tilespmem:s30], [sflag:$0x4], $0x80, v4, vm0, $0xb8;
	[tilespmem:$0x10580] =	vst v63  }
0xc7: {  	s21 =	simm.s32 $0xD80;
	v3 =	vperm.xlane v3, v2  }
0xc8: {  	[hbm4b:s5+s2] =	stream.indirect_vreg.scatter [tilespmem:s21], [sflag:$0x4], $0x80, v4, vm0, $0xb8;
	[tilespmem:$0x10580] =	vst v63  }
0xc9: {  	s22 =	simm.s32 $0x1580;
	v3 =	vadd.s32 v1, v3  }
0xca: {  	[hbm4b:s6+s2] =	stream.indirect_vreg.scatter [tilespmem:s22], [sflag:$0x4], $0x80, v4, vm0, $0xb8;
	[tilespmem:$0x10580] =	vst v63  }
0xcb: {  	s4 =	simm.s32 $0x1D80  }
0xcc: {  	[hbm4b:s7+s2] =	stream.indirect_vreg.scatter [tilespmem:s4], [sflag:$0x4], $0x80, v4, vm0, $0xb8;
	[tilespmem:$0x10580] =	vst v63  }
0xcd: {  	s8 =	simm.s32 $0x2580  }
0xce: {  	[hbm4b:s3+s2] =	stream.indirect_vreg.scatter [tilespmem:s8], [sflag:$0x4], $0x80, v3, vm0, $0xb8;
	[tilespmem:$0x10580] =	vst v63  }
0xcf: {  	s9 =	simm.s32 $0x2D80  }
0xd0: {  	[hbm4b:s5+s2] =	stream.indirect_vreg.scatter [tilespmem:s9], [sflag:$0x4], $0x80, v3, vm0, $0xb8;
	[tilespmem:$0x10580] =	vst v63  }
0xd1: {  	s10 =	simm.s32 $0x3580  }
0xd2: {  	[hbm4b:s6+s2] =	stream.indirect_vreg.scatter [tilespmem:s10], [sflag:$0x4], $0x80, v3, vm0, $0xb8;
	[tilespmem:$0x10580] =	vst v63  }
0xd3: {  	s13 =	simm.s32 $0x3D80  }
0xd4: {  	[hbm4b:s7+s2] =	stream.indirect_vreg.scatter [tilespmem:s13], [sflag:$0x4], $0x80, v3, vm0, $0xb8;
	[tilespmem:$0x10580] =	vst v63  }
0xd5: {  	v3 =	vld [tilespmem:$0x390];
	_ =	sdelay $0x4  }
0xd6: {  	v51 =	vshll.u32 v3, $0x3  }
0xd7: {  	v3 =	vand.u32 $0x7, v3;
	v4 =	vand.u32 $0xFFFFFFC0, v51  }
0xd8: {  	v3 =	vor.u32 v3, v4  }
0xd9: {  	v4 =	vperm.xlane v3, v0;
	_ =	sdelay $0x1  }
0xda: {  	v4 =	vadd.s32 v1, v4;
	_ =	sdelay $0x3  }
0xdb: {  	s15 =	simm.s32 $0x4580  }
0xdc: {  	[hbm4b:s3+s2] =	stream.indirect_vreg.scatter [tilespmem:s15], [sflag:$0x4], $0x80, v4, vm0, $0xb8;
	[tilespmem:$0x10580] =	vst v63  }
0xdd: {  	s16 =	simm.s32 $0x4D80;
	v3 =	vperm.xlane v3, v2  }
0xde: {  	[hbm4b:s5+s2] =	stream.indirect_vreg.scatter [tilespmem:s16], [sflag:$0x4], $0x80, v4, vm0, $0xb8;
	[tilespmem:$0x10580] =	vst v63  }
0xdf: {  	s11 =	simm.s32 $0x5580;
	v3 =	vadd.s32 v1, v3  }
0xe0: {  	[hbm4b:s6+s2] =	stream.indirect_vreg.scatter [tilespmem:s11], [sflag:$0x4], $0x80, v4, vm0, $0xb8;
	[tilespmem:$0x10580] =	vst v63  }
0xe1: {  	s12 =	simm.s32 $0x5D80  }
0xe2: {  	[hbm4b:s7+s2] =	stream.indirect_vreg.scatter [tilespmem:s12], [sflag:$0x4], $0x80, v4, vm0, $0xb8;
	[tilespmem:$0x10580] =	vst v63  }
0xe3: {  	s1 =	simm.s32 $0x6580  }
0xe4: {  	[hbm4b:s3+s2] =	stream.indirect_vreg.scatter [tilespmem:s1], [sflag:$0x4], $0x80, v3, vm0, $0xb8;
	[tilespmem:$0x10580] =	vst v63  }
0xe5: {  	s18 =	simm.s32 $0x6D80  }
0xe6: {  	[hbm4b:s5+s2] =	stream.indirect_vreg.scatter [tilespmem:s18], [sflag:$0x4], $0x80, v3, vm0, $0xb8;
	[tilespmem:$0x10580] =	vst v63  }
0xe7: {  	s19 =	simm.s32 $0x7580  }
0xe8: {  	[hbm4b:s6+s2] =	stream.indirect_vreg.scatter [tilespmem:s19], [sflag:$0x4], $0x80, v3, vm0, $0xb8;
	[tilespmem:$0x10580] =	vst v63  }
0xe9: {  	s20 =	simm.s32 $0x7D80  }
0xea: {  	[hbm4b:s7+s2] =	stream.indirect_vreg.scatter [tilespmem:s20], [sflag:$0x4], $0x80, v3, vm0, $0xb8;
	[tilespmem:$0x10580] =	vst v63  }
0xeb: {  	s20 =	simm.s32 $0x3  }
0xec: {  	_ =	swait.ge [sflag:s20], $0x8000  }
0xed: {  	[sflag:s20] =	ssyncset.done $0x0  }
0xee: {  	s21 =	simm.s32 $0x4;
	[sflag:s20] =	ssyncadd.s32 $0xFFFF8000  }
0xef: {  	_ =	swait.ge [sflag:s21], $0x8000  }
0xf0: {  	[sflag:s21] =	ssyncset.done $0x0  }
0xf1: {  	[sflag:s21] =	ssyncadd.s32 $0xFFFF8000  }
0xf2: {  	_ =	swait.ge [sflag:s31], $0x8000  }
0xf3: {  	[sflag:s31] =	ssyncset.done $0x0  }
0xf4: {  	s30 =	simm.s32 $0x580;
	s12 =	rddreg [dreg:$0x9];
	[sflag:s31] =	ssyncadd.s32 $0xFFFF8000  }
0xf5: {  	[tilespmem:s30], [sflag:$0x1] =	stream.linear.gather [hbm4b:s12+s2], $0x8000, $0x38;
	[tilespmem:$0x10580] =	vst v63  }
0xf6: {  	v3 =	vld [tilespmem:$0x200];
	_ =	sdelay $0x4  }
0xf7: {  	v52 =	vshll.u32 v3, $0x3  }
0xf8: {  	v3 =	vand.u32 $0x7, v3;
	v4 =	vand.u32 $0xFFFFFFC0, v52  }
0xf9: {  	v3 =	vor.u32 v3, v4  }
0xfa: {  	v4 =	vperm.xlane v3, v0;
	_ =	sdelay $0x1  }
0xfb: {  	v4 =	vadd.s32 v1, v4;
	_ =	sdelay $0x3  }
0xfc: {  	s0 =	simm.s32 $0x8580  }
0xfd: {  	[hbm4b:s3+s2] =	stream.indirect_vreg.scatter [tilespmem:s0], [sflag:$0x3], $0x80, v4, vm0, $0xb8;
	[tilespmem:$0x10580] =	vst v63  }
0xfe: {  	v3 =	vperm.xlane v3, v2  }
0xff: {  	[hbm4b:s5+s2] =	stream.indirect_vreg.scatter [tilespmem:s25], [sflag:$0x3], $0x80, v4, vm0, $0xb8;
	[tilespmem:$0x10580] =	vst v63  }
0x100: {  	v3 =	vadd.s32 v1, v3  }
0x101: {  	[hbm4b:s6+s2] =	stream.indirect_vreg.scatter [tilespmem:s26], [sflag:$0x3], $0x80, v4, vm0, $0xb8;
	[tilespmem:$0x10580] =	vst v63  }
0x102: {  	_ = 	snop  }
0x103: {  	[hbm4b:s7+s2] =	stream.indirect_vreg.scatter [tilespmem:s24], [sflag:$0x3], $0x80, v4, vm0, $0xb8;
	[tilespmem:$0x10580] =	vst v63  }
0x104: {  	s13 =	simm.s32 $0xA580  }
0x105: {  	[hbm4b:s3+s2] =	stream.indirect_vreg.scatter [tilespmem:s13], [sflag:$0x3], $0x80, v3, vm0, $0xb8;
	[tilespmem:$0x10580] =	vst v63  }
0x106: {  	_ = 	snop  }
0x107: {  	[hbm4b:s5+s2] =	stream.indirect_vreg.scatter [tilespmem:s23], [sflag:$0x3], $0x80, v3, vm0, $0xb8;
	[tilespmem:$0x10580] =	vst v63  }
0x108: {  	s15 =	simm.s32 $0xB580  }
0x109: {  	[hbm4b:s6+s2] =	stream.indirect_vreg.scatter [tilespmem:s15], [sflag:$0x3], $0x80, v3, vm0, $0xb8;
	[tilespmem:$0x10580] =	vst v63  }
0x10a: {  	s22 =	simm.s32 $0xBD80  }
0x10b: {  	[hbm4b:s7+s2] =	stream.indirect_vreg.scatter [tilespmem:s22], [sflag:$0x3], $0x80, v3, vm0, $0xb8;
	[tilespmem:$0x10580] =	vst v63  }
0x10c: {  	v3 =	vld [tilespmem:$0x210];
	_ =	sdelay $0x4  }
0x10d: {  	v53 =	vshll.u32 v3, $0x3  }
0x10e: {  	v3 =	vand.u32 $0x7, v3;
	v4 =	vand.u32 $0xFFFFFFC0, v53  }
0x10f: {  	v3 =	vor.u32 v3, v4  }
0x110: {  	v4 =	vperm.xlane v3, v0;
	_ =	sdelay $0x1  }
0x111: {  	v4 =	vadd.s32 v1, v4;
	_ =	sdelay $0x3  }
0x112: {  	s29 =	simm.s32 $0xC580  }
0x113: {  	[hbm4b:s3+s2] =	stream.indirect_vreg.scatter [tilespmem:s29], [sflag:$0x3], $0x80, v4, vm0, $0xb8;
	[tilespmem:$0x10580] =	vst v63  }
0x114: {  	s30 =	simm.s32 $0xCD80;
	v3 =	vperm.xlane v3, v2  }
0x115: {  	[hbm4b:s5+s2] =	stream.indirect_vreg.scatter [tilespmem:s30], [sflag:$0x3], $0x80, v4, vm0, $0xb8;
	[tilespmem:$0x10580] =	vst v63  }
0x116: {  	s16 =	simm.s32 $0xD580;
	v3 =	vadd.s32 v1, v3  }
0x117: {  	[hbm4b:s6+s2] =	stream.indirect_vreg.scatter [tilespmem:s16], [sflag:$0x3], $0x80, v4, vm0, $0xb8;
	[tilespmem:$0x10580] =	vst v63  }
0x118: {  	s17 =	simm.s32 $0xDD80  }
0x119: {  	[hbm4b:s7+s2] =	stream.indirect_vreg.scatter [tilespmem:s17], [sflag:$0x3], $0x80, v4, vm0, $0xb8;
	[tilespmem:$0x10580] =	vst v63  }
0x11a: {  	s18 =	simm.s32 $0xE580  }
0x11b: {  	[hbm4b:s3+s2] =	stream.indirect_vreg.scatter [tilespmem:s18], [sflag:$0x3], $0x80, v3, vm0, $0xb8;
	[tilespmem:$0x10580] =	vst v63  }
0x11c: {  	s19 =	simm.s32 $0xED80  }
0x11d: {  	[hbm4b:s5+s2] =	stream.indirect_vreg.scatter [tilespmem:s19], [sflag:$0x3], $0x80, v3, vm0, $0xb8;
	[tilespmem:$0x10580] =	vst v63  }
0x11e: {  	s15 =	simm.s32 $0xF580  }
0x11f: {  	[hbm4b:s6+s2] =	stream.indirect_vreg.scatter [tilespmem:s15], [sflag:$0x3], $0x80, v3, vm0, $0xb8;
	[tilespmem:$0x10580] =	vst v63  }
0x120: {  	s17 =	simm.s32 $0xFD80  }
0x121: {  	[hbm4b:s7+s2] =	stream.indirect_vreg.scatter [tilespmem:s17], [sflag:$0x3], $0x80, v3, vm0, $0xb8;
	[tilespmem:$0x10580] =	vst v63  }
0x122: {  	v3 =	vld [tilespmem:$0x400];
	_ =	sdelay $0x4  }
0x123: {  	v54 =	vshll.u32 v3, $0x3  }
0x124: {  	v3 =	vand.u32 $0x7, v3;
	v4 =	vand.u32 $0xFFFFFFC0, v54  }
0x125: {  	v3 =	vor.u32 v3, v4  }
0x126: {  	v4 =	vperm.xlane v3, v0;
	_ =	sdelay $0x1  }
0x127: {  	v4 =	vadd.s32 v1, v4;
	_ =	sdelay $0x4  }
0x128: {  	[hbm4b:s3+s2] =	stream.indirect_vreg.scatter [tilespmem:s0], [sflag:$0x4], $0x80, v4, vm0, $0xb8;
	[tilespmem:$0x10580] =	vst v63  }
0x129: {  	v3 =	vperm.xlane v3, v2  }
0x12a: {  	[hbm4b:s5+s2] =	stream.indirect_vreg.scatter [tilespmem:s25], [sflag:$0x4], $0x80, v4, vm0, $0xb8;
	[tilespmem:$0x10580] =	vst v63  }
0x12b: {  	v3 =	vadd.s32 v1, v3  }
0x12c: {  	[hbm4b:s6+s2] =	stream.indirect_vreg.scatter [tilespmem:s26], [sflag:$0x4], $0x80, v4, vm0, $0xb8;
	[tilespmem:$0x10580] =	vst v63  }
0x12d: {  	_ = 	snop  }
0x12e: {  	[hbm4b:s7+s2] =	stream.indirect_vreg.scatter [tilespmem:s24], [sflag:$0x4], $0x80, v4, vm0, $0xb8;
	[tilespmem:$0x10580] =	vst v63  }
0x12f: {  	s1 =	simm.s32 $0xA580  }
0x130: {  	[hbm4b:s3+s2] =	stream.indirect_vreg.scatter [tilespmem:s1], [sflag:$0x4], $0x80, v3, vm0, $0xb8;
	[tilespmem:$0x10580] =	vst v63  }
0x131: {  	_ = 	snop  }
0x132: {  	[hbm4b:s5+s2] =	stream.indirect_vreg.scatter [tilespmem:s23], [sflag:$0x4], $0x80, v3, vm0, $0xb8;
	[tilespmem:$0x10580] =	vst v63  }
0x133: {  	s13 =	simm.s32 $0xB580  }
0x134: {  	[hbm4b:s6+s2] =	stream.indirect_vreg.scatter [tilespmem:s13], [sflag:$0x4], $0x80, v3, vm0, $0xb8;
	[tilespmem:$0x10580] =	vst v63  }
0x135: {  	_ = 	snop  }
0x136: {  	[hbm4b:s7+s2] =	stream.indirect_vreg.scatter [tilespmem:s22], [sflag:$0x4], $0x80, v3, vm0, $0xb8;
	[tilespmem:$0x10580] =	vst v63  }
0x137: {  	v3 =	vld [tilespmem:$0x410];
	_ =	sdelay $0x4  }
0x138: {  	v55 =	vshll.u32 v3, $0x3  }
0x139: {  	v3 =	vand.u32 $0x7, v3;
	v4 =	vand.u32 $0xFFFFFFC0, v55  }
0x13a: {  	v3 =	vor.u32 v3, v4  }
0x13b: {  	v4 =	vperm.xlane v3, v0;
	_ =	sdelay $0x1  }
0x13c: {  	v4 =	vadd.s32 v1, v4;
	_ =	sdelay $0x4  }
0x13d: {  	[hbm4b:s3+s2] =	stream.indirect_vreg.scatter [tilespmem:s29], [sflag:$0x4], $0x80, v4, vm0, $0xb8;
	[tilespmem:$0x10580] =	vst v63  }
0x13e: {  	v3 =	vperm.xlane v3, v2  }
0x13f: {  	[hbm4b:s5+s2] =	stream.indirect_vreg.scatter [tilespmem:s30], [sflag:$0x4], $0x80, v4, vm0, $0xb8;
	[tilespmem:$0x10580] =	vst v63  }
0x140: {  	s4 =	simm.s32 $0xD580;
	v3 =	vadd.s32 v1, v3  }
0x141: {  	[hbm4b:s6+s2] =	stream.indirect_vreg.scatter [tilespmem:s4], [sflag:$0x4], $0x80, v4, vm0, $0xb8;
	[tilespmem:$0x10580] =	vst v63  }
0x142: {  	s8 =	simm.s32 $0xDD80  }
0x143: {  	[hbm4b:s7+s2] =	stream.indirect_vreg.scatter [tilespmem:s8], [sflag:$0x4], $0x80, v4, vm0, $0xb8;
	[tilespmem:$0x10580] =	vst v63  }
0x144: {  	s9 =	simm.s32 $0xE580  }
0x145: {  	[hbm4b:s3+s2] =	stream.indirect_vreg.scatter [tilespmem:s9], [sflag:$0x4], $0x80, v3, vm0, $0xb8;
	[tilespmem:$0x10580] =	vst v63  }
0x146: {  	s28 =	simm.s32 $0xED80  }
0x147: {  	[hbm4b:s5+s2] =	stream.indirect_vreg.scatter [tilespmem:s28], [sflag:$0x4], $0x80, v3, vm0, $0xb8;
	[tilespmem:$0x10580] =	vst v63  }
0x148: {  	s16 =	simm.s32 $0xF580  }
0x149: {  	[hbm4b:s6+s2] =	stream.indirect_vreg.scatter [tilespmem:s16], [sflag:$0x4], $0x80, v3, vm0, $0xb8;
	[tilespmem:$0x10580] =	vst v63  }
0x14a: {  	s18 =	simm.s32 $0xFD80  }
0x14b: {  	[hbm4b:s7+s2] =	stream.indirect_vreg.scatter [tilespmem:s18], [sflag:$0x4], $0x80, v3, vm0, $0xb8;
	[tilespmem:$0x10580] =	vst v63  }
0x14c: {  	_ =	swait.ge [sflag:s20], $0x8000  }
0x14d: {  	[sflag:s20] =	ssyncset.done $0x0  }
0x14e: {  	[sflag:s20] =	ssyncadd.s32 $0xFFFF8000  }
0x14f: {  	_ =	swait.ge [sflag:s21], $0x8000  }
0x150: {  	[sflag:s21] =	ssyncset.done $0x0  }
0x151: {  	[sflag:s21] =	ssyncadd.s32 $0xFFFF8000  }
0x152: {  	_ =	swait.ge [sflag:s14], $0x8000  }
0x153: {  	[sflag:s14] =	ssyncset.done $0x0  }
0x154: {  	s19 =	simm.s32 $0x8580;
	s10 =	rddreg [dreg:$0xa];
	[sflag:s14] =	ssyncadd.s32 $0xFFFF8000  }
0x155: {  	[tilespmem:s19], [sflag:$0x2] =	stream.linear.gather [hbm4b:s10+s2], $0x8000, $0x38;
	[tilespmem:$0x10580] =	vst v63  }
0x156: {  	v3 =	vld [tilespmem:$0x280];
	_ =	sdelay $0x4  }
0x157: {  	v56 =	vshll.u32 v3, $0x3  }
0x158: {  	v3 =	vand.u32 $0x7, v3;
	v4 =	vand.u32 $0xFFFFFFC0, v56  }
0x159: {  	v3 =	vor.u32 v3, v4  }
0x15a: {  	v4 =	vperm.xlane v3, v0;
	_ =	sdelay $0x1  }
0x15b: {  	v4 =	vadd.s32 v1, v4;
	_ =	sdelay $0x3  }
0x15c: {  	s14 =	simm.s32 $0x580  }
0x15d: {  	[hbm4b:s3+s2] =	stream.indirect_vreg.scatter [tilespmem:s14], [sflag:$0x3], $0x80, v4, vm0, $0xb8;
	[tilespmem:$0x10580] =	vst v63  }
0x15e: {  	s18 =	simm.s32 $0xD80;
	v3 =	vperm.xlane v3, v2  }
0x15f: {  	[hbm4b:s5+s2] =	stream.indirect_vreg.scatter [tilespmem:s18], [sflag:$0x3], $0x80, v4, vm0, $0xb8;
	[tilespmem:$0x10580] =	vst v63  }
0x160: {  	s19 =	simm.s32 $0x1580;
	v3 =	vadd.s32 v1, v3  }
0x161: {  	[hbm4b:s6+s2] =	stream.indirect_vreg.scatter [tilespmem:s19], [sflag:$0x3], $0x80, v4, vm0, $0xb8;
	[tilespmem:$0x10580] =	vst v63  }
0x162: {  	s28 =	simm.s32 $0x1D80  }
0x163: {  	[hbm4b:s7+s2] =	stream.indirect_vreg.scatter [tilespmem:s28], [sflag:$0x3], $0x80, v4, vm0, $0xb8;
	[tilespmem:$0x10580] =	vst v63  }
0x164: {  	s0 =	simm.s32 $0x2580  }
0x165: {  	[hbm4b:s3+s2] =	stream.indirect_vreg.scatter [tilespmem:s0], [sflag:$0x3], $0x80, v3, vm0, $0xb8;
	[tilespmem:$0x10580] =	vst v63  }
0x166: {  	s1 =	simm.s32 $0x2D80  }
0x167: {  	[hbm4b:s5+s2] =	stream.indirect_vreg.scatter [tilespmem:s1], [sflag:$0x3], $0x80, v3, vm0, $0xb8;
	[tilespmem:$0x10580] =	vst v63  }
0x168: {  	s4 =	simm.s32 $0x3580  }
0x169: {  	[hbm4b:s6+s2] =	stream.indirect_vreg.scatter [tilespmem:s4], [sflag:$0x3], $0x80, v3, vm0, $0xb8;
	[tilespmem:$0x10580] =	vst v63  }
0x16a: {  	s11 =	simm.s32 $0x3D80  }
0x16b: {  	[hbm4b:s7+s2] =	stream.indirect_vreg.scatter [tilespmem:s11], [sflag:$0x3], $0x80, v3, vm0, $0xb8;
	[tilespmem:$0x10580] =	vst v63  }
0x16c: {  	v3 =	vld [tilespmem:$0x290];
	_ =	sdelay $0x4  }
0x16d: {  	v57 =	vshll.u32 v3, $0x3  }
0x16e: {  	v3 =	vand.u32 $0x7, v3;
	v4 =	vand.u32 $0xFFFFFFC0, v57  }
0x16f: {  	v3 =	vor.u32 v3, v4  }
0x170: {  	v4 =	vperm.xlane v3, v0;
	_ =	sdelay $0x1  }
0x171: {  	v4 =	vadd.s32 v1, v4;
	_ =	sdelay $0x3  }
0x172: {  	s12 =	simm.s32 $0x4580  }
0x173: {  	[hbm4b:s3+s2] =	stream.indirect_vreg.scatter [tilespmem:s12], [sflag:$0x3], $0x80, v4, vm0, $0xb8;
	[tilespmem:$0x10580] =	vst v63  }
0x174: {  	s13 =	simm.s32 $0x4D80;
	v3 =	vperm.xlane v3, v2  }
0x175: {  	[hbm4b:s5+s2] =	stream.indirect_vreg.scatter [tilespmem:s13], [sflag:$0x3], $0x80, v4, vm0, $0xb8;
	[tilespmem:$0x10580] =	vst v63  }
0x176: {  	s8 =	simm.s32 $0x5580;
	v3 =	vadd.s32 v1, v3  }
0x177: {  	[hbm4b:s6+s2] =	stream.indirect_vreg.scatter [tilespmem:s8], [sflag:$0x3], $0x80, v4, vm0, $0xb8;
	[tilespmem:$0x10580] =	vst v63  }
0x178: {  	s9 =	simm.s32 $0x5D80  }
0x179: {  	[hbm4b:s7+s2] =	stream.indirect_vreg.scatter [tilespmem:s9], [sflag:$0x3], $0x80, v4, vm0, $0xb8;
	[tilespmem:$0x10580] =	vst v63  }
0x17a: {  	s10 =	simm.s32 $0x6580  }
0x17b: {  	[hbm4b:s3+s2] =	stream.indirect_vreg.scatter [tilespmem:s10], [sflag:$0x3], $0x80, v3, vm0, $0xb8;
	[tilespmem:$0x10580] =	vst v63  }
0x17c: {  	s15 =	simm.s32 $0x6D80  }
0x17d: {  	[hbm4b:s5+s2] =	stream.indirect_vreg.scatter [tilespmem:s15], [sflag:$0x3], $0x80, v3, vm0, $0xb8;
	[tilespmem:$0x10580] =	vst v63  }
0x17e: {  	s16 =	simm.s32 $0x7580  }
0x17f: {  	[hbm4b:s6+s2] =	stream.indirect_vreg.scatter [tilespmem:s16], [sflag:$0x3], $0x80, v3, vm0, $0xb8;
	[tilespmem:$0x10580] =	vst v63  }
0x180: {  	s17 =	simm.s32 $0x7D80  }
0x181: {  	[hbm4b:s7+s2] =	stream.indirect_vreg.scatter [tilespmem:s17], [sflag:$0x3], $0x80, v3, vm0, $0xb8;
	[tilespmem:$0x10580] =	vst v63  }
0x182: {  	v3 =	vld [tilespmem:$0x480];
	_ =	sdelay $0x4  }
0x183: {  	v58 =	vshll.u32 v3, $0x3  }
0x184: {  	v3 =	vand.u32 $0x7, v3;
	v4 =	vand.u32 $0xFFFFFFC0, v58  }
0x185: {  	v3 =	vor.u32 v3, v4  }
0x186: {  	v4 =	vperm.xlane v3, v0;
	_ =	sdelay $0x1  }
0x187: {  	v4 =	vadd.s32 v1, v4;
	_ =	sdelay $0x4  }
0x188: {  	[hbm4b:s3+s2] =	stream.indirect_vreg.scatter [tilespmem:s14], [sflag:$0x4], $0x80, v4, vm0, $0xb8;
	[tilespmem:$0x10580] =	vst v63  }
0x189: {  	v3 =	vperm.xlane v3, v2  }
0x18a: {  	[hbm4b:s5+s2] =	stream.indirect_vreg.scatter [tilespmem:s18], [sflag:$0x4], $0x80, v4, vm0, $0xb8;
	[tilespmem:$0x10580] =	vst v63  }
0x18b: {  	v3 =	vadd.s32 v1, v3  }
0x18c: {  	[hbm4b:s6+s2] =	stream.indirect_vreg.scatter [tilespmem:s19], [sflag:$0x4], $0x80, v4, vm0, $0xb8;
	[tilespmem:$0x10580] =	vst v63  }
0x18d: {  	_ = 	snop  }
0x18e: {  	[hbm4b:s7+s2] =	stream.indirect_vreg.scatter [tilespmem:s28], [sflag:$0x4], $0x80, v4, vm0, $0xb8;
	[tilespmem:$0x10580] =	vst v63  }
0x18f: {  	_ = 	snop  }
0x190: {  	[hbm4b:s3+s2] =	stream.indirect_vreg.scatter [tilespmem:s0], [sflag:$0x4], $0x80, v3, vm0, $0xb8;
	[tilespmem:$0x10580] =	vst v63  }
0x191: {  	_ = 	snop  }
0x192: {  	[hbm4b:s5+s2] =	stream.indirect_vreg.scatter [tilespmem:s1], [sflag:$0x4], $0x80, v3, vm0, $0xb8;
	[tilespmem:$0x10580] =	vst v63  }
0x193: {  	_ = 	snop  }
0x194: {  	[hbm4b:s6+s2] =	stream.indirect_vreg.scatter [tilespmem:s4], [sflag:$0x4], $0x80, v3, vm0, $0xb8;
	[tilespmem:$0x10580] =	vst v63  }
0x195: {  	_ = 	snop  }
0x196: {  	[hbm4b:s7+s2] =	stream.indirect_vreg.scatter [tilespmem:s11], [sflag:$0x4], $0x80, v3, vm0, $0xb8;
	[tilespmem:$0x10580] =	vst v63  }
0x197: {  	v3 =	vld [tilespmem:$0x490];
	_ =	sdelay $0x4  }
0x198: {  	v59 =	vshll.u32 v3, $0x3  }
0x199: {  	v3 =	vand.u32 $0x7, v3;
	v4 =	vand.u32 $0xFFFFFFC0, v59  }
0x19a: {  	v3 =	vor.u32 v3, v4  }
0x19b: {  	v4 =	vperm.xlane v3, v0;
	_ =	sdelay $0x1  }
0x19c: {  	v4 =	vadd.s32 v1, v4;
	_ =	sdelay $0x4  }
0x19d: {  	[hbm4b:s3+s2] =	stream.indirect_vreg.scatter [tilespmem:s12], [sflag:$0x4], $0x80, v4, vm0, $0xb8;
	[tilespmem:$0x10580] =	vst v63  }
0x19e: {  	v3 =	vperm.xlane v3, v2  }
0x19f: {  	[hbm4b:s5+s2] =	stream.indirect_vreg.scatter [tilespmem:s13], [sflag:$0x4], $0x80, v4, vm0, $0xb8;
	[tilespmem:$0x10580] =	vst v63  }
0x1a0: {  	v3 =	vadd.s32 v1, v3  }
0x1a1: {  	[hbm4b:s6+s2] =	stream.indirect_vreg.scatter [tilespmem:s8], [sflag:$0x4], $0x80, v4, vm0, $0xb8;
	[tilespmem:$0x10580] =	vst v63  }
0x1a2: {  	_ = 	snop  }
0x1a3: {  	[hbm4b:s7+s2] =	stream.indirect_vreg.scatter [tilespmem:s9], [sflag:$0x4], $0x80, v4, vm0, $0xb8;
	[tilespmem:$0x10580] =	vst v63  }
0x1a4: {  	_ = 	snop  }
0x1a5: {  	[hbm4b:s3+s2] =	stream.indirect_vreg.scatter [tilespmem:s10], [sflag:$0x4], $0x80, v3, vm0, $0xb8;
	[tilespmem:$0x10580] =	vst v63  }
0x1a6: {  	_ = 	snop  }
0x1a7: {  	[hbm4b:s5+s2] =	stream.indirect_vreg.scatter [tilespmem:s15], [sflag:$0x4], $0x80, v3, vm0, $0xb8;
	[tilespmem:$0x10580] =	vst v63  }
0x1a8: {  	_ = 	snop  }
0x1a9: {  	[hbm4b:s6+s2] =	stream.indirect_vreg.scatter [tilespmem:s16], [sflag:$0x4], $0x80, v3, vm0, $0xb8;
	[tilespmem:$0x10580] =	vst v63  }
0x1aa: {  	_ = 	snop  }
0x1ab: {  	[hbm4b:s7+s2] =	stream.indirect_vreg.scatter [tilespmem:s17], [sflag:$0x4], $0x80, v3, vm0, $0xb8;
	[tilespmem:$0x10580] =	vst v63  }
0x1ac: {  	_ =	swait.ge [sflag:s20], $0x8000  }
0x1ad: {  	[sflag:s20] =	ssyncset.done $0x0  }
0x1ae: {  	[sflag:s20] =	ssyncadd.s32 $0xFFFF8000  }
0x1af: {  	_ =	swait.ge [sflag:s21], $0x8000  }
0x1b0: {  	[sflag:s21] =	ssyncset.done $0x0  }
0x1b1: {  	[sflag:s21] =	ssyncadd.s32 $0xFFFF8000  }
0x1b2: {  	_ =	swait.ge [sflag:s31], $0x8000  }
0x1b3: {  	[sflag:s31] =	ssyncset.done $0x0  }
0x1b4: {  	[sflag:s31] =	ssyncadd.s32 $0xFFFF8000  }
0x1b5: {  	v3 =	vld [tilespmem:$0x300];
	_ =	sdelay $0x4  }
0x1b6: {  	v60 =	vshll.u32 v3, $0x3  }
0x1b7: {  	v3 =	vand.u32 $0x7, v3;
	v4 =	vand.u32 $0xFFFFFFC0, v60  }
0x1b8: {  	v3 =	vor.u32 v3, v4  }
0x1b9: {  	v4 =	vperm.xlane v3, v0;
	_ =	sdelay $0x1  }
0x1ba: {  	v4 =	vadd.s32 v1, v4;
	_ =	sdelay $0x3  }
0x1bb: {  	s11 =	simm.s32 $0x8580  }
0x1bc: {  	[hbm4b:s3+s2] =	stream.indirect_vreg.scatter [tilespmem:s11], [sflag:$0x3], $0x80, v4, vm0, $0xb8;
	[tilespmem:$0x10580] =	vst v63  }
0x1bd: {  	v3 =	vperm.xlane v3, v2  }
0x1be: {  	[hbm4b:s5+s2] =	stream.indirect_vreg.scatter [tilespmem:s25], [sflag:$0x3], $0x80, v4, vm0, $0xb8;
	[tilespmem:$0x10580] =	vst v63  }
0x1bf: {  	v3 =	vadd.s32 v1, v3  }
0x1c0: {  	[hbm4b:s6+s2] =	stream.indirect_vreg.scatter [tilespmem:s26], [sflag:$0x3], $0x80, v4, vm0, $0xb8;
	[tilespmem:$0x10580] =	vst v63  }
0x1c1: {  	_ = 	snop  }
0x1c2: {  	[hbm4b:s7+s2] =	stream.indirect_vreg.scatter [tilespmem:s24], [sflag:$0x3], $0x80, v4, vm0, $0xb8;
	[tilespmem:$0x10580] =	vst v63  }
0x1c3: {  	s12 =	simm.s32 $0xA580  }
0x1c4: {  	[hbm4b:s3+s2] =	stream.indirect_vreg.scatter [tilespmem:s12], [sflag:$0x3], $0x80, v3, vm0, $0xb8;
	[tilespmem:$0x10580] =	vst v63  }
0x1c5: {  	_ = 	snop  }
0x1c6: {  	[hbm4b:s5+s2] =	stream.indirect_vreg.scatter [tilespmem:s23], [sflag:$0x3], $0x80, v3, vm0, $0xb8;
	[tilespmem:$0x10580] =	vst v63  }
0x1c7: {  	s14 =	simm.s32 $0xB580  }
0x1c8: {  	[hbm4b:s6+s2] =	stream.indirect_vreg.scatter [tilespmem:s14], [sflag:$0x3], $0x80, v3, vm0, $0xb8;
	[tilespmem:$0x10580] =	vst v63  }
0x1c9: {  	_ = 	snop  }
0x1ca: {  	[hbm4b:s7+s2] =	stream.indirect_vreg.scatter [tilespmem:s22], [sflag:$0x3], $0x80, v3, vm0, $0xb8;
	[tilespmem:$0x10580] =	vst v63  }
0x1cb: {  	v3 =	vld [tilespmem:$0x310];
	_ =	sdelay $0x4  }
0x1cc: {  	v61 =	vshll.u32 v3, $0x3  }
0x1cd: {  	v3 =	vand.u32 $0x7, v3;
	v4 =	vand.u32 $0xFFFFFFC0, v61  }
0x1ce: {  	v3 =	vor.u32 v3, v4  }
0x1cf: {  	v4 =	vperm.xlane v3, v0;
	_ =	sdelay $0x1  }
0x1d0: {  	v4 =	vadd.s32 v1, v4;
	_ =	sdelay $0x4  }
0x1d1: {  	[hbm4b:s3+s2] =	stream.indirect_vreg.scatter [tilespmem:s29], [sflag:$0x3], $0x80, v4, vm0, $0xb8;
	[tilespmem:$0x10580] =	vst v63  }
0x1d2: {  	v3 =	vperm.xlane v3, v2  }
0x1d3: {  	[hbm4b:s5+s2] =	stream.indirect_vreg.scatter [tilespmem:s30], [sflag:$0x3], $0x80, v4, vm0, $0xb8;
	[tilespmem:$0x10580] =	vst v63  }
0x1d4: {  	s15 =	simm.s32 $0xD580;
	v3 =	vadd.s32 v1, v3  }
0x1d5: {  	[hbm4b:s6+s2] =	stream.indirect_vreg.scatter [tilespmem:s15], [sflag:$0x3], $0x80, v4, vm0, $0xb8;
	[tilespmem:$0x10580] =	vst v63  }
0x1d6: {  	s16 =	simm.s32 $0xDD80  }
0x1d7: {  	[hbm4b:s7+s2] =	stream.indirect_vreg.scatter [tilespmem:s16], [sflag:$0x3], $0x80, v4, vm0, $0xb8;
	[tilespmem:$0x10580] =	vst v63  }
0x1d8: {  	s17 =	simm.s32 $0xE580  }
0x1d9: {  	[hbm4b:s3+s2] =	stream.indirect_vreg.scatter [tilespmem:s17], [sflag:$0x3], $0x80, v3, vm0, $0xb8;
	[tilespmem:$0x10580] =	vst v63  }
0x1da: {  	s18 =	simm.s32 $0xED80  }
0x1db: {  	[hbm4b:s5+s2] =	stream.indirect_vreg.scatter [tilespmem:s18], [sflag:$0x3], $0x80, v3, vm0, $0xb8;
	[tilespmem:$0x10580] =	vst v63  }
0x1dc: {  	s19 =	simm.s32 $0xF580  }
0x1dd: {  	[hbm4b:s6+s2] =	stream.indirect_vreg.scatter [tilespmem:s19], [sflag:$0x3], $0x80, v3, vm0, $0xb8;
	[tilespmem:$0x10580] =	vst v63  }
0x1de: {  	s28 =	simm.s32 $0xFD80  }
0x1df: {  	[hbm4b:s7+s2] =	stream.indirect_vreg.scatter [tilespmem:s28], [sflag:$0x3], $0x80, v3, vm0, $0xb8;
	[tilespmem:$0x10580] =	vst v63  }
0x1e0: {  	v3 =	vld [tilespmem:$0x500];
	_ =	sdelay $0x4  }
0x1e1: {  	v62 =	vshll.u32 v3, $0x3  }
0x1e2: {  	v3 =	vand.u32 $0x7, v3;
	v4 =	vand.u32 $0xFFFFFFC0, v62  }
0x1e3: {  	v3 =	vor.u32 v3, v4  }
0x1e4: {  	v4 =	vperm.xlane v3, v0;
	_ =	sdelay $0x1  }
0x1e5: {  	v4 =	vadd.s32 v1, v4;
	_ =	sdelay $0x4  }
0x1e6: {  	[hbm4b:s3+s2] =	stream.indirect_vreg.scatter [tilespmem:s11], [sflag:$0x4], $0x80, v4, vm0, $0xb8;
	[tilespmem:$0x10580] =	vst v63  }
0x1e7: {  	v3 =	vperm.xlane v3, v2  }
0x1e8: {  	[hbm4b:s5+s2] =	stream.indirect_vreg.scatter [tilespmem:s25], [sflag:$0x4], $0x80, v4, vm0, $0xb8;
	[tilespmem:$0x10580] =	vst v63  }
0x1e9: {  	v3 =	vadd.s32 v1, v3  }
0x1ea: {  	[hbm4b:s6+s2] =	stream.indirect_vreg.scatter [tilespmem:s26], [sflag:$0x4], $0x80, v4, vm0, $0xb8;
	[tilespmem:$0x10580] =	vst v63  }
0x1eb: {  	_ = 	snop  }
0x1ec: {  	[hbm4b:s7+s2] =	stream.indirect_vreg.scatter [tilespmem:s24], [sflag:$0x4], $0x80, v4, vm0, $0xb8;
	[tilespmem:$0x10580] =	vst v63  }
0x1ed: {  	_ = 	snop  }
0x1ee: {  	[hbm4b:s3+s2] =	stream.indirect_vreg.scatter [tilespmem:s12], [sflag:$0x4], $0x80, v3, vm0, $0xb8;
	[tilespmem:$0x10580] =	vst v63  }
0x1ef: {  	_ = 	snop  }
0x1f0: {  	[hbm4b:s5+s2] =	stream.indirect_vreg.scatter [tilespmem:s23], [sflag:$0x4], $0x80, v3, vm0, $0xb8;
	[tilespmem:$0x10580] =	vst v63  }
0x1f1: {  	_ = 	snop  }
0x1f2: {  	[hbm4b:s6+s2] =	stream.indirect_vreg.scatter [tilespmem:s14], [sflag:$0x4], $0x80, v3, vm0, $0xb8;
	[tilespmem:$0x10580] =	vst v63  }
0x1f3: {  	_ = 	snop  }
0x1f4: {  	[hbm4b:s7+s2] =	stream.indirect_vreg.scatter [tilespmem:s22], [sflag:$0x4], $0x80, v3, vm0, $0xb8;
	[tilespmem:$0x10580] =	vst v63  }
0x1f5: {  	v3 =	vld [tilespmem:$0x510];
	_ =	sdelay $0x4  }
0x1f6: {  	v63 =	vshll.u32 v3, $0x3  }
0x1f7: {  	v3 =	vand.u32 $0x7, v3;
	v4 =	vand.u32 $0xFFFFFFC0, v63  }
0x1f8: {  	v3 =	vor.u32 v3, v4  }
0x1f9: {  	v4 =	vperm.xlane v3, v0;
	_ =	sdelay $0x1  }
0x1fa: {  	v4 =	vadd.s32 v1, v4;
	_ =	sdelay $0x4  }
0x1fb: {  	[hbm4b:s3+s2] =	stream.indirect_vreg.scatter [tilespmem:s29], [sflag:$0x4], $0x80, v4, vm0, $0xb8;
	[tilespmem:$0x10580] =	vst v63  }
0x1fc: {  	v3 =	vperm.xlane v3, v2  }
0x1fd: {  	[hbm4b:s5+s2] =	stream.indirect_vreg.scatter [tilespmem:s30], [sflag:$0x4], $0x80, v4, vm0, $0xb8;
	[tilespmem:$0x10580] =	vst v63  }
0x1fe: {  	v3 =	vadd.s32 v1, v3  }
0x1ff: {  	[hbm4b:s6+s2] =	stream.indirect_vreg.scatter [tilespmem:s15], [sflag:$0x4], $0x80, v4, vm0, $0xb8;
	[tilespmem:$0x10580] =	vst v63  }
0x200: {  	_ = 	snop  }
0x201: {  	[hbm4b:s7+s2] =	stream.indirect_vreg.scatter [tilespmem:s16], [sflag:$0x4], $0x80, v4, vm0, $0xb8;
	[tilespmem:$0x10580] =	vst v63  }
0x202: {  	_ = 	snop  }
0x203: {  	[hbm4b:s3+s2] =	stream.indirect_vreg.scatter [tilespmem:s17], [sflag:$0x4], $0x80, v3, vm0, $0xb8;
	[tilespmem:$0x10580] =	vst v63  }
0x204: {  	_ = 	snop  }
0x205: {  	[hbm4b:s5+s2] =	stream.indirect_vreg.scatter [tilespmem:s18], [sflag:$0x4], $0x80, v3, vm0, $0xb8;
	[tilespmem:$0x10580] =	vst v63  }
0x206: {  	_ = 	snop  }
0x207: {  	[hbm4b:s6+s2] =	stream.indirect_vreg.scatter [tilespmem:s19], [sflag:$0x4], $0x80, v3, vm0, $0xb8;
	[tilespmem:$0x10580] =	vst v63  }
0x208: {  	_ = 	snop  }
0x209: {  	[hbm4b:s7+s2] =	stream.indirect_vreg.scatter [tilespmem:s28], [sflag:$0x4], $0x80, v3, vm0, $0xb8;
	[tilespmem:$0x10580] =	vst v63  }
0x20a: {  	_ =	swait.ge [sflag:s20], $0x8000  }
0x20b: {  	s30 =	rddreg [dreg:$0xc]  }
0x20c: {  	p0 =	sne.s32 s30, $0x1  }
.Ltmp0:
0x20d: {  	[sflag:s20] =	ssyncset.done $0x0;
	(pc) =	sbr.rel @p0 .LBB2_1-.Ltmp0, $4  }
0x20e: {  	[sflag:s20] =	ssyncadd.s32 $0xFFFF8000  }
0x20f: {  	_ =	swait.ge [sflag:s21], $0x8000  }
0x210: {  	[sflag:s21] =	ssyncset.done $0x0  }
0x211: {  	s0 =	sadd.s32 $0xFFFFFFFF, s30;
	[sflag:s21] =	ssyncadd.s32 $0xFFFF8000  }
0x212: {  	_ =	sfence.sel $0x180000  }
0x213: {  	[bflag:$0x0] =	sbarrier.arrive $0xFFFF  }
0x214: {  	_ =	strace $0x90000047  }
0x215: {  	s0 =	stileid.u32;
	[bflag:$0x2] =	sbarrier.arrive $0xFFFF  }
0x216: {  	p0 =	sne.s32 s0, $0x0;
	s0 =	rddreg [dreg:$0x2]  }
0x217: {  	s0 =	sadd.s32 @!p0 $0x100000, s0  }
0x218: {  	[sflag:s0] =	ssyncadd.tile.s32 @!p0 $0x1;
	_ =	shalt  }
.Lfunc_end2:
_tile_overlayer_lowered:
.L_overlay_start_2:
0x219: {  	(tag) =	ssettag $0x2  }
0x21a: {  	s0 =	rddreg [dreg:$0x0];
	s2 =	stileid.u32  }
0x21b: {  	s1 =	rddreg [dreg:$0x1];
	p0 =	sne.s32 s2, $0x0  }
0x21c: {  	s3 =	rddreg [dreg:$0x2];
	[bflag:$0x3] =	sbarrier.arrive $0xFFFF;
	s2 =	simm.s32 @!p0 $0x1C05  }
0x21d: {  	[timem:s3], [sflag:s2] =	dma.local @!p0 [hbm:s0], s1  }
0x21e: {  	s0 =	simm.s32 @!p0 $0x5  }
0x21f: {  	_ =	swait.ge @!p0 [sflag:s0], s1  }
0x220: {  	s1 =	ssub.s32 @!p0 $0x0, s1;
	[sflag:s0] =	ssyncset.done @!p0 $0x0  }
0x221: {  	[sflag:s0] =	ssyncadd.s32 @!p0 s1  }
0x222: {  	[bflag:$0x3] =	sbarrier.arrive $0xFFFF  }
0x223: {  	_ =	shalt  }

</sc_bundles>
